<compile_context>
chip_gen: v7x
topology: tpu7x:2x2x1
jax: 0.10.2.dev20260603
libtpu: 0.0.44.dev20260713+nightly
codegen_flags: <defaults>
</compile_context>

<pallas_src>
import jax
import jax.numpy as jnp
from jax import lax
from jax.experimental import pallas as pl
from jax.experimental.pallas import tpu as pltpu
from jax.experimental.pallas import tpu_sc as plsc

B, L = 4, 8192
BL = B * L
V = 1024
D = 1024
HD = D // 2

NC, NS = 2, 16
NW = NC * NS
TPW = BL // NW
T = 16
NCHUNK = TPW // T
NPAIR = NCHUNK // 2


def _issue_corners(tabs, ix, sl, c1, s0, sems):
    tlx, brx, tly, bry, ww, wh_t = tabs
    pltpu.async_copy(tlx.at[ix.at[0, sl]], c1.at[:, pl.ds(0, HD)], sems[0])
    pltpu.async_copy(brx.at[ix.at[2, sl]], c1.at[:, pl.ds(HD, HD)], sems[1])
    pltpu.async_copy(tly.at[ix.at[1, sl]], s0.at[:, pl.ds(0, HD)], sems[2])
    pltpu.async_copy(bry.at[ix.at[3, sl]], s0.at[:, pl.ds(HD, HD)], sems[3])


def _wait_corners(tabs, ix, c1, s0, sems):
    tlx, brx, tly, bry, ww, wh_t = tabs
    sl = pl.ds(0, T)
    pltpu.make_async_copy(
        tlx.at[ix.at[0, sl]], c1.at[:, pl.ds(0, HD)], sems[0]).wait()
    pltpu.make_async_copy(
        brx.at[ix.at[2, sl]], c1.at[:, pl.ds(HD, HD)], sems[1]).wait()
    pltpu.make_async_copy(
        tly.at[ix.at[1, sl]], s0.at[:, pl.ds(0, HD)], sems[2]).wait()
    pltpu.make_async_copy(
        bry.at[ix.at[3, sl]], s0.at[:, pl.ds(HD, HD)], sems[3]).wait()


def _sum2(dst, a, b):
    def row_body(r, carry):
        for j in range(D // 16):
            slj = pl.ds(16 * j, 16)
            dst[r, slj] = a[r, slj] + b[r, slj]
        return carry
    lax.fori_loop(0, T, row_body, 0)


def _addto(dst, a):
    def row_body(r, carry):
        for j in range(D // 16):
            slj = pl.ds(16 * j, 16)
            plsc.addupdate(dst.at[r, slj], a[r, slj])
        return carry
    lax.fori_loop(0, T, row_body, 0)


def _body(coords, tlx, brx, tly, bry, ww, wh_t, out,
          cb, ix, accA, accB, c1A, c1B, s0A, s0B, s1, *sems):
    tabs = (tlx, brx, tly, bry, ww, wh_t)
    semsA = sems[0:4]
    semsB = sems[4:8]
    semW = sems[8]
    semHA = sems[9]
    semHB = sems[10]
    semOA = sems[11]
    semOB = sems[12]

    wid = lax.axis_index("s") * NC + lax.axis_index("c")
    tok0 = wid * TPW
    lane = lax.iota(jnp.int32, 16)

    pltpu.sync_copy(coords.at[pl.ds(4 * tok0, 4 * TPW)], cb)

    def dec_body(g, carry):
        pos = 4 * (16 * g + lane)
        x0 = plsc.load_gather(cb, [pos])
        y0 = plsc.load_gather(cb, [pos + 1])
        x1 = plsc.load_gather(cb, [pos + 2])
        y1 = plsc.load_gather(cb, [pos + 3])
        sl = pl.ds(16 * g, 16)
        ix[0, sl] = x0
        ix[1, sl] = y0
        ix[2, sl] = x1
        ix[3, sl] = y1
        ix[4, sl] = x1 - x0
        ix[5, sl] = y1 - y0
        return carry
    lax.fori_loop(0, TPW // 16, dec_body, 0)

    def chunk_sl(c):
        return pl.ds(c * T, T)

    _issue_corners(tabs, ix, chunk_sl(0), c1A, s0A, semsA)
    _issue_corners(tabs, ix, chunk_sl(1), c1B, s0B, semsB)
    pltpu.async_copy(ww.at[ix.at[4, chunk_sl(0)]], s1, semW)

    def phase(k, c, acc, c1, s0, semsC, semH, semO, prefetch):
        @pl.when(k > 0)
        def _():
            pltpu.make_async_copy(
                acc, out.at[pl.ds(tok0, T)], semO).wait()

        _wait_corners(tabs, ix, c1, s0, semsC)
        _sum2(acc, c1, s0)
        pltpu.async_copy(wh_t.at[ix.at[5, chunk_sl(c)]], s0, semH)
        pltpu.make_async_copy(ww.at[ix.at[4, pl.ds(0, T)]], s1, semW).wait()
        _addto(acc, s1)
        @pl.when(c + 1 < NCHUNK)
        def _():
            pltpu.async_copy(ww.at[ix.at[4, chunk_sl(c + 1)]], s1, semW)
        pltpu.make_async_copy(
            wh_t.at[ix.at[5, pl.ds(0, T)]], s0, semH).wait()
        _addto(acc, s0)
        pltpu.async_copy(acc, out.at[pl.ds(tok0 + c * T, T)], semO)
        @pl.when(prefetch)
        def _():
            _issue_corners(tabs, ix, chunk_sl(c + 2), c1, s0, semsC)

    def pair_body(k, carry):
        ca = 2 * k
        phase(k, ca, accA, c1A, s0A, semsA, semHA, semOA, k < NPAIR - 1)
        phase(k, ca + 1, accB, c1B, s0B, semsB, semHB, semOB, k < NPAIR - 1)
        return carry

    lax.fori_loop(0, NPAIR, pair_body, 0)

    pltpu.make_async_copy(accA, out.at[pl.ds(tok0, T)], semOA).wait()
    pltpu.make_async_copy(accB, out.at[pl.ds(tok0, T)], semOB).wait()


@jax.jit
def _spatial_sc(coords, tlx, brx, tly, bry, ww, wh_t):
    mesh = plsc.VectorSubcoreMesh(
        core_axis_name="c", subcore_axis_name="s", num_cores=NC, num_subcores=NS
    )
    return pl.kernel(
        _body,
        out_type=jax.ShapeDtypeStruct((BL, D), jnp.float32),
        mesh=mesh,
        scratch_types=[
            pltpu.VMEM((4 * TPW,), jnp.int32),
            pltpu.VMEM((6, TPW), jnp.int32),
            pltpu.VMEM((T, D), jnp.float32),
            pltpu.VMEM((T, D), jnp.float32),
            pltpu.VMEM((T, D), jnp.float32),
            pltpu.VMEM((T, D), jnp.float32),
            pltpu.VMEM((T, D), jnp.float32),
            pltpu.VMEM((T, D), jnp.float32),
            pltpu.VMEM((T, D), jnp.float32),
        ] + [pltpu.SemaphoreType.DMA] * 13,
        compiler_params=pltpu.CompilerParams(needs_layout_passes=False),
    )(coords, tlx, brx, tly, bry, ww, wh_t)


def kernel(coordinates, W_tlx, W_brx, W_tly, W_bry, W_w, W_h):
    out = _spatial_sc(coordinates.reshape(4 * BL), W_tlx, W_brx, W_tly,
                      W_bry, W_w, W_h)
    return out.reshape(B, L, D)

# --- scband reference (transcript-rebuilt; emitter-appended) ---
"""Pipeline reference for scband-spatial-module-58007828299939 (READ-ONLY COPY).

The authoritative reference and input builder live on the scoring server;
editing this copy changes nothing except your own understanding.
"""

import jax, jax.numpy as jnp
import numpy as np

B, L = 4, 8192
V = 1024  # max_2d_position_embeddings
D = 1024  # d_model


def setup_inputs(seed: int = 0) -> dict:
    key = jax.random.key(seed)
    kc, k1, k2, k3, k4, k5, k6 = jax.random.split(key, 7)
    # sorted along last axis guarantees x2>=x0 and y3>=y1 so width/height indices are in-range
    coordinates = jnp.sort(jax.random.randint(kc, (B, L, 4), 0, V), axis=-1)
    s = 0.02
    return {
        "coordinates": coordinates,
        "W_tlx": jax.random.normal(k1, (V, D // 2), dtype=jnp.float32) * s,
        "W_brx": jax.random.normal(k2, (V, D // 2), dtype=jnp.float32) * s,
        "W_tly": jax.random.normal(k3, (V, D // 2), dtype=jnp.float32) * s,
        "W_bry": jax.random.normal(k4, (V, D // 2), dtype=jnp.float32) * s,
        "W_w": jax.random.normal(k5, (V, D), dtype=jnp.float32) * s,
        "W_h": jax.random.normal(k6, (V, D), dtype=jnp.float32) * s,
    }


def reference(coordinates, W_tlx, W_brx, W_tly, W_bry, W_w, W_h):
    x0 = coordinates[:, :, 0]
    y0 = coordinates[:, :, 1]
    x1 = coordinates[:, :, 2]
    y1 = coordinates[:, :, 3]
    top_left_x_feat = jnp.take(W_tlx, x0, axis=0)
    top_left_y_feat = jnp.take(W_tly, y0, axis=0)
    bottom_right_x_feat = jnp.take(W_brx, x1, axis=0)
    bottom_right_y_feat = jnp.take(W_bry, y1, axis=0)
    width_feat = jnp.take(W_w, x1 - x0, axis=0)
    height_feat = jnp.take(W_h, y1 - y0, axis=0)
    layout_feature = (
        jnp.concatenate([top_left_x_feat, bottom_right_x_feat], axis=-1)
        + jnp.concatenate([top_left_y_feat, bottom_right_y_feat], axis=-1)
        + width_feat
        + height_feat
    )
    return layout_feature

if __name__ == "__main__":
    import jax
    _d = setup_inputs()
    print(jax.jit(kernel)(*tuple(_d.values())))

</pallas_src>

<mosaic_0001>
#map = affine_map<(d0, d1) -> (0)>
#map1 = affine_map<(d0, d1) -> (0, 0)>
module attributes {stable_mosaic.version = 14 : i64} {
  func.func @_body(%arg0: i32, %arg1: i32, %arg2: memref<131072xi32, #tpu.memory_space<hbm>>, %arg3: memref<1024x512xf32, #tpu.memory_space<hbm>>, %arg4: memref<1024x512xf32, #tpu.memory_space<hbm>>, %arg5: memref<1024x512xf32, #tpu.memory_space<hbm>>, %arg6: memref<1024x512xf32, #tpu.memory_space<hbm>>, %arg7: memref<1024x1024xf32, #tpu.memory_space<hbm>>, %arg8: memref<1024x1024xf32, #tpu.memory_space<hbm>>, %arg9: memref<32768x1024xf32, #tpu.memory_space<hbm>>, %arg10: memref<4096xi32, #tpu.memory_space<vmem>>, %arg11: memref<6x1024xi32, #tpu.memory_space<vmem>>, %arg12: memref<16x1024xf32, #tpu.memory_space<vmem>>, %arg13: memref<16x1024xf32, #tpu.memory_space<vmem>>, %arg14: memref<16x1024xf32, #tpu.memory_space<vmem>>, %arg15: memref<16x1024xf32, #tpu.memory_space<vmem>>, %arg16: memref<16x1024xf32, #tpu.memory_space<vmem>>, %arg17: memref<16x1024xf32, #tpu.memory_space<vmem>>, %arg18: memref<16x1024xf32, #tpu.memory_space<vmem>>, %arg19: memref<!tpu.dma_semaphore, #tpu.memory_space<semaphore_mem>>, %arg20: memref<!tpu.dma_semaphore, #tpu.memory_space<semaphore_mem>>, %arg21: memref<!tpu.dma_semaphore, #tpu.memory_space<semaphore_mem>>, %arg22: memref<!tpu.dma_semaphore, #tpu.memory_space<semaphore_mem>>, %arg23: memref<!tpu.dma_semaphore, #tpu.memory_space<semaphore_mem>>, %arg24: memref<!tpu.dma_semaphore, #tpu.memory_space<semaphore_mem>>, %arg25: memref<!tpu.dma_semaphore, #tpu.memory_space<semaphore_mem>>, %arg26: memref<!tpu.dma_semaphore, #tpu.memory_space<semaphore_mem>>, %arg27: memref<!tpu.dma_semaphore, #tpu.memory_space<semaphore_mem>>, %arg28: memref<!tpu.dma_semaphore, #tpu.memory_space<semaphore_mem>>, %arg29: memref<!tpu.dma_semaphore, #tpu.memory_space<semaphore_mem>>, %arg30: memref<!tpu.dma_semaphore, #tpu.memory_space<semaphore_mem>>, %arg31: memref<!tpu.dma_semaphore, #tpu.memory_space<semaphore_mem>>) attributes {dimension_semantics = [#tpu.dimension_semantics<core_parallel>, #tpu.dimension_semantics<subcore_parallel>], iteration_bounds = array<i64: 2, 16>, scalar_prefetch = 0 : i64, scratch_operands = 22 : i64, tpu.core_type = #tpu.core_type<sc_vector_subcore>, window_params = [{transform_indices = #map}, {transform_indices = #map1}, {transform_indices = #map1}, {transform_indices = #map1}, {transform_indices = #map1}, {transform_indices = #map1}, {transform_indices = #map1}, {transform_indices = #map1}]} {
    %mul3A = arith.constant 2 : i32
    %mul3A_0 = arith.muli %arg1, %mul3A : i32
    %add3A = arith.addi %mul3A_0, %arg0 : i32
    %mul3A_1 = arith.constant 1024 : i32
    %mul3A_2 = arith.muli %add3A, %mul3A_1 : i32
    %iota3A = tpu.iota {dimensions = array<i32: 0>} : vector<16xi32>
    %mul3A_3 = arith.constant 4 : i32
    %mul3A_4 = arith.muli %mul3A_3, %mul3A_2 : i32
    "tpu.region"() ({
      %run_scoped3A = tpu.sem_alloc : memref<!tpu.dma_semaphore, #tpu.memory_space<semaphore_mem>>
      %dma_start3A_109 = tpu.memref_slice %arg2[%mul3A_4] : memref<131072xi32, #tpu.memory_space<hbm>> -> memref<4096xi32, #tpu.memory_space<hbm>>
      %dma_start3A_110 = tpu.memref_slice %arg2[%mul3A_4] : memref<131072xi32, #tpu.memory_space<hbm>> -> memref<4096xi32, #tpu.memory_space<hbm>>
      tpu.enqueue_dma source(%dma_start3A_110 : memref<4096xi32, #tpu.memory_space<hbm>>) target(%arg10 : memref<4096xi32, #tpu.memory_space<vmem>>) target_semaphore(%run_scoped3A : memref<!tpu.dma_semaphore, #tpu.memory_space<semaphore_mem>>)
      %dma_wait3A_111 = tpu.memref_slice %arg2[%mul3A_4] : memref<131072xi32, #tpu.memory_space<hbm>> -> memref<4096xi32, #tpu.memory_space<hbm>>
      %dma_wait3A_112 = tpu.memref_slice %arg2[%mul3A_4] : memref<131072xi32, #tpu.memory_space<hbm>> -> memref<4096xi32, #tpu.memory_space<hbm>>
      tpu.wait_dma2 semaphore(%run_scoped3A : memref<!tpu.dma_semaphore, #tpu.memory_space<semaphore_mem>>) src(%dma_wait3A_112 : memref<4096xi32, #tpu.memory_space<hbm>>) dst(%arg10 : memref<4096xi32, #tpu.memory_space<vmem>>)
      tpu.yield
    }) : () -> ()
    %scan3A = arith.constant 0 : i32
    %scan3A_5 = arith.constant 0 : i32
    %scan3A_6 = arith.constant 64 : i32
    %scan3A_7 = arith.addi %scan3A_5, %scan3A_6 : i32
    %scan3A_8 = arith.constant 1 : i32
    scf.for %scan3A_109 = %scan3A_5 to %scan3A_7 step %scan3A_8  : i32 {
      %mul3A_110 = arith.constant 16 : i32
      %mul3A_111 = arith.muli %mul3A_110, %scan3A_109 : i32
      %add3A_112 = vector.broadcast %mul3A_111 : i32 to vector<16xi32>
      %add3A_113 = arith.addi %add3A_112, %iota3A : vector<16xi32>
      %mul3A_114 = arith.constant 4 : i32
      %mul3A_115 = vector.broadcast %mul3A_114 : i32 to vector<16xi32>
      %mul3A_116 = arith.muli %mul3A_115, %add3A_113 : vector<16xi32>
      %gather3A = tpu.vector_load_idx %arg10[%mul3A_116] : memref<4096xi32, #tpu.memory_space<vmem>>[vector<16xi32>], vector<16xi32>,
      %add3A_117 = arith.constant 1 : i32
      %add3A_118 = vector.broadcast %add3A_117 : i32 to vector<16xi32>
      %add3A_119 = arith.addi %mul3A_116, %add3A_118 : vector<16xi32>
      %gather3A_120 = tpu.vector_load_idx %arg10[%add3A_119] : memref<4096xi32, #tpu.memory_space<vmem>>[vector<16xi32>], vector<16xi32>,
      %add3A_121 = arith.constant 2 : i32
      %add3A_122 = vector.broadcast %add3A_121 : i32 to vector<16xi32>
      %add3A_123 = arith.addi %mul3A_116, %add3A_122 : vector<16xi32>
      %gather3A_124 = tpu.vector_load_idx %arg10[%add3A_123] : memref<4096xi32, #tpu.memory_space<vmem>>[vector<16xi32>], vector<16xi32>,
      %add3A_125 = arith.constant 3 : i32
      %add3A_126 = vector.broadcast %add3A_125 : i32 to vector<16xi32>
      %add3A_127 = arith.addi %mul3A_116, %add3A_126 : vector<16xi32>
      %gather3A_128 = tpu.vector_load_idx %arg10[%add3A_127] : memref<4096xi32, #tpu.memory_space<vmem>>[vector<16xi32>], vector<16xi32>,
      %mul3A_129 = arith.constant 16 : i32
      %mul3A_130 = arith.muli %mul3A_129, %scan3A_109 : i32
      %swap3A = arith.constant 0 : i32
      %swap3A_131 = arith.index_cast %swap3A : i32 to index
      %swap3A_132 = arith.index_cast %mul3A_130 : i32 to index
      %swap3A_133 = tpu.vector_load %arg11[%swap3A_131, %swap3A_132] {strides = array<i32>} : memref<6x1024xi32, #tpu.memory_space<vmem>>, vector<16xi32>,
      tpu.vector_store %arg11[%swap3A_131, %swap3A_132], %gather3A {strides = array<i32>} : memref<6x1024xi32, #tpu.memory_space<vmem>>, vector<16xi32>,
      %swap3A_134 = arith.constant 1 : i32
      %swap3A_135 = arith.index_cast %swap3A_134 : i32 to index
      %swap3A_136 = arith.index_cast %mul3A_130 : i32 to index
      %swap3A_137 = tpu.vector_load %arg11[%swap3A_135, %swap3A_136] {strides = array<i32>} : memref<6x1024xi32, #tpu.memory_space<vmem>>, vector<16xi32>,
      tpu.vector_store %arg11[%swap3A_135, %swap3A_136], %gather3A_120 {strides = array<i32>} : memref<6x1024xi32, #tpu.memory_space<vmem>>, vector<16xi32>,
      %swap3A_138 = arith.constant 2 : i32
      %swap3A_139 = arith.index_cast %swap3A_138 : i32 to index
      %swap3A_140 = arith.index_cast %mul3A_130 : i32 to index
      %swap3A_141 = tpu.vector_load %arg11[%swap3A_139, %swap3A_140] {strides = array<i32>} : memref<6x1024xi32, #tpu.memory_space<vmem>>, vector<16xi32>,
      tpu.vector_store %arg11[%swap3A_139, %swap3A_140], %gather3A_124 {strides = array<i32>} : memref<6x1024xi32, #tpu.memory_space<vmem>>, vector<16xi32>,
      %swap3A_142 = arith.constant 3 : i32
      %swap3A_143 = arith.index_cast %swap3A_142 : i32 to index
      %swap3A_144 = arith.index_cast %mul3A_130 : i32 to index
      %swap3A_145 = tpu.vector_load %arg11[%swap3A_143, %swap3A_144] {strides = array<i32>} : memref<6x1024xi32, #tpu.memory_space<vmem>>, vector<16xi32>,
      tpu.vector_store %arg11[%swap3A_143, %swap3A_144], %gather3A_128 {strides = array<i32>} : memref<6x1024xi32, #tpu.memory_space<vmem>>, vector<16xi32>,
      %sub3A = arith.subi %gather3A_124, %gather3A : vector<16xi32>
      %swap3A_146 = arith.constant 4 : i32
      %swap3A_147 = arith.index_cast %swap3A_146 : i32 to index
      %swap3A_148 = arith.index_cast %mul3A_130 : i32 to index
      %swap3A_149 = tpu.vector_load %arg11[%swap3A_147, %swap3A_148] {strides = array<i32>} : memref<6x1024xi32, #tpu.memory_space<vmem>>, vector<16xi32>,
      tpu.vector_store %arg11[%swap3A_147, %swap3A_148], %sub3A {strides = array<i32>} : memref<6x1024xi32, #tpu.memory_space<vmem>>, vector<16xi32>,
      %sub3A_150 = arith.subi %gather3A_128, %gather3A_120 : vector<16xi32>
      %swap3A_151 = arith.constant 5 : i32
      %swap3A_152 = arith.index_cast %swap3A_151 : i32 to index
      %swap3A_153 = arith.index_cast %mul3A_130 : i32 to index
      %swap3A_154 = tpu.vector_load %arg11[%swap3A_152, %swap3A_153] {strides = array<i32>} : memref<6x1024xi32, #tpu.memory_space<vmem>>, vector<16xi32>,
      tpu.vector_store %arg11[%swap3A_152, %swap3A_153], %sub3A_150 {strides = array<i32>} : memref<6x1024xi32, #tpu.memory_space<vmem>>, vector<16xi32>,
    }
    %scan3A_9 = arith.constant 64 : i32
    %dma_start3A = arith.constant 0 : i32
    %dma_start3A_10 = arith.constant 0 : i32
    %dma_start3A_11 = arith.constant 0 : i32
    %dma_start3A_12 = tpu.memref_slice %arg14[%dma_start3A_10, %dma_start3A_11] : memref<16x1024xf32, #tpu.memory_space<vmem>> -> memref<16x512xf32, #tpu.memory_space<vmem>>
    %dma_start3A_13 = arith.constant 0 : i32
    %dma_start3A_14 = tpu.memref_slice %arg11[%dma_start3A, %dma_start3A_13] : memref<6x1024xi32, #tpu.memory_space<vmem>> -> memref<1x16xi32, #tpu.memory_space<vmem>>
    %dma_start3A_15 = tpu.memref_squeeze %dma_start3A_14 : memref<1x16xi32, #tpu.memory_space<vmem>> -> memref<16xi32, #tpu.memory_space<vmem>>
    %dma_start3A_16 = arith.constant 0 : i32
    %dma_start3A_17 = arith.constant 0 : i32
    %dma_start3A_18 = tpu.memref_slice %arg3[%dma_start3A_16, %dma_start3A_17] : memref<1024x512xf32, #tpu.memory_space<hbm>> -> memref<1024x512xf32, #tpu.memory_space<hbm>>
    tpu.enqueue_indirect_dma source(%dma_start3A_18 : memref<1024x512xf32, #tpu.memory_space<hbm>>) target(%dma_start3A_12 : memref<16x512xf32, #tpu.memory_space<vmem>>) offsets(%dma_start3A_15 : memref<16xi32, #tpu.memory_space<vmem>>) semaphore(%arg19 : memref<!tpu.dma_semaphore, #tpu.memory_space<semaphore_mem>>)
    %dma_start3A_19 = arith.constant 2 : i32
    %dma_start3A_20 = arith.constant 0 : i32
    %dma_start3A_21 = arith.constant 512 : i32
    %dma_start3A_22 = tpu.memref_slice %arg14[%dma_start3A_20, %dma_start3A_21] : memref<16x1024xf32, #tpu.memory_space<vmem>> -> memref<16x512xf32, #tpu.memory_space<vmem>>
    %dma_start3A_23 = arith.constant 0 : i32
    %dma_start3A_24 = tpu.memref_slice %arg11[%dma_start3A_19, %dma_start3A_23] : memref<6x1024xi32, #tpu.memory_space<vmem>> -> memref<1x16xi32, #tpu.memory_space<vmem>>
    %dma_start3A_25 = tpu.memref_squeeze %dma_start3A_24 : memref<1x16xi32, #tpu.memory_space<vmem>> -> memref<16xi32, #tpu.memory_space<vmem>>
    %dma_start3A_26 = arith.constant 0 : i32
    %dma_start3A_27 = arith.constant 0 : i32
    %dma_start3A_28 = tpu.memref_slice %arg4[%dma_start3A_26, %dma_start3A_27] : memref<1024x512xf32, #tpu.memory_space<hbm>> -> memref<1024x512xf32, #tpu.memory_space<hbm>>
    tpu.enqueue_indirect_dma source(%dma_start3A_28 : memref<1024x512xf32, #tpu.memory_space<hbm>>) target(%dma_start3A_22 : memref<16x512xf32, #tpu.memory_space<vmem>>) offsets(%dma_start3A_25 : memref<16xi32, #tpu.memory_space<vmem>>) semaphore(%arg20 : memref<!tpu.dma_semaphore, #tpu.memory_space<semaphore_mem>>)
    %dma_start3A_29 = arith.constant 1 : i32
    %dma_start3A_30 = arith.constant 0 : i32
    %dma_start3A_31 = arith.constant 0 : i32
    %dma_start3A_32 = tpu.memref_slice %arg16[%dma_start3A_30, %dma_start3A_31] : memref<16x1024xf32, #tpu.memory_space<vmem>> -> memref<16x512xf32, #tpu.memory_space<vmem>>
    %dma_start3A_33 = arith.constant 0 : i32
    %dma_start3A_34 = tpu.memref_slice %arg11[%dma_start3A_29, %dma_start3A_33] : memref<6x1024xi32, #tpu.memory_space<vmem>> -> memref<1x16xi32, #tpu.memory_space<vmem>>
    %dma_start3A_35 = tpu.memref_squeeze %dma_start3A_34 : memref<1x16xi32, #tpu.memory_space<vmem>> -> memref<16xi32, #tpu.memory_space<vmem>>
    %dma_start3A_36 = arith.constant 0 : i32
    %dma_start3A_37 = arith.constant 0 : i32
    %dma_start3A_38 = tpu.memref_slice %arg5[%dma_start3A_36, %dma_start3A_37] : memref<1024x512xf32, #tpu.memory_space<hbm>> -> memref<1024x512xf32, #tpu.memory_space<hbm>>
    tpu.enqueue_indirect_dma source(%dma_start3A_38 : memref<1024x512xf32, #tpu.memory_space<hbm>>) target(%dma_start3A_32 : memref<16x512xf32, #tpu.memory_space<vmem>>) offsets(%dma_start3A_35 : memref<16xi32, #tpu.memory_space<vmem>>) semaphore(%arg21 : memref<!tpu.dma_semaphore, #tpu.memory_space<semaphore_mem>>)
    %dma_start3A_39 = arith.constant 3 : i32
    %dma_start3A_40 = arith.constant 0 : i32
    %dma_start3A_41 = arith.constant 512 : i32
    %dma_start3A_42 = tpu.memref_slice %arg16[%dma_start3A_40, %dma_start3A_41] : memref<16x1024xf32, #tpu.memory_space<vmem>> -> memref<16x512xf32, #tpu.memory_space<vmem>>
    %dma_start3A_43 = arith.constant 0 : i32
    %dma_start3A_44 = tpu.memref_slice %arg11[%dma_start3A_39, %dma_start3A_43] : memref<6x1024xi32, #tpu.memory_space<vmem>> -> memref<1x16xi32, #tpu.memory_space<vmem>>
    %dma_start3A_45 = tpu.memref_squeeze %dma_start3A_44 : memref<1x16xi32, #tpu.memory_space<vmem>> -> memref<16xi32, #tpu.memory_space<vmem>>
    %dma_start3A_46 = arith.constant 0 : i32
    %dma_start3A_47 = arith.constant 0 : i32
    %dma_start3A_48 = tpu.memref_slice %arg6[%dma_start3A_46, %dma_start3A_47] : memref<1024x512xf32, #tpu.memory_space<hbm>> -> memref<1024x512xf32, #tpu.memory_space<hbm>>
    tpu.enqueue_indirect_dma source(%dma_start3A_48 : memref<1024x512xf32, #tpu.memory_space<hbm>>) target(%dma_start3A_42 : memref<16x512xf32, #tpu.memory_space<vmem>>) offsets(%dma_start3A_45 : memref<16xi32, #tpu.memory_space<vmem>>) semaphore(%arg22 : memref<!tpu.dma_semaphore, #tpu.memory_space<semaphore_mem>>)
    %dma_start3A_49 = arith.constant 0 : i32
    %dma_start3A_50 = arith.constant 0 : i32
    %dma_start3A_51 = arith.constant 0 : i32
    %dma_start3A_52 = tpu.memref_slice %arg15[%dma_start3A_50, %dma_start3A_51] : memref<16x1024xf32, #tpu.memory_space<vmem>> -> memref<16x512xf32, #tpu.memory_space<vmem>>
    %dma_start3A_53 = arith.constant 16 : i32
    %dma_start3A_54 = tpu.memref_slice %arg11[%dma_start3A_49, %dma_start3A_53] : memref<6x1024xi32, #tpu.memory_space<vmem>> -> memref<1x16xi32, #tpu.memory_space<vmem>>
    %dma_start3A_55 = tpu.memref_squeeze %dma_start3A_54 : memref<1x16xi32, #tpu.memory_space<vmem>> -> memref<16xi32, #tpu.memory_space<vmem>>
    %dma_start3A_56 = arith.constant 0 : i32
    %dma_start3A_57 = arith.constant 0 : i32
    %dma_start3A_58 = tpu.memref_slice %arg3[%dma_start3A_56, %dma_start3A_57] : memref<1024x512xf32, #tpu.memory_space<hbm>> -> memref<1024x512xf32, #tpu.memory_space<hbm>>
    tpu.enqueue_indirect_dma source(%dma_start3A_58 : memref<1024x512xf32, #tpu.memory_space<hbm>>) target(%dma_start3A_52 : memref<16x512xf32, #tpu.memory_space<vmem>>) offsets(%dma_start3A_55 : memref<16xi32, #tpu.memory_space<vmem>>) semaphore(%arg23 : memref<!tpu.dma_semaphore, #tpu.memory_space<semaphore_mem>>)
    %dma_start3A_59 = arith.constant 2 : i32
    %dma_start3A_60 = arith.constant 0 : i32
    %dma_start3A_61 = arith.constant 512 : i32
    %dma_start3A_62 = tpu.memref_slice %arg15[%dma_start3A_60, %dma_start3A_61] : memref<16x1024xf32, #tpu.memory_space<vmem>> -> memref<16x512xf32, #tpu.memory_space<vmem>>
    %dma_start3A_63 = arith.constant 16 : i32
    %dma_start3A_64 = tpu.memref_slice %arg11[%dma_start3A_59, %dma_start3A_63] : memref<6x1024xi32, #tpu.memory_space<vmem>> -> memref<1x16xi32, #tpu.memory_space<vmem>>
    %dma_start3A_65 = tpu.memref_squeeze %dma_start3A_64 : memref<1x16xi32, #tpu.memory_space<vmem>> -> memref<16xi32, #tpu.memory_space<vmem>>
    %dma_start3A_66 = arith.constant 0 : i32
    %dma_start3A_67 = arith.constant 0 : i32
    %dma_start3A_68 = tpu.memref_slice %arg4[%dma_start3A_66, %dma_start3A_67] : memref<1024x512xf32, #tpu.memory_space<hbm>> -> memref<1024x512xf32, #tpu.memory_space<hbm>>
    tpu.enqueue_indirect_dma source(%dma_start3A_68 : memref<1024x512xf32, #tpu.memory_space<hbm>>) target(%dma_start3A_62 : memref<16x512xf32, #tpu.memory_space<vmem>>) offsets(%dma_start3A_65 : memref<16xi32, #tpu.memory_space<vmem>>) semaphore(%arg24 : memref<!tpu.dma_semaphore, #tpu.memory_space<semaphore_mem>>)
    %dma_start3A_69 = arith.constant 1 : i32
    %dma_start3A_70 = arith.constant 0 : i32
    %dma_start3A_71 = arith.constant 0 : i32
    %dma_start3A_72 = tpu.memref_slice %arg17[%dma_start3A_70, %dma_start3A_71] : memref<16x1024xf32, #tpu.memory_space<vmem>> -> memref<16x512xf32, #tpu.memory_space<vmem>>
    %dma_start3A_73 = arith.constant 16 : i32
    %dma_start3A_74 = tpu.memref_slice %arg11[%dma_start3A_69, %dma_start3A_73] : memref<6x1024xi32, #tpu.memory_space<vmem>> -> memref<1x16xi32, #tpu.memory_space<vmem>>
    %dma_start3A_75 = tpu.memref_squeeze %dma_start3A_74 : memref<1x16xi32, #tpu.memory_space<vmem>> -> memref<16xi32, #tpu.memory_space<vmem>>
    %dma_start3A_76 = arith.constant 0 : i32
    %dma_start3A_77 = arith.constant 0 : i32
    %dma_start3A_78 = tpu.memref_slice %arg5[%dma_start3A_76, %dma_start3A_77] : memref<1024x512xf32, #tpu.memory_space<hbm>> -> memref<1024x512xf32, #tpu.memory_space<hbm>>
    tpu.enqueue_indirect_dma source(%dma_start3A_78 : memref<1024x512xf32, #tpu.memory_space<hbm>>) target(%dma_start3A_72 : memref<16x512xf32, #tpu.memory_space<vmem>>) offsets(%dma_start3A_75 : memref<16xi32, #tpu.memory_space<vmem>>) semaphore(%arg25 : memref<!tpu.dma_semaphore, #tpu.memory_space<semaphore_mem>>)
    %dma_start3A_79 = arith.constant 3 : i32
    %dma_start3A_80 = arith.constant 0 : i32
    %dma_start3A_81 = arith.constant 512 : i32
    %dma_start3A_82 = tpu.memref_slice %arg17[%dma_start3A_80, %dma_start3A_81] : memref<16x1024xf32, #tpu.memory_space<vmem>> -> memref<16x512xf32, #tpu.memory_space<vmem>>
    %dma_start3A_83 = arith.constant 16 : i32
    %dma_start3A_84 = tpu.memref_slice %arg11[%dma_start3A_79, %dma_start3A_83] : memref<6x1024xi32, #tpu.memory_space<vmem>> -> memref<1x16xi32, #tpu.memory_space<vmem>>
    %dma_start3A_85 = tpu.memref_squeeze %dma_start3A_84 : memref<1x16xi32, #tpu.memory_space<vmem>> -> memref<16xi32, #tpu.memory_space<vmem>>
    %dma_start3A_86 = arith.constant 0 : i32
    %dma_start3A_87 = arith.constant 0 : i32
    %dma_start3A_88 = tpu.memref_slice %arg6[%dma_start3A_86, %dma_start3A_87] : memref<1024x512xf32, #tpu.memory_space<hbm>> -> memref<1024x512xf32, #tpu.memory_space<hbm>>
    tpu.enqueue_indirect_dma source(%dma_start3A_88 : memref<1024x512xf32, #tpu.memory_space<hbm>>) target(%dma_start3A_82 : memref<16x512xf32, #tpu.memory_space<vmem>>) offsets(%dma_start3A_85 : memref<16xi32, #tpu.memory_space<vmem>>) semaphore(%arg26 : memref<!tpu.dma_semaphore, #tpu.memory_space<semaphore_mem>>)
    %dma_start3A_89 = arith.constant 4 : i32
    %dma_start3A_90 = arith.constant 0 : i32
    %dma_start3A_91 = tpu.memref_slice %arg11[%dma_start3A_89, %dma_start3A_90] : memref<6x1024xi32, #tpu.memory_space<vmem>> -> memref<1x16xi32, #tpu.memory_space<vmem>>
    %dma_start3A_92 = tpu.memref_squeeze %dma_start3A_91 : memref<1x16xi32, #tpu.memory_space<vmem>> -> memref<16xi32, #tpu.memory_space<vmem>>
    %dma_start3A_93 = arith.constant 0 : i32
    %dma_start3A_94 = arith.constant 0 : i32
    %dma_start3A_95 = tpu.memref_slice %arg7[%dma_start3A_93, %dma_start3A_94] : memref<1024x1024xf32, #tpu.memory_space<hbm>> -> memref<1024x1024xf32, #tpu.memory_space<hbm>>
    tpu.enqueue_indirect_dma source(%dma_start3A_95 : memref<1024x1024xf32, #tpu.memory_space<hbm>>) target(%arg18 : memref<16x1024xf32, #tpu.memory_space<vmem>>) offsets(%dma_start3A_92 : memref<16xi32, #tpu.memory_space<vmem>>) semaphore(%arg27 : memref<!tpu.dma_semaphore, #tpu.memory_space<semaphore_mem>>)
    %scan3A_96 = arith.constant 0 : i32
    %scan3A_97 = arith.constant 0 : i32
    %scan3A_98 = arith.constant 32 : i32
    %scan3A_99 = arith.addi %scan3A_97, %scan3A_98 : i32
    %scan3A_100 = arith.constant 1 : i32
    scf.for %scan3A_109 = %scan3A_97 to %scan3A_99 step %scan3A_100  : i32 {
      %mul3A_110 = arith.constant 2 : i32
      %mul3A_111 = arith.muli %mul3A_110, %scan3A_109 : i32
      %lt3A = arith.constant 31 : i32
      %lt3A_112 = arith.cmpi slt, %scan3A_109, %lt3A : i32
      %gt3A = arith.constant 0 : i32
      %gt3A_113 = arith.cmpi sgt, %scan3A_109, %gt3A : i32
      %convert_element_type3A = arith.extui %gt3A_113 : i1 to i32
      %cond3A = arith.constant 0 : i32
      %cond3A_114 = arith.cmpi ne, %convert_element_type3A, %cond3A : i32
      scf.if %cond3A_114 {
        %dma_wait3A_318 = arith.constant 0 : i32
        %dma_wait3A_319 = tpu.memref_slice %arg9[%mul3A_2, %dma_wait3A_318] : memref<32768x1024xf32, #tpu.memory_space<hbm>> -> memref<16x1024xf32, #tpu.memory_space<hbm>>
        %dma_wait3A_320 = arith.constant 0 : i32
        %dma_wait3A_321 = tpu.memref_slice %arg9[%mul3A_2, %dma_wait3A_320] : memref<32768x1024xf32, #tpu.memory_space<hbm>> -> memref<16x1024xf32, #tpu.memory_space<hbm>>
        tpu.wait_dma2 semaphore(%arg30 : memref<!tpu.dma_semaphore, #tpu.memory_space<semaphore_mem>>) src(%arg12 : memref<16x1024xf32, #tpu.memory_space<vmem>>) dst(%dma_wait3A_321 : memref<16x1024xf32, #tpu.memory_space<hbm>>)
      } else {
      }
      %dma_wait3A_115 = arith.constant 0 : i32
      %dma_wait3A_116 = arith.constant 0 : i32
      %dma_wait3A_117 = arith.constant 0 : i32
      %dma_wait3A_118 = tpu.memref_slice %arg14[%dma_wait3A_116, %dma_wait3A_117] : memref<16x1024xf32, #tpu.memory_space<vmem>> -> memref<16x512xf32, #tpu.memory_space<vmem>>
      %dma_wait3A_119 = arith.constant 0 : i32
      %dma_wait3A_120 = tpu.memref_slice %arg11[%dma_wait3A_115, %dma_wait3A_119] : memref<6x1024xi32, #tpu.memory_space<vmem>> -> memref<1x16xi32, #tpu.memory_space<vmem>>
      %dma_wait3A_121 = tpu.memref_squeeze %dma_wait3A_120 : memref<1x16xi32, #tpu.memory_space<vmem>> -> memref<16xi32, #tpu.memory_space<vmem>>
      %dma_wait3A_122 = arith.constant 0 : i32
      %dma_wait3A_123 = arith.constant 0 : i32
      %dma_wait3A_124 = tpu.memref_slice %arg3[%dma_wait3A_122, %dma_wait3A_123] : memref<1024x512xf32, #tpu.memory_space<hbm>> -> memref<1024x512xf32, #tpu.memory_space<hbm>>
      tpu.wait_indirect_dma semaphore(%arg19 : memref<!tpu.dma_semaphore, #tpu.memory_space<semaphore_mem>>) src(%dma_wait3A_124 : memref<1024x512xf32, #tpu.memory_space<hbm>>) dst(%dma_wait3A_118 : memref<16x512xf32, #tpu.memory_space<vmem>>)
      %dma_wait3A_125 = arith.constant 2 : i32
      %dma_wait3A_126 = arith.constant 0 : i32
      %dma_wait3A_127 = arith.constant 512 : i32
      %dma_wait3A_128 = tpu.memref_slice %arg14[%dma_wait3A_126, %dma_wait3A_127] : memref<16x1024xf32, #tpu.memory_space<vmem>> -> memref<16x512xf32, #tpu.memory_space<vmem>>
      %dma_wait3A_129 = arith.constant 0 : i32
      %dma_wait3A_130 = tpu.memref_slice %arg11[%dma_wait3A_125, %dma_wait3A_129] : memref<6x1024xi32, #tpu.memory_space<vmem>> -> memref<1x16xi32, #tpu.memory_space<vmem>>
      %dma_wait3A_131 = tpu.memref_squeeze %dma_wait3A_130 : memref<1x16xi32, #tpu.memory_space<vmem>> -> memref<16xi32, #tpu.memory_space<vmem>>
      %dma_wait3A_132 = arith.constant 0 : i32
      %dma_wait3A_133 = arith.constant 0 : i32
      %dma_wait3A_134 = tpu.memref_slice %arg4[%dma_wait3A_132, %dma_wait3A_133] : memref<1024x512xf32, #tpu.memory_space<hbm>> -> memref<1024x512xf32, #tpu.memory_space<hbm>>
      tpu.wait_indirect_dma semaphore(%arg20 : memref<!tpu.dma_semaphore, #tpu.memory_space<semaphore_mem>>) src(%dma_wait3A_134 : memref<1024x512xf32, #tpu.memory_space<hbm>>) dst(%dma_wait3A_128 : memref<16x512xf32, #tpu.memory_space<vmem>>)
      %dma_wait3A_135 = arith.constant 1 : i32
      %dma_wait3A_136 = arith.constant 0 : i32
      %dma_wait3A_137 = arith.constant 0 : i32
      %dma_wait3A_138 = tpu.memref_slice %arg16[%dma_wait3A_136, %dma_wait3A_137] : memref<16x1024xf32, #tpu.memory_space<vmem>> -> memref<16x512xf32, #tpu.memory_space<vmem>>
      %dma_wait3A_139 = arith.constant 0 : i32
      %dma_wait3A_140 = tpu.memref_slice %arg11[%dma_wait3A_135, %dma_wait3A_139] : memref<6x1024xi32, #tpu.memory_space<vmem>> -> memref<1x16xi32, #tpu.memory_space<vmem>>
      %dma_wait3A_141 = tpu.memref_squeeze %dma_wait3A_140 : memref<1x16xi32, #tpu.memory_space<vmem>> -> memref<16xi32, #tpu.memory_space<vmem>>
      %dma_wait3A_142 = arith.constant 0 : i32
      %dma_wait3A_143 = arith.constant 0 : i32
      %dma_wait3A_144 = tpu.memref_slice %arg5[%dma_wait3A_142, %dma_wait3A_143] : memref<1024x512xf32, #tpu.memory_space<hbm>> -> memref<1024x512xf32, #tpu.memory_space<hbm>>
      tpu.wait_indirect_dma semaphore(%arg21 : memref<!tpu.dma_semaphore, #tpu.memory_space<semaphore_mem>>) src(%dma_wait3A_144 : memref<1024x512xf32, #tpu.memory_space<hbm>>) dst(%dma_wait3A_138 : memref<16x512xf32, #tpu.memory_space<vmem>>)
      %dma_wait3A_145 = arith.constant 3 : i32
      %dma_wait3A_146 = arith.constant 0 : i32
      %dma_wait3A_147 = arith.constant 512 : i32
      %dma_wait3A_148 = tpu.memref_slice %arg16[%dma_wait3A_146, %dma_wait3A_147] : memref<16x1024xf32, #tpu.memory_space<vmem>> -> memref<16x512xf32, #tpu.memory_space<vmem>>
      %dma_wait3A_149 = arith.constant 0 : i32
      %dma_wait3A_150 = tpu.memref_slice %arg11[%dma_wait3A_145, %dma_wait3A_149] : memref<6x1024xi32, #tpu.memory_space<vmem>> -> memref<1x16xi32, #tpu.memory_space<vmem>>
      %dma_wait3A_151 = tpu.memref_squeeze %dma_wait3A_150 : memref<1x16xi32, #tpu.memory_space<vmem>> -> memref<16xi32, #tpu.memory_space<vmem>>
      %dma_wait3A_152 = arith.constant 0 : i32
      %dma_wait3A_153 = arith.constant 0 : i32
      %dma_wait3A_154 = tpu.memref_slice %arg6[%dma_wait3A_152, %dma_wait3A_153] : memref<1024x512xf32, #tpu.memory_space<hbm>> -> memref<1024x512xf32, #tpu.memory_space<hbm>>
      tpu.wait_indirect_dma semaphore(%arg22 : memref<!tpu.dma_semaphore, #tpu.memory_space<semaphore_mem>>) src(%dma_wait3A_154 : memref<1024x512xf32, #tpu.memory_space<hbm>>) dst(%dma_wait3A_148 : memref<16x512xf32, #tpu.memory_space<vmem>>)
      %scan3A_155 = arith.constant 0 : i32
      %scan3A_156 = arith.constant 0 : i32
      %scan3A_157 = arith.constant 16 : i32
      %scan3A_158 = arith.addi %scan3A_156, %scan3A_157 : i32
      %scan3A_159 = arith.constant 1 : i32
      scf.for %scan3A_318 = %scan3A_156 to %scan3A_158 step %scan3A_159  : i32 {
        %get3A = arith.index_cast %scan3A_318 : i32 to index
        %get3A_319 = arith.constant 0 : index
        %get3A_320 = tpu.vector_load %arg14[%get3A, %get3A_319] {strides = array<i32>} : memref<16x1024xf32, #tpu.memory_space<vmem>>, vector<16xf32>,
        %get3A_321 = arith.index_cast %scan3A_318 : i32 to index
        %get3A_322 = arith.constant 0 : index
        %get3A_323 = tpu.vector_load %arg16[%get3A_321, %get3A_322] {strides = array<i32>} : memref<16x1024xf32, #tpu.memory_space<vmem>>, vector<16xf32>,
        %add3A_324 = arith.addf %get3A_320, %get3A_323 : vector<16xf32>
        %swap3A = arith.index_cast %scan3A_318 : i32 to index
        %swap3A_325 = arith.constant 0 : index
        %swap3A_326 = tpu.vector_load %arg12[%swap3A, %swap3A_325] {strides = array<i32>} : memref<16x1024xf32, #tpu.memory_space<vmem>>, vector<16xf32>,
        tpu.vector_store %arg12[%swap3A, %swap3A_325], %add3A_324 {strides = array<i32>} : memref<16x1024xf32, #tpu.memory_space<vmem>>, vector<16xf32>,
        %get3A_327 = arith.index_cast %scan3A_318 : i32 to index
        %get3A_328 = arith.constant 16 : index
        %get3A_329 = tpu.vector_load %arg14[%get3A_327, %get3A_328] {strides = array<i32>} : memref<16x1024xf32, #tpu.memory_space<vmem>>, vector<16xf32>,
        %get3A_330 = arith.index_cast %scan3A_318 : i32 to index
        %get3A_331 = arith.constant 16 : index
        %get3A_332 = tpu.vector_load %arg16[%get3A_330, %get3A_331] {strides = array<i32>} : memref<16x1024xf32, #tpu.memory_space<vmem>>, vector<16xf32>,
        %add3A_333 = arith.addf %get3A_329, %get3A_332 : vector<16xf32>
        %swap3A_334 = arith.index_cast %scan3A_318 : i32 to index
        %swap3A_335 = arith.constant 16 : index
        %swap3A_336 = tpu.vector_load %arg12[%swap3A_334, %swap3A_335] {strides = array<i32>} : memref<16x1024xf32, #tpu.memory_space<vmem>>, vector<16xf32>,
        tpu.vector_store %arg12[%swap3A_334, %swap3A_335], %add3A_333 {strides = array<i32>} : memref<16x1024xf32, #tpu.memory_space<vmem>>, vector<16xf32>,
        %get3A_337 = arith.index_cast %scan3A_318 : i32 to index
        %get3A_338 = arith.constant 32 : index
        %get3A_339 = tpu.vector_load %arg14[%get3A_337, %get3A_338] {strides = array<i32>} : memref<16x1024xf32, #tpu.memory_space<vmem>>, vector<16xf32>,
        %get3A_340 = arith.index_cast %scan3A_318 : i32 to index
        %get3A_341 = arith.constant 32 : index
        %get3A_342 = tpu.vector_load %arg16[%get3A_340, %get3A_341] {strides = array<i32>} : memref<16x1024xf32, #tpu.memory_space<vmem>>, vector<16xf32>,
        %add3A_343 = arith.addf %get3A_339, %get3A_342 : vector<16xf32>
        %swap3A_344 = arith.index_cast %scan3A_318 : i32 to index
        %swap3A_345 = arith.constant 32 : index
        %swap3A_346 = tpu.vector_load %arg12[%swap3A_344, %swap3A_345] {strides = array<i32>} : memref<16x1024xf32, #tpu.memory_space<vmem>>, vector<16xf32>,
        tpu.vector_store %arg12[%swap3A_344, %swap3A_345], %add3A_343 {strides = array<i32>} : memref<16x1024xf32, #tpu.memory_space<vmem>>, vector<16xf32>,
        %get3A_347 = arith.index_cast %scan3A_318 : i32 to index
        %get3A_348 = arith.constant 48 : index
        %get3A_349 = tpu.vector_load %arg14[%get3A_347, %get3A_348] {strides = array<i32>} : memref<16x1024xf32, #tpu.memory_space<vmem>>, vector<16xf32>,
        %get3A_350 = arith.index_cast %scan3A_318 : i32 to index
        %get3A_351 = arith.constant 48 : index
        %get3A_352 = tpu.vector_load %arg16[%get3A_350, %get3A_351] {strides = array<i32>} : memref<16x1024xf32, #tpu.memory_space<vmem>>, vector<16xf32>,
        %add3A_353 = arith.addf %get3A_349, %get3A_352 : vector<16xf32>
        %swap3A_354 = arith.index_cast %scan3A_318 : i32 to index
        %swap3A_355 = arith.constant 48 : index
        %swap3A_356 = tpu.vector_load %arg12[%swap3A_354, %swap3A_355] {strides = array<i32>} : memref<16x1024xf32, #tpu.memory_space<vmem>>, vector<16xf32>,
        tpu.vector_store %arg12[%swap3A_354, %swap3A_355], %add3A_353 {strides = array<i32>} : memref<16x1024xf32, #tpu.memory_space<vmem>>, vector<16xf32>,
        %get3A_357 = arith.index_cast %scan3A_318 : i32 to index
        %get3A_358 = arith.constant 64 : index
        %get3A_359 = tpu.vector_load %arg14[%get3A_357, %get3A_358] {strides = array<i32>} : memref<16x1024xf32, #tpu.memory_space<vmem>>, vector<16xf32>,
        %get3A_360 = arith.index_cast %scan3A_318 : i32 to index
        %get3A_361 = arith.constant 64 : index
        %get3A_362 = tpu.vector_load %arg16[%get3A_360, %get3A_361] {strides = array<i32>} : memref<16x1024xf32, #tpu.memory_space<vmem>>, vector<16xf32>,
        %add3A_363 = arith.addf %get3A_359, %get3A_362 : vector<16xf32>
        %swap3A_364 = arith.index_cast %scan3A_318 : i32 to index
        %swap3A_365 = arith.constant 64 : index
        %swap3A_366 = tpu.vector_load %arg12[%swap3A_364, %swap3A_365] {strides = array<i32>} : memref<16x1024xf32, #tpu.memory_space<vmem>>, vector<16xf32>,
        tpu.vector_store %arg12[%swap3A_364, %swap3A_365], %add3A_363 {strides = array<i32>} : memref<16x1024xf32, #tpu.memory_space<vmem>>, vector<16xf32>,
        %get3A_367 = arith.index_cast %scan3A_318 : i32 to index
        %get3A_368 = arith.constant 80 : index
        %get3A_369 = tpu.vector_load %arg14[%get3A_367, %get3A_368] {strides = array<i32>} : memref<16x1024xf32, #tpu.memory_space<vmem>>, vector<16xf32>,
        %get3A_370 = arith.index_cast %scan3A_318 : i32 to index
        %get3A_371 = arith.constant 80 : index
        %get3A_372 = tpu.vector_load %arg16[%get3A_370, %get3A_371] {strides = array<i32>} : memref<16x1024xf32, #tpu.memory_space<vmem>>, vector<16xf32>,
        %add3A_373 = arith.addf %get3A_369, %get3A_372 : vector<16xf32>
        %swap3A_374 = arith.index_cast %scan3A_318 : i32 to index
        %swap3A_375 = arith.constant 80 : index
        %swap3A_376 = tpu.vector_load %arg12[%swap3A_374, %swap3A_375] {strides = array<i32>} : memref<16x1024xf32, #tpu.memory_space<vmem>>, vector<16xf32>,
        tpu.vector_store %arg12[%swap3A_374, %swap3A_375], %add3A_373 {strides = array<i32>} : memref<16x1024xf32, #tpu.memory_space<vmem>>, vector<16xf32>,
        %get3A_377 = arith.index_cast %scan3A_318 : i32 to index
        %get3A_378 = arith.constant 96 : index
        %get3A_379 = tpu.vector_load %arg14[%get3A_377, %get3A_378] {strides = array<i32>} : memref<16x1024xf32, #tpu.memory_space<vmem>>, vector<16xf32>,
        %get3A_380 = arith.index_cast %scan3A_318 : i32 to index
        %get3A_381 = arith.constant 96 : index
        %get3A_382 = tpu.vector_load %arg16[%get3A_380, %get3A_381] {strides = array<i32>} : memref<16x1024xf32, #tpu.memory_space<vmem>>, vector<16xf32>,
        %add3A_383 = arith.addf %get3A_379, %get3A_382 : vector<16xf32>
        %swap3A_384 = arith.index_cast %scan3A_318 : i32 to index
        %swap3A_385 = arith.constant 96 : index
        %swap3A_386 = tpu.vector_load %arg12[%swap3A_384, %swap3A_385] {strides = array<i32>} : memref<16x1024xf32, #tpu.memory_space<vmem>>, vector<16xf32>,
        tpu.vector_store %arg12[%swap3A_384, %swap3A_385], %add3A_383 {strides = array<i32>} : memref<16x1024xf32, #tpu.memory_space<vmem>>, vector<16xf32>,
        %get3A_387 = arith.index_cast %scan3A_318 : i32 to index
        %get3A_388 = arith.constant 112 : index
        %get3A_389 = tpu.vector_load %arg14[%get3A_387, %get3A_388] {strides = array<i32>} : memref<16x1024xf32, #tpu.memory_space<vmem>>, vector<16xf32>,
        %get3A_390 = arith.index_cast %scan3A_318 : i32 to index
        %get3A_391 = arith.constant 112 : index
        %get3A_392 = tpu.vector_load %arg16[%get3A_390, %get3A_391] {strides = array<i32>} : memref<16x1024xf32, #tpu.memory_space<vmem>>, vector<16xf32>,
        %add3A_393 = arith.addf %get3A_389, %get3A_392 : vector<16xf32>
        %swap3A_394 = arith.index_cast %scan3A_318 : i32 to index
        %swap3A_395 = arith.constant 112 : index
        %swap3A_396 = tpu.vector_load %arg12[%swap3A_394, %swap3A_395] {strides = array<i32>} : memref<16x1024xf32, #tpu.memory_space<vmem>>, vector<16xf32>,
        tpu.vector_store %arg12[%swap3A_394, %swap3A_395], %add3A_393 {strides = array<i32>} : memref<16x1024xf32, #tpu.memory_space<vmem>>, vector<16xf32>,
        %get3A_397 = arith.index_cast %scan3A_318 : i32 to index
        %get3A_398 = arith.constant 128 : index
        %get3A_399 = tpu.vector_load %arg14[%get3A_397, %get3A_398] {strides = array<i32>} : memref<16x1024xf32, #tpu.memory_space<vmem>>, vector<16xf32>,
        %get3A_400 = arith.index_cast %scan3A_318 : i32 to index
        %get3A_401 = arith.constant 128 : index
        %get3A_402 = tpu.vector_load %arg16[%get3A_400, %get3A_401] {strides = array<i32>} : memref<16x1024xf32, #tpu.memory_space<vmem>>, vector<16xf32>,
        %add3A_403 = arith.addf %get3A_399, %get3A_402 : vector<16xf32>
        %swap3A_404 = arith.index_cast %scan3A_318 : i32 to index
        %swap3A_405 = arith.constant 128 : index
        %swap3A_406 = tpu.vector_load %arg12[%swap3A_404, %swap3A_405] {strides = array<i32>} : memref<16x1024xf32, #tpu.memory_space<vmem>>, vector<16xf32>,
        tpu.vector_store %arg12[%swap3A_404, %swap3A_405], %add3A_403 {strides = array<i32>} : memref<16x1024xf32, #tpu.memory_space<vmem>>, vector<16xf32>,
        %get3A_407 = arith.index_cast %scan3A_318 : i32 to index
        %get3A_408 = arith.constant 144 : index
        %get3A_409 = tpu.vector_load %arg14[%get3A_407, %get3A_408] {strides = array<i32>} : memref<16x1024xf32, #tpu.memory_space<vmem>>, vector<16xf32>,
        %get3A_410 = arith.index_cast %scan3A_318 : i32 to index
        %get3A_411 = arith.constant 144 : index
        %get3A_412 = tpu.vector_load %arg16[%get3A_410, %get3A_411] {strides = array<i32>} : memref<16x1024xf32, #tpu.memory_space<vmem>>, vector<16xf32>,
        %add3A_413 = arith.addf %get3A_409, %get3A_412 : vector<16xf32>
        %swap3A_414 = arith.index_cast %scan3A_318 : i32 to index
        %swap3A_415 = arith.constant 144 : index
        %swap3A_416 = tpu.vector_load %arg12[%swap3A_414, %swap3A_415] {strides = array<i32>} : memref<16x1024xf32, #tpu.memory_space<vmem>>, vector<16xf32>,
        tpu.vector_store %arg12[%swap3A_414, %swap3A_415], %add3A_413 {strides = array<i32>} : memref<16x1024xf32, #tpu.memory_space<vmem>>, vector<16xf32>,
        %get3A_417 = arith.index_cast %scan3A_318 : i32 to index
        %get3A_418 = arith.constant 160 : index
        %get3A_419 = tpu.vector_load %arg14[%get3A_417, %get3A_418] {strides = array<i32>} : memref<16x1024xf32, #tpu.memory_space<vmem>>, vector<16xf32>,
        %get3A_420 = arith.index_cast %scan3A_318 : i32 to index
        %get3A_421 = arith.constant 160 : index
        %get3A_422 = tpu.vector_load %arg16[%get3A_420, %get3A_421] {strides = array<i32>} : memref<16x1024xf32, #tpu.memory_space<vmem>>, vector<16xf32>,
        %add3A_423 = arith.addf %get3A_419, %get3A_422 : vector<16xf32>
        %swap3A_424 = arith.index_cast %scan3A_318 : i32 to index
        %swap3A_425 = arith.constant 160 : index
        %swap3A_426 = tpu.vector_load %arg12[%swap3A_424, %swap3A_425] {strides = array<i32>} : memref<16x1024xf32, #tpu.memory_space<vmem>>, vector<16xf32>,
        tpu.vector_store %arg12[%swap3A_424, %swap3A_425], %add3A_423 {strides = array<i32>} : memref<16x1024xf32, #tpu.memory_space<vmem>>, vector<16xf32>,
        %get3A_427 = arith.index_cast %scan3A_318 : i32 to index
        %get3A_428 = arith.constant 176 : index
        %get3A_429 = tpu.vector_load %arg14[%get3A_427, %get3A_428] {strides = array<i32>} : memref<16x1024xf32, #tpu.memory_space<vmem>>, vector<16xf32>,
        %get3A_430 = arith.index_cast %scan3A_318 : i32 to index
        %get3A_431 = arith.constant 176 : index
        %get3A_432 = tpu.vector_load %arg16[%get3A_430, %get3A_431] {strides = array<i32>} : memref<16x1024xf32, #tpu.memory_space<vmem>>, vector<16xf32>,
        %add3A_433 = arith.addf %get3A_429, %get3A_432 : vector<16xf32>
        %swap3A_434 = arith.index_cast %scan3A_318 : i32 to index
        %swap3A_435 = arith.constant 176 : index
        %swap3A_436 = tpu.vector_load %arg12[%swap3A_434, %swap3A_435] {strides = array<i32>} : memref<16x1024xf32, #tpu.memory_space<vmem>>, vector<16xf32>,
        tpu.vector_store %arg12[%swap3A_434, %swap3A_435], %add3A_433 {strides = array<i32>} : memref<16x1024xf32, #tpu.memory_space<vmem>>, vector<16xf32>,
        %get3A_437 = arith.index_cast %scan3A_318 : i32 to index
        %get3A_438 = arith.constant 192 : index
        %get3A_439 = tpu.vector_load %arg14[%get3A_437, %get3A_438] {strides = array<i32>} : memref<16x1024xf32, #tpu.memory_space<vmem>>, vector<16xf32>,
        %get3A_440 = arith.index_cast %scan3A_318 : i32 to index
        %get3A_441 = arith.constant 192 : index
        %get3A_442 = tpu.vector_load %arg16[%get3A_440, %get3A_441] {strides = array<i32>} : memref<16x1024xf32, #tpu.memory_space<vmem>>, vector<16xf32>,
        %add3A_443 = arith.addf %get3A_439, %get3A_442 : vector<16xf32>
        %swap3A_444 = arith.index_cast %scan3A_318 : i32 to index
        %swap3A_445 = arith.constant 192 : index
        %swap3A_446 = tpu.vector_load %arg12[%swap3A_444, %swap3A_445] {strides = array<i32>} : memref<16x1024xf32, #tpu.memory_space<vmem>>, vector<16xf32>,
        tpu.vector_store %arg12[%swap3A_444, %swap3A_445], %add3A_443 {strides = array<i32>} : memref<16x1024xf32, #tpu.memory_space<vmem>>, vector<16xf32>,
        %get3A_447 = arith.index_cast %scan3A_318 : i32 to index
        %get3A_448 = arith.constant 208 : index
        %get3A_449 = tpu.vector_load %arg14[%get3A_447, %get3A_448] {strides = array<i32>} : memref<16x1024xf32, #tpu.memory_space<vmem>>, vector<16xf32>,
        %get3A_450 = arith.index_cast %scan3A_318 : i32 to index
        %get3A_451 = arith.constant 208 : index
        %get3A_452 = tpu.vector_load %arg16[%get3A_450, %get3A_451] {strides = array<i32>} : memref<16x1024xf32, #tpu.memory_space<vmem>>, vector<16xf32>,
        %add3A_453 = arith.addf %get3A_449, %get3A_452 : vector<16xf32>
        %swap3A_454 = arith.index_cast %scan3A_318 : i32 to index
        %swap3A_455 = arith.constant 208 : index
        %swap3A_456 = tpu.vector_load %arg12[%swap3A_454, %swap3A_455] {strides = array<i32>} : memref<16x1024xf32, #tpu.memory_space<vmem>>, vector<16xf32>,
        tpu.vector_store %arg12[%swap3A_454, %swap3A_455], %add3A_453 {strides = array<i32>} : memref<16x1024xf32, #tpu.memory_space<vmem>>, vector<16xf32>,
        %get3A_457 = arith.index_cast %scan3A_318 : i32 to index
        %get3A_458 = arith.constant 224 : index
        %get3A_459 = tpu.vector_load %arg14[%get3A_457, %get3A_458] {strides = array<i32>} : memref<16x1024xf32, #tpu.memory_space<vmem>>, vector<16xf32>,
        %get3A_460 = arith.index_cast %scan3A_318 : i32 to index
        %get3A_461 = arith.constant 224 : index
        %get3A_462 = tpu.vector_load %arg16[%get3A_460, %get3A_461] {strides = array<i32>} : memref<16x1024xf32, #tpu.memory_space<vmem>>, vector<16xf32>,
        %add3A_463 = arith.addf %get3A_459, %get3A_462 : vector<16xf32>
        %swap3A_464 = arith.index_cast %scan3A_318 : i32 to index
        %swap3A_465 = arith.constant 224 : index
        %swap3A_466 = tpu.vector_load %arg12[%swap3A_464, %swap3A_465] {strides = array<i32>} : memref<16x1024xf32, #tpu.memory_space<vmem>>, vector<16xf32>,
        tpu.vector_store %arg12[%swap3A_464, %swap3A_465], %add3A_463 {strides = array<i32>} : memref<16x1024xf32, #tpu.memory_space<vmem>>, vector<16xf32>,
        %get3A_467 = arith.index_cast %scan3A_318 : i32 to index
        %get3A_468 = arith.constant 240 : index
        %get3A_469 = tpu.vector_load %arg14[%get3A_467, %get3A_468] {strides = array<i32>} : memref<16x1024xf32, #tpu.memory_space<vmem>>, vector<16xf32>,
        %get3A_470 = arith.index_cast %scan3A_318 : i32 to index
        %get3A_471 = arith.constant 240 : index
        %get3A_472 = tpu.vector_load %arg16[%get3A_470, %get3A_471] {strides = array<i32>} : memref<16x1024xf32, #tpu.memory_space<vmem>>, vector<16xf32>,
        %add3A_473 = arith.addf %get3A_469, %get3A_472 : vector<16xf32>
        %swap3A_474 = arith.index_cast %scan3A_318 : i32 to index
        %swap3A_475 = arith.constant 240 : index
        %swap3A_476 = tpu.vector_load %arg12[%swap3A_474, %swap3A_475] {strides = array<i32>} : memref<16x1024xf32, #tpu.memory_space<vmem>>, vector<16xf32>,
        tpu.vector_store %arg12[%swap3A_474, %swap3A_475], %add3A_473 {strides = array<i32>} : memref<16x1024xf32, #tpu.memory_space<vmem>>, vector<16xf32>,
        %get3A_477 = arith.index_cast %scan3A_318 : i32 to index
        %get3A_478 = arith.constant 256 : index
        %get3A_479 = tpu.vector_load %arg14[%get3A_477, %get3A_478] {strides = array<i32>} : memref<16x1024xf32, #tpu.memory_space<vmem>>, vector<16xf32>,
        %get3A_480 = arith.index_cast %scan3A_318 : i32 to index
        %get3A_481 = arith.constant 256 : index
        %get3A_482 = tpu.vector_load %arg16[%get3A_480, %get3A_481] {strides = array<i32>} : memref<16x1024xf32, #tpu.memory_space<vmem>>, vector<16xf32>,
        %add3A_483 = arith.addf %get3A_479, %get3A_482 : vector<16xf32>
        %swap3A_484 = arith.index_cast %scan3A_318 : i32 to index
        %swap3A_485 = arith.constant 256 : index
        %swap3A_486 = tpu.vector_load %arg12[%swap3A_484, %swap3A_485] {strides = array<i32>} : memref<16x1024xf32, #tpu.memory_space<vmem>>, vector<16xf32>,
        tpu.vector_store %arg12[%swap3A_484, %swap3A_485], %add3A_483 {strides = array<i32>} : memref<16x1024xf32, #tpu.memory_space<vmem>>, vector<16xf32>,
        %get3A_487 = arith.index_cast %scan3A_318 : i32 to index
        %get3A_488 = arith.constant 272 : index
        %get3A_489 = tpu.vector_load %arg14[%get3A_487, %get3A_488] {strides = array<i32>} : memref<16x1024xf32, #tpu.memory_space<vmem>>, vector<16xf32>,
        %get3A_490 = arith.index_cast %scan3A_318 : i32 to index
        %get3A_491 = arith.constant 272 : index
        %get3A_492 = tpu.vector_load %arg16[%get3A_490, %get3A_491] {strides = array<i32>} : memref<16x1024xf32, #tpu.memory_space<vmem>>, vector<16xf32>,
        %add3A_493 = arith.addf %get3A_489, %get3A_492 : vector<16xf32>
        %swap3A_494 = arith.index_cast %scan3A_318 : i32 to index
        %swap3A_495 = arith.constant 272 : index
        %swap3A_496 = tpu.vector_load %arg12[%swap3A_494, %swap3A_495] {strides = array<i32>} : memref<16x1024xf32, #tpu.memory_space<vmem>>, vector<16xf32>,
        tpu.vector_store %arg12[%swap3A_494, %swap3A_495], %add3A_493 {strides = array<i32>} : memref<16x1024xf32, #tpu.memory_space<vmem>>, vector<16xf32>,
        %get3A_497 = arith.index_cast %scan3A_318 : i32 to index
        %get3A_498 = arith.constant 288 : index
        %get3A_499 = tpu.vector_load %arg14[%get3A_497, %get3A_498] {strides = array<i32>} : memref<16x1024xf32, #tpu.memory_space<vmem>>, vector<16xf32>,
        %get3A_500 = arith.index_cast %scan3A_318 : i32 to index
        %get3A_501 = arith.constant 288 : index
        %get3A_502 = tpu.vector_load %arg16[%get3A_500, %get3A_501] {strides = array<i32>} : memref<16x1024xf32, #tpu.memory_space<vmem>>, vector<16xf32>,
        %add3A_503 = arith.addf %get3A_499, %get3A_502 : vector<16xf32>
        %swap3A_504 = arith.index_cast %scan3A_318 : i32 to index
        %swap3A_505 = arith.constant 288 : index
        %swap3A_506 = tpu.vector_load %arg12[%swap3A_504, %swap3A_505] {strides = array<i32>} : memref<16x1024xf32, #tpu.memory_space<vmem>>, vector<16xf32>,
        tpu.vector_store %arg12[%swap3A_504, %swap3A_505], %add3A_503 {strides = array<i32>} : memref<16x1024xf32, #tpu.memory_space<vmem>>, vector<16xf32>,
        %get3A_507 = arith.index_cast %scan3A_318 : i32 to index
        %get3A_508 = arith.constant 304 : index
        %get3A_509 = tpu.vector_load %arg14[%get3A_507, %get3A_508] {strides = array<i32>} : memref<16x1024xf32, #tpu.memory_space<vmem>>, vector<16xf32>,
        %get3A_510 = arith.index_cast %scan3A_318 : i32 to index
        %get3A_511 = arith.constant 304 : index
        %get3A_512 = tpu.vector_load %arg16[%get3A_510, %get3A_511] {strides = array<i32>} : memref<16x1024xf32, #tpu.memory_space<vmem>>, vector<16xf32>,
        %add3A_513 = arith.addf %get3A_509, %get3A_512 : vector<16xf32>
        %swap3A_514 = arith.index_cast %scan3A_318 : i32 to index
        %swap3A_515 = arith.constant 304 : index
        %swap3A_516 = tpu.vector_load %arg12[%swap3A_514, %swap3A_515] {strides = array<i32>} : memref<16x1024xf32, #tpu.memory_space<vmem>>, vector<16xf32>,
        tpu.vector_store %arg12[%swap3A_514, %swap3A_515], %add3A_513 {strides = array<i32>} : memref<16x1024xf32, #tpu.memory_space<vmem>>, vector<16xf32>,
        %get3A_517 = arith.index_cast %scan3A_318 : i32 to index
        %get3A_518 = arith.constant 320 : index
        %get3A_519 = tpu.vector_load %arg14[%get3A_517, %get3A_518] {strides = array<i32>} : memref<16x1024xf32, #tpu.memory_space<vmem>>, vector<16xf32>,
        %get3A_520 = arith.index_cast %scan3A_318 : i32 to index
        %get3A_521 = arith.constant 320 : index
        %get3A_522 = tpu.vector_load %arg16[%get3A_520, %get3A_521] {strides = array<i32>} : memref<16x1024xf32, #tpu.memory_space<vmem>>, vector<16xf32>,
        %add3A_523 = arith.addf %get3A_519, %get3A_522 : vector<16xf32>
        %swap3A_524 = arith.index_cast %scan3A_318 : i32 to index
        %swap3A_525 = arith.constant 320 : index
        %swap3A_526 = tpu.vector_load %arg12[%swap3A_524, %swap3A_525] {strides = array<i32>} : memref<16x1024xf32, #tpu.memory_space<vmem>>, vector<16xf32>,
        tpu.vector_store %arg12[%swap3A_524, %swap3A_525], %add3A_523 {strides = array<i32>} : memref<16x1024xf32, #tpu.memory_space<vmem>>, vector<16xf32>,
        %get3A_527 = arith.index_cast %scan3A_318 : i32 to index
        %get3A_528 = arith.constant 336 : index
        %get3A_529 = tpu.vector_load %arg14[%get3A_527, %get3A_528] {strides = array<i32>} : memref<16x1024xf32, #tpu.memory_space<vmem>>, vector<16xf32>,
        %get3A_530 = arith.index_cast %scan3A_318 : i32 to index
        %get3A_531 = arith.constant 336 : index
        %get3A_532 = tpu.vector_load %arg16[%get3A_530, %get3A_531] {strides = array<i32>} : memref<16x1024xf32, #tpu.memory_space<vmem>>, vector<16xf32>,
        %add3A_533 = arith.addf %get3A_529, %get3A_532 : vector<16xf32>
        %swap3A_534 = arith.index_cast %scan3A_318 : i32 to index
        %swap3A_535 = arith.constant 336 : index
        %swap3A_536 = tpu.vector_load %arg12[%swap3A_534, %swap3A_535] {strides = array<i32>} : memref<16x1024xf32, #tpu.memory_space<vmem>>, vector<16xf32>,
        tpu.vector_store %arg12[%swap3A_534, %swap3A_535], %add3A_533 {strides = array<i32>} : memref<16x1024xf32, #tpu.memory_space<vmem>>, vector<16xf32>,
        %get3A_537 = arith.index_cast %scan3A_318 : i32 to index
        %get3A_538 = arith.constant 352 : index
        %get3A_539 = tpu.vector_load %arg14[%get3A_537, %get3A_538] {strides = array<i32>} : memref<16x1024xf32, #tpu.memory_space<vmem>>, vector<16xf32>,
        %get3A_540 = arith.index_cast %scan3A_318 : i32 to index
        %get3A_541 = arith.constant 352 : index
        %get3A_542 = tpu.vector_load %arg16[%get3A_540, %get3A_541] {strides = array<i32>} : memref<16x1024xf32, #tpu.memory_space<vmem>>, vector<16xf32>,
        %add3A_543 = arith.addf %get3A_539, %get3A_542 : vector<16xf32>
        %swap3A_544 = arith.index_cast %scan3A_318 : i32 to index
        %swap3A_545 = arith.constant 352 : index
        %swap3A_546 = tpu.vector_load %arg12[%swap3A_544, %swap3A_545] {strides = array<i32>} : memref<16x1024xf32, #tpu.memory_space<vmem>>, vector<16xf32>,
        tpu.vector_store %arg12[%swap3A_544, %swap3A_545], %add3A_543 {strides = array<i32>} : memref<16x1024xf32, #tpu.memory_space<vmem>>, vector<16xf32>,
        %get3A_547 = arith.index_cast %scan3A_318 : i32 to index
        %get3A_548 = arith.constant 368 : index
        %get3A_549 = tpu.vector_load %arg14[%get3A_547, %get3A_548] {strides = array<i32>} : memref<16x1024xf32, #tpu.memory_space<vmem>>, vector<16xf32>,
        %get3A_550 = arith.index_cast %scan3A_318 : i32 to index
        %get3A_551 = arith.constant 368 : index
        %get3A_552 = tpu.vector_load %arg16[%get3A_550, %get3A_551] {strides = array<i32>} : memref<16x1024xf32, #tpu.memory_space<vmem>>, vector<16xf32>,
        %add3A_553 = arith.addf %get3A_549, %get3A_552 : vector<16xf32>
        %swap3A_554 = arith.index_cast %scan3A_318 : i32 to index
        %swap3A_555 = arith.constant 368 : index
        %swap3A_556 = tpu.vector_load %arg12[%swap3A_554, %swap3A_555] {strides = array<i32>} : memref<16x1024xf32, #tpu.memory_space<vmem>>, vector<16xf32>,
        tpu.vector_store %arg12[%swap3A_554, %swap3A_555], %add3A_553 {strides = array<i32>} : memref<16x1024xf32, #tpu.memory_space<vmem>>, vector<16xf32>,
        %get3A_557 = arith.index_cast %scan3A_318 : i32 to index
        %get3A_558 = arith.constant 384 : index
        %get3A_559 = tpu.vector_load %arg14[%get3A_557, %get3A_558] {strides = array<i32>} : memref<16x1024xf32, #tpu.memory_space<vmem>>, vector<16xf32>,
        %get3A_560 = arith.index_cast %scan3A_318 : i32 to index
        %get3A_561 = arith.constant 384 : index
        %get3A_562 = tpu.vector_load %arg16[%get3A_560, %get3A_561] {strides = array<i32>} : memref<16x1024xf32, #tpu.memory_space<vmem>>, vector<16xf32>,
        %add3A_563 = arith.addf %get3A_559, %get3A_562 : vector<16xf32>
        %swap3A_564 = arith.index_cast %scan3A_318 : i32 to index
        %swap3A_565 = arith.constant 384 : index
        %swap3A_566 = tpu.vector_load %arg12[%swap3A_564, %swap3A_565] {strides = array<i32>} : memref<16x1024xf32, #tpu.memory_space<vmem>>, vector<16xf32>,
        tpu.vector_store %arg12[%swap3A_564, %swap3A_565], %add3A_563 {strides = array<i32>} : memref<16x1024xf32, #tpu.memory_space<vmem>>, vector<16xf32>,
        %get3A_567 = arith.index_cast %scan3A_318 : i32 to index
        %get3A_568 = arith.constant 400 : index
        %get3A_569 = tpu.vector_load %arg14[%get3A_567, %get3A_568] {strides = array<i32>} : memref<16x1024xf32, #tpu.memory_space<vmem>>, vector<16xf32>,
        %get3A_570 = arith.index_cast %scan3A_318 : i32 to index
        %get3A_571 = arith.constant 400 : index
        %get3A_572 = tpu.vector_load %arg16[%get3A_570, %get3A_571] {strides = array<i32>} : memref<16x1024xf32, #tpu.memory_space<vmem>>, vector<16xf32>,
        %add3A_573 = arith.addf %get3A_569, %get3A_572 : vector<16xf32>
        %swap3A_574 = arith.index_cast %scan3A_318 : i32 to index
        %swap3A_575 = arith.constant 400 : index
        %swap3A_576 = tpu.vector_load %arg12[%swap3A_574, %swap3A_575] {strides = array<i32>} : memref<16x1024xf32, #tpu.memory_space<vmem>>, vector<16xf32>,
        tpu.vector_store %arg12[%swap3A_574, %swap3A_575], %add3A_573 {strides = array<i32>} : memref<16x1024xf32, #tpu.memory_space<vmem>>, vector<16xf32>,
        %get3A_577 = arith.index_cast %scan3A_318 : i32 to index
        %get3A_578 = arith.constant 416 : index
        %get3A_579 = tpu.vector_load %arg14[%get3A_577, %get3A_578] {strides = array<i32>} : memref<16x1024xf32, #tpu.memory_space<vmem>>, vector<16xf32>,
        %get3A_580 = arith.index_cast %scan3A_318 : i32 to index
        %get3A_581 = arith.constant 416 : index
        %get3A_582 = tpu.vector_load %arg16[%get3A_580, %get3A_581] {strides = array<i32>} : memref<16x1024xf32, #tpu.memory_space<vmem>>, vector<16xf32>,
        %add3A_583 = arith.addf %get3A_579, %get3A_582 : vector<16xf32>
        %swap3A_584 = arith.index_cast %scan3A_318 : i32 to index
        %swap3A_585 = arith.constant 416 : index
        %swap3A_586 = tpu.vector_load %arg12[%swap3A_584, %swap3A_585] {strides = array<i32>} : memref<16x1024xf32, #tpu.memory_space<vmem>>, vector<16xf32>,
        tpu.vector_store %arg12[%swap3A_584, %swap3A_585], %add3A_583 {strides = array<i32>} : memref<16x1024xf32, #tpu.memory_space<vmem>>, vector<16xf32>,
        %get3A_587 = arith.index_cast %scan3A_318 : i32 to index
        %get3A_588 = arith.constant 432 : index
        %get3A_589 = tpu.vector_load %arg14[%get3A_587, %get3A_588] {strides = array<i32>} : memref<16x1024xf32, #tpu.memory_space<vmem>>, vector<16xf32>,
        %get3A_590 = arith.index_cast %scan3A_318 : i32 to index
        %get3A_591 = arith.constant 432 : index
        %get3A_592 = tpu.vector_load %arg16[%get3A_590, %get3A_591] {strides = array<i32>} : memref<16x1024xf32, #tpu.memory_space<vmem>>, vector<16xf32>,
        %add3A_593 = arith.addf %get3A_589, %get3A_592 : vector<16xf32>
        %swap3A_594 = arith.index_cast %scan3A_318 : i32 to index
        %swap3A_595 = arith.constant 432 : index
        %swap3A_596 = tpu.vector_load %arg12[%swap3A_594, %swap3A_595] {strides = array<i32>} : memref<16x1024xf32, #tpu.memory_space<vmem>>, vector<16xf32>,
        tpu.vector_store %arg12[%swap3A_594, %swap3A_595], %add3A_593 {strides = array<i32>} : memref<16x1024xf32, #tpu.memory_space<vmem>>, vector<16xf32>,
        %get3A_597 = arith.index_cast %scan3A_318 : i32 to index
        %get3A_598 = arith.constant 448 : index
        %get3A_599 = tpu.vector_load %arg14[%get3A_597, %get3A_598] {strides = array<i32>} : memref<16x1024xf32, #tpu.memory_space<vmem>>, vector<16xf32>,
        %get3A_600 = arith.index_cast %scan3A_318 : i32 to index
        %get3A_601 = arith.constant 448 : index
        %get3A_602 = tpu.vector_load %arg16[%get3A_600, %get3A_601] {strides = array<i32>} : memref<16x1024xf32, #tpu.memory_space<vmem>>, vector<16xf32>,
        %add3A_603 = arith.addf %get3A_599, %get3A_602 : vector<16xf32>
        %swap3A_604 = arith.index_cast %scan3A_318 : i32 to index
        %swap3A_605 = arith.constant 448 : index
        %swap3A_606 = tpu.vector_load %arg12[%swap3A_604, %swap3A_605] {strides = array<i32>} : memref<16x1024xf32, #tpu.memory_space<vmem>>, vector<16xf32>,
        tpu.vector_store %arg12[%swap3A_604, %swap3A_605], %add3A_603 {strides = array<i32>} : memref<16x1024xf32, #tpu.memory_space<vmem>>, vector<16xf32>,
        %get3A_607 = arith.index_cast %scan3A_318 : i32 to index
        %get3A_608 = arith.constant 464 : index
        %get3A_609 = tpu.vector_load %arg14[%get3A_607, %get3A_608] {strides = array<i32>} : memref<16x1024xf32, #tpu.memory_space<vmem>>, vector<16xf32>,
        %get3A_610 = arith.index_cast %scan3A_318 : i32 to index
        %get3A_611 = arith.constant 464 : index
        %get3A_612 = tpu.vector_load %arg16[%get3A_610, %get3A_611] {strides = array<i32>} : memref<16x1024xf32, #tpu.memory_space<vmem>>, vector<16xf32>,
        %add3A_613 = arith.addf %get3A_609, %get3A_612 : vector<16xf32>
        %swap3A_614 = arith.index_cast %scan3A_318 : i32 to index
        %swap3A_615 = arith.constant 464 : index
        %swap3A_616 = tpu.vector_load %arg12[%swap3A_614, %swap3A_615] {strides = array<i32>} : memref<16x1024xf32, #tpu.memory_space<vmem>>, vector<16xf32>,
        tpu.vector_store %arg12[%swap3A_614, %swap3A_615], %add3A_613 {strides = array<i32>} : memref<16x1024xf32, #tpu.memory_space<vmem>>, vector<16xf32>,
        %get3A_617 = arith.index_cast %scan3A_318 : i32 to index
        %get3A_618 = arith.constant 480 : index
        %get3A_619 = tpu.vector_load %arg14[%get3A_617, %get3A_618] {strides = array<i32>} : memref<16x1024xf32, #tpu.memory_space<vmem>>, vector<16xf32>,
        %get3A_620 = arith.index_cast %scan3A_318 : i32 to index
        %get3A_621 = arith.constant 480 : index
        %get3A_622 = tpu.vector_load %arg16[%get3A_620, %get3A_621] {strides = array<i32>} : memref<16x1024xf32, #tpu.memory_space<vmem>>, vector<16xf32>,
        %add3A_623 = arith.addf %get3A_619, %get3A_622 : vector<16xf32>
        %swap3A_624 = arith.index_cast %scan3A_318 : i32 to index
        %swap3A_625 = arith.constant 480 : index
        %swap3A_626 = tpu.vector_load %arg12[%swap3A_624, %swap3A_625] {strides = array<i32>} : memref<16x1024xf32, #tpu.memory_space<vmem>>, vector<16xf32>,
        tpu.vector_store %arg12[%swap3A_624, %swap3A_625], %add3A_623 {strides = array<i32>} : memref<16x1024xf32, #tpu.memory_space<vmem>>, vector<16xf32>,
        %get3A_627 = arith.index_cast %scan3A_318 : i32 to index
        %get3A_628 = arith.constant 496 : index
        %get3A_629 = tpu.vector_load %arg14[%get3A_627, %get3A_628] {strides = array<i32>} : memref<16x1024xf32, #tpu.memory_space<vmem>>, vector<16xf32>,
        %get3A_630 = arith.index_cast %scan3A_318 : i32 to index
        %get3A_631 = arith.constant 496 : index
        %get3A_632 = tpu.vector_load %arg16[%get3A_630, %get3A_631] {strides = array<i32>} : memref<16x1024xf32, #tpu.memory_space<vmem>>, vector<16xf32>,
        %add3A_633 = arith.addf %get3A_629, %get3A_632 : vector<16xf32>
        %swap3A_634 = arith.index_cast %scan3A_318 : i32 to index
        %swap3A_635 = arith.constant 496 : index
        %swap3A_636 = tpu.vector_load %arg12[%swap3A_634, %swap3A_635] {strides = array<i32>} : memref<16x1024xf32, #tpu.memory_space<vmem>>, vector<16xf32>,
        tpu.vector_store %arg12[%swap3A_634, %swap3A_635], %add3A_633 {strides = array<i32>} : memref<16x1024xf32, #tpu.memory_space<vmem>>, vector<16xf32>,
        %get3A_637 = arith.index_cast %scan3A_318 : i32 to index
        %get3A_638 = arith.constant 512 : index
        %get3A_639 = tpu.vector_load %arg14[%get3A_637, %get3A_638] {strides = array<i32>} : memref<16x1024xf32, #tpu.memory_space<vmem>>, vector<16xf32>,
        %get3A_640 = arith.index_cast %scan3A_318 : i32 to index
        %get3A_641 = arith.constant 512 : index
        %get3A_642 = tpu.vector_load %arg16[%get3A_640, %get3A_641] {strides = array<i32>} : memref<16x1024xf32, #tpu.memory_space<vmem>>, vector<16xf32>,
        %add3A_643 = arith.addf %get3A_639, %get3A_642 : vector<16xf32>
        %swap3A_644 = arith.index_cast %scan3A_318 : i32 to index
        %swap3A_645 = arith.constant 512 : index
        %swap3A_646 = tpu.vector_load %arg12[%swap3A_644, %swap3A_645] {strides = array<i32>} : memref<16x1024xf32, #tpu.memory_space<vmem>>, vector<16xf32>,
        tpu.vector_store %arg12[%swap3A_644, %swap3A_645], %add3A_643 {strides = array<i32>} : memref<16x1024xf32, #tpu.memory_space<vmem>>, vector<16xf32>,
        %get3A_647 = arith.index_cast %scan3A_318 : i32 to index
        %get3A_648 = arith.constant 528 : index
        %get3A_649 = tpu.vector_load %arg14[%get3A_647, %get3A_648] {strides = array<i32>} : memref<16x1024xf32, #tpu.memory_space<vmem>>, vector<16xf32>,
        %get3A_650 = arith.index_cast %scan3A_318 : i32 to index
        %get3A_651 = arith.constant 528 : index
        %get3A_652 = tpu.vector_load %arg16[%get3A_650, %get3A_651] {strides = array<i32>} : memref<16x1024xf32, #tpu.memory_space<vmem>>, vector<16xf32>,
        %add3A_653 = arith.addf %get3A_649, %get3A_652 : vector<16xf32>
        %swap3A_654 = arith.index_cast %scan3A_318 : i32 to index
        %swap3A_655 = arith.constant 528 : index
        %swap3A_656 = tpu.vector_load %arg12[%swap3A_654, %swap3A_655] {strides = array<i32>} : memref<16x1024xf32, #tpu.memory_space<vmem>>, vector<16xf32>,
        tpu.vector_store %arg12[%swap3A_654, %swap3A_655], %add3A_653 {strides = array<i32>} : memref<16x1024xf32, #tpu.memory_space<vmem>>, vector<16xf32>,
        %get3A_657 = arith.index_cast %scan3A_318 : i32 to index
        %get3A_658 = arith.constant 544 : index
        %get3A_659 = tpu.vector_load %arg14[%get3A_657, %get3A_658] {strides = array<i32>} : memref<16x1024xf32, #tpu.memory_space<vmem>>, vector<16xf32>,
        %get3A_660 = arith.index_cast %scan3A_318 : i32 to index
        %get3A_661 = arith.constant 544 : index
        %get3A_662 = tpu.vector_load %arg16[%get3A_660, %get3A_661] {strides = array<i32>} : memref<16x1024xf32, #tpu.memory_space<vmem>>, vector<16xf32>,
        %add3A_663 = arith.addf %get3A_659, %get3A_662 : vector<16xf32>
        %swap3A_664 = arith.index_cast %scan3A_318 : i32 to index
        %swap3A_665 = arith.constant 544 : index
        %swap3A_666 = tpu.vector_load %arg12[%swap3A_664, %swap3A_665] {strides = array<i32>} : memref<16x1024xf32, #tpu.memory_space<vmem>>, vector<16xf32>,
        tpu.vector_store %arg12[%swap3A_664, %swap3A_665], %add3A_663 {strides = array<i32>} : memref<16x1024xf32, #tpu.memory_space<vmem>>, vector<16xf32>,
        %get3A_667 = arith.index_cast %scan3A_318 : i32 to index
        %get3A_668 = arith.constant 560 : index
        %get3A_669 = tpu.vector_load %arg14[%get3A_667, %get3A_668] {strides = array<i32>} : memref<16x1024xf32, #tpu.memory_space<vmem>>, vector<16xf32>,
        %get3A_670 = arith.index_cast %scan3A_318 : i32 to index
        %get3A_671 = arith.constant 560 : index
        %get3A_672 = tpu.vector_load %arg16[%get3A_670, %get3A_671] {strides = array<i32>} : memref<16x1024xf32, #tpu.memory_space<vmem>>, vector<16xf32>,
        %add3A_673 = arith.addf %get3A_669, %get3A_672 : vector<16xf32>
        %swap3A_674 = arith.index_cast %scan3A_318 : i32 to index
        %swap3A_675 = arith.constant 560 : index
        %swap3A_676 = tpu.vector_load %arg12[%swap3A_674, %swap3A_675] {strides = array<i32>} : memref<16x1024xf32, #tpu.memory_space<vmem>>, vector<16xf32>,
        tpu.vector_store %arg12[%swap3A_674, %swap3A_675], %add3A_673 {strides = array<i32>} : memref<16x1024xf32, #tpu.memory_space<vmem>>, vector<16xf32>,
        %get3A_677 = arith.index_cast %scan3A_318 : i32 to index
        %get3A_678 = arith.constant 576 : index
        %get3A_679 = tpu.vector_load %arg14[%get3A_677, %get3A_678] {strides = array<i32>} : memref<16x1024xf32, #tpu.memory_space<vmem>>, vector<16xf32>,
        %get3A_680 = arith.index_cast %scan3A_318 : i32 to index
        %get3A_681 = arith.constant 576 : index
        %get3A_682 = tpu.vector_load %arg16[%get3A_680, %get3A_681] {strides = array<i32>} : memref<16x1024xf32, #tpu.memory_space<vmem>>, vector<16xf32>,
        %add3A_683 = arith.addf %get3A_679, %get3A_682 : vector<16xf32>
        %swap3A_684 = arith.index_cast %scan3A_318 : i32 to index
        %swap3A_685 = arith.constant 576 : index
        %swap3A_686 = tpu.vector_load %arg12[%swap3A_684, %swap3A_685] {strides = array<i32>} : memref<16x1024xf32, #tpu.memory_space<vmem>>, vector<16xf32>,
        tpu.vector_store %arg12[%swap3A_684, %swap3A_685], %add3A_683 {strides = array<i32>} : memref<16x1024xf32, #tpu.memory_space<vmem>>, vector<16xf32>,
        %get3A_687 = arith.index_cast %scan3A_318 : i32 to index
        %get3A_688 = arith.constant 592 : index
        %get3A_689 = tpu.vector_load %arg14[%get3A_687, %get3A_688] {strides = array<i32>} : memref<16x1024xf32, #tpu.memory_space<vmem>>, vector<16xf32>,
        %get3A_690 = arith.index_cast %scan3A_318 : i32 to index
        %get3A_691 = arith.constant 592 : index
        %get3A_692 = tpu.vector_load %arg16[%get3A_690, %get3A_691] {strides = array<i32>} : memref<16x1024xf32, #tpu.memory_space<vmem>>, vector<16xf32>,
        %add3A_693 = arith.addf %get3A_689, %get3A_692 : vector<16xf32>
        %swap3A_694 = arith.index_cast %scan3A_318 : i32 to index
        %swap3A_695 = arith.constant 592 : index
        %swap3A_696 = tpu.vector_load %arg12[%swap3A_694, %swap3A_695] {strides = array<i32>} : memref<16x1024xf32, #tpu.memory_space<vmem>>, vector<16xf32>,
        tpu.vector_store %arg12[%swap3A_694, %swap3A_695], %add3A_693 {strides = array<i32>} : memref<16x1024xf32, #tpu.memory_space<vmem>>, vector<16xf32>,
        %get3A_697 = arith.index_cast %scan3A_318 : i32 to index
        %get3A_698 = arith.constant 608 : index
        %get3A_699 = tpu.vector_load %arg14[%get3A_697, %get3A_698] {strides = array<i32>} : memref<16x1024xf32, #tpu.memory_space<vmem>>, vector<16xf32>,
        %get3A_700 = arith.index_cast %scan3A_318 : i32 to index
        %get3A_701 = arith.constant 608 : index
        %get3A_702 = tpu.vector_load %arg16[%get3A_700, %get3A_701] {strides = array<i32>} : memref<16x1024xf32, #tpu.memory_space<vmem>>, vector<16xf32>,
        %add3A_703 = arith.addf %get3A_699, %get3A_702 : vector<16xf32>
        %swap3A_704 = arith.index_cast %scan3A_318 : i32 to index
        %swap3A_705 = arith.constant 608 : index
        %swap3A_706 = tpu.vector_load %arg12[%swap3A_704, %swap3A_705] {strides = array<i32>} : memref<16x1024xf32, #tpu.memory_space<vmem>>, vector<16xf32>,
        tpu.vector_store %arg12[%swap3A_704, %swap3A_705], %add3A_703 {strides = array<i32>} : memref<16x1024xf32, #tpu.memory_space<vmem>>, vector<16xf32>,
        %get3A_707 = arith.index_cast %scan3A_318 : i32 to index
        %get3A_708 = arith.constant 624 : index
        %get3A_709 = tpu.vector_load %arg14[%get3A_707, %get3A_708] {strides = array<i32>} : memref<16x1024xf32, #tpu.memory_space<vmem>>, vector<16xf32>,
        %get3A_710 = arith.index_cast %scan3A_318 : i32 to index
        %get3A_711 = arith.constant 624 : index
        %get3A_712 = tpu.vector_load %arg16[%get3A_710, %get3A_711] {strides = array<i32>} : memref<16x1024xf32, #tpu.memory_space<vmem>>, vector<16xf32>,
        %add3A_713 = arith.addf %get3A_709, %get3A_712 : vector<16xf32>
        %swap3A_714 = arith.index_cast %scan3A_318 : i32 to index
        %swap3A_715 = arith.constant 624 : index
        %swap3A_716 = tpu.vector_load %arg12[%swap3A_714, %swap3A_715] {strides = array<i32>} : memref<16x1024xf32, #tpu.memory_space<vmem>>, vector<16xf32>,
        tpu.vector_store %arg12[%swap3A_714, %swap3A_715], %add3A_713 {strides = array<i32>} : memref<16x1024xf32, #tpu.memory_space<vmem>>, vector<16xf32>,
        %get3A_717 = arith.index_cast %scan3A_318 : i32 to index
        %get3A_718 = arith.constant 640 : index
        %get3A_719 = tpu.vector_load %arg14[%get3A_717, %get3A_718] {strides = array<i32>} : memref<16x1024xf32, #tpu.memory_space<vmem>>, vector<16xf32>,
        %get3A_720 = arith.index_cast %scan3A_318 : i32 to index
        %get3A_721 = arith.constant 640 : index
        %get3A_722 = tpu.vector_load %arg16[%get3A_720, %get3A_721] {strides = array<i32>} : memref<16x1024xf32, #tpu.memory_space<vmem>>, vector<16xf32>,
        %add3A_723 = arith.addf %get3A_719, %get3A_722 : vector<16xf32>
        %swap3A_724 = arith.index_cast %scan3A_318 : i32 to index
        %swap3A_725 = arith.constant 640 : index
        %swap3A_726 = tpu.vector_load %arg12[%swap3A_724, %swap3A_725] {strides = array<i32>} : memref<16x1024xf32, #tpu.memory_space<vmem>>, vector<16xf32>,
        tpu.vector_store %arg12[%swap3A_724, %swap3A_725], %add3A_723 {strides = array<i32>} : memref<16x1024xf32, #tpu.memory_space<vmem>>, vector<16xf32>,
        %get3A_727 = arith.index_cast %scan3A_318 : i32 to index
        %get3A_728 = arith.constant 656 : index
        %get3A_729 = tpu.vector_load %arg14[%get3A_727, %get3A_728] {strides = array<i32>} : memref<16x1024xf32, #tpu.memory_space<vmem>>, vector<16xf32>,
        %get3A_730 = arith.index_cast %scan3A_318 : i32 to index
        %get3A_731 = arith.constant 656 : index
        %get3A_732 = tpu.vector_load %arg16[%get3A_730, %get3A_731] {strides = array<i32>} : memref<16x1024xf32, #tpu.memory_space<vmem>>, vector<16xf32>,
        %add3A_733 = arith.addf %get3A_729, %get3A_732 : vector<16xf32>
        %swap3A_734 = arith.index_cast %scan3A_318 : i32 to index
        %swap3A_735 = arith.constant 656 : index
        %swap3A_736 = tpu.vector_load %arg12[%swap3A_734, %swap3A_735] {strides = array<i32>} : memref<16x1024xf32, #tpu.memory_space<vmem>>, vector<16xf32>,
        tpu.vector_store %arg12[%swap3A_734, %swap3A_735], %add3A_733 {strides = array<i32>} : memref<16x1024xf32, #tpu.memory_space<vmem>>, vector<16xf32>,
        %get3A_737 = arith.index_cast %scan3A_318 : i32 to index
        %get3A_738 = arith.constant 672 : index
        %get3A_739 = tpu.vector_load %arg14[%get3A_737, %get3A_738] {strides = array<i32>} : memref<16x1024xf32, #tpu.memory_space<vmem>>, vector<16xf32>,
        %get3A_740 = arith.index_cast %scan3A_318 : i32 to index
        %get3A_741 = arith.constant 672 : index
        %get3A_742 = tpu.vector_load %arg16[%get3A_740, %get3A_741] {strides = array<i32>} : memref<16x1024xf32, #tpu.memory_space<vmem>>, vector<16xf32>,
        %add3A_743 = arith.addf %get3A_739, %get3A_742 : vector<16xf32>
        %swap3A_744 = arith.index_cast %scan3A_318 : i32 to index
        %swap3A_745 = arith.constant 672 : index
        %swap3A_746 = tpu.vector_load %arg12[%swap3A_744, %swap3A_745] {strides = array<i32>} : memref<16x1024xf32, #tpu.memory_space<vmem>>, vector<16xf32>,
        tpu.vector_store %arg12[%swap3A_744, %swap3A_745], %add3A_743 {strides = array<i32>} : memref<16x1024xf32, #tpu.memory_space<vmem>>, vector<16xf32>,
        %get3A_747 = arith.index_cast %scan3A_318 : i32 to index
        %get3A_748 = arith.constant 688 : index
        %get3A_749 = tpu.vector_load %arg14[%get3A_747, %get3A_748] {strides = array<i32>} : memref<16x1024xf32, #tpu.memory_space<vmem>>, vector<16xf32>,
        %get3A_750 = arith.index_cast %scan3A_318 : i32 to index
        %get3A_751 = arith.constant 688 : index
        %get3A_752 = tpu.vector_load %arg16[%get3A_750, %get3A_751] {strides = array<i32>} : memref<16x1024xf32, #tpu.memory_space<vmem>>, vector<16xf32>,
        %add3A_753 = arith.addf %get3A_749, %get3A_752 : vector<16xf32>
        %swap3A_754 = arith.index_cast %scan3A_318 : i32 to index
        %swap3A_755 = arith.constant 688 : index
        %swap3A_756 = tpu.vector_load %arg12[%swap3A_754, %swap3A_755] {strides = array<i32>} : memref<16x1024xf32, #tpu.memory_space<vmem>>, vector<16xf32>,
        tpu.vector_store %arg12[%swap3A_754, %swap3A_755], %add3A_753 {strides = array<i32>} : memref<16x1024xf32, #tpu.memory_space<vmem>>, vector<16xf32>,
        %get3A_757 = arith.index_cast %scan3A_318 : i32 to index
        %get3A_758 = arith.constant 704 : index
        %get3A_759 = tpu.vector_load %arg14[%get3A_757, %get3A_758] {strides = array<i32>} : memref<16x1024xf32, #tpu.memory_space<vmem>>, vector<16xf32>,
        %get3A_760 = arith.index_cast %scan3A_318 : i32 to index
        %get3A_761 = arith.constant 704 : index
        %get3A_762 = tpu.vector_load %arg16[%get3A_760, %get3A_761] {strides = array<i32>} : memref<16x1024xf32, #tpu.memory_space<vmem>>, vector<16xf32>,
        %add3A_763 = arith.addf %get3A_759, %get3A_762 : vector<16xf32>
        %swap3A_764 = arith.index_cast %scan3A_318 : i32 to index
        %swap3A_765 = arith.constant 704 : index
        %swap3A_766 = tpu.vector_load %arg12[%swap3A_764, %swap3A_765] {strides = array<i32>} : memref<16x1024xf32, #tpu.memory_space<vmem>>, vector<16xf32>,
        tpu.vector_store %arg12[%swap3A_764, %swap3A_765], %add3A_763 {strides = array<i32>} : memref<16x1024xf32, #tpu.memory_space<vmem>>, vector<16xf32>,
        %get3A_767 = arith.index_cast %scan3A_318 : i32 to index
        %get3A_768 = arith.constant 720 : index
        %get3A_769 = tpu.vector_load %arg14[%get3A_767, %get3A_768] {strides = array<i32>} : memref<16x1024xf32, #tpu.memory_space<vmem>>, vector<16xf32>,
        %get3A_770 = arith.index_cast %scan3A_318 : i32 to index
        %get3A_771 = arith.constant 720 : index
        %get3A_772 = tpu.vector_load %arg16[%get3A_770, %get3A_771] {strides = array<i32>} : memref<16x1024xf32, #tpu.memory_space<vmem>>, vector<16xf32>,
        %add3A_773 = arith.addf %get3A_769, %get3A_772 : vector<16xf32>
        %swap3A_774 = arith.index_cast %scan3A_318 : i32 to index
        %swap3A_775 = arith.constant 720 : index
        %swap3A_776 = tpu.vector_load %arg12[%swap3A_774, %swap3A_775] {strides = array<i32>} : memref<16x1024xf32, #tpu.memory_space<vmem>>, vector<16xf32>,
        tpu.vector_store %arg12[%swap3A_774, %swap3A_775], %add3A_773 {strides = array<i32>} : memref<16x1024xf32, #tpu.memory_space<vmem>>, vector<16xf32>,
        %get3A_777 = arith.index_cast %scan3A_318 : i32 to index
        %get3A_778 = arith.constant 736 : index
        %get3A_779 = tpu.vector_load %arg14[%get3A_777, %get3A_778] {strides = array<i32>} : memref<16x1024xf32, #tpu.memory_space<vmem>>, vector<16xf32>,
        %get3A_780 = arith.index_cast %scan3A_318 : i32 to index
        %get3A_781 = arith.constant 736 : index
        %get3A_782 = tpu.vector_load %arg16[%get3A_780, %get3A_781] {strides = array<i32>} : memref<16x1024xf32, #tpu.memory_space<vmem>>, vector<16xf32>,
        %add3A_783 = arith.addf %get3A_779, %get3A_782 : vector<16xf32>
        %swap3A_784 = arith.index_cast %scan3A_318 : i32 to index
        %swap3A_785 = arith.constant 736 : index
        %swap3A_786 = tpu.vector_load %arg12[%swap3A_784, %swap3A_785] {strides = array<i32>} : memref<16x1024xf32, #tpu.memory_space<vmem>>, vector<16xf32>,
        tpu.vector_store %arg12[%swap3A_784, %swap3A_785], %add3A_783 {strides = array<i32>} : memref<16x1024xf32, #tpu.memory_space<vmem>>, vector<16xf32>,
        %get3A_787 = arith.index_cast %scan3A_318 : i32 to index
        %get3A_788 = arith.constant 752 : index
        %get3A_789 = tpu.vector_load %arg14[%get3A_787, %get3A_788] {strides = array<i32>} : memref<16x1024xf32, #tpu.memory_space<vmem>>, vector<16xf32>,
        %get3A_790 = arith.index_cast %scan3A_318 : i32 to index
        %get3A_791 = arith.constant 752 : index
        %get3A_792 = tpu.vector_load %arg16[%get3A_790, %get3A_791] {strides = array<i32>} : memref<16x1024xf32, #tpu.memory_space<vmem>>, vector<16xf32>,
        %add3A_793 = arith.addf %get3A_789, %get3A_792 : vector<16xf32>
        %swap3A_794 = arith.index_cast %scan3A_318 : i32 to index
        %swap3A_795 = arith.constant 752 : index
        %swap3A_796 = tpu.vector_load %arg12[%swap3A_794, %swap3A_795] {strides = array<i32>} : memref<16x1024xf32, #tpu.memory_space<vmem>>, vector<16xf32>,
        tpu.vector_store %arg12[%swap3A_794, %swap3A_795], %add3A_793 {strides = array<i32>} : memref<16x1024xf32, #tpu.memory_space<vmem>>, vector<16xf32>,
        %get3A_797 = arith.index_cast %scan3A_318 : i32 to index
        %get3A_798 = arith.constant 768 : index
        %get3A_799 = tpu.vector_load %arg14[%get3A_797, %get3A_798] {strides = array<i32>} : memref<16x1024xf32, #tpu.memory_space<vmem>>, vector<16xf32>,
        %get3A_800 = arith.index_cast %scan3A_318 : i32 to index
        %get3A_801 = arith.constant 768 : index
        %get3A_802 = tpu.vector_load %arg16[%get3A_800, %get3A_801] {strides = array<i32>} : memref<16x1024xf32, #tpu.memory_space<vmem>>, vector<16xf32>,
        %add3A_803 = arith.addf %get3A_799, %get3A_802 : vector<16xf32>
        %swap3A_804 = arith.index_cast %scan3A_318 : i32 to index
        %swap3A_805 = arith.constant 768 : index
        %swap3A_806 = tpu.vector_load %arg12[%swap3A_804, %swap3A_805] {strides = array<i32>} : memref<16x1024xf32, #tpu.memory_space<vmem>>, vector<16xf32>,
        tpu.vector_store %arg12[%swap3A_804, %swap3A_805], %add3A_803 {strides = array<i32>} : memref<16x1024xf32, #tpu.memory_space<vmem>>, vector<16xf32>,
        %get3A_807 = arith.index_cast %scan3A_318 : i32 to index
        %get3A_808 = arith.constant 784 : index
        %get3A_809 = tpu.vector_load %arg14[%get3A_807, %get3A_808] {strides = array<i32>} : memref<16x1024xf32, #tpu.memory_space<vmem>>, vector<16xf32>,
        %get3A_810 = arith.index_cast %scan3A_318 : i32 to index
        %get3A_811 = arith.constant 784 : index
        %get3A_812 = tpu.vector_load %arg16[%get3A_810, %get3A_811] {strides = array<i32>} : memref<16x1024xf32, #tpu.memory_space<vmem>>, vector<16xf32>,
        %add3A_813 = arith.addf %get3A_809, %get3A_812 : vector<16xf32>
        %swap3A_814 = arith.index_cast %scan3A_318 : i32 to index
        %swap3A_815 = arith.constant 784 : index
        %swap3A_816 = tpu.vector_load %arg12[%swap3A_814, %swap3A_815] {strides = array<i32>} : memref<16x1024xf32, #tpu.memory_space<vmem>>, vector<16xf32>,
        tpu.vector_store %arg12[%swap3A_814, %swap3A_815], %add3A_813 {strides = array<i32>} : memref<16x1024xf32, #tpu.memory_space<vmem>>, vector<16xf32>,
        %get3A_817 = arith.index_cast %scan3A_318 : i32 to index
        %get3A_818 = arith.constant 800 : index
        %get3A_819 = tpu.vector_load %arg14[%get3A_817, %get3A_818] {strides = array<i32>} : memref<16x1024xf32, #tpu.memory_space<vmem>>, vector<16xf32>,
        %get3A_820 = arith.index_cast %scan3A_318 : i32 to index
        %get3A_821 = arith.constant 800 : index
        %get3A_822 = tpu.vector_load %arg16[%get3A_820, %get3A_821] {strides = array<i32>} : memref<16x1024xf32, #tpu.memory_space<vmem>>, vector<16xf32>,
        %add3A_823 = arith.addf %get3A_819, %get3A_822 : vector<16xf32>
        %swap3A_824 = arith.index_cast %scan3A_318 : i32 to index
        %swap3A_825 = arith.constant 800 : index
        %swap3A_826 = tpu.vector_load %arg12[%swap3A_824, %swap3A_825] {strides = array<i32>} : memref<16x1024xf32, #tpu.memory_space<vmem>>, vector<16xf32>,
        tpu.vector_store %arg12[%swap3A_824, %swap3A_825], %add3A_823 {strides = array<i32>} : memref<16x1024xf32, #tpu.memory_space<vmem>>, vector<16xf32>,
        %get3A_827 = arith.index_cast %scan3A_318 : i32 to index
        %get3A_828 = arith.constant 816 : index
        %get3A_829 = tpu.vector_load %arg14[%get3A_827, %get3A_828] {strides = array<i32>} : memref<16x1024xf32, #tpu.memory_space<vmem>>, vector<16xf32>,
        %get3A_830 = arith.index_cast %scan3A_318 : i32 to index
        %get3A_831 = arith.constant 816 : index
        %get3A_832 = tpu.vector_load %arg16[%get3A_830, %get3A_831] {strides = array<i32>} : memref<16x1024xf32, #tpu.memory_space<vmem>>, vector<16xf32>,
        %add3A_833 = arith.addf %get3A_829, %get3A_832 : vector<16xf32>
        %swap3A_834 = arith.index_cast %scan3A_318 : i32 to index
        %swap3A_835 = arith.constant 816 : index
        %swap3A_836 = tpu.vector_load %arg12[%swap3A_834, %swap3A_835] {strides = array<i32>} : memref<16x1024xf32, #tpu.memory_space<vmem>>, vector<16xf32>,
        tpu.vector_store %arg12[%swap3A_834, %swap3A_835], %add3A_833 {strides = array<i32>} : memref<16x1024xf32, #tpu.memory_space<vmem>>, vector<16xf32>,
        %get3A_837 = arith.index_cast %scan3A_318 : i32 to index
        %get3A_838 = arith.constant 832 : index
        %get3A_839 = tpu.vector_load %arg14[%get3A_837, %get3A_838] {strides = array<i32>} : memref<16x1024xf32, #tpu.memory_space<vmem>>, vector<16xf32>,
        %get3A_840 = arith.index_cast %scan3A_318 : i32 to index
        %get3A_841 = arith.constant 832 : index
        %get3A_842 = tpu.vector_load %arg16[%get3A_840, %get3A_841] {strides = array<i32>} : memref<16x1024xf32, #tpu.memory_space<vmem>>, vector<16xf32>,
        %add3A_843 = arith.addf %get3A_839, %get3A_842 : vector<16xf32>
        %swap3A_844 = arith.index_cast %scan3A_318 : i32 to index
        %swap3A_845 = arith.constant 832 : index
        %swap3A_846 = tpu.vector_load %arg12[%swap3A_844, %swap3A_845] {strides = array<i32>} : memref<16x1024xf32, #tpu.memory_space<vmem>>, vector<16xf32>,
        tpu.vector_store %arg12[%swap3A_844, %swap3A_845], %add3A_843 {strides = array<i32>} : memref<16x1024xf32, #tpu.memory_space<vmem>>, vector<16xf32>,
        %get3A_847 = arith.index_cast %scan3A_318 : i32 to index
        %get3A_848 = arith.constant 848 : index
        %get3A_849 = tpu.vector_load %arg14[%get3A_847, %get3A_848] {strides = array<i32>} : memref<16x1024xf32, #tpu.memory_space<vmem>>, vector<16xf32>,
        %get3A_850 = arith.index_cast %scan3A_318 : i32 to index
        %get3A_851 = arith.constant 848 : index
        %get3A_852 = tpu.vector_load %arg16[%get3A_850, %get3A_851] {strides = array<i32>} : memref<16x1024xf32, #tpu.memory_space<vmem>>, vector<16xf32>,
        %add3A_853 = arith.addf %get3A_849, %get3A_852 : vector<16xf32>
        %swap3A_854 = arith.index_cast %scan3A_318 : i32 to index
        %swap3A_855 = arith.constant 848 : index
        %swap3A_856 = tpu.vector_load %arg12[%swap3A_854, %swap3A_855] {strides = array<i32>} : memref<16x1024xf32, #tpu.memory_space<vmem>>, vector<16xf32>,
        tpu.vector_store %arg12[%swap3A_854, %swap3A_855], %add3A_853 {strides = array<i32>} : memref<16x1024xf32, #tpu.memory_space<vmem>>, vector<16xf32>,
        %get3A_857 = arith.index_cast %scan3A_318 : i32 to index
        %get3A_858 = arith.constant 864 : index
        %get3A_859 = tpu.vector_load %arg14[%get3A_857, %get3A_858] {strides = array<i32>} : memref<16x1024xf32, #tpu.memory_space<vmem>>, vector<16xf32>,
        %get3A_860 = arith.index_cast %scan3A_318 : i32 to index
        %get3A_861 = arith.constant 864 : index
        %get3A_862 = tpu.vector_load %arg16[%get3A_860, %get3A_861] {strides = array<i32>} : memref<16x1024xf32, #tpu.memory_space<vmem>>, vector<16xf32>,
        %add3A_863 = arith.addf %get3A_859, %get3A_862 : vector<16xf32>
        %swap3A_864 = arith.index_cast %scan3A_318 : i32 to index
        %swap3A_865 = arith.constant 864 : index
        %swap3A_866 = tpu.vector_load %arg12[%swap3A_864, %swap3A_865] {strides = array<i32>} : memref<16x1024xf32, #tpu.memory_space<vmem>>, vector<16xf32>,
        tpu.vector_store %arg12[%swap3A_864, %swap3A_865], %add3A_863 {strides = array<i32>} : memref<16x1024xf32, #tpu.memory_space<vmem>>, vector<16xf32>,
        %get3A_867 = arith.index_cast %scan3A_318 : i32 to index
        %get3A_868 = arith.constant 880 : index
        %get3A_869 = tpu.vector_load %arg14[%get3A_867, %get3A_868] {strides = array<i32>} : memref<16x1024xf32, #tpu.memory_space<vmem>>, vector<16xf32>,
        %get3A_870 = arith.index_cast %scan3A_318 : i32 to index
        %get3A_871 = arith.constant 880 : index
        %get3A_872 = tpu.vector_load %arg16[%get3A_870, %get3A_871] {strides = array<i32>} : memref<16x1024xf32, #tpu.memory_space<vmem>>, vector<16xf32>,
        %add3A_873 = arith.addf %get3A_869, %get3A_872 : vector<16xf32>
        %swap3A_874 = arith.index_cast %scan3A_318 : i32 to index
        %swap3A_875 = arith.constant 880 : index
        %swap3A_876 = tpu.vector_load %arg12[%swap3A_874, %swap3A_875] {strides = array<i32>} : memref<16x1024xf32, #tpu.memory_space<vmem>>, vector<16xf32>,
        tpu.vector_store %arg12[%swap3A_874, %swap3A_875], %add3A_873 {strides = array<i32>} : memref<16x1024xf32, #tpu.memory_space<vmem>>, vector<16xf32>,
        %get3A_877 = arith.index_cast %scan3A_318 : i32 to index
        %get3A_878 = arith.constant 896 : index
        %get3A_879 = tpu.vector_load %arg14[%get3A_877, %get3A_878] {strides = array<i32>} : memref<16x1024xf32, #tpu.memory_space<vmem>>, vector<16xf32>,
        %get3A_880 = arith.index_cast %scan3A_318 : i32 to index
        %get3A_881 = arith.constant 896 : index
        %get3A_882 = tpu.vector_load %arg16[%get3A_880, %get3A_881] {strides = array<i32>} : memref<16x1024xf32, #tpu.memory_space<vmem>>, vector<16xf32>,
        %add3A_883 = arith.addf %get3A_879, %get3A_882 : vector<16xf32>
        %swap3A_884 = arith.index_cast %scan3A_318 : i32 to index
        %swap3A_885 = arith.constant 896 : index
        %swap3A_886 = tpu.vector_load %arg12[%swap3A_884, %swap3A_885] {strides = array<i32>} : memref<16x1024xf32, #tpu.memory_space<vmem>>, vector<16xf32>,
        tpu.vector_store %arg12[%swap3A_884, %swap3A_885], %add3A_883 {strides = array<i32>} : memref<16x1024xf32, #tpu.memory_space<vmem>>, vector<16xf32>,
        %get3A_887 = arith.index_cast %scan3A_318 : i32 to index
        %get3A_888 = arith.constant 912 : index
        %get3A_889 = tpu.vector_load %arg14[%get3A_887, %get3A_888] {strides = array<i32>} : memref<16x1024xf32, #tpu.memory_space<vmem>>, vector<16xf32>,
        %get3A_890 = arith.index_cast %scan3A_318 : i32 to index
        %get3A_891 = arith.constant 912 : index
        %get3A_892 = tpu.vector_load %arg16[%get3A_890, %get3A_891] {strides = array<i32>} : memref<16x1024xf32, #tpu.memory_space<vmem>>, vector<16xf32>,
        %add3A_893 = arith.addf %get3A_889, %get3A_892 : vector<16xf32>
        %swap3A_894 = arith.index_cast %scan3A_318 : i32 to index
        %swap3A_895 = arith.constant 912 : index
        %swap3A_896 = tpu.vector_load %arg12[%swap3A_894, %swap3A_895] {strides = array<i32>} : memref<16x1024xf32, #tpu.memory_space<vmem>>, vector<16xf32>,
        tpu.vector_store %arg12[%swap3A_894, %swap3A_895], %add3A_893 {strides = array<i32>} : memref<16x1024xf32, #tpu.memory_space<vmem>>, vector<16xf32>,
        %get3A_897 = arith.index_cast %scan3A_318 : i32 to index
        %get3A_898 = arith.constant 928 : index
        %get3A_899 = tpu.vector_load %arg14[%get3A_897, %get3A_898] {strides = array<i32>} : memref<16x1024xf32, #tpu.memory_space<vmem>>, vector<16xf32>,
        %get3A_900 = arith.index_cast %scan3A_318 : i32 to index
        %get3A_901 = arith.constant 928 : index
        %get3A_902 = tpu.vector_load %arg16[%get3A_900, %get3A_901] {strides = array<i32>} : memref<16x1024xf32, #tpu.memory_space<vmem>>, vector<16xf32>,
        %add3A_903 = arith.addf %get3A_899, %get3A_902 : vector<16xf32>
        %swap3A_904 = arith.index_cast %scan3A_318 : i32 to index
        %swap3A_905 = arith.constant 928 : index
        %swap3A_906 = tpu.vector_load %arg12[%swap3A_904, %swap3A_905] {strides = array<i32>} : memref<16x1024xf32, #tpu.memory_space<vmem>>, vector<16xf32>,
        tpu.vector_store %arg12[%swap3A_904, %swap3A_905], %add3A_903 {strides = array<i32>} : memref<16x1024xf32, #tpu.memory_space<vmem>>, vector<16xf32>,
        %get3A_907 = arith.index_cast %scan3A_318 : i32 to index
        %get3A_908 = arith.constant 944 : index
        %get3A_909 = tpu.vector_load %arg14[%get3A_907, %get3A_908] {strides = array<i32>} : memref<16x1024xf32, #tpu.memory_space<vmem>>, vector<16xf32>,
        %get3A_910 = arith.index_cast %scan3A_318 : i32 to index
        %get3A_911 = arith.constant 944 : index
        %get3A_912 = tpu.vector_load %arg16[%get3A_910, %get3A_911] {strides = array<i32>} : memref<16x1024xf32, #tpu.memory_space<vmem>>, vector<16xf32>,
        %add3A_913 = arith.addf %get3A_909, %get3A_912 : vector<16xf32>
        %swap3A_914 = arith.index_cast %scan3A_318 : i32 to index
        %swap3A_915 = arith.constant 944 : index
        %swap3A_916 = tpu.vector_load %arg12[%swap3A_914, %swap3A_915] {strides = array<i32>} : memref<16x1024xf32, #tpu.memory_space<vmem>>, vector<16xf32>,
        tpu.vector_store %arg12[%swap3A_914, %swap3A_915], %add3A_913 {strides = array<i32>} : memref<16x1024xf32, #tpu.memory_space<vmem>>, vector<16xf32>,
        %get3A_917 = arith.index_cast %scan3A_318 : i32 to index
        %get3A_918 = arith.constant 960 : index
        %get3A_919 = tpu.vector_load %arg14[%get3A_917, %get3A_918] {strides = array<i32>} : memref<16x1024xf32, #tpu.memory_space<vmem>>, vector<16xf32>,
        %get3A_920 = arith.index_cast %scan3A_318 : i32 to index
        %get3A_921 = arith.constant 960 : index
        %get3A_922 = tpu.vector_load %arg16[%get3A_920, %get3A_921] {strides = array<i32>} : memref<16x1024xf32, #tpu.memory_space<vmem>>, vector<16xf32>,
        %add3A_923 = arith.addf %get3A_919, %get3A_922 : vector<16xf32>
        %swap3A_924 = arith.index_cast %scan3A_318 : i32 to index
        %swap3A_925 = arith.constant 960 : index
        %swap3A_926 = tpu.vector_load %arg12[%swap3A_924, %swap3A_925] {strides = array<i32>} : memref<16x1024xf32, #tpu.memory_space<vmem>>, vector<16xf32>,
        tpu.vector_store %arg12[%swap3A_924, %swap3A_925], %add3A_923 {strides = array<i32>} : memref<16x1024xf32, #tpu.memory_space<vmem>>, vector<16xf32>,
        %get3A_927 = arith.index_cast %scan3A_318 : i32 to index
        %get3A_928 = arith.constant 976 : index
        %get3A_929 = tpu.vector_load %arg14[%get3A_927, %get3A_928] {strides = array<i32>} : memref<16x1024xf32, #tpu.memory_space<vmem>>, vector<16xf32>,
        %get3A_930 = arith.index_cast %scan3A_318 : i32 to index
        %get3A_931 = arith.constant 976 : index
        %get3A_932 = tpu.vector_load %arg16[%get3A_930, %get3A_931] {strides = array<i32>} : memref<16x1024xf32, #tpu.memory_space<vmem>>, vector<16xf32>,
        %add3A_933 = arith.addf %get3A_929, %get3A_932 : vector<16xf32>
        %swap3A_934 = arith.index_cast %scan3A_318 : i32 to index
        %swap3A_935 = arith.constant 976 : index
        %swap3A_936 = tpu.vector_load %arg12[%swap3A_934, %swap3A_935] {strides = array<i32>} : memref<16x1024xf32, #tpu.memory_space<vmem>>, vector<16xf32>,
        tpu.vector_store %arg12[%swap3A_934, %swap3A_935], %add3A_933 {strides = array<i32>} : memref<16x1024xf32, #tpu.memory_space<vmem>>, vector<16xf32>,
        %get3A_937 = arith.index_cast %scan3A_318 : i32 to index
        %get3A_938 = arith.constant 992 : index
        %get3A_939 = tpu.vector_load %arg14[%get3A_937, %get3A_938] {strides = array<i32>} : memref<16x1024xf32, #tpu.memory_space<vmem>>, vector<16xf32>,
        %get3A_940 = arith.index_cast %scan3A_318 : i32 to index
        %get3A_941 = arith.constant 992 : index
        %get3A_942 = tpu.vector_load %arg16[%get3A_940, %get3A_941] {strides = array<i32>} : memref<16x1024xf32, #tpu.memory_space<vmem>>, vector<16xf32>,
        %add3A_943 = arith.addf %get3A_939, %get3A_942 : vector<16xf32>
        %swap3A_944 = arith.index_cast %scan3A_318 : i32 to index
        %swap3A_945 = arith.constant 992 : index
        %swap3A_946 = tpu.vector_load %arg12[%swap3A_944, %swap3A_945] {strides = array<i32>} : memref<16x1024xf32, #tpu.memory_space<vmem>>, vector<16xf32>,
        tpu.vector_store %arg12[%swap3A_944, %swap3A_945], %add3A_943 {strides = array<i32>} : memref<16x1024xf32, #tpu.memory_space<vmem>>, vector<16xf32>,
        %get3A_947 = arith.index_cast %scan3A_318 : i32 to index
        %get3A_948 = arith.constant 1008 : index
        %get3A_949 = tpu.vector_load %arg14[%get3A_947, %get3A_948] {strides = array<i32>} : memref<16x1024xf32, #tpu.memory_space<vmem>>, vector<16xf32>,
        %get3A_950 = arith.index_cast %scan3A_318 : i32 to index
        %get3A_951 = arith.constant 1008 : index
        %get3A_952 = tpu.vector_load %arg16[%get3A_950, %get3A_951] {strides = array<i32>} : memref<16x1024xf32, #tpu.memory_space<vmem>>, vector<16xf32>,
        %add3A_953 = arith.addf %get3A_949, %get3A_952 : vector<16xf32>
        %swap3A_954 = arith.index_cast %scan3A_318 : i32 to index
        %swap3A_955 = arith.constant 1008 : index
        %swap3A_956 = tpu.vector_load %arg12[%swap3A_954, %swap3A_955] {strides = array<i32>} : memref<16x1024xf32, #tpu.memory_space<vmem>>, vector<16xf32>,
        tpu.vector_store %arg12[%swap3A_954, %swap3A_955], %add3A_953 {strides = array<i32>} : memref<16x1024xf32, #tpu.memory_space<vmem>>, vector<16xf32>,
      }
      %scan3A_160 = arith.constant 16 : i32
      %mul3A_161 = arith.constant 16 : i32
      %mul3A_162 = arith.muli %mul3A_111, %mul3A_161 : i32
      %dma_start3A_163 = arith.constant 5 : i32
      %dma_start3A_164 = tpu.memref_slice %arg11[%dma_start3A_163, %mul3A_162] : memref<6x1024xi32, #tpu.memory_space<vmem>> -> memref<1x16xi32, #tpu.memory_space<vmem>>
      %dma_start3A_165 = tpu.memref_squeeze %dma_start3A_164 : memref<1x16xi32, #tpu.memory_space<vmem>> -> memref<16xi32, #tpu.memory_space<vmem>>
      %dma_start3A_166 = arith.constant 0 : i32
      %dma_start3A_167 = arith.constant 0 : i32
      %dma_start3A_168 = tpu.memref_slice %arg8[%dma_start3A_166, %dma_start3A_167] : memref<1024x1024xf32, #tpu.memory_space<hbm>> -> memref<1024x1024xf32, #tpu.memory_space<hbm>>
      tpu.enqueue_indirect_dma source(%dma_start3A_168 : memref<1024x1024xf32, #tpu.memory_space<hbm>>) target(%arg16 : memref<16x1024xf32, #tpu.memory_space<vmem>>) offsets(%dma_start3A_165 : memref<16xi32, #tpu.memory_space<vmem>>) semaphore(%arg28 : memref<!tpu.dma_semaphore, #tpu.memory_space<semaphore_mem>>)
      %dma_wait3A_169 = arith.constant 4 : i32
      %dma_wait3A_170 = arith.constant 0 : i32
      %dma_wait3A_171 = tpu.memref_slice %arg11[%dma_wait3A_169, %dma_wait3A_170] : memref<6x1024xi32, #tpu.memory_space<vmem>> -> memref<1x16xi32, #tpu.memory_space<vmem>>
      %dma_wait3A_172 = tpu.memref_squeeze %dma_wait3A_171 : memref<1x16xi32, #tpu.memory_space<vmem>> -> memref<16xi32, #tpu.memory_space<vmem>>
      %dma_wait3A_173 = arith.constant 0 : i32
      %dma_wait3A_174 = arith.constant 0 : i32
      %dma_wait3A_175 = tpu.memref_slice %arg7[%dma_wait3A_173, %dma_wait3A_174] : memref<1024x1024xf32, #tpu.memory_space<hbm>> -> memref<1024x1024xf32, #tpu.memory_space<hbm>>
      tpu.wait_indirect_dma semaphore(%arg27 : memref<!tpu.dma_semaphore, #tpu.memory_space<semaphore_mem>>) src(%dma_wait3A_175 : memref<1024x1024xf32, #tpu.memory_space<hbm>>) dst(%arg18 : memref<16x1024xf32, #tpu.memory_space<vmem>>)
      %scan3A_176 = arith.constant 0 : i32
      %scan3A_177 = arith.constant 0 : i32
      %scan3A_178 = arith.constant 16 : i32
      %scan3A_179 = arith.addi %scan3A_177, %scan3A_178 : i32
      %scan3A_180 = arith.constant 1 : i32
      scf.for %scan3A_318 = %scan3A_177 to %scan3A_179 step %scan3A_180  : i32 {
        %get3A = arith.index_cast %scan3A_318 : i32 to index
        %get3A_319 = arith.constant 0 : index
        %get3A_320 = tpu.vector_load %arg18[%get3A, %get3A_319] {strides = array<i32>} : memref<16x1024xf32, #tpu.memory_space<vmem>>, vector<16xf32>,
        %swap3A = arith.index_cast %scan3A_318 : i32 to index
        %swap3A_321 = arith.constant 0 : index
        %swap3A_322 = tpu.vector_load %arg12[%swap3A, %swap3A_321] {strides = array<i32>} : memref<16x1024xf32, #tpu.memory_space<vmem>>, vector<16xf32>,
        tpu.vector_store %arg12[%swap3A, %swap3A_321], %get3A_320 {add = true, strides = array<i32>} : memref<16x1024xf32, #tpu.memory_space<vmem>>, vector<16xf32>,
        %get3A_323 = arith.index_cast %scan3A_318 : i32 to index
        %get3A_324 = arith.constant 16 : index
        %get3A_325 = tpu.vector_load %arg18[%get3A_323, %get3A_324] {strides = array<i32>} : memref<16x1024xf32, #tpu.memory_space<vmem>>, vector<16xf32>,
        %swap3A_326 = arith.index_cast %scan3A_318 : i32 to index
        %swap3A_327 = arith.constant 16 : index
        %swap3A_328 = tpu.vector_load %arg12[%swap3A_326, %swap3A_327] {strides = array<i32>} : memref<16x1024xf32, #tpu.memory_space<vmem>>, vector<16xf32>,
        tpu.vector_store %arg12[%swap3A_326, %swap3A_327], %get3A_325 {add = true, strides = array<i32>} : memref<16x1024xf32, #tpu.memory_space<vmem>>, vector<16xf32>,
        %get3A_329 = arith.index_cast %scan3A_318 : i32 to index
        %get3A_330 = arith.constant 32 : index
        %get3A_331 = tpu.vector_load %arg18[%get3A_329, %get3A_330] {strides = array<i32>} : memref<16x1024xf32, #tpu.memory_space<vmem>>, vector<16xf32>,
        %swap3A_332 = arith.index_cast %scan3A_318 : i32 to index
        %swap3A_333 = arith.constant 32 : index
        %swap3A_334 = tpu.vector_load %arg12[%swap3A_332, %swap3A_333] {strides = array<i32>} : memref<16x1024xf32, #tpu.memory_space<vmem>>, vector<16xf32>,
        tpu.vector_store %arg12[%swap3A_332, %swap3A_333], %get3A_331 {add = true, strides = array<i32>} : memref<16x1024xf32, #tpu.memory_space<vmem>>, vector<16xf32>,
        %get3A_335 = arith.index_cast %scan3A_318 : i32 to index
        %get3A_336 = arith.constant 48 : index
        %get3A_337 = tpu.vector_load %arg18[%get3A_335, %get3A_336] {strides = array<i32>} : memref<16x1024xf32, #tpu.memory_space<vmem>>, vector<16xf32>,
        %swap3A_338 = arith.index_cast %scan3A_318 : i32 to index
        %swap3A_339 = arith.constant 48 : index
        %swap3A_340 = tpu.vector_load %arg12[%swap3A_338, %swap3A_339] {strides = array<i32>} : memref<16x1024xf32, #tpu.memory_space<vmem>>, vector<16xf32>,
        tpu.vector_store %arg12[%swap3A_338, %swap3A_339], %get3A_337 {add = true, strides = array<i32>} : memref<16x1024xf32, #tpu.memory_space<vmem>>, vector<16xf32>,
        %get3A_341 = arith.index_cast %scan3A_318 : i32 to index
        %get3A_342 = arith.constant 64 : index
        %get3A_343 = tpu.vector_load %arg18[%get3A_341, %get3A_342] {strides = array<i32>} : memref<16x1024xf32, #tpu.memory_space<vmem>>, vector<16xf32>,
        %swap3A_344 = arith.index_cast %scan3A_318 : i32 to index
        %swap3A_345 = arith.constant 64 : index
        %swap3A_346 = tpu.vector_load %arg12[%swap3A_344, %swap3A_345] {strides = array<i32>} : memref<16x1024xf32, #tpu.memory_space<vmem>>, vector<16xf32>,
        tpu.vector_store %arg12[%swap3A_344, %swap3A_345], %get3A_343 {add = true, strides = array<i32>} : memref<16x1024xf32, #tpu.memory_space<vmem>>, vector<16xf32>,
        %get3A_347 = arith.index_cast %scan3A_318 : i32 to index
        %get3A_348 = arith.constant 80 : index
        %get3A_349 = tpu.vector_load %arg18[%get3A_347, %get3A_348] {strides = array<i32>} : memref<16x1024xf32, #tpu.memory_space<vmem>>, vector<16xf32>,
        %swap3A_350 = arith.index_cast %scan3A_318 : i32 to index
        %swap3A_351 = arith.constant 80 : index
        %swap3A_352 = tpu.vector_load %arg12[%swap3A_350, %swap3A_351] {strides = array<i32>} : memref<16x1024xf32, #tpu.memory_space<vmem>>, vector<16xf32>,
        tpu.vector_store %arg12[%swap3A_350, %swap3A_351], %get3A_349 {add = true, strides = array<i32>} : memref<16x1024xf32, #tpu.memory_space<vmem>>, vector<16xf32>,
        %get3A_353 = arith.index_cast %scan3A_318 : i32 to index
        %get3A_354 = arith.constant 96 : index
        %get3A_355 = tpu.vector_load %arg18[%get3A_353, %get3A_354] {strides = array<i32>} : memref<16x1024xf32, #tpu.memory_space<vmem>>, vector<16xf32>,
        %swap3A_356 = arith.index_cast %scan3A_318 : i32 to index
        %swap3A_357 = arith.constant 96 : index
        %swap3A_358 = tpu.vector_load %arg12[%swap3A_356, %swap3A_357] {strides = array<i32>} : memref<16x1024xf32, #tpu.memory_space<vmem>>, vector<16xf32>,
        tpu.vector_store %arg12[%swap3A_356, %swap3A_357], %get3A_355 {add = true, strides = array<i32>} : memref<16x1024xf32, #tpu.memory_space<vmem>>, vector<16xf32>,
        %get3A_359 = arith.index_cast %scan3A_318 : i32 to index
        %get3A_360 = arith.constant 112 : index
        %get3A_361 = tpu.vector_load %arg18[%get3A_359, %get3A_360] {strides = array<i32>} : memref<16x1024xf32, #tpu.memory_space<vmem>>, vector<16xf32>,
        %swap3A_362 = arith.index_cast %scan3A_318 : i32 to index
        %swap3A_363 = arith.constant 112 : index
        %swap3A_364 = tpu.vector_load %arg12[%swap3A_362, %swap3A_363] {strides = array<i32>} : memref<16x1024xf32, #tpu.memory_space<vmem>>, vector<16xf32>,
        tpu.vector_store %arg12[%swap3A_362, %swap3A_363], %get3A_361 {add = true, strides = array<i32>} : memref<16x1024xf32, #tpu.memory_space<vmem>>, vector<16xf32>,
        %get3A_365 = arith.index_cast %scan3A_318 : i32 to index
        %get3A_366 = arith.constant 128 : index
        %get3A_367 = tpu.vector_load %arg18[%get3A_365, %get3A_366] {strides = array<i32>} : memref<16x1024xf32, #tpu.memory_space<vmem>>, vector<16xf32>,
        %swap3A_368 = arith.index_cast %scan3A_318 : i32 to index
        %swap3A_369 = arith.constant 128 : index
        %swap3A_370 = tpu.vector_load %arg12[%swap3A_368, %swap3A_369] {strides = array<i32>} : memref<16x1024xf32, #tpu.memory_space<vmem>>, vector<16xf32>,
        tpu.vector_store %arg12[%swap3A_368, %swap3A_369], %get3A_367 {add = true, strides = array<i32>} : memref<16x1024xf32, #tpu.memory_space<vmem>>, vector<16xf32>,
        %get3A_371 = arith.index_cast %scan3A_318 : i32 to index
        %get3A_372 = arith.constant 144 : index
        %get3A_373 = tpu.vector_load %arg18[%get3A_371, %get3A_372] {strides = array<i32>} : memref<16x1024xf32, #tpu.memory_space<vmem>>, vector<16xf32>,
        %swap3A_374 = arith.index_cast %scan3A_318 : i32 to index
        %swap3A_375 = arith.constant 144 : index
        %swap3A_376 = tpu.vector_load %arg12[%swap3A_374, %swap3A_375] {strides = array<i32>} : memref<16x1024xf32, #tpu.memory_space<vmem>>, vector<16xf32>,
        tpu.vector_store %arg12[%swap3A_374, %swap3A_375], %get3A_373 {add = true, strides = array<i32>} : memref<16x1024xf32, #tpu.memory_space<vmem>>, vector<16xf32>,
        %get3A_377 = arith.index_cast %scan3A_318 : i32 to index
        %get3A_378 = arith.constant 160 : index
        %get3A_379 = tpu.vector_load %arg18[%get3A_377, %get3A_378] {strides = array<i32>} : memref<16x1024xf32, #tpu.memory_space<vmem>>, vector<16xf32>,
        %swap3A_380 = arith.index_cast %scan3A_318 : i32 to index
        %swap3A_381 = arith.constant 160 : index
        %swap3A_382 = tpu.vector_load %arg12[%swap3A_380, %swap3A_381] {strides = array<i32>} : memref<16x1024xf32, #tpu.memory_space<vmem>>, vector<16xf32>,
        tpu.vector_store %arg12[%swap3A_380, %swap3A_381], %get3A_379 {add = true, strides = array<i32>} : memref<16x1024xf32, #tpu.memory_space<vmem>>, vector<16xf32>,
        %get3A_383 = arith.index_cast %scan3A_318 : i32 to index
        %get3A_384 = arith.constant 176 : index
        %get3A_385 = tpu.vector_load %arg18[%get3A_383, %get3A_384] {strides = array<i32>} : memref<16x1024xf32, #tpu.memory_space<vmem>>, vector<16xf32>,
        %swap3A_386 = arith.index_cast %scan3A_318 : i32 to index
        %swap3A_387 = arith.constant 176 : index
        %swap3A_388 = tpu.vector_load %arg12[%swap3A_386, %swap3A_387] {strides = array<i32>} : memref<16x1024xf32, #tpu.memory_space<vmem>>, vector<16xf32>,
        tpu.vector_store %arg12[%swap3A_386, %swap3A_387], %get3A_385 {add = true, strides = array<i32>} : memref<16x1024xf32, #tpu.memory_space<vmem>>, vector<16xf32>,
        %get3A_389 = arith.index_cast %scan3A_318 : i32 to index
        %get3A_390 = arith.constant 192 : index
        %get3A_391 = tpu.vector_load %arg18[%get3A_389, %get3A_390] {strides = array<i32>} : memref<16x1024xf32, #tpu.memory_space<vmem>>, vector<16xf32>,
        %swap3A_392 = arith.index_cast %scan3A_318 : i32 to index
        %swap3A_393 = arith.constant 192 : index
        %swap3A_394 = tpu.vector_load %arg12[%swap3A_392, %swap3A_393] {strides = array<i32>} : memref<16x1024xf32, #tpu.memory_space<vmem>>, vector<16xf32>,
        tpu.vector_store %arg12[%swap3A_392, %swap3A_393], %get3A_391 {add = true, strides = array<i32>} : memref<16x1024xf32, #tpu.memory_space<vmem>>, vector<16xf32>,
        %get3A_395 = arith.index_cast %scan3A_318 : i32 to index
        %get3A_396 = arith.constant 208 : index
        %get3A_397 = tpu.vector_load %arg18[%get3A_395, %get3A_396] {strides = array<i32>} : memref<16x1024xf32, #tpu.memory_space<vmem>>, vector<16xf32>,
        %swap3A_398 = arith.index_cast %scan3A_318 : i32 to index
        %swap3A_399 = arith.constant 208 : index
        %swap3A_400 = tpu.vector_load %arg12[%swap3A_398, %swap3A_399] {strides = array<i32>} : memref<16x1024xf32, #tpu.memory_space<vmem>>, vector<16xf32>,
        tpu.vector_store %arg12[%swap3A_398, %swap3A_399], %get3A_397 {add = true, strides = array<i32>} : memref<16x1024xf32, #tpu.memory_space<vmem>>, vector<16xf32>,
        %get3A_401 = arith.index_cast %scan3A_318 : i32 to index
        %get3A_402 = arith.constant 224 : index
        %get3A_403 = tpu.vector_load %arg18[%get3A_401, %get3A_402] {strides = array<i32>} : memref<16x1024xf32, #tpu.memory_space<vmem>>, vector<16xf32>,
        %swap3A_404 = arith.index_cast %scan3A_318 : i32 to index
        %swap3A_405 = arith.constant 224 : index
        %swap3A_406 = tpu.vector_load %arg12[%swap3A_404, %swap3A_405] {strides = array<i32>} : memref<16x1024xf32, #tpu.memory_space<vmem>>, vector<16xf32>,
        tpu.vector_store %arg12[%swap3A_404, %swap3A_405], %get3A_403 {add = true, strides = array<i32>} : memref<16x1024xf32, #tpu.memory_space<vmem>>, vector<16xf32>,
        %get3A_407 = arith.index_cast %scan3A_318 : i32 to index
        %get3A_408 = arith.constant 240 : index
        %get3A_409 = tpu.vector_load %arg18[%get3A_407, %get3A_408] {strides = array<i32>} : memref<16x1024xf32, #tpu.memory_space<vmem>>, vector<16xf32>,
        %swap3A_410 = arith.index_cast %scan3A_318 : i32 to index
        %swap3A_411 = arith.constant 240 : index
        %swap3A_412 = tpu.vector_load %arg12[%swap3A_410, %swap3A_411] {strides = array<i32>} : memref<16x1024xf32, #tpu.memory_space<vmem>>, vector<16xf32>,
        tpu.vector_store %arg12[%swap3A_410, %swap3A_411], %get3A_409 {add = true, strides = array<i32>} : memref<16x1024xf32, #tpu.memory_space<vmem>>, vector<16xf32>,
        %get3A_413 = arith.index_cast %scan3A_318 : i32 to index
        %get3A_414 = arith.constant 256 : index
        %get3A_415 = tpu.vector_load %arg18[%get3A_413, %get3A_414] {strides = array<i32>} : memref<16x1024xf32, #tpu.memory_space<vmem>>, vector<16xf32>,
        %swap3A_416 = arith.index_cast %scan3A_318 : i32 to index
        %swap3A_417 = arith.constant 256 : index
        %swap3A_418 = tpu.vector_load %arg12[%swap3A_416, %swap3A_417] {strides = array<i32>} : memref<16x1024xf32, #tpu.memory_space<vmem>>, vector<16xf32>,
        tpu.vector_store %arg12[%swap3A_416, %swap3A_417], %get3A_415 {add = true, strides = array<i32>} : memref<16x1024xf32, #tpu.memory_space<vmem>>, vector<16xf32>,
        %get3A_419 = arith.index_cast %scan3A_318 : i32 to index
        %get3A_420 = arith.constant 272 : index
        %get3A_421 = tpu.vector_load %arg18[%get3A_419, %get3A_420] {strides = array<i32>} : memref<16x1024xf32, #tpu.memory_space<vmem>>, vector<16xf32>,
        %swap3A_422 = arith.index_cast %scan3A_318 : i32 to index
        %swap3A_423 = arith.constant 272 : index
        %swap3A_424 = tpu.vector_load %arg12[%swap3A_422, %swap3A_423] {strides = array<i32>} : memref<16x1024xf32, #tpu.memory_space<vmem>>, vector<16xf32>,
        tpu.vector_store %arg12[%swap3A_422, %swap3A_423], %get3A_421 {add = true, strides = array<i32>} : memref<16x1024xf32, #tpu.memory_space<vmem>>, vector<16xf32>,
        %get3A_425 = arith.index_cast %scan3A_318 : i32 to index
        %get3A_426 = arith.constant 288 : index
        %get3A_427 = tpu.vector_load %arg18[%get3A_425, %get3A_426] {strides = array<i32>} : memref<16x1024xf32, #tpu.memory_space<vmem>>, vector<16xf32>,
        %swap3A_428 = arith.index_cast %scan3A_318 : i32 to index
        %swap3A_429 = arith.constant 288 : index
        %swap3A_430 = tpu.vector_load %arg12[%swap3A_428, %swap3A_429] {strides = array<i32>} : memref<16x1024xf32, #tpu.memory_space<vmem>>, vector<16xf32>,
        tpu.vector_store %arg12[%swap3A_428, %swap3A_429], %get3A_427 {add = true, strides = array<i32>} : memref<16x1024xf32, #tpu.memory_space<vmem>>, vector<16xf32>,
        %get3A_431 = arith.index_cast %scan3A_318 : i32 to index
        %get3A_432 = arith.constant 304 : index
        %get3A_433 = tpu.vector_load %arg18[%get3A_431, %get3A_432] {strides = array<i32>} : memref<16x1024xf32, #tpu.memory_space<vmem>>, vector<16xf32>,
        %swap3A_434 = arith.index_cast %scan3A_318 : i32 to index
        %swap3A_435 = arith.constant 304 : index
        %swap3A_436 = tpu.vector_load %arg12[%swap3A_434, %swap3A_435] {strides = array<i32>} : memref<16x1024xf32, #tpu.memory_space<vmem>>, vector<16xf32>,
        tpu.vector_store %arg12[%swap3A_434, %swap3A_435], %get3A_433 {add = true, strides = array<i32>} : memref<16x1024xf32, #tpu.memory_space<vmem>>, vector<16xf32>,
        %get3A_437 = arith.index_cast %scan3A_318 : i32 to index
        %get3A_438 = arith.constant 320 : index
        %get3A_439 = tpu.vector_load %arg18[%get3A_437, %get3A_438] {strides = array<i32>} : memref<16x1024xf32, #tpu.memory_space<vmem>>, vector<16xf32>,
        %swap3A_440 = arith.index_cast %scan3A_318 : i32 to index
        %swap3A_441 = arith.constant 320 : index
        %swap3A_442 = tpu.vector_load %arg12[%swap3A_440, %swap3A_441] {strides = array<i32>} : memref<16x1024xf32, #tpu.memory_space<vmem>>, vector<16xf32>,
        tpu.vector_store %arg12[%swap3A_440, %swap3A_441], %get3A_439 {add = true, strides = array<i32>} : memref<16x1024xf32, #tpu.memory_space<vmem>>, vector<16xf32>,
        %get3A_443 = arith.index_cast %scan3A_318 : i32 to index
        %get3A_444 = arith.constant 336 : index
        %get3A_445 = tpu.vector_load %arg18[%get3A_443, %get3A_444] {strides = array<i32>} : memref<16x1024xf32, #tpu.memory_space<vmem>>, vector<16xf32>,
        %swap3A_446 = arith.index_cast %scan3A_318 : i32 to index
        %swap3A_447 = arith.constant 336 : index
        %swap3A_448 = tpu.vector_load %arg12[%swap3A_446, %swap3A_447] {strides = array<i32>} : memref<16x1024xf32, #tpu.memory_space<vmem>>, vector<16xf32>,
        tpu.vector_store %arg12[%swap3A_446, %swap3A_447], %get3A_445 {add = true, strides = array<i32>} : memref<16x1024xf32, #tpu.memory_space<vmem>>, vector<16xf32>,
        %get3A_449 = arith.index_cast %scan3A_318 : i32 to index
        %get3A_450 = arith.constant 352 : index
        %get3A_451 = tpu.vector_load %arg18[%get3A_449, %get3A_450] {strides = array<i32>} : memref<16x1024xf32, #tpu.memory_space<vmem>>, vector<16xf32>,
        %swap3A_452 = arith.index_cast %scan3A_318 : i32 to index
        %swap3A_453 = arith.constant 352 : index
        %swap3A_454 = tpu.vector_load %arg12[%swap3A_452, %swap3A_453] {strides = array<i32>} : memref<16x1024xf32, #tpu.memory_space<vmem>>, vector<16xf32>,
        tpu.vector_store %arg12[%swap3A_452, %swap3A_453], %get3A_451 {add = true, strides = array<i32>} : memref<16x1024xf32, #tpu.memory_space<vmem>>, vector<16xf32>,
        %get3A_455 = arith.index_cast %scan3A_318 : i32 to index
        %get3A_456 = arith.constant 368 : index
        %get3A_457 = tpu.vector_load %arg18[%get3A_455, %get3A_456] {strides = array<i32>} : memref<16x1024xf32, #tpu.memory_space<vmem>>, vector<16xf32>,
        %swap3A_458 = arith.index_cast %scan3A_318 : i32 to index
        %swap3A_459 = arith.constant 368 : index
        %swap3A_460 = tpu.vector_load %arg12[%swap3A_458, %swap3A_459] {strides = array<i32>} : memref<16x1024xf32, #tpu.memory_space<vmem>>, vector<16xf32>,
        tpu.vector_store %arg12[%swap3A_458, %swap3A_459], %get3A_457 {add = true, strides = array<i32>} : memref<16x1024xf32, #tpu.memory_space<vmem>>, vector<16xf32>,
        %get3A_461 = arith.index_cast %scan3A_318 : i32 to index
        %get3A_462 = arith.constant 384 : index
        %get3A_463 = tpu.vector_load %arg18[%get3A_461, %get3A_462] {strides = array<i32>} : memref<16x1024xf32, #tpu.memory_space<vmem>>, vector<16xf32>,
        %swap3A_464 = arith.index_cast %scan3A_318 : i32 to index
        %swap3A_465 = arith.constant 384 : index
        %swap3A_466 = tpu.vector_load %arg12[%swap3A_464, %swap3A_465] {strides = array<i32>} : memref<16x1024xf32, #tpu.memory_space<vmem>>, vector<16xf32>,
        tpu.vector_store %arg12[%swap3A_464, %swap3A_465], %get3A_463 {add = true, strides = array<i32>} : memref<16x1024xf32, #tpu.memory_space<vmem>>, vector<16xf32>,
        %get3A_467 = arith.index_cast %scan3A_318 : i32 to index
        %get3A_468 = arith.constant 400 : index
        %get3A_469 = tpu.vector_load %arg18[%get3A_467, %get3A_468] {strides = array<i32>} : memref<16x1024xf32, #tpu.memory_space<vmem>>, vector<16xf32>,
        %swap3A_470 = arith.index_cast %scan3A_318 : i32 to index
        %swap3A_471 = arith.constant 400 : index
        %swap3A_472 = tpu.vector_load %arg12[%swap3A_470, %swap3A_471] {strides = array<i32>} : memref<16x1024xf32, #tpu.memory_space<vmem>>, vector<16xf32>,
        tpu.vector_store %arg12[%swap3A_470, %swap3A_471], %get3A_469 {add = true, strides = array<i32>} : memref<16x1024xf32, #tpu.memory_space<vmem>>, vector<16xf32>,
        %get3A_473 = arith.index_cast %scan3A_318 : i32 to index
        %get3A_474 = arith.constant 416 : index
        %get3A_475 = tpu.vector_load %arg18[%get3A_473, %get3A_474] {strides = array<i32>} : memref<16x1024xf32, #tpu.memory_space<vmem>>, vector<16xf32>,
        %swap3A_476 = arith.index_cast %scan3A_318 : i32 to index
        %swap3A_477 = arith.constant 416 : index
        %swap3A_478 = tpu.vector_load %arg12[%swap3A_476, %swap3A_477] {strides = array<i32>} : memref<16x1024xf32, #tpu.memory_space<vmem>>, vector<16xf32>,
        tpu.vector_store %arg12[%swap3A_476, %swap3A_477], %get3A_475 {add = true, strides = array<i32>} : memref<16x1024xf32, #tpu.memory_space<vmem>>, vector<16xf32>,
        %get3A_479 = arith.index_cast %scan3A_318 : i32 to index
        %get3A_480 = arith.constant 432 : index
        %get3A_481 = tpu.vector_load %arg18[%get3A_479, %get3A_480] {strides = array<i32>} : memref<16x1024xf32, #tpu.memory_space<vmem>>, vector<16xf32>,
        %swap3A_482 = arith.index_cast %scan3A_318 : i32 to index
        %swap3A_483 = arith.constant 432 : index
        %swap3A_484 = tpu.vector_load %arg12[%swap3A_482, %swap3A_483] {strides = array<i32>} : memref<16x1024xf32, #tpu.memory_space<vmem>>, vector<16xf32>,
        tpu.vector_store %arg12[%swap3A_482, %swap3A_483], %get3A_481 {add = true, strides = array<i32>} : memref<16x1024xf32, #tpu.memory_space<vmem>>, vector<16xf32>,
        %get3A_485 = arith.index_cast %scan3A_318 : i32 to index
        %get3A_486 = arith.constant 448 : index
        %get3A_487 = tpu.vector_load %arg18[%get3A_485, %get3A_486] {strides = array<i32>} : memref<16x1024xf32, #tpu.memory_space<vmem>>, vector<16xf32>,
        %swap3A_488 = arith.index_cast %scan3A_318 : i32 to index
        %swap3A_489 = arith.constant 448 : index
        %swap3A_490 = tpu.vector_load %arg12[%swap3A_488, %swap3A_489] {strides = array<i32>} : memref<16x1024xf32, #tpu.memory_space<vmem>>, vector<16xf32>,
        tpu.vector_store %arg12[%swap3A_488, %swap3A_489], %get3A_487 {add = true, strides = array<i32>} : memref<16x1024xf32, #tpu.memory_space<vmem>>, vector<16xf32>,
        %get3A_491 = arith.index_cast %scan3A_318 : i32 to index
        %get3A_492 = arith.constant 464 : index
        %get3A_493 = tpu.vector_load %arg18[%get3A_491, %get3A_492] {strides = array<i32>} : memref<16x1024xf32, #tpu.memory_space<vmem>>, vector<16xf32>,
        %swap3A_494 = arith.index_cast %scan3A_318 : i32 to index
        %swap3A_495 = arith.constant 464 : index
        %swap3A_496 = tpu.vector_load %arg12[%swap3A_494, %swap3A_495] {strides = array<i32>} : memref<16x1024xf32, #tpu.memory_space<vmem>>, vector<16xf32>,
        tpu.vector_store %arg12[%swap3A_494, %swap3A_495], %get3A_493 {add = true, strides = array<i32>} : memref<16x1024xf32, #tpu.memory_space<vmem>>, vector<16xf32>,
        %get3A_497 = arith.index_cast %scan3A_318 : i32 to index
        %get3A_498 = arith.constant 480 : index
        %get3A_499 = tpu.vector_load %arg18[%get3A_497, %get3A_498] {strides = array<i32>} : memref<16x1024xf32, #tpu.memory_space<vmem>>, vector<16xf32>,
        %swap3A_500 = arith.index_cast %scan3A_318 : i32 to index
        %swap3A_501 = arith.constant 480 : index
        %swap3A_502 = tpu.vector_load %arg12[%swap3A_500, %swap3A_501] {strides = array<i32>} : memref<16x1024xf32, #tpu.memory_space<vmem>>, vector<16xf32>,
        tpu.vector_store %arg12[%swap3A_500, %swap3A_501], %get3A_499 {add = true, strides = array<i32>} : memref<16x1024xf32, #tpu.memory_space<vmem>>, vector<16xf32>,
        %get3A_503 = arith.index_cast %scan3A_318 : i32 to index
        %get3A_504 = arith.constant 496 : index
        %get3A_505 = tpu.vector_load %arg18[%get3A_503, %get3A_504] {strides = array<i32>} : memref<16x1024xf32, #tpu.memory_space<vmem>>, vector<16xf32>,
        %swap3A_506 = arith.index_cast %scan3A_318 : i32 to index
        %swap3A_507 = arith.constant 496 : index
        %swap3A_508 = tpu.vector_load %arg12[%swap3A_506, %swap3A_507] {strides = array<i32>} : memref<16x1024xf32, #tpu.memory_space<vmem>>, vector<16xf32>,
        tpu.vector_store %arg12[%swap3A_506, %swap3A_507], %get3A_505 {add = true, strides = array<i32>} : memref<16x1024xf32, #tpu.memory_space<vmem>>, vector<16xf32>,
        %get3A_509 = arith.index_cast %scan3A_318 : i32 to index
        %get3A_510 = arith.constant 512 : index
        %get3A_511 = tpu.vector_load %arg18[%get3A_509, %get3A_510] {strides = array<i32>} : memref<16x1024xf32, #tpu.memory_space<vmem>>, vector<16xf32>,
        %swap3A_512 = arith.index_cast %scan3A_318 : i32 to index
        %swap3A_513 = arith.constant 512 : index
        %swap3A_514 = tpu.vector_load %arg12[%swap3A_512, %swap3A_513] {strides = array<i32>} : memref<16x1024xf32, #tpu.memory_space<vmem>>, vector<16xf32>,
        tpu.vector_store %arg12[%swap3A_512, %swap3A_513], %get3A_511 {add = true, strides = array<i32>} : memref<16x1024xf32, #tpu.memory_space<vmem>>, vector<16xf32>,
        %get3A_515 = arith.index_cast %scan3A_318 : i32 to index
        %get3A_516 = arith.constant 528 : index
        %get3A_517 = tpu.vector_load %arg18[%get3A_515, %get3A_516] {strides = array<i32>} : memref<16x1024xf32, #tpu.memory_space<vmem>>, vector<16xf32>,
        %swap3A_518 = arith.index_cast %scan3A_318 : i32 to index
        %swap3A_519 = arith.constant 528 : index
        %swap3A_520 = tpu.vector_load %arg12[%swap3A_518, %swap3A_519] {strides = array<i32>} : memref<16x1024xf32, #tpu.memory_space<vmem>>, vector<16xf32>,
        tpu.vector_store %arg12[%swap3A_518, %swap3A_519], %get3A_517 {add = true, strides = array<i32>} : memref<16x1024xf32, #tpu.memory_space<vmem>>, vector<16xf32>,
        %get3A_521 = arith.index_cast %scan3A_318 : i32 to index
        %get3A_522 = arith.constant 544 : index
        %get3A_523 = tpu.vector_load %arg18[%get3A_521, %get3A_522] {strides = array<i32>} : memref<16x1024xf32, #tpu.memory_space<vmem>>, vector<16xf32>,
        %swap3A_524 = arith.index_cast %scan3A_318 : i32 to index
        %swap3A_525 = arith.constant 544 : index
        %swap3A_526 = tpu.vector_load %arg12[%swap3A_524, %swap3A_525] {strides = array<i32>} : memref<16x1024xf32, #tpu.memory_space<vmem>>, vector<16xf32>,
        tpu.vector_store %arg12[%swap3A_524, %swap3A_525], %get3A_523 {add = true, strides = array<i32>} : memref<16x1024xf32, #tpu.memory_space<vmem>>, vector<16xf32>,
        %get3A_527 = arith.index_cast %scan3A_318 : i32 to index
        %get3A_528 = arith.constant 560 : index
        %get3A_529 = tpu.vector_load %arg18[%get3A_527, %get3A_528] {strides = array<i32>} : memref<16x1024xf32, #tpu.memory_space<vmem>>, vector<16xf32>,
        %swap3A_530 = arith.index_cast %scan3A_318 : i32 to index
        %swap3A_531 = arith.constant 560 : index
        %swap3A_532 = tpu.vector_load %arg12[%swap3A_530, %swap3A_531] {strides = array<i32>} : memref<16x1024xf32, #tpu.memory_space<vmem>>, vector<16xf32>,
        tpu.vector_store %arg12[%swap3A_530, %swap3A_531], %get3A_529 {add = true, strides = array<i32>} : memref<16x1024xf32, #tpu.memory_space<vmem>>, vector<16xf32>,
        %get3A_533 = arith.index_cast %scan3A_318 : i32 to index
        %get3A_534 = arith.constant 576 : index
        %get3A_535 = tpu.vector_load %arg18[%get3A_533, %get3A_534] {strides = array<i32>} : memref<16x1024xf32, #tpu.memory_space<vmem>>, vector<16xf32>,
        %swap3A_536 = arith.index_cast %scan3A_318 : i32 to index
        %swap3A_537 = arith.constant 576 : index
        %swap3A_538 = tpu.vector_load %arg12[%swap3A_536, %swap3A_537] {strides = array<i32>} : memref<16x1024xf32, #tpu.memory_space<vmem>>, vector<16xf32>,
        tpu.vector_store %arg12[%swap3A_536, %swap3A_537], %get3A_535 {add = true, strides = array<i32>} : memref<16x1024xf32, #tpu.memory_space<vmem>>, vector<16xf32>,
        %get3A_539 = arith.index_cast %scan3A_318 : i32 to index
        %get3A_540 = arith.constant 592 : index
        %get3A_541 = tpu.vector_load %arg18[%get3A_539, %get3A_540] {strides = array<i32>} : memref<16x1024xf32, #tpu.memory_space<vmem>>, vector<16xf32>,
        %swap3A_542 = arith.index_cast %scan3A_318 : i32 to index
        %swap3A_543 = arith.constant 592 : index
        %swap3A_544 = tpu.vector_load %arg12[%swap3A_542, %swap3A_543] {strides = array<i32>} : memref<16x1024xf32, #tpu.memory_space<vmem>>, vector<16xf32>,
        tpu.vector_store %arg12[%swap3A_542, %swap3A_543], %get3A_541 {add = true, strides = array<i32>} : memref<16x1024xf32, #tpu.memory_space<vmem>>, vector<16xf32>,
        %get3A_545 = arith.index_cast %scan3A_318 : i32 to index
        %get3A_546 = arith.constant 608 : index
        %get3A_547 = tpu.vector_load %arg18[%get3A_545, %get3A_546] {strides = array<i32>} : memref<16x1024xf32, #tpu.memory_space<vmem>>, vector<16xf32>,
        %swap3A_548 = arith.index_cast %scan3A_318 : i32 to index
        %swap3A_549 = arith.constant 608 : index
        %swap3A_550 = tpu.vector_load %arg12[%swap3A_548, %swap3A_549] {strides = array<i32>} : memref<16x1024xf32, #tpu.memory_space<vmem>>, vector<16xf32>,
        tpu.vector_store %arg12[%swap3A_548, %swap3A_549], %get3A_547 {add = true, strides = array<i32>} : memref<16x1024xf32, #tpu.memory_space<vmem>>, vector<16xf32>,
        %get3A_551 = arith.index_cast %scan3A_318 : i32 to index
        %get3A_552 = arith.constant 624 : index
        %get3A_553 = tpu.vector_load %arg18[%get3A_551, %get3A_552] {strides = array<i32>} : memref<16x1024xf32, #tpu.memory_space<vmem>>, vector<16xf32>,
        %swap3A_554 = arith.index_cast %scan3A_318 : i32 to index
        %swap3A_555 = arith.constant 624 : index
        %swap3A_556 = tpu.vector_load %arg12[%swap3A_554, %swap3A_555] {strides = array<i32>} : memref<16x1024xf32, #tpu.memory_space<vmem>>, vector<16xf32>,
        tpu.vector_store %arg12[%swap3A_554, %swap3A_555], %get3A_553 {add = true, strides = array<i32>} : memref<16x1024xf32, #tpu.memory_space<vmem>>, vector<16xf32>,
        %get3A_557 = arith.index_cast %scan3A_318 : i32 to index
        %get3A_558 = arith.constant 640 : index
        %get3A_559 = tpu.vector_load %arg18[%get3A_557, %get3A_558] {strides = array<i32>} : memref<16x1024xf32, #tpu.memory_space<vmem>>, vector<16xf32>,
        %swap3A_560 = arith.index_cast %scan3A_318 : i32 to index
        %swap3A_561 = arith.constant 640 : index
        %swap3A_562 = tpu.vector_load %arg12[%swap3A_560, %swap3A_561] {strides = array<i32>} : memref<16x1024xf32, #tpu.memory_space<vmem>>, vector<16xf32>,
        tpu.vector_store %arg12[%swap3A_560, %swap3A_561], %get3A_559 {add = true, strides = array<i32>} : memref<16x1024xf32, #tpu.memory_space<vmem>>, vector<16xf32>,
        %get3A_563 = arith.index_cast %scan3A_318 : i32 to index
        %get3A_564 = arith.constant 656 : index
        %get3A_565 = tpu.vector_load %arg18[%get3A_563, %get3A_564] {strides = array<i32>} : memref<16x1024xf32, #tpu.memory_space<vmem>>, vector<16xf32>,
        %swap3A_566 = arith.index_cast %scan3A_318 : i32 to index
        %swap3A_567 = arith.constant 656 : index
        %swap3A_568 = tpu.vector_load %arg12[%swap3A_566, %swap3A_567] {strides = array<i32>} : memref<16x1024xf32, #tpu.memory_space<vmem>>, vector<16xf32>,
        tpu.vector_store %arg12[%swap3A_566, %swap3A_567], %get3A_565 {add = true, strides = array<i32>} : memref<16x1024xf32, #tpu.memory_space<vmem>>, vector<16xf32>,
        %get3A_569 = arith.index_cast %scan3A_318 : i32 to index
        %get3A_570 = arith.constant 672 : index
        %get3A_571 = tpu.vector_load %arg18[%get3A_569, %get3A_570] {strides = array<i32>} : memref<16x1024xf32, #tpu.memory_space<vmem>>, vector<16xf32>,
        %swap3A_572 = arith.index_cast %scan3A_318 : i32 to index
        %swap3A_573 = arith.constant 672 : index
        %swap3A_574 = tpu.vector_load %arg12[%swap3A_572, %swap3A_573] {strides = array<i32>} : memref<16x1024xf32, #tpu.memory_space<vmem>>, vector<16xf32>,
        tpu.vector_store %arg12[%swap3A_572, %swap3A_573], %get3A_571 {add = true, strides = array<i32>} : memref<16x1024xf32, #tpu.memory_space<vmem>>, vector<16xf32>,
        %get3A_575 = arith.index_cast %scan3A_318 : i32 to index
        %get3A_576 = arith.constant 688 : index
        %get3A_577 = tpu.vector_load %arg18[%get3A_575, %get3A_576] {strides = array<i32>} : memref<16x1024xf32, #tpu.memory_space<vmem>>, vector<16xf32>,
        %swap3A_578 = arith.index_cast %scan3A_318 : i32 to index
        %swap3A_579 = arith.constant 688 : index
        %swap3A_580 = tpu.vector_load %arg12[%swap3A_578, %swap3A_579] {strides = array<i32>} : memref<16x1024xf32, #tpu.memory_space<vmem>>, vector<16xf32>,
        tpu.vector_store %arg12[%swap3A_578, %swap3A_579], %get3A_577 {add = true, strides = array<i32>} : memref<16x1024xf32, #tpu.memory_space<vmem>>, vector<16xf32>,
        %get3A_581 = arith.index_cast %scan3A_318 : i32 to index
        %get3A_582 = arith.constant 704 : index
        %get3A_583 = tpu.vector_load %arg18[%get3A_581, %get3A_582] {strides = array<i32>} : memref<16x1024xf32, #tpu.memory_space<vmem>>, vector<16xf32>,
        %swap3A_584 = arith.index_cast %scan3A_318 : i32 to index
        %swap3A_585 = arith.constant 704 : index
        %swap3A_586 = tpu.vector_load %arg12[%swap3A_584, %swap3A_585] {strides = array<i32>} : memref<16x1024xf32, #tpu.memory_space<vmem>>, vector<16xf32>,
        tpu.vector_store %arg12[%swap3A_584, %swap3A_585], %get3A_583 {add = true, strides = array<i32>} : memref<16x1024xf32, #tpu.memory_space<vmem>>, vector<16xf32>,
        %get3A_587 = arith.index_cast %scan3A_318 : i32 to index
        %get3A_588 = arith.constant 720 : index
        %get3A_589 = tpu.vector_load %arg18[%get3A_587, %get3A_588] {strides = array<i32>} : memref<16x1024xf32, #tpu.memory_space<vmem>>, vector<16xf32>,
        %swap3A_590 = arith.index_cast %scan3A_318 : i32 to index
        %swap3A_591 = arith.constant 720 : index
        %swap3A_592 = tpu.vector_load %arg12[%swap3A_590, %swap3A_591] {strides = array<i32>} : memref<16x1024xf32, #tpu.memory_space<vmem>>, vector<16xf32>,
        tpu.vector_store %arg12[%swap3A_590, %swap3A_591], %get3A_589 {add = true, strides = array<i32>} : memref<16x1024xf32, #tpu.memory_space<vmem>>, vector<16xf32>,
        %get3A_593 = arith.index_cast %scan3A_318 : i32 to index
        %get3A_594 = arith.constant 736 : index
        %get3A_595 = tpu.vector_load %arg18[%get3A_593, %get3A_594] {strides = array<i32>} : memref<16x1024xf32, #tpu.memory_space<vmem>>, vector<16xf32>,
        %swap3A_596 = arith.index_cast %scan3A_318 : i32 to index
        %swap3A_597 = arith.constant 736 : index
        %swap3A_598 = tpu.vector_load %arg12[%swap3A_596, %swap3A_597] {strides = array<i32>} : memref<16x1024xf32, #tpu.memory_space<vmem>>, vector<16xf32>,
        tpu.vector_store %arg12[%swap3A_596, %swap3A_597], %get3A_595 {add = true, strides = array<i32>} : memref<16x1024xf32, #tpu.memory_space<vmem>>, vector<16xf32>,
        %get3A_599 = arith.index_cast %scan3A_318 : i32 to index
        %get3A_600 = arith.constant 752 : index
        %get3A_601 = tpu.vector_load %arg18[%get3A_599, %get3A_600] {strides = array<i32>} : memref<16x1024xf32, #tpu.memory_space<vmem>>, vector<16xf32>,
        %swap3A_602 = arith.index_cast %scan3A_318 : i32 to index
        %swap3A_603 = arith.constant 752 : index
        %swap3A_604 = tpu.vector_load %arg12[%swap3A_602, %swap3A_603] {strides = array<i32>} : memref<16x1024xf32, #tpu.memory_space<vmem>>, vector<16xf32>,
        tpu.vector_store %arg12[%swap3A_602, %swap3A_603], %get3A_601 {add = true, strides = array<i32>} : memref<16x1024xf32, #tpu.memory_space<vmem>>, vector<16xf32>,
        %get3A_605 = arith.index_cast %scan3A_318 : i32 to index
        %get3A_606 = arith.constant 768 : index
        %get3A_607 = tpu.vector_load %arg18[%get3A_605, %get3A_606] {strides = array<i32>} : memref<16x1024xf32, #tpu.memory_space<vmem>>, vector<16xf32>,
        %swap3A_608 = arith.index_cast %scan3A_318 : i32 to index
        %swap3A_609 = arith.constant 768 : index
        %swap3A_610 = tpu.vector_load %arg12[%swap3A_608, %swap3A_609] {strides = array<i32>} : memref<16x1024xf32, #tpu.memory_space<vmem>>, vector<16xf32>,
        tpu.vector_store %arg12[%swap3A_608, %swap3A_609], %get3A_607 {add = true, strides = array<i32>} : memref<16x1024xf32, #tpu.memory_space<vmem>>, vector<16xf32>,
        %get3A_611 = arith.index_cast %scan3A_318 : i32 to index
        %get3A_612 = arith.constant 784 : index
        %get3A_613 = tpu.vector_load %arg18[%get3A_611, %get3A_612] {strides = array<i32>} : memref<16x1024xf32, #tpu.memory_space<vmem>>, vector<16xf32>,
        %swap3A_614 = arith.index_cast %scan3A_318 : i32 to index
        %swap3A_615 = arith.constant 784 : index
        %swap3A_616 = tpu.vector_load %arg12[%swap3A_614, %swap3A_615] {strides = array<i32>} : memref<16x1024xf32, #tpu.memory_space<vmem>>, vector<16xf32>,
        tpu.vector_store %arg12[%swap3A_614, %swap3A_615], %get3A_613 {add = true, strides = array<i32>} : memref<16x1024xf32, #tpu.memory_space<vmem>>, vector<16xf32>,
        %get3A_617 = arith.index_cast %scan3A_318 : i32 to index
        %get3A_618 = arith.constant 800 : index
        %get3A_619 = tpu.vector_load %arg18[%get3A_617, %get3A_618] {strides = array<i32>} : memref<16x1024xf32, #tpu.memory_space<vmem>>, vector<16xf32>,
        %swap3A_620 = arith.index_cast %scan3A_318 : i32 to index
        %swap3A_621 = arith.constant 800 : index
        %swap3A_622 = tpu.vector_load %arg12[%swap3A_620, %swap3A_621] {strides = array<i32>} : memref<16x1024xf32, #tpu.memory_space<vmem>>, vector<16xf32>,
        tpu.vector_store %arg12[%swap3A_620, %swap3A_621], %get3A_619 {add = true, strides = array<i32>} : memref<16x1024xf32, #tpu.memory_space<vmem>>, vector<16xf32>,
        %get3A_623 = arith.index_cast %scan3A_318 : i32 to index
        %get3A_624 = arith.constant 816 : index
        %get3A_625 = tpu.vector_load %arg18[%get3A_623, %get3A_624] {strides = array<i32>} : memref<16x1024xf32, #tpu.memory_space<vmem>>, vector<16xf32>,
        %swap3A_626 = arith.index_cast %scan3A_318 : i32 to index
        %swap3A_627 = arith.constant 816 : index
        %swap3A_628 = tpu.vector_load %arg12[%swap3A_626, %swap3A_627] {strides = array<i32>} : memref<16x1024xf32, #tpu.memory_space<vmem>>, vector<16xf32>,
        tpu.vector_store %arg12[%swap3A_626, %swap3A_627], %get3A_625 {add = true, strides = array<i32>} : memref<16x1024xf32, #tpu.memory_space<vmem>>, vector<16xf32>,
        %get3A_629 = arith.index_cast %scan3A_318 : i32 to index
        %get3A_630 = arith.constant 832 : index
        %get3A_631 = tpu.vector_load %arg18[%get3A_629, %get3A_630] {strides = array<i32>} : memref<16x1024xf32, #tpu.memory_space<vmem>>, vector<16xf32>,
        %swap3A_632 = arith.index_cast %scan3A_318 : i32 to index
        %swap3A_633 = arith.constant 832 : index
        %swap3A_634 = tpu.vector_load %arg12[%swap3A_632, %swap3A_633] {strides = array<i32>} : memref<16x1024xf32, #tpu.memory_space<vmem>>, vector<16xf32>,
        tpu.vector_store %arg12[%swap3A_632, %swap3A_633], %get3A_631 {add = true, strides = array<i32>} : memref<16x1024xf32, #tpu.memory_space<vmem>>, vector<16xf32>,
        %get3A_635 = arith.index_cast %scan3A_318 : i32 to index
        %get3A_636 = arith.constant 848 : index
        %get3A_637 = tpu.vector_load %arg18[%get3A_635, %get3A_636] {strides = array<i32>} : memref<16x1024xf32, #tpu.memory_space<vmem>>, vector<16xf32>,
        %swap3A_638 = arith.index_cast %scan3A_318 : i32 to index
        %swap3A_639 = arith.constant 848 : index
        %swap3A_640 = tpu.vector_load %arg12[%swap3A_638, %swap3A_639] {strides = array<i32>} : memref<16x1024xf32, #tpu.memory_space<vmem>>, vector<16xf32>,
        tpu.vector_store %arg12[%swap3A_638, %swap3A_639], %get3A_637 {add = true, strides = array<i32>} : memref<16x1024xf32, #tpu.memory_space<vmem>>, vector<16xf32>,
        %get3A_641 = arith.index_cast %scan3A_318 : i32 to index
        %get3A_642 = arith.constant 864 : index
        %get3A_643 = tpu.vector_load %arg18[%get3A_641, %get3A_642] {strides = array<i32>} : memref<16x1024xf32, #tpu.memory_space<vmem>>, vector<16xf32>,
        %swap3A_644 = arith.index_cast %scan3A_318 : i32 to index
        %swap3A_645 = arith.constant 864 : index
        %swap3A_646 = tpu.vector_load %arg12[%swap3A_644, %swap3A_645] {strides = array<i32>} : memref<16x1024xf32, #tpu.memory_space<vmem>>, vector<16xf32>,
        tpu.vector_store %arg12[%swap3A_644, %swap3A_645], %get3A_643 {add = true, strides = array<i32>} : memref<16x1024xf32, #tpu.memory_space<vmem>>, vector<16xf32>,
        %get3A_647 = arith.index_cast %scan3A_318 : i32 to index
        %get3A_648 = arith.constant 880 : index
        %get3A_649 = tpu.vector_load %arg18[%get3A_647, %get3A_648] {strides = array<i32>} : memref<16x1024xf32, #tpu.memory_space<vmem>>, vector<16xf32>,
        %swap3A_650 = arith.index_cast %scan3A_318 : i32 to index
        %swap3A_651 = arith.constant 880 : index
        %swap3A_652 = tpu.vector_load %arg12[%swap3A_650, %swap3A_651] {strides = array<i32>} : memref<16x1024xf32, #tpu.memory_space<vmem>>, vector<16xf32>,
        tpu.vector_store %arg12[%swap3A_650, %swap3A_651], %get3A_649 {add = true, strides = array<i32>} : memref<16x1024xf32, #tpu.memory_space<vmem>>, vector<16xf32>,
        %get3A_653 = arith.index_cast %scan3A_318 : i32 to index
        %get3A_654 = arith.constant 896 : index
        %get3A_655 = tpu.vector_load %arg18[%get3A_653, %get3A_654] {strides = array<i32>} : memref<16x1024xf32, #tpu.memory_space<vmem>>, vector<16xf32>,
        %swap3A_656 = arith.index_cast %scan3A_318 : i32 to index
        %swap3A_657 = arith.constant 896 : index
        %swap3A_658 = tpu.vector_load %arg12[%swap3A_656, %swap3A_657] {strides = array<i32>} : memref<16x1024xf32, #tpu.memory_space<vmem>>, vector<16xf32>,
        tpu.vector_store %arg12[%swap3A_656, %swap3A_657], %get3A_655 {add = true, strides = array<i32>} : memref<16x1024xf32, #tpu.memory_space<vmem>>, vector<16xf32>,
        %get3A_659 = arith.index_cast %scan3A_318 : i32 to index
        %get3A_660 = arith.constant 912 : index
        %get3A_661 = tpu.vector_load %arg18[%get3A_659, %get3A_660] {strides = array<i32>} : memref<16x1024xf32, #tpu.memory_space<vmem>>, vector<16xf32>,
        %swap3A_662 = arith.index_cast %scan3A_318 : i32 to index
        %swap3A_663 = arith.constant 912 : index
        %swap3A_664 = tpu.vector_load %arg12[%swap3A_662, %swap3A_663] {strides = array<i32>} : memref<16x1024xf32, #tpu.memory_space<vmem>>, vector<16xf32>,
        tpu.vector_store %arg12[%swap3A_662, %swap3A_663], %get3A_661 {add = true, strides = array<i32>} : memref<16x1024xf32, #tpu.memory_space<vmem>>, vector<16xf32>,
        %get3A_665 = arith.index_cast %scan3A_318 : i32 to index
        %get3A_666 = arith.constant 928 : index
        %get3A_667 = tpu.vector_load %arg18[%get3A_665, %get3A_666] {strides = array<i32>} : memref<16x1024xf32, #tpu.memory_space<vmem>>, vector<16xf32>,
        %swap3A_668 = arith.index_cast %scan3A_318 : i32 to index
        %swap3A_669 = arith.constant 928 : index
        %swap3A_670 = tpu.vector_load %arg12[%swap3A_668, %swap3A_669] {strides = array<i32>} : memref<16x1024xf32, #tpu.memory_space<vmem>>, vector<16xf32>,
        tpu.vector_store %arg12[%swap3A_668, %swap3A_669], %get3A_667 {add = true, strides = array<i32>} : memref<16x1024xf32, #tpu.memory_space<vmem>>, vector<16xf32>,
        %get3A_671 = arith.index_cast %scan3A_318 : i32 to index
        %get3A_672 = arith.constant 944 : index
        %get3A_673 = tpu.vector_load %arg18[%get3A_671, %get3A_672] {strides = array<i32>} : memref<16x1024xf32, #tpu.memory_space<vmem>>, vector<16xf32>,
        %swap3A_674 = arith.index_cast %scan3A_318 : i32 to index
        %swap3A_675 = arith.constant 944 : index
        %swap3A_676 = tpu.vector_load %arg12[%swap3A_674, %swap3A_675] {strides = array<i32>} : memref<16x1024xf32, #tpu.memory_space<vmem>>, vector<16xf32>,
        tpu.vector_store %arg12[%swap3A_674, %swap3A_675], %get3A_673 {add = true, strides = array<i32>} : memref<16x1024xf32, #tpu.memory_space<vmem>>, vector<16xf32>,
        %get3A_677 = arith.index_cast %scan3A_318 : i32 to index
        %get3A_678 = arith.constant 960 : index
        %get3A_679 = tpu.vector_load %arg18[%get3A_677, %get3A_678] {strides = array<i32>} : memref<16x1024xf32, #tpu.memory_space<vmem>>, vector<16xf32>,
        %swap3A_680 = arith.index_cast %scan3A_318 : i32 to index
        %swap3A_681 = arith.constant 960 : index
        %swap3A_682 = tpu.vector_load %arg12[%swap3A_680, %swap3A_681] {strides = array<i32>} : memref<16x1024xf32, #tpu.memory_space<vmem>>, vector<16xf32>,
        tpu.vector_store %arg12[%swap3A_680, %swap3A_681], %get3A_679 {add = true, strides = array<i32>} : memref<16x1024xf32, #tpu.memory_space<vmem>>, vector<16xf32>,
        %get3A_683 = arith.index_cast %scan3A_318 : i32 to index
        %get3A_684 = arith.constant 976 : index
        %get3A_685 = tpu.vector_load %arg18[%get3A_683, %get3A_684] {strides = array<i32>} : memref<16x1024xf32, #tpu.memory_space<vmem>>, vector<16xf32>,
        %swap3A_686 = arith.index_cast %scan3A_318 : i32 to index
        %swap3A_687 = arith.constant 976 : index
        %swap3A_688 = tpu.vector_load %arg12[%swap3A_686, %swap3A_687] {strides = array<i32>} : memref<16x1024xf32, #tpu.memory_space<vmem>>, vector<16xf32>,
        tpu.vector_store %arg12[%swap3A_686, %swap3A_687], %get3A_685 {add = true, strides = array<i32>} : memref<16x1024xf32, #tpu.memory_space<vmem>>, vector<16xf32>,
        %get3A_689 = arith.index_cast %scan3A_318 : i32 to index
        %get3A_690 = arith.constant 992 : index
        %get3A_691 = tpu.vector_load %arg18[%get3A_689, %get3A_690] {strides = array<i32>} : memref<16x1024xf32, #tpu.memory_space<vmem>>, vector<16xf32>,
        %swap3A_692 = arith.index_cast %scan3A_318 : i32 to index
        %swap3A_693 = arith.constant 992 : index
        %swap3A_694 = tpu.vector_load %arg12[%swap3A_692, %swap3A_693] {strides = array<i32>} : memref<16x1024xf32, #tpu.memory_space<vmem>>, vector<16xf32>,
        tpu.vector_store %arg12[%swap3A_692, %swap3A_693], %get3A_691 {add = true, strides = array<i32>} : memref<16x1024xf32, #tpu.memory_space<vmem>>, vector<16xf32>,
        %get3A_695 = arith.index_cast %scan3A_318 : i32 to index
        %get3A_696 = arith.constant 1008 : index
        %get3A_697 = tpu.vector_load %arg18[%get3A_695, %get3A_696] {strides = array<i32>} : memref<16x1024xf32, #tpu.memory_space<vmem>>, vector<16xf32>,
        %swap3A_698 = arith.index_cast %scan3A_318 : i32 to index
        %swap3A_699 = arith.constant 1008 : index
        %swap3A_700 = tpu.vector_load %arg12[%swap3A_698, %swap3A_699] {strides = array<i32>} : memref<16x1024xf32, #tpu.memory_space<vmem>>, vector<16xf32>,
        tpu.vector_store %arg12[%swap3A_698, %swap3A_699], %get3A_697 {add = true, strides = array<i32>} : memref<16x1024xf32, #tpu.memory_space<vmem>>, vector<16xf32>,
      }
      %scan3A_181 = arith.constant 16 : i32
      %add3A_182 = arith.constant 1 : i32
      %add3A_183 = arith.addi %mul3A_111, %add3A_182 : i32
      %lt3A_184 = arith.constant 64 : i32
      %lt3A_185 = arith.cmpi slt, %add3A_183, %lt3A_184 : i32
      %convert_element_type3A_186 = arith.extui %lt3A_185 : i1 to i32
      %cond3A_187 = arith.constant 0 : i32
      %cond3A_188 = arith.cmpi ne, %convert_element_type3A_186, %cond3A_187 : i32
      scf.if %cond3A_188 {
        %add3A_318 = arith.constant 1 : i32
        %add3A_319 = arith.addi %mul3A_111, %add3A_318 : i32
        %mul3A_320 = arith.constant 16 : i32
        %mul3A_321 = arith.muli %add3A_319, %mul3A_320 : i32
        %dma_start3A_322 = arith.constant 4 : i32
        %dma_start3A_323 = tpu.memref_slice %arg11[%dma_start3A_322, %mul3A_321] : memref<6x1024xi32, #tpu.memory_space<vmem>> -> memref<1x16xi32, #tpu.memory_space<vmem>>
        %dma_start3A_324 = tpu.memref_squeeze %dma_start3A_323 : memref<1x16xi32, #tpu.memory_space<vmem>> -> memref<16xi32, #tpu.memory_space<vmem>>
        %dma_start3A_325 = arith.constant 0 : i32
        %dma_start3A_326 = arith.constant 0 : i32
        %dma_start3A_327 = tpu.memref_slice %arg7[%dma_start3A_325, %dma_start3A_326] : memref<1024x1024xf32, #tpu.memory_space<hbm>> -> memref<1024x1024xf32, #tpu.memory_space<hbm>>
        tpu.enqueue_indirect_dma source(%dma_start3A_327 : memref<1024x1024xf32, #tpu.memory_space<hbm>>) target(%arg18 : memref<16x1024xf32, #tpu.memory_space<vmem>>) offsets(%dma_start3A_324 : memref<16xi32, #tpu.memory_space<vmem>>) semaphore(%arg27 : memref<!tpu.dma_semaphore, #tpu.memory_space<semaphore_mem>>)
      } else {
      }
      %dma_wait3A_189 = arith.constant 5 : i32
      %dma_wait3A_190 = arith.constant 0 : i32
      %dma_wait3A_191 = tpu.memref_slice %arg11[%dma_wait3A_189, %dma_wait3A_190] : memref<6x1024xi32, #tpu.memory_space<vmem>> -> memref<1x16xi32, #tpu.memory_space<vmem>>
      %dma_wait3A_192 = tpu.memref_squeeze %dma_wait3A_191 : memref<1x16xi32, #tpu.memory_space<vmem>> -> memref<16xi32, #tpu.memory_space<vmem>>
      %dma_wait3A_193 = arith.constant 0 : i32
      %dma_wait3A_194 = arith.constant 0 : i32
      %dma_wait3A_195 = tpu.memref_slice %arg8[%dma_wait3A_193, %dma_wait3A_194] : memref<1024x1024xf32, #tpu.memory_space<hbm>> -> memref<1024x1024xf32, #tpu.memory_space<hbm>>
      tpu.wait_indirect_dma semaphore(%arg28 : memref<!tpu.dma_semaphore, #tpu.memory_space<semaphore_mem>>) src(%dma_wait3A_195 : memref<1024x1024xf32, #tpu.memory_space<hbm>>) dst(%arg16 : memref<16x1024xf32, #tpu.memory_space<vmem>>)
      %scan3A_196 = arith.constant 0 : i32
      %scan3A_197 = arith.constant 0 : i32
      %scan3A_198 = arith.constant 16 : i32
      %scan3A_199 = arith.addi %scan3A_197, %scan3A_198 : i32
      %scan3A_200 = arith.constant 1 : i32
      scf.for %scan3A_318 = %scan3A_197 to %scan3A_199 step %scan3A_200  : i32 {
        %get3A = arith.index_cast %scan3A_318 : i32 to index
        %get3A_319 = arith.constant 0 : index
        %get3A_320 = tpu.vector_load %arg16[%get3A, %get3A_319] {strides = array<i32>} : memref<16x1024xf32, #tpu.memory_space<vmem>>, vector<16xf32>,
        %swap3A = arith.index_cast %scan3A_318 : i32 to index
        %swap3A_321 = arith.constant 0 : index
        %swap3A_322 = tpu.vector_load %arg12[%swap3A, %swap3A_321] {strides = array<i32>} : memref<16x1024xf32, #tpu.memory_space<vmem>>, vector<16xf32>,
        tpu.vector_store %arg12[%swap3A, %swap3A_321], %get3A_320 {add = true, strides = array<i32>} : memref<16x1024xf32, #tpu.memory_space<vmem>>, vector<16xf32>,
        %get3A_323 = arith.index_cast %scan3A_318 : i32 to index
        %get3A_324 = arith.constant 16 : index
        %get3A_325 = tpu.vector_load %arg16[%get3A_323, %get3A_324] {strides = array<i32>} : memref<16x1024xf32, #tpu.memory_space<vmem>>, vector<16xf32>,
        %swap3A_326 = arith.index_cast %scan3A_318 : i32 to index
        %swap3A_327 = arith.constant 16 : index
        %swap3A_328 = tpu.vector_load %arg12[%swap3A_326, %swap3A_327] {strides = array<i32>} : memref<16x1024xf32, #tpu.memory_space<vmem>>, vector<16xf32>,
        tpu.vector_store %arg12[%swap3A_326, %swap3A_327], %get3A_325 {add = true, strides = array<i32>} : memref<16x1024xf32, #tpu.memory_space<vmem>>, vector<16xf32>,
        %get3A_329 = arith.index_cast %scan3A_318 : i32 to index
        %get3A_330 = arith.constant 32 : index
        %get3A_331 = tpu.vector_load %arg16[%get3A_329, %get3A_330] {strides = array<i32>} : memref<16x1024xf32, #tpu.memory_space<vmem>>, vector<16xf32>,
        %swap3A_332 = arith.index_cast %scan3A_318 : i32 to index
        %swap3A_333 = arith.constant 32 : index
        %swap3A_334 = tpu.vector_load %arg12[%swap3A_332, %swap3A_333] {strides = array<i32>} : memref<16x1024xf32, #tpu.memory_space<vmem>>, vector<16xf32>,
        tpu.vector_store %arg12[%swap3A_332, %swap3A_333], %get3A_331 {add = true, strides = array<i32>} : memref<16x1024xf32, #tpu.memory_space<vmem>>, vector<16xf32>,
        %get3A_335 = arith.index_cast %scan3A_318 : i32 to index
        %get3A_336 = arith.constant 48 : index
        %get3A_337 = tpu.vector_load %arg16[%get3A_335, %get3A_336] {strides = array<i32>} : memref<16x1024xf32, #tpu.memory_space<vmem>>, vector<16xf32>,
        %swap3A_338 = arith.index_cast %scan3A_318 : i32 to index
        %swap3A_339 = arith.constant 48 : index
        %swap3A_340 = tpu.vector_load %arg12[%swap3A_338, %swap3A_339] {strides = array<i32>} : memref<16x1024xf32, #tpu.memory_space<vmem>>, vector<16xf32>,
        tpu.vector_store %arg12[%swap3A_338, %swap3A_339], %get3A_337 {add = true, strides = array<i32>} : memref<16x1024xf32, #tpu.memory_space<vmem>>, vector<16xf32>,
        %get3A_341 = arith.index_cast %scan3A_318 : i32 to index
        %get3A_342 = arith.constant 64 : index
        %get3A_343 = tpu.vector_load %arg16[%get3A_341, %get3A_342] {strides = array<i32>} : memref<16x1024xf32, #tpu.memory_space<vmem>>, vector<16xf32>,
        %swap3A_344 = arith.index_cast %scan3A_318 : i32 to index
        %swap3A_345 = arith.constant 64 : index
        %swap3A_346 = tpu.vector_load %arg12[%swap3A_344, %swap3A_345] {strides = array<i32>} : memref<16x1024xf32, #tpu.memory_space<vmem>>, vector<16xf32>,
        tpu.vector_store %arg12[%swap3A_344, %swap3A_345], %get3A_343 {add = true, strides = array<i32>} : memref<16x1024xf32, #tpu.memory_space<vmem>>, vector<16xf32>,
        %get3A_347 = arith.index_cast %scan3A_318 : i32 to index
        %get3A_348 = arith.constant 80 : index
        %get3A_349 = tpu.vector_load %arg16[%get3A_347, %get3A_348] {strides = array<i32>} : memref<16x1024xf32, #tpu.memory_space<vmem>>, vector<16xf32>,
        %swap3A_350 = arith.index_cast %scan3A_318 : i32 to index
        %swap3A_351 = arith.constant 80 : index
        %swap3A_352 = tpu.vector_load %arg12[%swap3A_350, %swap3A_351] {strides = array<i32>} : memref<16x1024xf32, #tpu.memory_space<vmem>>, vector<16xf32>,
        tpu.vector_store %arg12[%swap3A_350, %swap3A_351], %get3A_349 {add = true, strides = array<i32>} : memref<16x1024xf32, #tpu.memory_space<vmem>>, vector<16xf32>,
        %get3A_353 = arith.index_cast %scan3A_318 : i32 to index
        %get3A_354 = arith.constant 96 : index
        %get3A_355 = tpu.vector_load %arg16[%get3A_353, %get3A_354] {strides = array<i32>} : memref<16x1024xf32, #tpu.memory_space<vmem>>, vector<16xf32>,
        %swap3A_356 = arith.index_cast %scan3A_318 : i32 to index
        %swap3A_357 = arith.constant 96 : index
        %swap3A_358 = tpu.vector_load %arg12[%swap3A_356, %swap3A_357] {strides = array<i32>} : memref<16x1024xf32, #tpu.memory_space<vmem>>, vector<16xf32>,
        tpu.vector_store %arg12[%swap3A_356, %swap3A_357], %get3A_355 {add = true, strides = array<i32>} : memref<16x1024xf32, #tpu.memory_space<vmem>>, vector<16xf32>,
        %get3A_359 = arith.index_cast %scan3A_318 : i32 to index
        %get3A_360 = arith.constant 112 : index
        %get3A_361 = tpu.vector_load %arg16[%get3A_359, %get3A_360] {strides = array<i32>} : memref<16x1024xf32, #tpu.memory_space<vmem>>, vector<16xf32>,
        %swap3A_362 = arith.index_cast %scan3A_318 : i32 to index
        %swap3A_363 = arith.constant 112 : index
        %swap3A_364 = tpu.vector_load %arg12[%swap3A_362, %swap3A_363] {strides = array<i32>} : memref<16x1024xf32, #tpu.memory_space<vmem>>, vector<16xf32>,
        tpu.vector_store %arg12[%swap3A_362, %swap3A_363], %get3A_361 {add = true, strides = array<i32>} : memref<16x1024xf32, #tpu.memory_space<vmem>>, vector<16xf32>,
        %get3A_365 = arith.index_cast %scan3A_318 : i32 to index
        %get3A_366 = arith.constant 128 : index
        %get3A_367 = tpu.vector_load %arg16[%get3A_365, %get3A_366] {strides = array<i32>} : memref<16x1024xf32, #tpu.memory_space<vmem>>, vector<16xf32>,
        %swap3A_368 = arith.index_cast %scan3A_318 : i32 to index
        %swap3A_369 = arith.constant 128 : index
        %swap3A_370 = tpu.vector_load %arg12[%swap3A_368, %swap3A_369] {strides = array<i32>} : memref<16x1024xf32, #tpu.memory_space<vmem>>, vector<16xf32>,
        tpu.vector_store %arg12[%swap3A_368, %swap3A_369], %get3A_367 {add = true, strides = array<i32>} : memref<16x1024xf32, #tpu.memory_space<vmem>>, vector<16xf32>,
        %get3A_371 = arith.index_cast %scan3A_318 : i32 to index
        %get3A_372 = arith.constant 144 : index
        %get3A_373 = tpu.vector_load %arg16[%get3A_371, %get3A_372] {strides = array<i32>} : memref<16x1024xf32, #tpu.memory_space<vmem>>, vector<16xf32>,
        %swap3A_374 = arith.index_cast %scan3A_318 : i32 to index
        %swap3A_375 = arith.constant 144 : index
        %swap3A_376 = tpu.vector_load %arg12[%swap3A_374, %swap3A_375] {strides = array<i32>} : memref<16x1024xf32, #tpu.memory_space<vmem>>, vector<16xf32>,
        tpu.vector_store %arg12[%swap3A_374, %swap3A_375], %get3A_373 {add = true, strides = array<i32>} : memref<16x1024xf32, #tpu.memory_space<vmem>>, vector<16xf32>,
        %get3A_377 = arith.index_cast %scan3A_318 : i32 to index
        %get3A_378 = arith.constant 160 : index
        %get3A_379 = tpu.vector_load %arg16[%get3A_377, %get3A_378] {strides = array<i32>} : memref<16x1024xf32, #tpu.memory_space<vmem>>, vector<16xf32>,
        %swap3A_380 = arith.index_cast %scan3A_318 : i32 to index
        %swap3A_381 = arith.constant 160 : index
        %swap3A_382 = tpu.vector_load %arg12[%swap3A_380, %swap3A_381] {strides = array<i32>} : memref<16x1024xf32, #tpu.memory_space<vmem>>, vector<16xf32>,
        tpu.vector_store %arg12[%swap3A_380, %swap3A_381], %get3A_379 {add = true, strides = array<i32>} : memref<16x1024xf32, #tpu.memory_space<vmem>>, vector<16xf32>,
        %get3A_383 = arith.index_cast %scan3A_318 : i32 to index
        %get3A_384 = arith.constant 176 : index
        %get3A_385 = tpu.vector_load %arg16[%get3A_383, %get3A_384] {strides = array<i32>} : memref<16x1024xf32, #tpu.memory_space<vmem>>, vector<16xf32>,
        %swap3A_386 = arith.index_cast %scan3A_318 : i32 to index
        %swap3A_387 = arith.constant 176 : index
        %swap3A_388 = tpu.vector_load %arg12[%swap3A_386, %swap3A_387] {strides = array<i32>} : memref<16x1024xf32, #tpu.memory_space<vmem>>, vector<16xf32>,
        tpu.vector_store %arg12[%swap3A_386, %swap3A_387], %get3A_385 {add = true, strides = array<i32>} : memref<16x1024xf32, #tpu.memory_space<vmem>>, vector<16xf32>,
        %get3A_389 = arith.index_cast %scan3A_318 : i32 to index
        %get3A_390 = arith.constant 192 : index
        %get3A_391 = tpu.vector_load %arg16[%get3A_389, %get3A_390] {strides = array<i32>} : memref<16x1024xf32, #tpu.memory_space<vmem>>, vector<16xf32>,
        %swap3A_392 = arith.index_cast %scan3A_318 : i32 to index
        %swap3A_393 = arith.constant 192 : index
        %swap3A_394 = tpu.vector_load %arg12[%swap3A_392, %swap3A_393] {strides = array<i32>} : memref<16x1024xf32, #tpu.memory_space<vmem>>, vector<16xf32>,
        tpu.vector_store %arg12[%swap3A_392, %swap3A_393], %get3A_391 {add = true, strides = array<i32>} : memref<16x1024xf32, #tpu.memory_space<vmem>>, vector<16xf32>,
        %get3A_395 = arith.index_cast %scan3A_318 : i32 to index
        %get3A_396 = arith.constant 208 : index
        %get3A_397 = tpu.vector_load %arg16[%get3A_395, %get3A_396] {strides = array<i32>} : memref<16x1024xf32, #tpu.memory_space<vmem>>, vector<16xf32>,
        %swap3A_398 = arith.index_cast %scan3A_318 : i32 to index
        %swap3A_399 = arith.constant 208 : index
        %swap3A_400 = tpu.vector_load %arg12[%swap3A_398, %swap3A_399] {strides = array<i32>} : memref<16x1024xf32, #tpu.memory_space<vmem>>, vector<16xf32>,
        tpu.vector_store %arg12[%swap3A_398, %swap3A_399], %get3A_397 {add = true, strides = array<i32>} : memref<16x1024xf32, #tpu.memory_space<vmem>>, vector<16xf32>,
        %get3A_401 = arith.index_cast %scan3A_318 : i32 to index
        %get3A_402 = arith.constant 224 : index
        %get3A_403 = tpu.vector_load %arg16[%get3A_401, %get3A_402] {strides = array<i32>} : memref<16x1024xf32, #tpu.memory_space<vmem>>, vector<16xf32>,
        %swap3A_404 = arith.index_cast %scan3A_318 : i32 to index
        %swap3A_405 = arith.constant 224 : index
        %swap3A_406 = tpu.vector_load %arg12[%swap3A_404, %swap3A_405] {strides = array<i32>} : memref<16x1024xf32, #tpu.memory_space<vmem>>, vector<16xf32>,
        tpu.vector_store %arg12[%swap3A_404, %swap3A_405], %get3A_403 {add = true, strides = array<i32>} : memref<16x1024xf32, #tpu.memory_space<vmem>>, vector<16xf32>,
        %get3A_407 = arith.index_cast %scan3A_318 : i32 to index
        %get3A_408 = arith.constant 240 : index
        %get3A_409 = tpu.vector_load %arg16[%get3A_407, %get3A_408] {strides = array<i32>} : memref<16x1024xf32, #tpu.memory_space<vmem>>, vector<16xf32>,
        %swap3A_410 = arith.index_cast %scan3A_318 : i32 to index
        %swap3A_411 = arith.constant 240 : index
        %swap3A_412 = tpu.vector_load %arg12[%swap3A_410, %swap3A_411] {strides = array<i32>} : memref<16x1024xf32, #tpu.memory_space<vmem>>, vector<16xf32>,
        tpu.vector_store %arg12[%swap3A_410, %swap3A_411], %get3A_409 {add = true, strides = array<i32>} : memref<16x1024xf32, #tpu.memory_space<vmem>>, vector<16xf32>,
        %get3A_413 = arith.index_cast %scan3A_318 : i32 to index
        %get3A_414 = arith.constant 256 : index
        %get3A_415 = tpu.vector_load %arg16[%get3A_413, %get3A_414] {strides = array<i32>} : memref<16x1024xf32, #tpu.memory_space<vmem>>, vector<16xf32>,
        %swap3A_416 = arith.index_cast %scan3A_318 : i32 to index
        %swap3A_417 = arith.constant 256 : index
        %swap3A_418 = tpu.vector_load %arg12[%swap3A_416, %swap3A_417] {strides = array<i32>} : memref<16x1024xf32, #tpu.memory_space<vmem>>, vector<16xf32>,
        tpu.vector_store %arg12[%swap3A_416, %swap3A_417], %get3A_415 {add = true, strides = array<i32>} : memref<16x1024xf32, #tpu.memory_space<vmem>>, vector<16xf32>,
        %get3A_419 = arith.index_cast %scan3A_318 : i32 to index
        %get3A_420 = arith.constant 272 : index
        %get3A_421 = tpu.vector_load %arg16[%get3A_419, %get3A_420] {strides = array<i32>} : memref<16x1024xf32, #tpu.memory_space<vmem>>, vector<16xf32>,
        %swap3A_422 = arith.index_cast %scan3A_318 : i32 to index
        %swap3A_423 = arith.constant 272 : index
        %swap3A_424 = tpu.vector_load %arg12[%swap3A_422, %swap3A_423] {strides = array<i32>} : memref<16x1024xf32, #tpu.memory_space<vmem>>, vector<16xf32>,
        tpu.vector_store %arg12[%swap3A_422, %swap3A_423], %get3A_421 {add = true, strides = array<i32>} : memref<16x1024xf32, #tpu.memory_space<vmem>>, vector<16xf32>,
        %get3A_425 = arith.index_cast %scan3A_318 : i32 to index
        %get3A_426 = arith.constant 288 : index
        %get3A_427 = tpu.vector_load %arg16[%get3A_425, %get3A_426] {strides = array<i32>} : memref<16x1024xf32, #tpu.memory_space<vmem>>, vector<16xf32>,
        %swap3A_428 = arith.index_cast %scan3A_318 : i32 to index
        %swap3A_429 = arith.constant 288 : index
        %swap3A_430 = tpu.vector_load %arg12[%swap3A_428, %swap3A_429] {strides = array<i32>} : memref<16x1024xf32, #tpu.memory_space<vmem>>, vector<16xf32>,
        tpu.vector_store %arg12[%swap3A_428, %swap3A_429], %get3A_427 {add = true, strides = array<i32>} : memref<16x1024xf32, #tpu.memory_space<vmem>>, vector<16xf32>,
        %get3A_431 = arith.index_cast %scan3A_318 : i32 to index
        %get3A_432 = arith.constant 304 : index
        %get3A_433 = tpu.vector_load %arg16[%get3A_431, %get3A_432] {strides = array<i32>} : memref<16x1024xf32, #tpu.memory_space<vmem>>, vector<16xf32>,
        %swap3A_434 = arith.index_cast %scan3A_318 : i32 to index
        %swap3A_435 = arith.constant 304 : index
        %swap3A_436 = tpu.vector_load %arg12[%swap3A_434, %swap3A_435] {strides = array<i32>} : memref<16x1024xf32, #tpu.memory_space<vmem>>, vector<16xf32>,
        tpu.vector_store %arg12[%swap3A_434, %swap3A_435], %get3A_433 {add = true, strides = array<i32>} : memref<16x1024xf32, #tpu.memory_space<vmem>>, vector<16xf32>,
        %get3A_437 = arith.index_cast %scan3A_318 : i32 to index
        %get3A_438 = arith.constant 320 : index
        %get3A_439 = tpu.vector_load %arg16[%get3A_437, %get3A_438] {strides = array<i32>} : memref<16x1024xf32, #tpu.memory_space<vmem>>, vector<16xf32>,
        %swap3A_440 = arith.index_cast %scan3A_318 : i32 to index
        %swap3A_441 = arith.constant 320 : index
        %swap3A_442 = tpu.vector_load %arg12[%swap3A_440, %swap3A_441] {strides = array<i32>} : memref<16x1024xf32, #tpu.memory_space<vmem>>, vector<16xf32>,
        tpu.vector_store %arg12[%swap3A_440, %swap3A_441], %get3A_439 {add = true, strides = array<i32>} : memref<16x1024xf32, #tpu.memory_space<vmem>>, vector<16xf32>,
        %get3A_443 = arith.index_cast %scan3A_318 : i32 to index
        %get3A_444 = arith.constant 336 : index
        %get3A_445 = tpu.vector_load %arg16[%get3A_443, %get3A_444] {strides = array<i32>} : memref<16x1024xf32, #tpu.memory_space<vmem>>, vector<16xf32>,
        %swap3A_446 = arith.index_cast %scan3A_318 : i32 to index
        %swap3A_447 = arith.constant 336 : index
        %swap3A_448 = tpu.vector_load %arg12[%swap3A_446, %swap3A_447] {strides = array<i32>} : memref<16x1024xf32, #tpu.memory_space<vmem>>, vector<16xf32>,
        tpu.vector_store %arg12[%swap3A_446, %swap3A_447], %get3A_445 {add = true, strides = array<i32>} : memref<16x1024xf32, #tpu.memory_space<vmem>>, vector<16xf32>,
        %get3A_449 = arith.index_cast %scan3A_318 : i32 to index
        %get3A_450 = arith.constant 352 : index
        %get3A_451 = tpu.vector_load %arg16[%get3A_449, %get3A_450] {strides = array<i32>} : memref<16x1024xf32, #tpu.memory_space<vmem>>, vector<16xf32>,
        %swap3A_452 = arith.index_cast %scan3A_318 : i32 to index
        %swap3A_453 = arith.constant 352 : index
        %swap3A_454 = tpu.vector_load %arg12[%swap3A_452, %swap3A_453] {strides = array<i32>} : memref<16x1024xf32, #tpu.memory_space<vmem>>, vector<16xf32>,
        tpu.vector_store %arg12[%swap3A_452, %swap3A_453], %get3A_451 {add = true, strides = array<i32>} : memref<16x1024xf32, #tpu.memory_space<vmem>>, vector<16xf32>,
        %get3A_455 = arith.index_cast %scan3A_318 : i32 to index
        %get3A_456 = arith.constant 368 : index
        %get3A_457 = tpu.vector_load %arg16[%get3A_455, %get3A_456] {strides = array<i32>} : memref<16x1024xf32, #tpu.memory_space<vmem>>, vector<16xf32>,
        %swap3A_458 = arith.index_cast %scan3A_318 : i32 to index
        %swap3A_459 = arith.constant 368 : index
        %swap3A_460 = tpu.vector_load %arg12[%swap3A_458, %swap3A_459] {strides = array<i32>} : memref<16x1024xf32, #tpu.memory_space<vmem>>, vector<16xf32>,
        tpu.vector_store %arg12[%swap3A_458, %swap3A_459], %get3A_457 {add = true, strides = array<i32>} : memref<16x1024xf32, #tpu.memory_space<vmem>>, vector<16xf32>,
        %get3A_461 = arith.index_cast %scan3A_318 : i32 to index
        %get3A_462 = arith.constant 384 : index
        %get3A_463 = tpu.vector_load %arg16[%get3A_461, %get3A_462] {strides = array<i32>} : memref<16x1024xf32, #tpu.memory_space<vmem>>, vector<16xf32>,
        %swap3A_464 = arith.index_cast %scan3A_318 : i32 to index
        %swap3A_465 = arith.constant 384 : index
        %swap3A_466 = tpu.vector_load %arg12[%swap3A_464, %swap3A_465] {strides = array<i32>} : memref<16x1024xf32, #tpu.memory_space<vmem>>, vector<16xf32>,
        tpu.vector_store %arg12[%swap3A_464, %swap3A_465], %get3A_463 {add = true, strides = array<i32>} : memref<16x1024xf32, #tpu.memory_space<vmem>>, vector<16xf32>,
        %get3A_467 = arith.index_cast %scan3A_318 : i32 to index
        %get3A_468 = arith.constant 400 : index
        %get3A_469 = tpu.vector_load %arg16[%get3A_467, %get3A_468] {strides = array<i32>} : memref<16x1024xf32, #tpu.memory_space<vmem>>, vector<16xf32>,
        %swap3A_470 = arith.index_cast %scan3A_318 : i32 to index
        %swap3A_471 = arith.constant 400 : index
        %swap3A_472 = tpu.vector_load %arg12[%swap3A_470, %swap3A_471] {strides = array<i32>} : memref<16x1024xf32, #tpu.memory_space<vmem>>, vector<16xf32>,
        tpu.vector_store %arg12[%swap3A_470, %swap3A_471], %get3A_469 {add = true, strides = array<i32>} : memref<16x1024xf32, #tpu.memory_space<vmem>>, vector<16xf32>,
        %get3A_473 = arith.index_cast %scan3A_318 : i32 to index
        %get3A_474 = arith.constant 416 : index
        %get3A_475 = tpu.vector_load %arg16[%get3A_473, %get3A_474] {strides = array<i32>} : memref<16x1024xf32, #tpu.memory_space<vmem>>, vector<16xf32>,
        %swap3A_476 = arith.index_cast %scan3A_318 : i32 to index
        %swap3A_477 = arith.constant 416 : index
        %swap3A_478 = tpu.vector_load %arg12[%swap3A_476, %swap3A_477] {strides = array<i32>} : memref<16x1024xf32, #tpu.memory_space<vmem>>, vector<16xf32>,
        tpu.vector_store %arg12[%swap3A_476, %swap3A_477], %get3A_475 {add = true, strides = array<i32>} : memref<16x1024xf32, #tpu.memory_space<vmem>>, vector<16xf32>,
        %get3A_479 = arith.index_cast %scan3A_318 : i32 to index
        %get3A_480 = arith.constant 432 : index
        %get3A_481 = tpu.vector_load %arg16[%get3A_479, %get3A_480] {strides = array<i32>} : memref<16x1024xf32, #tpu.memory_space<vmem>>, vector<16xf32>,
        %swap3A_482 = arith.index_cast %scan3A_318 : i32 to index
        %swap3A_483 = arith.constant 432 : index
        %swap3A_484 = tpu.vector_load %arg12[%swap3A_482, %swap3A_483] {strides = array<i32>} : memref<16x1024xf32, #tpu.memory_space<vmem>>, vector<16xf32>,
        tpu.vector_store %arg12[%swap3A_482, %swap3A_483], %get3A_481 {add = true, strides = array<i32>} : memref<16x1024xf32, #tpu.memory_space<vmem>>, vector<16xf32>,
        %get3A_485 = arith.index_cast %scan3A_318 : i32 to index
        %get3A_486 = arith.constant 448 : index
        %get3A_487 = tpu.vector_load %arg16[%get3A_485, %get3A_486] {strides = array<i32>} : memref<16x1024xf32, #tpu.memory_space<vmem>>, vector<16xf32>,
        %swap3A_488 = arith.index_cast %scan3A_318 : i32 to index
        %swap3A_489 = arith.constant 448 : index
        %swap3A_490 = tpu.vector_load %arg12[%swap3A_488, %swap3A_489] {strides = array<i32>} : memref<16x1024xf32, #tpu.memory_space<vmem>>, vector<16xf32>,
        tpu.vector_store %arg12[%swap3A_488, %swap3A_489], %get3A_487 {add = true, strides = array<i32>} : memref<16x1024xf32, #tpu.memory_space<vmem>>, vector<16xf32>,
        %get3A_491 = arith.index_cast %scan3A_318 : i32 to index
        %get3A_492 = arith.constant 464 : index
        %get3A_493 = tpu.vector_load %arg16[%get3A_491, %get3A_492] {strides = array<i32>} : memref<16x1024xf32, #tpu.memory_space<vmem>>, vector<16xf32>,
        %swap3A_494 = arith.index_cast %scan3A_318 : i32 to index
        %swap3A_495 = arith.constant 464 : index
        %swap3A_496 = tpu.vector_load %arg12[%swap3A_494, %swap3A_495] {strides = array<i32>} : memref<16x1024xf32, #tpu.memory_space<vmem>>, vector<16xf32>,
        tpu.vector_store %arg12[%swap3A_494, %swap3A_495], %get3A_493 {add = true, strides = array<i32>} : memref<16x1024xf32, #tpu.memory_space<vmem>>, vector<16xf32>,
        %get3A_497 = arith.index_cast %scan3A_318 : i32 to index
        %get3A_498 = arith.constant 480 : index
        %get3A_499 = tpu.vector_load %arg16[%get3A_497, %get3A_498] {strides = array<i32>} : memref<16x1024xf32, #tpu.memory_space<vmem>>, vector<16xf32>,
        %swap3A_500 = arith.index_cast %scan3A_318 : i32 to index
        %swap3A_501 = arith.constant 480 : index
        %swap3A_502 = tpu.vector_load %arg12[%swap3A_500, %swap3A_501] {strides = array<i32>} : memref<16x1024xf32, #tpu.memory_space<vmem>>, vector<16xf32>,
        tpu.vector_store %arg12[%swap3A_500, %swap3A_501], %get3A_499 {add = true, strides = array<i32>} : memref<16x1024xf32, #tpu.memory_space<vmem>>, vector<16xf32>,
        %get3A_503 = arith.index_cast %scan3A_318 : i32 to index
        %get3A_504 = arith.constant 496 : index
        %get3A_505 = tpu.vector_load %arg16[%get3A_503, %get3A_504] {strides = array<i32>} : memref<16x1024xf32, #tpu.memory_space<vmem>>, vector<16xf32>,
        %swap3A_506 = arith.index_cast %scan3A_318 : i32 to index
        %swap3A_507 = arith.constant 496 : index
        %swap3A_508 = tpu.vector_load %arg12[%swap3A_506, %swap3A_507] {strides = array<i32>} : memref<16x1024xf32, #tpu.memory_space<vmem>>, vector<16xf32>,
        tpu.vector_store %arg12[%swap3A_506, %swap3A_507], %get3A_505 {add = true, strides = array<i32>} : memref<16x1024xf32, #tpu.memory_space<vmem>>, vector<16xf32>,
        %get3A_509 = arith.index_cast %scan3A_318 : i32 to index
        %get3A_510 = arith.constant 512 : index
        %get3A_511 = tpu.vector_load %arg16[%get3A_509, %get3A_510] {strides = array<i32>} : memref<16x1024xf32, #tpu.memory_space<vmem>>, vector<16xf32>,
        %swap3A_512 = arith.index_cast %scan3A_318 : i32 to index
        %swap3A_513 = arith.constant 512 : index
        %swap3A_514 = tpu.vector_load %arg12[%swap3A_512, %swap3A_513] {strides = array<i32>} : memref<16x1024xf32, #tpu.memory_space<vmem>>, vector<16xf32>,
        tpu.vector_store %arg12[%swap3A_512, %swap3A_513], %get3A_511 {add = true, strides = array<i32>} : memref<16x1024xf32, #tpu.memory_space<vmem>>, vector<16xf32>,
        %get3A_515 = arith.index_cast %scan3A_318 : i32 to index
        %get3A_516 = arith.constant 528 : index
        %get3A_517 = tpu.vector_load %arg16[%get3A_515, %get3A_516] {strides = array<i32>} : memref<16x1024xf32, #tpu.memory_space<vmem>>, vector<16xf32>,
        %swap3A_518 = arith.index_cast %scan3A_318 : i32 to index
        %swap3A_519 = arith.constant 528 : index
        %swap3A_520 = tpu.vector_load %arg12[%swap3A_518, %swap3A_519] {strides = array<i32>} : memref<16x1024xf32, #tpu.memory_space<vmem>>, vector<16xf32>,
        tpu.vector_store %arg12[%swap3A_518, %swap3A_519], %get3A_517 {add = true, strides = array<i32>} : memref<16x1024xf32, #tpu.memory_space<vmem>>, vector<16xf32>,
        %get3A_521 = arith.index_cast %scan3A_318 : i32 to index
        %get3A_522 = arith.constant 544 : index
        %get3A_523 = tpu.vector_load %arg16[%get3A_521, %get3A_522] {strides = array<i32>} : memref<16x1024xf32, #tpu.memory_space<vmem>>, vector<16xf32>,
        %swap3A_524 = arith.index_cast %scan3A_318 : i32 to index
        %swap3A_525 = arith.constant 544 : index
        %swap3A_526 = tpu.vector_load %arg12[%swap3A_524, %swap3A_525] {strides = array<i32>} : memref<16x1024xf32, #tpu.memory_space<vmem>>, vector<16xf32>,
        tpu.vector_store %arg12[%swap3A_524, %swap3A_525], %get3A_523 {add = true, strides = array<i32>} : memref<16x1024xf32, #tpu.memory_space<vmem>>, vector<16xf32>,
        %get3A_527 = arith.index_cast %scan3A_318 : i32 to index
        %get3A_528 = arith.constant 560 : index
        %get3A_529 = tpu.vector_load %arg16[%get3A_527, %get3A_528] {strides = array<i32>} : memref<16x1024xf32, #tpu.memory_space<vmem>>, vector<16xf32>,
        %swap3A_530 = arith.index_cast %scan3A_318 : i32 to index
        %swap3A_531 = arith.constant 560 : index
        %swap3A_532 = tpu.vector_load %arg12[%swap3A_530, %swap3A_531] {strides = array<i32>} : memref<16x1024xf32, #tpu.memory_space<vmem>>, vector<16xf32>,
        tpu.vector_store %arg12[%swap3A_530, %swap3A_531], %get3A_529 {add = true, strides = array<i32>} : memref<16x1024xf32, #tpu.memory_space<vmem>>, vector<16xf32>,
        %get3A_533 = arith.index_cast %scan3A_318 : i32 to index
        %get3A_534 = arith.constant 576 : index
        %get3A_535 = tpu.vector_load %arg16[%get3A_533, %get3A_534] {strides = array<i32>} : memref<16x1024xf32, #tpu.memory_space<vmem>>, vector<16xf32>,
        %swap3A_536 = arith.index_cast %scan3A_318 : i32 to index
        %swap3A_537 = arith.constant 576 : index
        %swap3A_538 = tpu.vector_load %arg12[%swap3A_536, %swap3A_537] {strides = array<i32>} : memref<16x1024xf32, #tpu.memory_space<vmem>>, vector<16xf32>,
        tpu.vector_store %arg12[%swap3A_536, %swap3A_537], %get3A_535 {add = true, strides = array<i32>} : memref<16x1024xf32, #tpu.memory_space<vmem>>, vector<16xf32>,
        %get3A_539 = arith.index_cast %scan3A_318 : i32 to index
        %get3A_540 = arith.constant 592 : index
        %get3A_541 = tpu.vector_load %arg16[%get3A_539, %get3A_540] {strides = array<i32>} : memref<16x1024xf32, #tpu.memory_space<vmem>>, vector<16xf32>,
        %swap3A_542 = arith.index_cast %scan3A_318 : i32 to index
        %swap3A_543 = arith.constant 592 : index
        %swap3A_544 = tpu.vector_load %arg12[%swap3A_542, %swap3A_543] {strides = array<i32>} : memref<16x1024xf32, #tpu.memory_space<vmem>>, vector<16xf32>,
        tpu.vector_store %arg12[%swap3A_542, %swap3A_543], %get3A_541 {add = true, strides = array<i32>} : memref<16x1024xf32, #tpu.memory_space<vmem>>, vector<16xf32>,
        %get3A_545 = arith.index_cast %scan3A_318 : i32 to index
        %get3A_546 = arith.constant 608 : index
        %get3A_547 = tpu.vector_load %arg16[%get3A_545, %get3A_546] {strides = array<i32>} : memref<16x1024xf32, #tpu.memory_space<vmem>>, vector<16xf32>,
        %swap3A_548 = arith.index_cast %scan3A_318 : i32 to index
        %swap3A_549 = arith.constant 608 : index
        %swap3A_550 = tpu.vector_load %arg12[%swap3A_548, %swap3A_549] {strides = array<i32>} : memref<16x1024xf32, #tpu.memory_space<vmem>>, vector<16xf32>,
        tpu.vector_store %arg12[%swap3A_548, %swap3A_549], %get3A_547 {add = true, strides = array<i32>} : memref<16x1024xf32, #tpu.memory_space<vmem>>, vector<16xf32>,
        %get3A_551 = arith.index_cast %scan3A_318 : i32 to index
        %get3A_552 = arith.constant 624 : index
        %get3A_553 = tpu.vector_load %arg16[%get3A_551, %get3A_552] {strides = array<i32>} : memref<16x1024xf32, #tpu.memory_space<vmem>>, vector<16xf32>,
        %swap3A_554 = arith.index_cast %scan3A_318 : i32 to index
        %swap3A_555 = arith.constant 624 : index
        %swap3A_556 = tpu.vector_load %arg12[%swap3A_554, %swap3A_555] {strides = array<i32>} : memref<16x1024xf32, #tpu.memory_space<vmem>>, vector<16xf32>,
        tpu.vector_store %arg12[%swap3A_554, %swap3A_555], %get3A_553 {add = true, strides = array<i32>} : memref<16x1024xf32, #tpu.memory_space<vmem>>, vector<16xf32>,
        %get3A_557 = arith.index_cast %scan3A_318 : i32 to index
        %get3A_558 = arith.constant 640 : index
        %get3A_559 = tpu.vector_load %arg16[%get3A_557, %get3A_558] {strides = array<i32>} : memref<16x1024xf32, #tpu.memory_space<vmem>>, vector<16xf32>,
        %swap3A_560 = arith.index_cast %scan3A_318 : i32 to index
        %swap3A_561 = arith.constant 640 : index
        %swap3A_562 = tpu.vector_load %arg12[%swap3A_560, %swap3A_561] {strides = array<i32>} : memref<16x1024xf32, #tpu.memory_space<vmem>>, vector<16xf32>,
        tpu.vector_store %arg12[%swap3A_560, %swap3A_561], %get3A_559 {add = true, strides = array<i32>} : memref<16x1024xf32, #tpu.memory_space<vmem>>, vector<16xf32>,
        %get3A_563 = arith.index_cast %scan3A_318 : i32 to index
        %get3A_564 = arith.constant 656 : index
        %get3A_565 = tpu.vector_load %arg16[%get3A_563, %get3A_564] {strides = array<i32>} : memref<16x1024xf32, #tpu.memory_space<vmem>>, vector<16xf32>,
        %swap3A_566 = arith.index_cast %scan3A_318 : i32 to index
        %swap3A_567 = arith.constant 656 : index
        %swap3A_568 = tpu.vector_load %arg12[%swap3A_566, %swap3A_567] {strides = array<i32>} : memref<16x1024xf32, #tpu.memory_space<vmem>>, vector<16xf32>,
        tpu.vector_store %arg12[%swap3A_566, %swap3A_567], %get3A_565 {add = true, strides = array<i32>} : memref<16x1024xf32, #tpu.memory_space<vmem>>, vector<16xf32>,
        %get3A_569 = arith.index_cast %scan3A_318 : i32 to index
        %get3A_570 = arith.constant 672 : index
        %get3A_571 = tpu.vector_load %arg16[%get3A_569, %get3A_570] {strides = array<i32>} : memref<16x1024xf32, #tpu.memory_space<vmem>>, vector<16xf32>,
        %swap3A_572 = arith.index_cast %scan3A_318 : i32 to index
        %swap3A_573 = arith.constant 672 : index
        %swap3A_574 = tpu.vector_load %arg12[%swap3A_572, %swap3A_573] {strides = array<i32>} : memref<16x1024xf32, #tpu.memory_space<vmem>>, vector<16xf32>,
        tpu.vector_store %arg12[%swap3A_572, %swap3A_573], %get3A_571 {add = true, strides = array<i32>} : memref<16x1024xf32, #tpu.memory_space<vmem>>, vector<16xf32>,
        %get3A_575 = arith.index_cast %scan3A_318 : i32 to index
        %get3A_576 = arith.constant 688 : index
        %get3A_577 = tpu.vector_load %arg16[%get3A_575, %get3A_576] {strides = array<i32>} : memref<16x1024xf32, #tpu.memory_space<vmem>>, vector<16xf32>,
        %swap3A_578 = arith.index_cast %scan3A_318 : i32 to index
        %swap3A_579 = arith.constant 688 : index
        %swap3A_580 = tpu.vector_load %arg12[%swap3A_578, %swap3A_579] {strides = array<i32>} : memref<16x1024xf32, #tpu.memory_space<vmem>>, vector<16xf32>,
        tpu.vector_store %arg12[%swap3A_578, %swap3A_579], %get3A_577 {add = true, strides = array<i32>} : memref<16x1024xf32, #tpu.memory_space<vmem>>, vector<16xf32>,
        %get3A_581 = arith.index_cast %scan3A_318 : i32 to index
        %get3A_582 = arith.constant 704 : index
        %get3A_583 = tpu.vector_load %arg16[%get3A_581, %get3A_582] {strides = array<i32>} : memref<16x1024xf32, #tpu.memory_space<vmem>>, vector<16xf32>,
        %swap3A_584 = arith.index_cast %scan3A_318 : i32 to index
        %swap3A_585 = arith.constant 704 : index
        %swap3A_586 = tpu.vector_load %arg12[%swap3A_584, %swap3A_585] {strides = array<i32>} : memref<16x1024xf32, #tpu.memory_space<vmem>>, vector<16xf32>,
        tpu.vector_store %arg12[%swap3A_584, %swap3A_585], %get3A_583 {add = true, strides = array<i32>} : memref<16x1024xf32, #tpu.memory_space<vmem>>, vector<16xf32>,
        %get3A_587 = arith.index_cast %scan3A_318 : i32 to index
        %get3A_588 = arith.constant 720 : index
        %get3A_589 = tpu.vector_load %arg16[%get3A_587, %get3A_588] {strides = array<i32>} : memref<16x1024xf32, #tpu.memory_space<vmem>>, vector<16xf32>,
        %swap3A_590 = arith.index_cast %scan3A_318 : i32 to index
        %swap3A_591 = arith.constant 720 : index
        %swap3A_592 = tpu.vector_load %arg12[%swap3A_590, %swap3A_591] {strides = array<i32>} : memref<16x1024xf32, #tpu.memory_space<vmem>>, vector<16xf32>,
        tpu.vector_store %arg12[%swap3A_590, %swap3A_591], %get3A_589 {add = true, strides = array<i32>} : memref<16x1024xf32, #tpu.memory_space<vmem>>, vector<16xf32>,
        %get3A_593 = arith.index_cast %scan3A_318 : i32 to index
        %get3A_594 = arith.constant 736 : index
        %get3A_595 = tpu.vector_load %arg16[%get3A_593, %get3A_594] {strides = array<i32>} : memref<16x1024xf32, #tpu.memory_space<vmem>>, vector<16xf32>,
        %swap3A_596 = arith.index_cast %scan3A_318 : i32 to index
        %swap3A_597 = arith.constant 736 : index
        %swap3A_598 = tpu.vector_load %arg12[%swap3A_596, %swap3A_597] {strides = array<i32>} : memref<16x1024xf32, #tpu.memory_space<vmem>>, vector<16xf32>,
        tpu.vector_store %arg12[%swap3A_596, %swap3A_597], %get3A_595 {add = true, strides = array<i32>} : memref<16x1024xf32, #tpu.memory_space<vmem>>, vector<16xf32>,
        %get3A_599 = arith.index_cast %scan3A_318 : i32 to index
        %get3A_600 = arith.constant 752 : index
        %get3A_601 = tpu.vector_load %arg16[%get3A_599, %get3A_600] {strides = array<i32>} : memref<16x1024xf32, #tpu.memory_space<vmem>>, vector<16xf32>,
        %swap3A_602 = arith.index_cast %scan3A_318 : i32 to index
        %swap3A_603 = arith.constant 752 : index
        %swap3A_604 = tpu.vector_load %arg12[%swap3A_602, %swap3A_603] {strides = array<i32>} : memref<16x1024xf32, #tpu.memory_space<vmem>>, vector<16xf32>,
        tpu.vector_store %arg12[%swap3A_602, %swap3A_603], %get3A_601 {add = true, strides = array<i32>} : memref<16x1024xf32, #tpu.memory_space<vmem>>, vector<16xf32>,
        %get3A_605 = arith.index_cast %scan3A_318 : i32 to index
        %get3A_606 = arith.constant 768 : index
        %get3A_607 = tpu.vector_load %arg16[%get3A_605, %get3A_606] {strides = array<i32>} : memref<16x1024xf32, #tpu.memory_space<vmem>>, vector<16xf32>,
        %swap3A_608 = arith.index_cast %scan3A_318 : i32 to index
        %swap3A_609 = arith.constant 768 : index
        %swap3A_610 = tpu.vector_load %arg12[%swap3A_608, %swap3A_609] {strides = array<i32>} : memref<16x1024xf32, #tpu.memory_space<vmem>>, vector<16xf32>,
        tpu.vector_store %arg12[%swap3A_608, %swap3A_609], %get3A_607 {add = true, strides = array<i32>} : memref<16x1024xf32, #tpu.memory_space<vmem>>, vector<16xf32>,
        %get3A_611 = arith.index_cast %scan3A_318 : i32 to index
        %get3A_612 = arith.constant 784 : index
        %get3A_613 = tpu.vector_load %arg16[%get3A_611, %get3A_612] {strides = array<i32>} : memref<16x1024xf32, #tpu.memory_space<vmem>>, vector<16xf32>,
        %swap3A_614 = arith.index_cast %scan3A_318 : i32 to index
        %swap3A_615 = arith.constant 784 : index
        %swap3A_616 = tpu.vector_load %arg12[%swap3A_614, %swap3A_615] {strides = array<i32>} : memref<16x1024xf32, #tpu.memory_space<vmem>>, vector<16xf32>,
        tpu.vector_store %arg12[%swap3A_614, %swap3A_615], %get3A_613 {add = true, strides = array<i32>} : memref<16x1024xf32, #tpu.memory_space<vmem>>, vector<16xf32>,
        %get3A_617 = arith.index_cast %scan3A_318 : i32 to index
        %get3A_618 = arith.constant 800 : index
        %get3A_619 = tpu.vector_load %arg16[%get3A_617, %get3A_618] {strides = array<i32>} : memref<16x1024xf32, #tpu.memory_space<vmem>>, vector<16xf32>,
        %swap3A_620 = arith.index_cast %scan3A_318 : i32 to index
        %swap3A_621 = arith.constant 800 : index
        %swap3A_622 = tpu.vector_load %arg12[%swap3A_620, %swap3A_621] {strides = array<i32>} : memref<16x1024xf32, #tpu.memory_space<vmem>>, vector<16xf32>,
        tpu.vector_store %arg12[%swap3A_620, %swap3A_621], %get3A_619 {add = true, strides = array<i32>} : memref<16x1024xf32, #tpu.memory_space<vmem>>, vector<16xf32>,
        %get3A_623 = arith.index_cast %scan3A_318 : i32 to index
        %get3A_624 = arith.constant 816 : index
        %get3A_625 = tpu.vector_load %arg16[%get3A_623, %get3A_624] {strides = array<i32>} : memref<16x1024xf32, #tpu.memory_space<vmem>>, vector<16xf32>,
        %swap3A_626 = arith.index_cast %scan3A_318 : i32 to index
        %swap3A_627 = arith.constant 816 : index
        %swap3A_628 = tpu.vector_load %arg12[%swap3A_626, %swap3A_627] {strides = array<i32>} : memref<16x1024xf32, #tpu.memory_space<vmem>>, vector<16xf32>,
        tpu.vector_store %arg12[%swap3A_626, %swap3A_627], %get3A_625 {add = true, strides = array<i32>} : memref<16x1024xf32, #tpu.memory_space<vmem>>, vector<16xf32>,
        %get3A_629 = arith.index_cast %scan3A_318 : i32 to index
        %get3A_630 = arith.constant 832 : index
        %get3A_631 = tpu.vector_load %arg16[%get3A_629, %get3A_630] {strides = array<i32>} : memref<16x1024xf32, #tpu.memory_space<vmem>>, vector<16xf32>,
        %swap3A_632 = arith.index_cast %scan3A_318 : i32 to index
        %swap3A_633 = arith.constant 832 : index
        %swap3A_634 = tpu.vector_load %arg12[%swap3A_632, %swap3A_633] {strides = array<i32>} : memref<16x1024xf32, #tpu.memory_space<vmem>>, vector<16xf32>,
        tpu.vector_store %arg12[%swap3A_632, %swap3A_633], %get3A_631 {add = true, strides = array<i32>} : memref<16x1024xf32, #tpu.memory_space<vmem>>, vector<16xf32>,
        %get3A_635 = arith.index_cast %scan3A_318 : i32 to index
        %get3A_636 = arith.constant 848 : index
        %get3A_637 = tpu.vector_load %arg16[%get3A_635, %get3A_636] {strides = array<i32>} : memref<16x1024xf32, #tpu.memory_space<vmem>>, vector<16xf32>,
        %swap3A_638 = arith.index_cast %scan3A_318 : i32 to index
        %swap3A_639 = arith.constant 848 : index
        %swap3A_640 = tpu.vector_load %arg12[%swap3A_638, %swap3A_639] {strides = array<i32>} : memref<16x1024xf32, #tpu.memory_space<vmem>>, vector<16xf32>,
        tpu.vector_store %arg12[%swap3A_638, %swap3A_639], %get3A_637 {add = true, strides = array<i32>} : memref<16x1024xf32, #tpu.memory_space<vmem>>, vector<16xf32>,
        %get3A_641 = arith.index_cast %scan3A_318 : i32 to index
        %get3A_642 = arith.constant 864 : index
        %get3A_643 = tpu.vector_load %arg16[%get3A_641, %get3A_642] {strides = array<i32>} : memref<16x1024xf32, #tpu.memory_space<vmem>>, vector<16xf32>,
        %swap3A_644 = arith.index_cast %scan3A_318 : i32 to index
        %swap3A_645 = arith.constant 864 : index
        %swap3A_646 = tpu.vector_load %arg12[%swap3A_644, %swap3A_645] {strides = array<i32>} : memref<16x1024xf32, #tpu.memory_space<vmem>>, vector<16xf32>,
        tpu.vector_store %arg12[%swap3A_644, %swap3A_645], %get3A_643 {add = true, strides = array<i32>} : memref<16x1024xf32, #tpu.memory_space<vmem>>, vector<16xf32>,
        %get3A_647 = arith.index_cast %scan3A_318 : i32 to index
        %get3A_648 = arith.constant 880 : index
        %get3A_649 = tpu.vector_load %arg16[%get3A_647, %get3A_648] {strides = array<i32>} : memref<16x1024xf32, #tpu.memory_space<vmem>>, vector<16xf32>,
        %swap3A_650 = arith.index_cast %scan3A_318 : i32 to index
        %swap3A_651 = arith.constant 880 : index
        %swap3A_652 = tpu.vector_load %arg12[%swap3A_650, %swap3A_651] {strides = array<i32>} : memref<16x1024xf32, #tpu.memory_space<vmem>>, vector<16xf32>,
        tpu.vector_store %arg12[%swap3A_650, %swap3A_651], %get3A_649 {add = true, strides = array<i32>} : memref<16x1024xf32, #tpu.memory_space<vmem>>, vector<16xf32>,
        %get3A_653 = arith.index_cast %scan3A_318 : i32 to index
        %get3A_654 = arith.constant 896 : index
        %get3A_655 = tpu.vector_load %arg16[%get3A_653, %get3A_654] {strides = array<i32>} : memref<16x1024xf32, #tpu.memory_space<vmem>>, vector<16xf32>,
        %swap3A_656 = arith.index_cast %scan3A_318 : i32 to index
        %swap3A_657 = arith.constant 896 : index
        %swap3A_658 = tpu.vector_load %arg12[%swap3A_656, %swap3A_657] {strides = array<i32>} : memref<16x1024xf32, #tpu.memory_space<vmem>>, vector<16xf32>,
        tpu.vector_store %arg12[%swap3A_656, %swap3A_657], %get3A_655 {add = true, strides = array<i32>} : memref<16x1024xf32, #tpu.memory_space<vmem>>, vector<16xf32>,
        %get3A_659 = arith.index_cast %scan3A_318 : i32 to index
        %get3A_660 = arith.constant 912 : index
        %get3A_661 = tpu.vector_load %arg16[%get3A_659, %get3A_660] {strides = array<i32>} : memref<16x1024xf32, #tpu.memory_space<vmem>>, vector<16xf32>,
        %swap3A_662 = arith.index_cast %scan3A_318 : i32 to index
        %swap3A_663 = arith.constant 912 : index
        %swap3A_664 = tpu.vector_load %arg12[%swap3A_662, %swap3A_663] {strides = array<i32>} : memref<16x1024xf32, #tpu.memory_space<vmem>>, vector<16xf32>,
        tpu.vector_store %arg12[%swap3A_662, %swap3A_663], %get3A_661 {add = true, strides = array<i32>} : memref<16x1024xf32, #tpu.memory_space<vmem>>, vector<16xf32>,
        %get3A_665 = arith.index_cast %scan3A_318 : i32 to index
        %get3A_666 = arith.constant 928 : index
        %get3A_667 = tpu.vector_load %arg16[%get3A_665, %get3A_666] {strides = array<i32>} : memref<16x1024xf32, #tpu.memory_space<vmem>>, vector<16xf32>,
        %swap3A_668 = arith.index_cast %scan3A_318 : i32 to index
        %swap3A_669 = arith.constant 928 : index
        %swap3A_670 = tpu.vector_load %arg12[%swap3A_668, %swap3A_669] {strides = array<i32>} : memref<16x1024xf32, #tpu.memory_space<vmem>>, vector<16xf32>,
        tpu.vector_store %arg12[%swap3A_668, %swap3A_669], %get3A_667 {add = true, strides = array<i32>} : memref<16x1024xf32, #tpu.memory_space<vmem>>, vector<16xf32>,
        %get3A_671 = arith.index_cast %scan3A_318 : i32 to index
        %get3A_672 = arith.constant 944 : index
        %get3A_673 = tpu.vector_load %arg16[%get3A_671, %get3A_672] {strides = array<i32>} : memref<16x1024xf32, #tpu.memory_space<vmem>>, vector<16xf32>,
        %swap3A_674 = arith.index_cast %scan3A_318 : i32 to index
        %swap3A_675 = arith.constant 944 : index
        %swap3A_676 = tpu.vector_load %arg12[%swap3A_674, %swap3A_675] {strides = array<i32>} : memref<16x1024xf32, #tpu.memory_space<vmem>>, vector<16xf32>,
        tpu.vector_store %arg12[%swap3A_674, %swap3A_675], %get3A_673 {add = true, strides = array<i32>} : memref<16x1024xf32, #tpu.memory_space<vmem>>, vector<16xf32>,
        %get3A_677 = arith.index_cast %scan3A_318 : i32 to index
        %get3A_678 = arith.constant 960 : index
        %get3A_679 = tpu.vector_load %arg16[%get3A_677, %get3A_678] {strides = array<i32>} : memref<16x1024xf32, #tpu.memory_space<vmem>>, vector<16xf32>,
        %swap3A_680 = arith.index_cast %scan3A_318 : i32 to index
        %swap3A_681 = arith.constant 960 : index
        %swap3A_682 = tpu.vector_load %arg12[%swap3A_680, %swap3A_681] {strides = array<i32>} : memref<16x1024xf32, #tpu.memory_space<vmem>>, vector<16xf32>,
        tpu.vector_store %arg12[%swap3A_680, %swap3A_681], %get3A_679 {add = true, strides = array<i32>} : memref<16x1024xf32, #tpu.memory_space<vmem>>, vector<16xf32>,
        %get3A_683 = arith.index_cast %scan3A_318 : i32 to index
        %get3A_684 = arith.constant 976 : index
        %get3A_685 = tpu.vector_load %arg16[%get3A_683, %get3A_684] {strides = array<i32>} : memref<16x1024xf32, #tpu.memory_space<vmem>>, vector<16xf32>,
        %swap3A_686 = arith.index_cast %scan3A_318 : i32 to index
        %swap3A_687 = arith.constant 976 : index
        %swap3A_688 = tpu.vector_load %arg12[%swap3A_686, %swap3A_687] {strides = array<i32>} : memref<16x1024xf32, #tpu.memory_space<vmem>>, vector<16xf32>,
        tpu.vector_store %arg12[%swap3A_686, %swap3A_687], %get3A_685 {add = true, strides = array<i32>} : memref<16x1024xf32, #tpu.memory_space<vmem>>, vector<16xf32>,
        %get3A_689 = arith.index_cast %scan3A_318 : i32 to index
        %get3A_690 = arith.constant 992 : index
        %get3A_691 = tpu.vector_load %arg16[%get3A_689, %get3A_690] {strides = array<i32>} : memref<16x1024xf32, #tpu.memory_space<vmem>>, vector<16xf32>,
        %swap3A_692 = arith.index_cast %scan3A_318 : i32 to index
        %swap3A_693 = arith.constant 992 : index
        %swap3A_694 = tpu.vector_load %arg12[%swap3A_692, %swap3A_693] {strides = array<i32>} : memref<16x1024xf32, #tpu.memory_space<vmem>>, vector<16xf32>,
        tpu.vector_store %arg12[%swap3A_692, %swap3A_693], %get3A_691 {add = true, strides = array<i32>} : memref<16x1024xf32, #tpu.memory_space<vmem>>, vector<16xf32>,
        %get3A_695 = arith.index_cast %scan3A_318 : i32 to index
        %get3A_696 = arith.constant 1008 : index
        %get3A_697 = tpu.vector_load %arg16[%get3A_695, %get3A_696] {strides = array<i32>} : memref<16x1024xf32, #tpu.memory_space<vmem>>, vector<16xf32>,
        %swap3A_698 = arith.index_cast %scan3A_318 : i32 to index
        %swap3A_699 = arith.constant 1008 : index
        %swap3A_700 = tpu.vector_load %arg12[%swap3A_698, %swap3A_699] {strides = array<i32>} : memref<16x1024xf32, #tpu.memory_space<vmem>>, vector<16xf32>,
        tpu.vector_store %arg12[%swap3A_698, %swap3A_699], %get3A_697 {add = true, strides = array<i32>} : memref<16x1024xf32, #tpu.memory_space<vmem>>, vector<16xf32>,
      }
      %scan3A_201 = arith.constant 16 : i32
      %mul3A_202 = arith.constant 16 : i32
      %mul3A_203 = arith.muli %mul3A_111, %mul3A_202 : i32
      %add3A_204 = arith.addi %mul3A_2, %mul3A_203 : i32
      %dma_start3A_205 = arith.constant 0 : i32
      %dma_start3A_206 = tpu.memref_slice %arg9[%add3A_204, %dma_start3A_205] : memref<32768x1024xf32, #tpu.memory_space<hbm>> -> memref<16x1024xf32, #tpu.memory_space<hbm>>
      %dma_start3A_207 = arith.constant 0 : i32
      %dma_start3A_208 = tpu.memref_slice %arg9[%add3A_204, %dma_start3A_207] : memref<32768x1024xf32, #tpu.memory_space<hbm>> -> memref<16x1024xf32, #tpu.memory_space<hbm>>
      tpu.enqueue_dma source(%arg12 : memref<16x1024xf32, #tpu.memory_space<vmem>>) target(%dma_start3A_208 : memref<16x1024xf32, #tpu.memory_space<hbm>>) target_semaphore(%arg30 : memref<!tpu.dma_semaphore, #tpu.memory_space<semaphore_mem>>)
      %convert_element_type3A_209 = arith.extui %lt3A_112 : i1 to i32
      %cond3A_210 = arith.constant 0 : i32
      %cond3A_211 = arith.cmpi ne, %convert_element_type3A_209, %cond3A_210 : i32
      scf.if %cond3A_211 {
        %add3A_318 = arith.constant 2 : i32
        %add3A_319 = arith.addi %mul3A_111, %add3A_318 : i32
        %mul3A_320 = arith.constant 16 : i32
        %mul3A_321 = arith.muli %add3A_319, %mul3A_320 : i32
        %dma_start3A_322 = arith.constant 0 : i32
        %dma_start3A_323 = arith.constant 0 : i32
        %dma_start3A_324 = arith.constant 0 : i32
        %dma_start3A_325 = tpu.memref_slice %arg14[%dma_start3A_323, %dma_start3A_324] : memref<16x1024xf32, #tpu.memory_space<vmem>> -> memref<16x512xf32, #tpu.memory_space<vmem>>
        %dma_start3A_326 = tpu.memref_slice %arg11[%dma_start3A_322, %mul3A_321] : memref<6x1024xi32, #tpu.memory_space<vmem>> -> memref<1x16xi32, #tpu.memory_space<vmem>>
        %dma_start3A_327 = tpu.memref_squeeze %dma_start3A_326 : memref<1x16xi32, #tpu.memory_space<vmem>> -> memref<16xi32, #tpu.memory_space<vmem>>
        %dma_start3A_328 = arith.constant 0 : i32
        %dma_start3A_329 = arith.constant 0 : i32
        %dma_start3A_330 = tpu.memref_slice %arg3[%dma_start3A_328, %dma_start3A_329] : memref<1024x512xf32, #tpu.memory_space<hbm>> -> memref<1024x512xf32, #tpu.memory_space<hbm>>
        tpu.enqueue_indirect_dma source(%dma_start3A_330 : memref<1024x512xf32, #tpu.memory_space<hbm>>) target(%dma_start3A_325 : memref<16x512xf32, #tpu.memory_space<vmem>>) offsets(%dma_start3A_327 : memref<16xi32, #tpu.memory_space<vmem>>) semaphore(%arg19 : memref<!tpu.dma_semaphore, #tpu.memory_space<semaphore_mem>>)
        %dma_start3A_331 = arith.constant 2 : i32
        %dma_start3A_332 = arith.constant 0 : i32
        %dma_start3A_333 = arith.constant 512 : i32
        %dma_start3A_334 = tpu.memref_slice %arg14[%dma_start3A_332, %dma_start3A_333] : memref<16x1024xf32, #tpu.memory_space<vmem>> -> memref<16x512xf32, #tpu.memory_space<vmem>>
        %dma_start3A_335 = tpu.memref_slice %arg11[%dma_start3A_331, %mul3A_321] : memref<6x1024xi32, #tpu.memory_space<vmem>> -> memref<1x16xi32, #tpu.memory_space<vmem>>
        %dma_start3A_336 = tpu.memref_squeeze %dma_start3A_335 : memref<1x16xi32, #tpu.memory_space<vmem>> -> memref<16xi32, #tpu.memory_space<vmem>>
        %dma_start3A_337 = arith.constant 0 : i32
        %dma_start3A_338 = arith.constant 0 : i32
        %dma_start3A_339 = tpu.memref_slice %arg4[%dma_start3A_337, %dma_start3A_338] : memref<1024x512xf32, #tpu.memory_space<hbm>> -> memref<1024x512xf32, #tpu.memory_space<hbm>>
        tpu.enqueue_indirect_dma source(%dma_start3A_339 : memref<1024x512xf32, #tpu.memory_space<hbm>>) target(%dma_start3A_334 : memref<16x512xf32, #tpu.memory_space<vmem>>) offsets(%dma_start3A_336 : memref<16xi32, #tpu.memory_space<vmem>>) semaphore(%arg20 : memref<!tpu.dma_semaphore, #tpu.memory_space<semaphore_mem>>)
        %dma_start3A_340 = arith.constant 1 : i32
        %dma_start3A_341 = arith.constant 0 : i32
        %dma_start3A_342 = arith.constant 0 : i32
        %dma_start3A_343 = tpu.memref_slice %arg16[%dma_start3A_341, %dma_start3A_342] : memref<16x1024xf32, #tpu.memory_space<vmem>> -> memref<16x512xf32, #tpu.memory_space<vmem>>
        %dma_start3A_344 = tpu.memref_slice %arg11[%dma_start3A_340, %mul3A_321] : memref<6x1024xi32, #tpu.memory_space<vmem>> -> memref<1x16xi32, #tpu.memory_space<vmem>>
        %dma_start3A_345 = tpu.memref_squeeze %dma_start3A_344 : memref<1x16xi32, #tpu.memory_space<vmem>> -> memref<16xi32, #tpu.memory_space<vmem>>
        %dma_start3A_346 = arith.constant 0 : i32
        %dma_start3A_347 = arith.constant 0 : i32
        %dma_start3A_348 = tpu.memref_slice %arg5[%dma_start3A_346, %dma_start3A_347] : memref<1024x512xf32, #tpu.memory_space<hbm>> -> memref<1024x512xf32, #tpu.memory_space<hbm>>
        tpu.enqueue_indirect_dma source(%dma_start3A_348 : memref<1024x512xf32, #tpu.memory_space<hbm>>) target(%dma_start3A_343 : memref<16x512xf32, #tpu.memory_space<vmem>>) offsets(%dma_start3A_345 : memref<16xi32, #tpu.memory_space<vmem>>) semaphore(%arg21 : memref<!tpu.dma_semaphore, #tpu.memory_space<semaphore_mem>>)
        %dma_start3A_349 = arith.constant 3 : i32
        %dma_start3A_350 = arith.constant 0 : i32
        %dma_start3A_351 = arith.constant 512 : i32
        %dma_start3A_352 = tpu.memref_slice %arg16[%dma_start3A_350, %dma_start3A_351] : memref<16x1024xf32, #tpu.memory_space<vmem>> -> memref<16x512xf32, #tpu.memory_space<vmem>>
        %dma_start3A_353 = tpu.memref_slice %arg11[%dma_start3A_349, %mul3A_321] : memref<6x1024xi32, #tpu.memory_space<vmem>> -> memref<1x16xi32, #tpu.memory_space<vmem>>
        %dma_start3A_354 = tpu.memref_squeeze %dma_start3A_353 : memref<1x16xi32, #tpu.memory_space<vmem>> -> memref<16xi32, #tpu.memory_space<vmem>>
        %dma_start3A_355 = arith.constant 0 : i32
        %dma_start3A_356 = arith.constant 0 : i32
        %dma_start3A_357 = tpu.memref_slice %arg6[%dma_start3A_355, %dma_start3A_356] : memref<1024x512xf32, #tpu.memory_space<hbm>> -> memref<1024x512xf32, #tpu.memory_space<hbm>>
        tpu.enqueue_indirect_dma source(%dma_start3A_357 : memref<1024x512xf32, #tpu.memory_space<hbm>>) target(%dma_start3A_352 : memref<16x512xf32, #tpu.memory_space<vmem>>) offsets(%dma_start3A_354 : memref<16xi32, #tpu.memory_space<vmem>>) semaphore(%arg22 : memref<!tpu.dma_semaphore, #tpu.memory_space<semaphore_mem>>)
      } else {
      }
      %add3A_212 = arith.constant 1 : i32
      %add3A_213 = arith.addi %mul3A_111, %add3A_212 : i32
      %lt3A_214 = arith.constant 31 : i32
      %lt3A_215 = arith.cmpi slt, %scan3A_109, %lt3A_214 : i32
      %gt3A_216 = arith.constant 0 : i32
      %gt3A_217 = arith.cmpi sgt, %scan3A_109, %gt3A_216 : i32
      %convert_element_type3A_218 = arith.extui %gt3A_217 : i1 to i32
      %cond3A_219 = arith.constant 0 : i32
      %cond3A_220 = arith.cmpi ne, %convert_element_type3A_218, %cond3A_219 : i32
      scf.if %cond3A_220 {
        %dma_wait3A_318 = arith.constant 0 : i32
        %dma_wait3A_319 = tpu.memref_slice %arg9[%mul3A_2, %dma_wait3A_318] : memref<32768x1024xf32, #tpu.memory_space<hbm>> -> memref<16x1024xf32, #tpu.memory_space<hbm>>
        %dma_wait3A_320 = arith.constant 0 : i32
        %dma_wait3A_321 = tpu.memref_slice %arg9[%mul3A_2, %dma_wait3A_320] : memref<32768x1024xf32, #tpu.memory_space<hbm>> -> memref<16x1024xf32, #tpu.memory_space<hbm>>
        tpu.wait_dma2 semaphore(%arg31 : memref<!tpu.dma_semaphore, #tpu.memory_space<semaphore_mem>>) src(%arg13 : memref<16x1024xf32, #tpu.memory_space<vmem>>) dst(%dma_wait3A_321 : memref<16x1024xf32, #tpu.memory_space<hbm>>)
      } else {
      }
      %dma_wait3A_221 = arith.constant 0 : i32
      %dma_wait3A_222 = arith.constant 0 : i32
      %dma_wait3A_223 = arith.constant 0 : i32
      %dma_wait3A_224 = tpu.memref_slice %arg15[%dma_wait3A_222, %dma_wait3A_223] : memref<16x1024xf32, #tpu.memory_space<vmem>> -> memref<16x512xf32, #tpu.memory_space<vmem>>
      %dma_wait3A_225 = arith.constant 0 : i32
      %dma_wait3A_226 = tpu.memref_slice %arg11[%dma_wait3A_221, %dma_wait3A_225] : memref<6x1024xi32, #tpu.memory_space<vmem>> -> memref<1x16xi32, #tpu.memory_space<vmem>>
      %dma_wait3A_227 = tpu.memref_squeeze %dma_wait3A_226 : memref<1x16xi32, #tpu.memory_space<vmem>> -> memref<16xi32, #tpu.memory_space<vmem>>
      %dma_wait3A_228 = arith.constant 0 : i32
      %dma_wait3A_229 = arith.constant 0 : i32
      %dma_wait3A_230 = tpu.memref_slice %arg3[%dma_wait3A_228, %dma_wait3A_229] : memref<1024x512xf32, #tpu.memory_space<hbm>> -> memref<1024x512xf32, #tpu.memory_space<hbm>>
      tpu.wait_indirect_dma semaphore(%arg23 : memref<!tpu.dma_semaphore, #tpu.memory_space<semaphore_mem>>) src(%dma_wait3A_230 : memref<1024x512xf32, #tpu.memory_space<hbm>>) dst(%dma_wait3A_224 : memref<16x512xf32, #tpu.memory_space<vmem>>)
      %dma_wait3A_231 = arith.constant 2 : i32
      %dma_wait3A_232 = arith.constant 0 : i32
      %dma_wait3A_233 = arith.constant 512 : i32
      %dma_wait3A_234 = tpu.memref_slice %arg15[%dma_wait3A_232, %dma_wait3A_233] : memref<16x1024xf32, #tpu.memory_space<vmem>> -> memref<16x512xf32, #tpu.memory_space<vmem>>
      %dma_wait3A_235 = arith.constant 0 : i32
      %dma_wait3A_236 = tpu.memref_slice %arg11[%dma_wait3A_231, %dma_wait3A_235] : memref<6x1024xi32, #tpu.memory_space<vmem>> -> memref<1x16xi32, #tpu.memory_space<vmem>>
      %dma_wait3A_237 = tpu.memref_squeeze %dma_wait3A_236 : memref<1x16xi32, #tpu.memory_space<vmem>> -> memref<16xi32, #tpu.memory_space<vmem>>
      %dma_wait3A_238 = arith.constant 0 : i32
      %dma_wait3A_239 = arith.constant 0 : i32
      %dma_wait3A_240 = tpu.memref_slice %arg4[%dma_wait3A_238, %dma_wait3A_239] : memref<1024x512xf32, #tpu.memory_space<hbm>> -> memref<1024x512xf32, #tpu.memory_space<hbm>>
      tpu.wait_indirect_dma semaphore(%arg24 : memref<!tpu.dma_semaphore, #tpu.memory_space<semaphore_mem>>) src(%dma_wait3A_240 : memref<1024x512xf32, #tpu.memory_space<hbm>>) dst(%dma_wait3A_234 : memref<16x512xf32, #tpu.memory_space<vmem>>)
      %dma_wait3A_241 = arith.constant 1 : i32
      %dma_wait3A_242 = arith.constant 0 : i32
      %dma_wait3A_243 = arith.constant 0 : i32
      %dma_wait3A_244 = tpu.memref_slice %arg17[%dma_wait3A_242, %dma_wait3A_243] : memref<16x1024xf32, #tpu.memory_space<vmem>> -> memref<16x512xf32, #tpu.memory_space<vmem>>
      %dma_wait3A_245 = arith.constant 0 : i32
      %dma_wait3A_246 = tpu.memref_slice %arg11[%dma_wait3A_241, %dma_wait3A_245] : memref<6x1024xi32, #tpu.memory_space<vmem>> -> memref<1x16xi32, #tpu.memory_space<vmem>>
      %dma_wait3A_247 = tpu.memref_squeeze %dma_wait3A_246 : memref<1x16xi32, #tpu.memory_space<vmem>> -> memref<16xi32, #tpu.memory_space<vmem>>
      %dma_wait3A_248 = arith.constant 0 : i32
      %dma_wait3A_249 = arith.constant 0 : i32
      %dma_wait3A_250 = tpu.memref_slice %arg5[%dma_wait3A_248, %dma_wait3A_249] : memref<1024x512xf32, #tpu.memory_space<hbm>> -> memref<1024x512xf32, #tpu.memory_space<hbm>>
      tpu.wait_indirect_dma semaphore(%arg25 : memref<!tpu.dma_semaphore, #tpu.memory_space<semaphore_mem>>) src(%dma_wait3A_250 : memref<1024x512xf32, #tpu.memory_space<hbm>>) dst(%dma_wait3A_244 : memref<16x512xf32, #tpu.memory_space<vmem>>)
      %dma_wait3A_251 = arith.constant 3 : i32
      %dma_wait3A_252 = arith.constant 0 : i32
      %dma_wait3A_253 = arith.constant 512 : i32
      %dma_wait3A_254 = tpu.memref_slice %arg17[%dma_wait3A_252, %dma_wait3A_253] : memref<16x1024xf32, #tpu.memory_space<vmem>> -> memref<16x512xf32, #tpu.memory_space<vmem>>
      %dma_wait3A_255 = arith.constant 0 : i32
      %dma_wait3A_256 = tpu.memref_slice %arg11[%dma_wait3A_251, %dma_wait3A_255] : memref<6x1024xi32, #tpu.memory_space<vmem>> -> memref<1x16xi32, #tpu.memory_space<vmem>>
      %dma_wait3A_257 = tpu.memref_squeeze %dma_wait3A_256 : memref<1x16xi32, #tpu.memory_space<vmem>> -> memref<16xi32, #tpu.memory_space<vmem>>
      %dma_wait3A_258 = arith.constant 0 : i32
      %dma_wait3A_259 = arith.constant 0 : i32
      %dma_wait3A_260 = tpu.memref_slice %arg6[%dma_wait3A_258, %dma_wait3A_259] : memref<1024x512xf32, #tpu.memory_space<hbm>> -> memref<1024x512xf32, #tpu.memory_space<hbm>>
      tpu.wait_indirect_dma semaphore(%arg26 : memref<!tpu.dma_semaphore, #tpu.memory_space<semaphore_mem>>) src(%dma_wait3A_260 : memref<1024x512xf32, #tpu.memory_space<hbm>>) dst(%dma_wait3A_254 : memref<16x512xf32, #tpu.memory_space<vmem>>)
      %scan3A_261 = arith.constant 0 : i32
      %scan3A_262 = arith.constant 0 : i32
      %scan3A_263 = arith.constant 16 : i32
      %scan3A_264 = arith.addi %scan3A_262, %scan3A_263 : i32
      %scan3A_265 = arith.constant 1 : i32
      scf.for %scan3A_318 = %scan3A_262 to %scan3A_264 step %scan3A_265  : i32 {
        %get3A = arith.index_cast %scan3A_318 : i32 to index
        %get3A_319 = arith.constant 0 : index
        %get3A_320 = tpu.vector_load %arg15[%get3A, %get3A_319] {strides = array<i32>} : memref<16x1024xf32, #tpu.memory_space<vmem>>, vector<16xf32>,
        %get3A_321 = arith.index_cast %scan3A_318 : i32 to index
        %get3A_322 = arith.constant 0 : index
        %get3A_323 = tpu.vector_load %arg17[%get3A_321, %get3A_322] {strides = array<i32>} : memref<16x1024xf32, #tpu.memory_space<vmem>>, vector<16xf32>,
        %add3A_324 = arith.addf %get3A_320, %get3A_323 : vector<16xf32>
        %swap3A = arith.index_cast %scan3A_318 : i32 to index
        %swap3A_325 = arith.constant 0 : index
        %swap3A_326 = tpu.vector_load %arg13[%swap3A, %swap3A_325] {strides = array<i32>} : memref<16x1024xf32, #tpu.memory_space<vmem>>, vector<16xf32>,
        tpu.vector_store %arg13[%swap3A, %swap3A_325], %add3A_324 {strides = array<i32>} : memref<16x1024xf32, #tpu.memory_space<vmem>>, vector<16xf32>,
        %get3A_327 = arith.index_cast %scan3A_318 : i32 to index
        %get3A_328 = arith.constant 16 : index
        %get3A_329 = tpu.vector_load %arg15[%get3A_327, %get3A_328] {strides = array<i32>} : memref<16x1024xf32, #tpu.memory_space<vmem>>, vector<16xf32>,
        %get3A_330 = arith.index_cast %scan3A_318 : i32 to index
        %get3A_331 = arith.constant 16 : index
        %get3A_332 = tpu.vector_load %arg17[%get3A_330, %get3A_331] {strides = array<i32>} : memref<16x1024xf32, #tpu.memory_space<vmem>>, vector<16xf32>,
        %add3A_333 = arith.addf %get3A_329, %get3A_332 : vector<16xf32>
        %swap3A_334 = arith.index_cast %scan3A_318 : i32 to index
        %swap3A_335 = arith.constant 16 : index
        %swap3A_336 = tpu.vector_load %arg13[%swap3A_334, %swap3A_335] {strides = array<i32>} : memref<16x1024xf32, #tpu.memory_space<vmem>>, vector<16xf32>,
        tpu.vector_store %arg13[%swap3A_334, %swap3A_335], %add3A_333 {strides = array<i32>} : memref<16x1024xf32, #tpu.memory_space<vmem>>, vector<16xf32>,
        %get3A_337 = arith.index_cast %scan3A_318 : i32 to index
        %get3A_338 = arith.constant 32 : index
        %get3A_339 = tpu.vector_load %arg15[%get3A_337, %get3A_338] {strides = array<i32>} : memref<16x1024xf32, #tpu.memory_space<vmem>>, vector<16xf32>,
        %get3A_340 = arith.index_cast %scan3A_318 : i32 to index
        %get3A_341 = arith.constant 32 : index
        %get3A_342 = tpu.vector_load %arg17[%get3A_340, %get3A_341] {strides = array<i32>} : memref<16x1024xf32, #tpu.memory_space<vmem>>, vector<16xf32>,
        %add3A_343 = arith.addf %get3A_339, %get3A_342 : vector<16xf32>
        %swap3A_344 = arith.index_cast %scan3A_318 : i32 to index
        %swap3A_345 = arith.constant 32 : index
        %swap3A_346 = tpu.vector_load %arg13[%swap3A_344, %swap3A_345] {strides = array<i32>} : memref<16x1024xf32, #tpu.memory_space<vmem>>, vector<16xf32>,
        tpu.vector_store %arg13[%swap3A_344, %swap3A_345], %add3A_343 {strides = array<i32>} : memref<16x1024xf32, #tpu.memory_space<vmem>>, vector<16xf32>,
        %get3A_347 = arith.index_cast %scan3A_318 : i32 to index
        %get3A_348 = arith.constant 48 : index
        %get3A_349 = tpu.vector_load %arg15[%get3A_347, %get3A_348] {strides = array<i32>} : memref<16x1024xf32, #tpu.memory_space<vmem>>, vector<16xf32>,
        %get3A_350 = arith.index_cast %scan3A_318 : i32 to index
        %get3A_351 = arith.constant 48 : index
        %get3A_352 = tpu.vector_load %arg17[%get3A_350, %get3A_351] {strides = array<i32>} : memref<16x1024xf32, #tpu.memory_space<vmem>>, vector<16xf32>,
        %add3A_353 = arith.addf %get3A_349, %get3A_352 : vector<16xf32>
        %swap3A_354 = arith.index_cast %scan3A_318 : i32 to index
        %swap3A_355 = arith.constant 48 : index
        %swap3A_356 = tpu.vector_load %arg13[%swap3A_354, %swap3A_355] {strides = array<i32>} : memref<16x1024xf32, #tpu.memory_space<vmem>>, vector<16xf32>,
        tpu.vector_store %arg13[%swap3A_354, %swap3A_355], %add3A_353 {strides = array<i32>} : memref<16x1024xf32, #tpu.memory_space<vmem>>, vector<16xf32>,
        %get3A_357 = arith.index_cast %scan3A_318 : i32 to index
        %get3A_358 = arith.constant 64 : index
        %get3A_359 = tpu.vector_load %arg15[%get3A_357, %get3A_358] {strides = array<i32>} : memref<16x1024xf32, #tpu.memory_space<vmem>>, vector<16xf32>,
        %get3A_360 = arith.index_cast %scan3A_318 : i32 to index
        %get3A_361 = arith.constant 64 : index
        %get3A_362 = tpu.vector_load %arg17[%get3A_360, %get3A_361] {strides = array<i32>} : memref<16x1024xf32, #tpu.memory_space<vmem>>, vector<16xf32>,
        %add3A_363 = arith.addf %get3A_359, %get3A_362 : vector<16xf32>
        %swap3A_364 = arith.index_cast %scan3A_318 : i32 to index
        %swap3A_365 = arith.constant 64 : index
        %swap3A_366 = tpu.vector_load %arg13[%swap3A_364, %swap3A_365] {strides = array<i32>} : memref<16x1024xf32, #tpu.memory_space<vmem>>, vector<16xf32>,
        tpu.vector_store %arg13[%swap3A_364, %swap3A_365], %add3A_363 {strides = array<i32>} : memref<16x1024xf32, #tpu.memory_space<vmem>>, vector<16xf32>,
        %get3A_367 = arith.index_cast %scan3A_318 : i32 to index
        %get3A_368 = arith.constant 80 : index
        %get3A_369 = tpu.vector_load %arg15[%get3A_367, %get3A_368] {strides = array<i32>} : memref<16x1024xf32, #tpu.memory_space<vmem>>, vector<16xf32>,
        %get3A_370 = arith.index_cast %scan3A_318 : i32 to index
        %get3A_371 = arith.constant 80 : index
        %get3A_372 = tpu.vector_load %arg17[%get3A_370, %get3A_371] {strides = array<i32>} : memref<16x1024xf32, #tpu.memory_space<vmem>>, vector<16xf32>,
        %add3A_373 = arith.addf %get3A_369, %get3A_372 : vector<16xf32>
        %swap3A_374 = arith.index_cast %scan3A_318 : i32 to index
        %swap3A_375 = arith.constant 80 : index
        %swap3A_376 = tpu.vector_load %arg13[%swap3A_374, %swap3A_375] {strides = array<i32>} : memref<16x1024xf32, #tpu.memory_space<vmem>>, vector<16xf32>,
        tpu.vector_store %arg13[%swap3A_374, %swap3A_375], %add3A_373 {strides = array<i32>} : memref<16x1024xf32, #tpu.memory_space<vmem>>, vector<16xf32>,
        %get3A_377 = arith.index_cast %scan3A_318 : i32 to index
        %get3A_378 = arith.constant 96 : index
        %get3A_379 = tpu.vector_load %arg15[%get3A_377, %get3A_378] {strides = array<i32>} : memref<16x1024xf32, #tpu.memory_space<vmem>>, vector<16xf32>,
        %get3A_380 = arith.index_cast %scan3A_318 : i32 to index
        %get3A_381 = arith.constant 96 : index
        %get3A_382 = tpu.vector_load %arg17[%get3A_380, %get3A_381] {strides = array<i32>} : memref<16x1024xf32, #tpu.memory_space<vmem>>, vector<16xf32>,
        %add3A_383 = arith.addf %get3A_379, %get3A_382 : vector<16xf32>
        %swap3A_384 = arith.index_cast %scan3A_318 : i32 to index
        %swap3A_385 = arith.constant 96 : index
        %swap3A_386 = tpu.vector_load %arg13[%swap3A_384, %swap3A_385] {strides = array<i32>} : memref<16x1024xf32, #tpu.memory_space<vmem>>, vector<16xf32>,
        tpu.vector_store %arg13[%swap3A_384, %swap3A_385], %add3A_383 {strides = array<i32>} : memref<16x1024xf32, #tpu.memory_space<vmem>>, vector<16xf32>,
        %get3A_387 = arith.index_cast %scan3A_318 : i32 to index
        %get3A_388 = arith.constant 112 : index
        %get3A_389 = tpu.vector_load %arg15[%get3A_387, %get3A_388] {strides = array<i32>} : memref<16x1024xf32, #tpu.memory_space<vmem>>, vector<16xf32>,
        %get3A_390 = arith.index_cast %scan3A_318 : i32 to index
        %get3A_391 = arith.constant 112 : index
        %get3A_392 = tpu.vector_load %arg17[%get3A_390, %get3A_391] {strides = array<i32>} : memref<16x1024xf32, #tpu.memory_space<vmem>>, vector<16xf32>,
        %add3A_393 = arith.addf %get3A_389, %get3A_392 : vector<16xf32>
        %swap3A_394 = arith.index_cast %scan3A_318 : i32 to index
        %swap3A_395 = arith.constant 112 : index
        %swap3A_396 = tpu.vector_load %arg13[%swap3A_394, %swap3A_395] {strides = array<i32>} : memref<16x1024xf32, #tpu.memory_space<vmem>>, vector<16xf32>,
        tpu.vector_store %arg13[%swap3A_394, %swap3A_395], %add3A_393 {strides = array<i32>} : memref<16x1024xf32, #tpu.memory_space<vmem>>, vector<16xf32>,
        %get3A_397 = arith.index_cast %scan3A_318 : i32 to index
        %get3A_398 = arith.constant 128 : index
        %get3A_399 = tpu.vector_load %arg15[%get3A_397, %get3A_398] {strides = array<i32>} : memref<16x1024xf32, #tpu.memory_space<vmem>>, vector<16xf32>,
        %get3A_400 = arith.index_cast %scan3A_318 : i32 to index
        %get3A_401 = arith.constant 128 : index
        %get3A_402 = tpu.vector_load %arg17[%get3A_400, %get3A_401] {strides = array<i32>} : memref<16x1024xf32, #tpu.memory_space<vmem>>, vector<16xf32>,
        %add3A_403 = arith.addf %get3A_399, %get3A_402 : vector<16xf32>
        %swap3A_404 = arith.index_cast %scan3A_318 : i32 to index
        %swap3A_405 = arith.constant 128 : index
        %swap3A_406 = tpu.vector_load %arg13[%swap3A_404, %swap3A_405] {strides = array<i32>} : memref<16x1024xf32, #tpu.memory_space<vmem>>, vector<16xf32>,
        tpu.vector_store %arg13[%swap3A_404, %swap3A_405], %add3A_403 {strides = array<i32>} : memref<16x1024xf32, #tpu.memory_space<vmem>>, vector<16xf32>,
        %get3A_407 = arith.index_cast %scan3A_318 : i32 to index
        %get3A_408 = arith.constant 144 : index
        %get3A_409 = tpu.vector_load %arg15[%get3A_407, %get3A_408] {strides = array<i32>} : memref<16x1024xf32, #tpu.memory_space<vmem>>, vector<16xf32>,
        %get3A_410 = arith.index_cast %scan3A_318 : i32 to index
        %get3A_411 = arith.constant 144 : index
        %get3A_412 = tpu.vector_load %arg17[%get3A_410, %get3A_411] {strides = array<i32>} : memref<16x1024xf32, #tpu.memory_space<vmem>>, vector<16xf32>,
        %add3A_413 = arith.addf %get3A_409, %get3A_412 : vector<16xf32>
        %swap3A_414 = arith.index_cast %scan3A_318 : i32 to index
        %swap3A_415 = arith.constant 144 : index
        %swap3A_416 = tpu.vector_load %arg13[%swap3A_414, %swap3A_415] {strides = array<i32>} : memref<16x1024xf32, #tpu.memory_space<vmem>>, vector<16xf32>,
        tpu.vector_store %arg13[%swap3A_414, %swap3A_415], %add3A_413 {strides = array<i32>} : memref<16x1024xf32, #tpu.memory_space<vmem>>, vector<16xf32>,
        %get3A_417 = arith.index_cast %scan3A_318 : i32 to index
        %get3A_418 = arith.constant 160 : index
        %get3A_419 = tpu.vector_load %arg15[%get3A_417, %get3A_418] {strides = array<i32>} : memref<16x1024xf32, #tpu.memory_space<vmem>>, vector<16xf32>,
        %get3A_420 = arith.index_cast %scan3A_318 : i32 to index
        %get3A_421 = arith.constant 160 : index
        %get3A_422 = tpu.vector_load %arg17[%get3A_420, %get3A_421] {strides = array<i32>} : memref<16x1024xf32, #tpu.memory_space<vmem>>, vector<16xf32>,
        %add3A_423 = arith.addf %get3A_419, %get3A_422 : vector<16xf32>
        %swap3A_424 = arith.index_cast %scan3A_318 : i32 to index
        %swap3A_425 = arith.constant 160 : index
        %swap3A_426 = tpu.vector_load %arg13[%swap3A_424, %swap3A_425] {strides = array<i32>} : memref<16x1024xf32, #tpu.memory_space<vmem>>, vector<16xf32>,
        tpu.vector_store %arg13[%swap3A_424, %swap3A_425], %add3A_423 {strides = array<i32>} : memref<16x1024xf32, #tpu.memory_space<vmem>>, vector<16xf32>,
        %get3A_427 = arith.index_cast %scan3A_318 : i32 to index
        %get3A_428 = arith.constant 176 : index
        %get3A_429 = tpu.vector_load %arg15[%get3A_427, %get3A_428] {strides = array<i32>} : memref<16x1024xf32, #tpu.memory_space<vmem>>, vector<16xf32>,
        %get3A_430 = arith.index_cast %scan3A_318 : i32 to index
        %get3A_431 = arith.constant 176 : index
        %get3A_432 = tpu.vector_load %arg17[%get3A_430, %get3A_431] {strides = array<i32>} : memref<16x1024xf32, #tpu.memory_space<vmem>>, vector<16xf32>,
        %add3A_433 = arith.addf %get3A_429, %get3A_432 : vector<16xf32>
        %swap3A_434 = arith.index_cast %scan3A_318 : i32 to index
        %swap3A_435 = arith.constant 176 : index
        %swap3A_436 = tpu.vector_load %arg13[%swap3A_434, %swap3A_435] {strides = array<i32>} : memref<16x1024xf32, #tpu.memory_space<vmem>>, vector<16xf32>,
        tpu.vector_store %arg13[%swap3A_434, %swap3A_435], %add3A_433 {strides = array<i32>} : memref<16x1024xf32, #tpu.memory_space<vmem>>, vector<16xf32>,
        %get3A_437 = arith.index_cast %scan3A_318 : i32 to index
        %get3A_438 = arith.constant 192 : index
        %get3A_439 = tpu.vector_load %arg15[%get3A_437, %get3A_438] {strides = array<i32>} : memref<16x1024xf32, #tpu.memory_space<vmem>>, vector<16xf32>,
        %get3A_440 = arith.index_cast %scan3A_318 : i32 to index
        %get3A_441 = arith.constant 192 : index
        %get3A_442 = tpu.vector_load %arg17[%get3A_440, %get3A_441] {strides = array<i32>} : memref<16x1024xf32, #tpu.memory_space<vmem>>, vector<16xf32>,
        %add3A_443 = arith.addf %get3A_439, %get3A_442 : vector<16xf32>
        %swap3A_444 = arith.index_cast %scan3A_318 : i32 to index
        %swap3A_445 = arith.constant 192 : index
        %swap3A_446 = tpu.vector_load %arg13[%swap3A_444, %swap3A_445] {strides = array<i32>} : memref<16x1024xf32, #tpu.memory_space<vmem>>, vector<16xf32>,
        tpu.vector_store %arg13[%swap3A_444, %swap3A_445], %add3A_443 {strides = array<i32>} : memref<16x1024xf32, #tpu.memory_space<vmem>>, vector<16xf32>,
        %get3A_447 = arith.index_cast %scan3A_318 : i32 to index
        %get3A_448 = arith.constant 208 : index
        %get3A_449 = tpu.vector_load %arg15[%get3A_447, %get3A_448] {strides = array<i32>} : memref<16x1024xf32, #tpu.memory_space<vmem>>, vector<16xf32>,
        %get3A_450 = arith.index_cast %scan3A_318 : i32 to index
        %get3A_451 = arith.constant 208 : index
        %get3A_452 = tpu.vector_load %arg17[%get3A_450, %get3A_451] {strides = array<i32>} : memref<16x1024xf32, #tpu.memory_space<vmem>>, vector<16xf32>,
        %add3A_453 = arith.addf %get3A_449, %get3A_452 : vector<16xf32>
        %swap3A_454 = arith.index_cast %scan3A_318 : i32 to index
        %swap3A_455 = arith.constant 208 : index
        %swap3A_456 = tpu.vector_load %arg13[%swap3A_454, %swap3A_455] {strides = array<i32>} : memref<16x1024xf32, #tpu.memory_space<vmem>>, vector<16xf32>,
        tpu.vector_store %arg13[%swap3A_454, %swap3A_455], %add3A_453 {strides = array<i32>} : memref<16x1024xf32, #tpu.memory_space<vmem>>, vector<16xf32>,
        %get3A_457 = arith.index_cast %scan3A_318 : i32 to index
        %get3A_458 = arith.constant 224 : index
        %get3A_459 = tpu.vector_load %arg15[%get3A_457, %get3A_458] {strides = array<i32>} : memref<16x1024xf32, #tpu.memory_space<vmem>>, vector<16xf32>,
        %get3A_460 = arith.index_cast %scan3A_318 : i32 to index
        %get3A_461 = arith.constant 224 : index
        %get3A_462 = tpu.vector_load %arg17[%get3A_460, %get3A_461] {strides = array<i32>} : memref<16x1024xf32, #tpu.memory_space<vmem>>, vector<16xf32>,
        %add3A_463 = arith.addf %get3A_459, %get3A_462 : vector<16xf32>
        %swap3A_464 = arith.index_cast %scan3A_318 : i32 to index
        %swap3A_465 = arith.constant 224 : index
        %swap3A_466 = tpu.vector_load %arg13[%swap3A_464, %swap3A_465] {strides = array<i32>} : memref<16x1024xf32, #tpu.memory_space<vmem>>, vector<16xf32>,
        tpu.vector_store %arg13[%swap3A_464, %swap3A_465], %add3A_463 {strides = array<i32>} : memref<16x1024xf32, #tpu.memory_space<vmem>>, vector<16xf32>,
        %get3A_467 = arith.index_cast %scan3A_318 : i32 to index
        %get3A_468 = arith.constant 240 : index
        %get3A_469 = tpu.vector_load %arg15[%get3A_467, %get3A_468] {strides = array<i32>} : memref<16x1024xf32, #tpu.memory_space<vmem>>, vector<16xf32>,
        %get3A_470 = arith.index_cast %scan3A_318 : i32 to index
        %get3A_471 = arith.constant 240 : index
        %get3A_472 = tpu.vector_load %arg17[%get3A_470, %get3A_471] {strides = array<i32>} : memref<16x1024xf32, #tpu.memory_space<vmem>>, vector<16xf32>,
        %add3A_473 = arith.addf %get3A_469, %get3A_472 : vector<16xf32>
        %swap3A_474 = arith.index_cast %scan3A_318 : i32 to index
        %swap3A_475 = arith.constant 240 : index
        %swap3A_476 = tpu.vector_load %arg13[%swap3A_474, %swap3A_475] {strides = array<i32>} : memref<16x1024xf32, #tpu.memory_space<vmem>>, vector<16xf32>,
        tpu.vector_store %arg13[%swap3A_474, %swap3A_475], %add3A_473 {strides = array<i32>} : memref<16x1024xf32, #tpu.memory_space<vmem>>, vector<16xf32>,
        %get3A_477 = arith.index_cast %scan3A_318 : i32 to index
        %get3A_478 = arith.constant 256 : index
        %get3A_479 = tpu.vector_load %arg15[%get3A_477, %get3A_478] {strides = array<i32>} : memref<16x1024xf32, #tpu.memory_space<vmem>>, vector<16xf32>,
        %get3A_480 = arith.index_cast %scan3A_318 : i32 to index
        %get3A_481 = arith.constant 256 : index
        %get3A_482 = tpu.vector_load %arg17[%get3A_480, %get3A_481] {strides = array<i32>} : memref<16x1024xf32, #tpu.memory_space<vmem>>, vector<16xf32>,
        %add3A_483 = arith.addf %get3A_479, %get3A_482 : vector<16xf32>
        %swap3A_484 = arith.index_cast %scan3A_318 : i32 to index
        %swap3A_485 = arith.constant 256 : index
        %swap3A_486 = tpu.vector_load %arg13[%swap3A_484, %swap3A_485] {strides = array<i32>} : memref<16x1024xf32, #tpu.memory_space<vmem>>, vector<16xf32>,
        tpu.vector_store %arg13[%swap3A_484, %swap3A_485], %add3A_483 {strides = array<i32>} : memref<16x1024xf32, #tpu.memory_space<vmem>>, vector<16xf32>,
        %get3A_487 = arith.index_cast %scan3A_318 : i32 to index
        %get3A_488 = arith.constant 272 : index
        %get3A_489 = tpu.vector_load %arg15[%get3A_487, %get3A_488] {strides = array<i32>} : memref<16x1024xf32, #tpu.memory_space<vmem>>, vector<16xf32>,
        %get3A_490 = arith.index_cast %scan3A_318 : i32 to index
        %get3A_491 = arith.constant 272 : index
        %get3A_492 = tpu.vector_load %arg17[%get3A_490, %get3A_491] {strides = array<i32>} : memref<16x1024xf32, #tpu.memory_space<vmem>>, vector<16xf32>,
        %add3A_493 = arith.addf %get3A_489, %get3A_492 : vector<16xf32>
        %swap3A_494 = arith.index_cast %scan3A_318 : i32 to index
        %swap3A_495 = arith.constant 272 : index
        %swap3A_496 = tpu.vector_load %arg13[%swap3A_494, %swap3A_495] {strides = array<i32>} : memref<16x1024xf32, #tpu.memory_space<vmem>>, vector<16xf32>,
        tpu.vector_store %arg13[%swap3A_494, %swap3A_495], %add3A_493 {strides = array<i32>} : memref<16x1024xf32, #tpu.memory_space<vmem>>, vector<16xf32>,
        %get3A_497 = arith.index_cast %scan3A_318 : i32 to index
        %get3A_498 = arith.constant 288 : index
        %get3A_499 = tpu.vector_load %arg15[%get3A_497, %get3A_498] {strides = array<i32>} : memref<16x1024xf32, #tpu.memory_space<vmem>>, vector<16xf32>,
        %get3A_500 = arith.index_cast %scan3A_318 : i32 to index
        %get3A_501 = arith.constant 288 : index
        %get3A_502 = tpu.vector_load %arg17[%get3A_500, %get3A_501] {strides = array<i32>} : memref<16x1024xf32, #tpu.memory_space<vmem>>, vector<16xf32>,
        %add3A_503 = arith.addf %get3A_499, %get3A_502 : vector<16xf32>
        %swap3A_504 = arith.index_cast %scan3A_318 : i32 to index
        %swap3A_505 = arith.constant 288 : index
        %swap3A_506 = tpu.vector_load %arg13[%swap3A_504, %swap3A_505] {strides = array<i32>} : memref<16x1024xf32, #tpu.memory_space<vmem>>, vector<16xf32>,
        tpu.vector_store %arg13[%swap3A_504, %swap3A_505], %add3A_503 {strides = array<i32>} : memref<16x1024xf32, #tpu.memory_space<vmem>>, vector<16xf32>,
        %get3A_507 = arith.index_cast %scan3A_318 : i32 to index
        %get3A_508 = arith.constant 304 : index
        %get3A_509 = tpu.vector_load %arg15[%get3A_507, %get3A_508] {strides = array<i32>} : memref<16x1024xf32, #tpu.memory_space<vmem>>, vector<16xf32>,
        %get3A_510 = arith.index_cast %scan3A_318 : i32 to index
        %get3A_511 = arith.constant 304 : index
        %get3A_512 = tpu.vector_load %arg17[%get3A_510, %get3A_511] {strides = array<i32>} : memref<16x1024xf32, #tpu.memory_space<vmem>>, vector<16xf32>,
        %add3A_513 = arith.addf %get3A_509, %get3A_512 : vector<16xf32>
        %swap3A_514 = arith.index_cast %scan3A_318 : i32 to index
        %swap3A_515 = arith.constant 304 : index
        %swap3A_516 = tpu.vector_load %arg13[%swap3A_514, %swap3A_515] {strides = array<i32>} : memref<16x1024xf32, #tpu.memory_space<vmem>>, vector<16xf32>,
        tpu.vector_store %arg13[%swap3A_514, %swap3A_515], %add3A_513 {strides = array<i32>} : memref<16x1024xf32, #tpu.memory_space<vmem>>, vector<16xf32>,
        %get3A_517 = arith.index_cast %scan3A_318 : i32 to index
        %get3A_518 = arith.constant 320 : index
        %get3A_519 = tpu.vector_load %arg15[%get3A_517, %get3A_518] {strides = array<i32>} : memref<16x1024xf32, #tpu.memory_space<vmem>>, vector<16xf32>,
        %get3A_520 = arith.index_cast %scan3A_318 : i32 to index
        %get3A_521 = arith.constant 320 : index
        %get3A_522 = tpu.vector_load %arg17[%get3A_520, %get3A_521] {strides = array<i32>} : memref<16x1024xf32, #tpu.memory_space<vmem>>, vector<16xf32>,
        %add3A_523 = arith.addf %get3A_519, %get3A_522 : vector<16xf32>
        %swap3A_524 = arith.index_cast %scan3A_318 : i32 to index
        %swap3A_525 = arith.constant 320 : index
        %swap3A_526 = tpu.vector_load %arg13[%swap3A_524, %swap3A_525] {strides = array<i32>} : memref<16x1024xf32, #tpu.memory_space<vmem>>, vector<16xf32>,
        tpu.vector_store %arg13[%swap3A_524, %swap3A_525], %add3A_523 {strides = array<i32>} : memref<16x1024xf32, #tpu.memory_space<vmem>>, vector<16xf32>,
        %get3A_527 = arith.index_cast %scan3A_318 : i32 to index
        %get3A_528 = arith.constant 336 : index
        %get3A_529 = tpu.vector_load %arg15[%get3A_527, %get3A_528] {strides = array<i32>} : memref<16x1024xf32, #tpu.memory_space<vmem>>, vector<16xf32>,
        %get3A_530 = arith.index_cast %scan3A_318 : i32 to index
        %get3A_531 = arith.constant 336 : index
        %get3A_532 = tpu.vector_load %arg17[%get3A_530, %get3A_531] {strides = array<i32>} : memref<16x1024xf32, #tpu.memory_space<vmem>>, vector<16xf32>,
        %add3A_533 = arith.addf %get3A_529, %get3A_532 : vector<16xf32>
        %swap3A_534 = arith.index_cast %scan3A_318 : i32 to index
        %swap3A_535 = arith.constant 336 : index
        %swap3A_536 = tpu.vector_load %arg13[%swap3A_534, %swap3A_535] {strides = array<i32>} : memref<16x1024xf32, #tpu.memory_space<vmem>>, vector<16xf32>,
        tpu.vector_store %arg13[%swap3A_534, %swap3A_535], %add3A_533 {strides = array<i32>} : memref<16x1024xf32, #tpu.memory_space<vmem>>, vector<16xf32>,
        %get3A_537 = arith.index_cast %scan3A_318 : i32 to index
        %get3A_538 = arith.constant 352 : index
        %get3A_539 = tpu.vector_load %arg15[%get3A_537, %get3A_538] {strides = array<i32>} : memref<16x1024xf32, #tpu.memory_space<vmem>>, vector<16xf32>,
        %get3A_540 = arith.index_cast %scan3A_318 : i32 to index
        %get3A_541 = arith.constant 352 : index
        %get3A_542 = tpu.vector_load %arg17[%get3A_540, %get3A_541] {strides = array<i32>} : memref<16x1024xf32, #tpu.memory_space<vmem>>, vector<16xf32>,
        %add3A_543 = arith.addf %get3A_539, %get3A_542 : vector<16xf32>
        %swap3A_544 = arith.index_cast %scan3A_318 : i32 to index
        %swap3A_545 = arith.constant 352 : index
        %swap3A_546 = tpu.vector_load %arg13[%swap3A_544, %swap3A_545] {strides = array<i32>} : memref<16x1024xf32, #tpu.memory_space<vmem>>, vector<16xf32>,
        tpu.vector_store %arg13[%swap3A_544, %swap3A_545], %add3A_543 {strides = array<i32>} : memref<16x1024xf32, #tpu.memory_space<vmem>>, vector<16xf32>,
        %get3A_547 = arith.index_cast %scan3A_318 : i32 to index
        %get3A_548 = arith.constant 368 : index
        %get3A_549 = tpu.vector_load %arg15[%get3A_547, %get3A_548] {strides = array<i32>} : memref<16x1024xf32, #tpu.memory_space<vmem>>, vector<16xf32>,
        %get3A_550 = arith.index_cast %scan3A_318 : i32 to index
        %get3A_551 = arith.constant 368 : index
        %get3A_552 = tpu.vector_load %arg17[%get3A_550, %get3A_551] {strides = array<i32>} : memref<16x1024xf32, #tpu.memory_space<vmem>>, vector<16xf32>,
        %add3A_553 = arith.addf %get3A_549, %get3A_552 : vector<16xf32>
        %swap3A_554 = arith.index_cast %scan3A_318 : i32 to index
        %swap3A_555 = arith.constant 368 : index
        %swap3A_556 = tpu.vector_load %arg13[%swap3A_554, %swap3A_555] {strides = array<i32>} : memref<16x1024xf32, #tpu.memory_space<vmem>>, vector<16xf32>,
        tpu.vector_store %arg13[%swap3A_554, %swap3A_555], %add3A_553 {strides = array<i32>} : memref<16x1024xf32, #tpu.memory_space<vmem>>, vector<16xf32>,
        %get3A_557 = arith.index_cast %scan3A_318 : i32 to index
        %get3A_558 = arith.constant 384 : index
        %get3A_559 = tpu.vector_load %arg15[%get3A_557, %get3A_558] {strides = array<i32>} : memref<16x1024xf32, #tpu.memory_space<vmem>>, vector<16xf32>,
        %get3A_560 = arith.index_cast %scan3A_318 : i32 to index
        %get3A_561 = arith.constant 384 : index
        %get3A_562 = tpu.vector_load %arg17[%get3A_560, %get3A_561] {strides = array<i32>} : memref<16x1024xf32, #tpu.memory_space<vmem>>, vector<16xf32>,
        %add3A_563 = arith.addf %get3A_559, %get3A_562 : vector<16xf32>
        %swap3A_564 = arith.index_cast %scan3A_318 : i32 to index
        %swap3A_565 = arith.constant 384 : index
        %swap3A_566 = tpu.vector_load %arg13[%swap3A_564, %swap3A_565] {strides = array<i32>} : memref<16x1024xf32, #tpu.memory_space<vmem>>, vector<16xf32>,
        tpu.vector_store %arg13[%swap3A_564, %swap3A_565], %add3A_563 {strides = array<i32>} : memref<16x1024xf32, #tpu.memory_space<vmem>>, vector<16xf32>,
        %get3A_567 = arith.index_cast %scan3A_318 : i32 to index
        %get3A_568 = arith.constant 400 : index
        %get3A_569 = tpu.vector_load %arg15[%get3A_567, %get3A_568] {strides = array<i32>} : memref<16x1024xf32, #tpu.memory_space<vmem>>, vector<16xf32>,
        %get3A_570 = arith.index_cast %scan3A_318 : i32 to index
        %get3A_571 = arith.constant 400 : index
        %get3A_572 = tpu.vector_load %arg17[%get3A_570, %get3A_571] {strides = array<i32>} : memref<16x1024xf32, #tpu.memory_space<vmem>>, vector<16xf32>,
        %add3A_573 = arith.addf %get3A_569, %get3A_572 : vector<16xf32>
        %swap3A_574 = arith.index_cast %scan3A_318 : i32 to index
        %swap3A_575 = arith.constant 400 : index
        %swap3A_576 = tpu.vector_load %arg13[%swap3A_574, %swap3A_575] {strides = array<i32>} : memref<16x1024xf32, #tpu.memory_space<vmem>>, vector<16xf32>,
        tpu.vector_store %arg13[%swap3A_574, %swap3A_575], %add3A_573 {strides = array<i32>} : memref<16x1024xf32, #tpu.memory_space<vmem>>, vector<16xf32>,
        %get3A_577 = arith.index_cast %scan3A_318 : i32 to index
        %get3A_578 = arith.constant 416 : index
        %get3A_579 = tpu.vector_load %arg15[%get3A_577, %get3A_578] {strides = array<i32>} : memref<16x1024xf32, #tpu.memory_space<vmem>>, vector<16xf32>,
        %get3A_580 = arith.index_cast %scan3A_318 : i32 to index
        %get3A_581 = arith.constant 416 : index
        %get3A_582 = tpu.vector_load %arg17[%get3A_580, %get3A_581] {strides = array<i32>} : memref<16x1024xf32, #tpu.memory_space<vmem>>, vector<16xf32>,
        %add3A_583 = arith.addf %get3A_579, %get3A_582 : vector<16xf32>
        %swap3A_584 = arith.index_cast %scan3A_318 : i32 to index
        %swap3A_585 = arith.constant 416 : index
        %swap3A_586 = tpu.vector_load %arg13[%swap3A_584, %swap3A_585] {strides = array<i32>} : memref<16x1024xf32, #tpu.memory_space<vmem>>, vector<16xf32>,
        tpu.vector_store %arg13[%swap3A_584, %swap3A_585], %add3A_583 {strides = array<i32>} : memref<16x1024xf32, #tpu.memory_space<vmem>>, vector<16xf32>,
        %get3A_587 = arith.index_cast %scan3A_318 : i32 to index
        %get3A_588 = arith.constant 432 : index
        %get3A_589 = tpu.vector_load %arg15[%get3A_587, %get3A_588] {strides = array<i32>} : memref<16x1024xf32, #tpu.memory_space<vmem>>, vector<16xf32>,
        %get3A_590 = arith.index_cast %scan3A_318 : i32 to index
        %get3A_591 = arith.constant 432 : index
        %get3A_592 = tpu.vector_load %arg17[%get3A_590, %get3A_591] {strides = array<i32>} : memref<16x1024xf32, #tpu.memory_space<vmem>>, vector<16xf32>,
        %add3A_593 = arith.addf %get3A_589, %get3A_592 : vector<16xf32>
        %swap3A_594 = arith.index_cast %scan3A_318 : i32 to index
        %swap3A_595 = arith.constant 432 : index
        %swap3A_596 = tpu.vector_load %arg13[%swap3A_594, %swap3A_595] {strides = array<i32>} : memref<16x1024xf32, #tpu.memory_space<vmem>>, vector<16xf32>,
        tpu.vector_store %arg13[%swap3A_594, %swap3A_595], %add3A_593 {strides = array<i32>} : memref<16x1024xf32, #tpu.memory_space<vmem>>, vector<16xf32>,
        %get3A_597 = arith.index_cast %scan3A_318 : i32 to index
        %get3A_598 = arith.constant 448 : index
        %get3A_599 = tpu.vector_load %arg15[%get3A_597, %get3A_598] {strides = array<i32>} : memref<16x1024xf32, #tpu.memory_space<vmem>>, vector<16xf32>,
        %get3A_600 = arith.index_cast %scan3A_318 : i32 to index
        %get3A_601 = arith.constant 448 : index
        %get3A_602 = tpu.vector_load %arg17[%get3A_600, %get3A_601] {strides = array<i32>} : memref<16x1024xf32, #tpu.memory_space<vmem>>, vector<16xf32>,
        %add3A_603 = arith.addf %get3A_599, %get3A_602 : vector<16xf32>
        %swap3A_604 = arith.index_cast %scan3A_318 : i32 to index
        %swap3A_605 = arith.constant 448 : index
        %swap3A_606 = tpu.vector_load %arg13[%swap3A_604, %swap3A_605] {strides = array<i32>} : memref<16x1024xf32, #tpu.memory_space<vmem>>, vector<16xf32>,
        tpu.vector_store %arg13[%swap3A_604, %swap3A_605], %add3A_603 {strides = array<i32>} : memref<16x1024xf32, #tpu.memory_space<vmem>>, vector<16xf32>,
        %get3A_607 = arith.index_cast %scan3A_318 : i32 to index
        %get3A_608 = arith.constant 464 : index
        %get3A_609 = tpu.vector_load %arg15[%get3A_607, %get3A_608] {strides = array<i32>} : memref<16x1024xf32, #tpu.memory_space<vmem>>, vector<16xf32>,
        %get3A_610 = arith.index_cast %scan3A_318 : i32 to index
        %get3A_611 = arith.constant 464 : index
        %get3A_612 = tpu.vector_load %arg17[%get3A_610, %get3A_611] {strides = array<i32>} : memref<16x1024xf32, #tpu.memory_space<vmem>>, vector<16xf32>,
        %add3A_613 = arith.addf %get3A_609, %get3A_612 : vector<16xf32>
        %swap3A_614 = arith.index_cast %scan3A_318 : i32 to index
        %swap3A_615 = arith.constant 464 : index
        %swap3A_616 = tpu.vector_load %arg13[%swap3A_614, %swap3A_615] {strides = array<i32>} : memref<16x1024xf32, #tpu.memory_space<vmem>>, vector<16xf32>,
        tpu.vector_store %arg13[%swap3A_614, %swap3A_615], %add3A_613 {strides = array<i32>} : memref<16x1024xf32, #tpu.memory_space<vmem>>, vector<16xf32>,
        %get3A_617 = arith.index_cast %scan3A_318 : i32 to index
        %get3A_618 = arith.constant 480 : index
        %get3A_619 = tpu.vector_load %arg15[%get3A_617, %get3A_618] {strides = array<i32>} : memref<16x1024xf32, #tpu.memory_space<vmem>>, vector<16xf32>,
        %get3A_620 = arith.index_cast %scan3A_318 : i32 to index
        %get3A_621 = arith.constant 480 : index
        %get3A_622 = tpu.vector_load %arg17[%get3A_620, %get3A_621] {strides = array<i32>} : memref<16x1024xf32, #tpu.memory_space<vmem>>, vector<16xf32>,
        %add3A_623 = arith.addf %get3A_619, %get3A_622 : vector<16xf32>
        %swap3A_624 = arith.index_cast %scan3A_318 : i32 to index
        %swap3A_625 = arith.constant 480 : index
        %swap3A_626 = tpu.vector_load %arg13[%swap3A_624, %swap3A_625] {strides = array<i32>} : memref<16x1024xf32, #tpu.memory_space<vmem>>, vector<16xf32>,
        tpu.vector_store %arg13[%swap3A_624, %swap3A_625], %add3A_623 {strides = array<i32>} : memref<16x1024xf32, #tpu.memory_space<vmem>>, vector<16xf32>,
        %get3A_627 = arith.index_cast %scan3A_318 : i32 to index
        %get3A_628 = arith.constant 496 : index
        %get3A_629 = tpu.vector_load %arg15[%get3A_627, %get3A_628] {strides = array<i32>} : memref<16x1024xf32, #tpu.memory_space<vmem>>, vector<16xf32>,
        %get3A_630 = arith.index_cast %scan3A_318 : i32 to index
        %get3A_631 = arith.constant 496 : index
        %get3A_632 = tpu.vector_load %arg17[%get3A_630, %get3A_631] {strides = array<i32>} : memref<16x1024xf32, #tpu.memory_space<vmem>>, vector<16xf32>,
        %add3A_633 = arith.addf %get3A_629, %get3A_632 : vector<16xf32>
        %swap3A_634 = arith.index_cast %scan3A_318 : i32 to index
        %swap3A_635 = arith.constant 496 : index
        %swap3A_636 = tpu.vector_load %arg13[%swap3A_634, %swap3A_635] {strides = array<i32>} : memref<16x1024xf32, #tpu.memory_space<vmem>>, vector<16xf32>,
        tpu.vector_store %arg13[%swap3A_634, %swap3A_635], %add3A_633 {strides = array<i32>} : memref<16x1024xf32, #tpu.memory_space<vmem>>, vector<16xf32>,
        %get3A_637 = arith.index_cast %scan3A_318 : i32 to index
        %get3A_638 = arith.constant 512 : index
        %get3A_639 = tpu.vector_load %arg15[%get3A_637, %get3A_638] {strides = array<i32>} : memref<16x1024xf32, #tpu.memory_space<vmem>>, vector<16xf32>,
        %get3A_640 = arith.index_cast %scan3A_318 : i32 to index
        %get3A_641 = arith.constant 512 : index
        %get3A_642 = tpu.vector_load %arg17[%get3A_640, %get3A_641] {strides = array<i32>} : memref<16x1024xf32, #tpu.memory_space<vmem>>, vector<16xf32>,
        %add3A_643 = arith.addf %get3A_639, %get3A_642 : vector<16xf32>
        %swap3A_644 = arith.index_cast %scan3A_318 : i32 to index
        %swap3A_645 = arith.constant 512 : index
        %swap3A_646 = tpu.vector_load %arg13[%swap3A_644, %swap3A_645] {strides = array<i32>} : memref<16x1024xf32, #tpu.memory_space<vmem>>, vector<16xf32>,
        tpu.vector_store %arg13[%swap3A_644, %swap3A_645], %add3A_643 {strides = array<i32>} : memref<16x1024xf32, #tpu.memory_space<vmem>>, vector<16xf32>,
        %get3A_647 = arith.index_cast %scan3A_318 : i32 to index
        %get3A_648 = arith.constant 528 : index
        %get3A_649 = tpu.vector_load %arg15[%get3A_647, %get3A_648] {strides = array<i32>} : memref<16x1024xf32, #tpu.memory_space<vmem>>, vector<16xf32>,
        %get3A_650 = arith.index_cast %scan3A_318 : i32 to index
        %get3A_651 = arith.constant 528 : index
        %get3A_652 = tpu.vector_load %arg17[%get3A_650, %get3A_651] {strides = array<i32>} : memref<16x1024xf32, #tpu.memory_space<vmem>>, vector<16xf32>,
        %add3A_653 = arith.addf %get3A_649, %get3A_652 : vector<16xf32>
        %swap3A_654 = arith.index_cast %scan3A_318 : i32 to index
        %swap3A_655 = arith.constant 528 : index
        %swap3A_656 = tpu.vector_load %arg13[%swap3A_654, %swap3A_655] {strides = array<i32>} : memref<16x1024xf32, #tpu.memory_space<vmem>>, vector<16xf32>,
        tpu.vector_store %arg13[%swap3A_654, %swap3A_655], %add3A_653 {strides = array<i32>} : memref<16x1024xf32, #tpu.memory_space<vmem>>, vector<16xf32>,
        %get3A_657 = arith.index_cast %scan3A_318 : i32 to index
        %get3A_658 = arith.constant 544 : index
        %get3A_659 = tpu.vector_load %arg15[%get3A_657, %get3A_658] {strides = array<i32>} : memref<16x1024xf32, #tpu.memory_space<vmem>>, vector<16xf32>,
        %get3A_660 = arith.index_cast %scan3A_318 : i32 to index
        %get3A_661 = arith.constant 544 : index
        %get3A_662 = tpu.vector_load %arg17[%get3A_660, %get3A_661] {strides = array<i32>} : memref<16x1024xf32, #tpu.memory_space<vmem>>, vector<16xf32>,
        %add3A_663 = arith.addf %get3A_659, %get3A_662 : vector<16xf32>
        %swap3A_664 = arith.index_cast %scan3A_318 : i32 to index
        %swap3A_665 = arith.constant 544 : index
        %swap3A_666 = tpu.vector_load %arg13[%swap3A_664, %swap3A_665] {strides = array<i32>} : memref<16x1024xf32, #tpu.memory_space<vmem>>, vector<16xf32>,
        tpu.vector_store %arg13[%swap3A_664, %swap3A_665], %add3A_663 {strides = array<i32>} : memref<16x1024xf32, #tpu.memory_space<vmem>>, vector<16xf32>,
        %get3A_667 = arith.index_cast %scan3A_318 : i32 to index
        %get3A_668 = arith.constant 560 : index
        %get3A_669 = tpu.vector_load %arg15[%get3A_667, %get3A_668] {strides = array<i32>} : memref<16x1024xf32, #tpu.memory_space<vmem>>, vector<16xf32>,
        %get3A_670 = arith.index_cast %scan3A_318 : i32 to index
        %get3A_671 = arith.constant 560 : index
        %get3A_672 = tpu.vector_load %arg17[%get3A_670, %get3A_671] {strides = array<i32>} : memref<16x1024xf32, #tpu.memory_space<vmem>>, vector<16xf32>,
        %add3A_673 = arith.addf %get3A_669, %get3A_672 : vector<16xf32>
        %swap3A_674 = arith.index_cast %scan3A_318 : i32 to index
        %swap3A_675 = arith.constant 560 : index
        %swap3A_676 = tpu.vector_load %arg13[%swap3A_674, %swap3A_675] {strides = array<i32>} : memref<16x1024xf32, #tpu.memory_space<vmem>>, vector<16xf32>,
        tpu.vector_store %arg13[%swap3A_674, %swap3A_675], %add3A_673 {strides = array<i32>} : memref<16x1024xf32, #tpu.memory_space<vmem>>, vector<16xf32>,
        %get3A_677 = arith.index_cast %scan3A_318 : i32 to index
        %get3A_678 = arith.constant 576 : index
        %get3A_679 = tpu.vector_load %arg15[%get3A_677, %get3A_678] {strides = array<i32>} : memref<16x1024xf32, #tpu.memory_space<vmem>>, vector<16xf32>,
        %get3A_680 = arith.index_cast %scan3A_318 : i32 to index
        %get3A_681 = arith.constant 576 : index
        %get3A_682 = tpu.vector_load %arg17[%get3A_680, %get3A_681] {strides = array<i32>} : memref<16x1024xf32, #tpu.memory_space<vmem>>, vector<16xf32>,
        %add3A_683 = arith.addf %get3A_679, %get3A_682 : vector<16xf32>
        %swap3A_684 = arith.index_cast %scan3A_318 : i32 to index
        %swap3A_685 = arith.constant 576 : index
        %swap3A_686 = tpu.vector_load %arg13[%swap3A_684, %swap3A_685] {strides = array<i32>} : memref<16x1024xf32, #tpu.memory_space<vmem>>, vector<16xf32>,
        tpu.vector_store %arg13[%swap3A_684, %swap3A_685], %add3A_683 {strides = array<i32>} : memref<16x1024xf32, #tpu.memory_space<vmem>>, vector<16xf32>,
        %get3A_687 = arith.index_cast %scan3A_318 : i32 to index
        %get3A_688 = arith.constant 592 : index
        %get3A_689 = tpu.vector_load %arg15[%get3A_687, %get3A_688] {strides = array<i32>} : memref<16x1024xf32, #tpu.memory_space<vmem>>, vector<16xf32>,
        %get3A_690 = arith.index_cast %scan3A_318 : i32 to index
        %get3A_691 = arith.constant 592 : index
        %get3A_692 = tpu.vector_load %arg17[%get3A_690, %get3A_691] {strides = array<i32>} : memref<16x1024xf32, #tpu.memory_space<vmem>>, vector<16xf32>,
        %add3A_693 = arith.addf %get3A_689, %get3A_692 : vector<16xf32>
        %swap3A_694 = arith.index_cast %scan3A_318 : i32 to index
        %swap3A_695 = arith.constant 592 : index
        %swap3A_696 = tpu.vector_load %arg13[%swap3A_694, %swap3A_695] {strides = array<i32>} : memref<16x1024xf32, #tpu.memory_space<vmem>>, vector<16xf32>,
        tpu.vector_store %arg13[%swap3A_694, %swap3A_695], %add3A_693 {strides = array<i32>} : memref<16x1024xf32, #tpu.memory_space<vmem>>, vector<16xf32>,
        %get3A_697 = arith.index_cast %scan3A_318 : i32 to index
        %get3A_698 = arith.constant 608 : index
        %get3A_699 = tpu.vector_load %arg15[%get3A_697, %get3A_698] {strides = array<i32>} : memref<16x1024xf32, #tpu.memory_space<vmem>>, vector<16xf32>,
        %get3A_700 = arith.index_cast %scan3A_318 : i32 to index
        %get3A_701 = arith.constant 608 : index
        %get3A_702 = tpu.vector_load %arg17[%get3A_700, %get3A_701] {strides = array<i32>} : memref<16x1024xf32, #tpu.memory_space<vmem>>, vector<16xf32>,
        %add3A_703 = arith.addf %get3A_699, %get3A_702 : vector<16xf32>
        %swap3A_704 = arith.index_cast %scan3A_318 : i32 to index
        %swap3A_705 = arith.constant 608 : index
        %swap3A_706 = tpu.vector_load %arg13[%swap3A_704, %swap3A_705] {strides = array<i32>} : memref<16x1024xf32, #tpu.memory_space<vmem>>, vector<16xf32>,
        tpu.vector_store %arg13[%swap3A_704, %swap3A_705], %add3A_703 {strides = array<i32>} : memref<16x1024xf32, #tpu.memory_space<vmem>>, vector<16xf32>,
        %get3A_707 = arith.index_cast %scan3A_318 : i32 to index
        %get3A_708 = arith.constant 624 : index
        %get3A_709 = tpu.vector_load %arg15[%get3A_707, %get3A_708] {strides = array<i32>} : memref<16x1024xf32, #tpu.memory_space<vmem>>, vector<16xf32>,
        %get3A_710 = arith.index_cast %scan3A_318 : i32 to index
        %get3A_711 = arith.constant 624 : index
        %get3A_712 = tpu.vector_load %arg17[%get3A_710, %get3A_711] {strides = array<i32>} : memref<16x1024xf32, #tpu.memory_space<vmem>>, vector<16xf32>,
        %add3A_713 = arith.addf %get3A_709, %get3A_712 : vector<16xf32>
        %swap3A_714 = arith.index_cast %scan3A_318 : i32 to index
        %swap3A_715 = arith.constant 624 : index
        %swap3A_716 = tpu.vector_load %arg13[%swap3A_714, %swap3A_715] {strides = array<i32>} : memref<16x1024xf32, #tpu.memory_space<vmem>>, vector<16xf32>,
        tpu.vector_store %arg13[%swap3A_714, %swap3A_715], %add3A_713 {strides = array<i32>} : memref<16x1024xf32, #tpu.memory_space<vmem>>, vector<16xf32>,
        %get3A_717 = arith.index_cast %scan3A_318 : i32 to index
        %get3A_718 = arith.constant 640 : index
        %get3A_719 = tpu.vector_load %arg15[%get3A_717, %get3A_718] {strides = array<i32>} : memref<16x1024xf32, #tpu.memory_space<vmem>>, vector<16xf32>,
        %get3A_720 = arith.index_cast %scan3A_318 : i32 to index
        %get3A_721 = arith.constant 640 : index
        %get3A_722 = tpu.vector_load %arg17[%get3A_720, %get3A_721] {strides = array<i32>} : memref<16x1024xf32, #tpu.memory_space<vmem>>, vector<16xf32>,
        %add3A_723 = arith.addf %get3A_719, %get3A_722 : vector<16xf32>
        %swap3A_724 = arith.index_cast %scan3A_318 : i32 to index
        %swap3A_725 = arith.constant 640 : index
        %swap3A_726 = tpu.vector_load %arg13[%swap3A_724, %swap3A_725] {strides = array<i32>} : memref<16x1024xf32, #tpu.memory_space<vmem>>, vector<16xf32>,
        tpu.vector_store %arg13[%swap3A_724, %swap3A_725], %add3A_723 {strides = array<i32>} : memref<16x1024xf32, #tpu.memory_space<vmem>>, vector<16xf32>,
        %get3A_727 = arith.index_cast %scan3A_318 : i32 to index
        %get3A_728 = arith.constant 656 : index
        %get3A_729 = tpu.vector_load %arg15[%get3A_727, %get3A_728] {strides = array<i32>} : memref<16x1024xf32, #tpu.memory_space<vmem>>, vector<16xf32>,
        %get3A_730 = arith.index_cast %scan3A_318 : i32 to index
        %get3A_731 = arith.constant 656 : index
        %get3A_732 = tpu.vector_load %arg17[%get3A_730, %get3A_731] {strides = array<i32>} : memref<16x1024xf32, #tpu.memory_space<vmem>>, vector<16xf32>,
        %add3A_733 = arith.addf %get3A_729, %get3A_732 : vector<16xf32>
        %swap3A_734 = arith.index_cast %scan3A_318 : i32 to index
        %swap3A_735 = arith.constant 656 : index
        %swap3A_736 = tpu.vector_load %arg13[%swap3A_734, %swap3A_735] {strides = array<i32>} : memref<16x1024xf32, #tpu.memory_space<vmem>>, vector<16xf32>,
        tpu.vector_store %arg13[%swap3A_734, %swap3A_735], %add3A_733 {strides = array<i32>} : memref<16x1024xf32, #tpu.memory_space<vmem>>, vector<16xf32>,
        %get3A_737 = arith.index_cast %scan3A_318 : i32 to index
        %get3A_738 = arith.constant 672 : index
        %get3A_739 = tpu.vector_load %arg15[%get3A_737, %get3A_738] {strides = array<i32>} : memref<16x1024xf32, #tpu.memory_space<vmem>>, vector<16xf32>,
        %get3A_740 = arith.index_cast %scan3A_318 : i32 to index
        %get3A_741 = arith.constant 672 : index
        %get3A_742 = tpu.vector_load %arg17[%get3A_740, %get3A_741] {strides = array<i32>} : memref<16x1024xf32, #tpu.memory_space<vmem>>, vector<16xf32>,
        %add3A_743 = arith.addf %get3A_739, %get3A_742 : vector<16xf32>
        %swap3A_744 = arith.index_cast %scan3A_318 : i32 to index
        %swap3A_745 = arith.constant 672 : index
        %swap3A_746 = tpu.vector_load %arg13[%swap3A_744, %swap3A_745] {strides = array<i32>} : memref<16x1024xf32, #tpu.memory_space<vmem>>, vector<16xf32>,
        tpu.vector_store %arg13[%swap3A_744, %swap3A_745], %add3A_743 {strides = array<i32>} : memref<16x1024xf32, #tpu.memory_space<vmem>>, vector<16xf32>,
        %get3A_747 = arith.index_cast %scan3A_318 : i32 to index
        %get3A_748 = arith.constant 688 : index
        %get3A_749 = tpu.vector_load %arg15[%get3A_747, %get3A_748] {strides = array<i32>} : memref<16x1024xf32, #tpu.memory_space<vmem>>, vector<16xf32>,
        %get3A_750 = arith.index_cast %scan3A_318 : i32 to index
        %get3A_751 = arith.constant 688 : index
        %get3A_752 = tpu.vector_load %arg17[%get3A_750, %get3A_751] {strides = array<i32>} : memref<16x1024xf32, #tpu.memory_space<vmem>>, vector<16xf32>,
        %add3A_753 = arith.addf %get3A_749, %get3A_752 : vector<16xf32>
        %swap3A_754 = arith.index_cast %scan3A_318 : i32 to index
        %swap3A_755 = arith.constant 688 : index
        %swap3A_756 = tpu.vector_load %arg13[%swap3A_754, %swap3A_755] {strides = array<i32>} : memref<16x1024xf32, #tpu.memory_space<vmem>>, vector<16xf32>,
        tpu.vector_store %arg13[%swap3A_754, %swap3A_755], %add3A_753 {strides = array<i32>} : memref<16x1024xf32, #tpu.memory_space<vmem>>, vector<16xf32>,
        %get3A_757 = arith.index_cast %scan3A_318 : i32 to index
        %get3A_758 = arith.constant 704 : index
        %get3A_759 = tpu.vector_load %arg15[%get3A_757, %get3A_758] {strides = array<i32>} : memref<16x1024xf32, #tpu.memory_space<vmem>>, vector<16xf32>,
        %get3A_760 = arith.index_cast %scan3A_318 : i32 to index
        %get3A_761 = arith.constant 704 : index
        %get3A_762 = tpu.vector_load %arg17[%get3A_760, %get3A_761] {strides = array<i32>} : memref<16x1024xf32, #tpu.memory_space<vmem>>, vector<16xf32>,
        %add3A_763 = arith.addf %get3A_759, %get3A_762 : vector<16xf32>
        %swap3A_764 = arith.index_cast %scan3A_318 : i32 to index
        %swap3A_765 = arith.constant 704 : index
        %swap3A_766 = tpu.vector_load %arg13[%swap3A_764, %swap3A_765] {strides = array<i32>} : memref<16x1024xf32, #tpu.memory_space<vmem>>, vector<16xf32>,
        tpu.vector_store %arg13[%swap3A_764, %swap3A_765], %add3A_763 {strides = array<i32>} : memref<16x1024xf32, #tpu.memory_space<vmem>>, vector<16xf32>,
        %get3A_767 = arith.index_cast %scan3A_318 : i32 to index
        %get3A_768 = arith.constant 720 : index
        %get3A_769 = tpu.vector_load %arg15[%get3A_767, %get3A_768] {strides = array<i32>} : memref<16x1024xf32, #tpu.memory_space<vmem>>, vector<16xf32>,
        %get3A_770 = arith.index_cast %scan3A_318 : i32 to index
        %get3A_771 = arith.constant 720 : index
        %get3A_772 = tpu.vector_load %arg17[%get3A_770, %get3A_771] {strides = array<i32>} : memref<16x1024xf32, #tpu.memory_space<vmem>>, vector<16xf32>,
        %add3A_773 = arith.addf %get3A_769, %get3A_772 : vector<16xf32>
        %swap3A_774 = arith.index_cast %scan3A_318 : i32 to index
        %swap3A_775 = arith.constant 720 : index
        %swap3A_776 = tpu.vector_load %arg13[%swap3A_774, %swap3A_775] {strides = array<i32>} : memref<16x1024xf32, #tpu.memory_space<vmem>>, vector<16xf32>,
        tpu.vector_store %arg13[%swap3A_774, %swap3A_775], %add3A_773 {strides = array<i32>} : memref<16x1024xf32, #tpu.memory_space<vmem>>, vector<16xf32>,
        %get3A_777 = arith.index_cast %scan3A_318 : i32 to index
        %get3A_778 = arith.constant 736 : index
        %get3A_779 = tpu.vector_load %arg15[%get3A_777, %get3A_778] {strides = array<i32>} : memref<16x1024xf32, #tpu.memory_space<vmem>>, vector<16xf32>,
        %get3A_780 = arith.index_cast %scan3A_318 : i32 to index
        %get3A_781 = arith.constant 736 : index
        %get3A_782 = tpu.vector_load %arg17[%get3A_780, %get3A_781] {strides = array<i32>} : memref<16x1024xf32, #tpu.memory_space<vmem>>, vector<16xf32>,
        %add3A_783 = arith.addf %get3A_779, %get3A_782 : vector<16xf32>
        %swap3A_784 = arith.index_cast %scan3A_318 : i32 to index
        %swap3A_785 = arith.constant 736 : index
        %swap3A_786 = tpu.vector_load %arg13[%swap3A_784, %swap3A_785] {strides = array<i32>} : memref<16x1024xf32, #tpu.memory_space<vmem>>, vector<16xf32>,
        tpu.vector_store %arg13[%swap3A_784, %swap3A_785], %add3A_783 {strides = array<i32>} : memref<16x1024xf32, #tpu.memory_space<vmem>>, vector<16xf32>,
        %get3A_787 = arith.index_cast %scan3A_318 : i32 to index
        %get3A_788 = arith.constant 752 : index
        %get3A_789 = tpu.vector_load %arg15[%get3A_787, %get3A_788] {strides = array<i32>} : memref<16x1024xf32, #tpu.memory_space<vmem>>, vector<16xf32>,
        %get3A_790 = arith.index_cast %scan3A_318 : i32 to index
        %get3A_791 = arith.constant 752 : index
        %get3A_792 = tpu.vector_load %arg17[%get3A_790, %get3A_791] {strides = array<i32>} : memref<16x1024xf32, #tpu.memory_space<vmem>>, vector<16xf32>,
        %add3A_793 = arith.addf %get3A_789, %get3A_792 : vector<16xf32>
        %swap3A_794 = arith.index_cast %scan3A_318 : i32 to index
        %swap3A_795 = arith.constant 752 : index
        %swap3A_796 = tpu.vector_load %arg13[%swap3A_794, %swap3A_795] {strides = array<i32>} : memref<16x1024xf32, #tpu.memory_space<vmem>>, vector<16xf32>,
        tpu.vector_store %arg13[%swap3A_794, %swap3A_795], %add3A_793 {strides = array<i32>} : memref<16x1024xf32, #tpu.memory_space<vmem>>, vector<16xf32>,
        %get3A_797 = arith.index_cast %scan3A_318 : i32 to index
        %get3A_798 = arith.constant 768 : index
        %get3A_799 = tpu.vector_load %arg15[%get3A_797, %get3A_798] {strides = array<i32>} : memref<16x1024xf32, #tpu.memory_space<vmem>>, vector<16xf32>,
        %get3A_800 = arith.index_cast %scan3A_318 : i32 to index
        %get3A_801 = arith.constant 768 : index
        %get3A_802 = tpu.vector_load %arg17[%get3A_800, %get3A_801] {strides = array<i32>} : memref<16x1024xf32, #tpu.memory_space<vmem>>, vector<16xf32>,
        %add3A_803 = arith.addf %get3A_799, %get3A_802 : vector<16xf32>
        %swap3A_804 = arith.index_cast %scan3A_318 : i32 to index
        %swap3A_805 = arith.constant 768 : index
        %swap3A_806 = tpu.vector_load %arg13[%swap3A_804, %swap3A_805] {strides = array<i32>} : memref<16x1024xf32, #tpu.memory_space<vmem>>, vector<16xf32>,
        tpu.vector_store %arg13[%swap3A_804, %swap3A_805], %add3A_803 {strides = array<i32>} : memref<16x1024xf32, #tpu.memory_space<vmem>>, vector<16xf32>,
        %get3A_807 = arith.index_cast %scan3A_318 : i32 to index
        %get3A_808 = arith.constant 784 : index
        %get3A_809 = tpu.vector_load %arg15[%get3A_807, %get3A_808] {strides = array<i32>} : memref<16x1024xf32, #tpu.memory_space<vmem>>, vector<16xf32>,
        %get3A_810 = arith.index_cast %scan3A_318 : i32 to index
        %get3A_811 = arith.constant 784 : index
        %get3A_812 = tpu.vector_load %arg17[%get3A_810, %get3A_811] {strides = array<i32>} : memref<16x1024xf32, #tpu.memory_space<vmem>>, vector<16xf32>,
        %add3A_813 = arith.addf %get3A_809, %get3A_812 : vector<16xf32>
        %swap3A_814 = arith.index_cast %scan3A_318 : i32 to index
        %swap3A_815 = arith.constant 784 : index
        %swap3A_816 = tpu.vector_load %arg13[%swap3A_814, %swap3A_815] {strides = array<i32>} : memref<16x1024xf32, #tpu.memory_space<vmem>>, vector<16xf32>,
        tpu.vector_store %arg13[%swap3A_814, %swap3A_815], %add3A_813 {strides = array<i32>} : memref<16x1024xf32, #tpu.memory_space<vmem>>, vector<16xf32>,
        %get3A_817 = arith.index_cast %scan3A_318 : i32 to index
        %get3A_818 = arith.constant 800 : index
        %get3A_819 = tpu.vector_load %arg15[%get3A_817, %get3A_818] {strides = array<i32>} : memref<16x1024xf32, #tpu.memory_space<vmem>>, vector<16xf32>,
        %get3A_820 = arith.index_cast %scan3A_318 : i32 to index
        %get3A_821 = arith.constant 800 : index
        %get3A_822 = tpu.vector_load %arg17[%get3A_820, %get3A_821] {strides = array<i32>} : memref<16x1024xf32, #tpu.memory_space<vmem>>, vector<16xf32>,
        %add3A_823 = arith.addf %get3A_819, %get3A_822 : vector<16xf32>
        %swap3A_824 = arith.index_cast %scan3A_318 : i32 to index
        %swap3A_825 = arith.constant 800 : index
        %swap3A_826 = tpu.vector_load %arg13[%swap3A_824, %swap3A_825] {strides = array<i32>} : memref<16x1024xf32, #tpu.memory_space<vmem>>, vector<16xf32>,
        tpu.vector_store %arg13[%swap3A_824, %swap3A_825], %add3A_823 {strides = array<i32>} : memref<16x1024xf32, #tpu.memory_space<vmem>>, vector<16xf32>,
        %get3A_827 = arith.index_cast %scan3A_318 : i32 to index
        %get3A_828 = arith.constant 816 : index
        %get3A_829 = tpu.vector_load %arg15[%get3A_827, %get3A_828] {strides = array<i32>} : memref<16x1024xf32, #tpu.memory_space<vmem>>, vector<16xf32>,
        %get3A_830 = arith.index_cast %scan3A_318 : i32 to index
        %get3A_831 = arith.constant 816 : index
        %get3A_832 = tpu.vector_load %arg17[%get3A_830, %get3A_831] {strides = array<i32>} : memref<16x1024xf32, #tpu.memory_space<vmem>>, vector<16xf32>,
        %add3A_833 = arith.addf %get3A_829, %get3A_832 : vector<16xf32>
        %swap3A_834 = arith.index_cast %scan3A_318 : i32 to index
        %swap3A_835 = arith.constant 816 : index
        %swap3A_836 = tpu.vector_load %arg13[%swap3A_834, %swap3A_835] {strides = array<i32>} : memref<16x1024xf32, #tpu.memory_space<vmem>>, vector<16xf32>,
        tpu.vector_store %arg13[%swap3A_834, %swap3A_835], %add3A_833 {strides = array<i32>} : memref<16x1024xf32, #tpu.memory_space<vmem>>, vector<16xf32>,
        %get3A_837 = arith.index_cast %scan3A_318 : i32 to index
        %get3A_838 = arith.constant 832 : index
        %get3A_839 = tpu.vector_load %arg15[%get3A_837, %get3A_838] {strides = array<i32>} : memref<16x1024xf32, #tpu.memory_space<vmem>>, vector<16xf32>,
        %get3A_840 = arith.index_cast %scan3A_318 : i32 to index
        %get3A_841 = arith.constant 832 : index
        %get3A_842 = tpu.vector_load %arg17[%get3A_840, %get3A_841] {strides = array<i32>} : memref<16x1024xf32, #tpu.memory_space<vmem>>, vector<16xf32>,
        %add3A_843 = arith.addf %get3A_839, %get3A_842 : vector<16xf32>
        %swap3A_844 = arith.index_cast %scan3A_318 : i32 to index
        %swap3A_845 = arith.constant 832 : index
        %swap3A_846 = tpu.vector_load %arg13[%swap3A_844, %swap3A_845] {strides = array<i32>} : memref<16x1024xf32, #tpu.memory_space<vmem>>, vector<16xf32>,
        tpu.vector_store %arg13[%swap3A_844, %swap3A_845], %add3A_843 {strides = array<i32>} : memref<16x1024xf32, #tpu.memory_space<vmem>>, vector<16xf32>,
        %get3A_847 = arith.index_cast %scan3A_318 : i32 to index
        %get3A_848 = arith.constant 848 : index
        %get3A_849 = tpu.vector_load %arg15[%get3A_847, %get3A_848] {strides = array<i32>} : memref<16x1024xf32, #tpu.memory_space<vmem>>, vector<16xf32>,
        %get3A_850 = arith.index_cast %scan3A_318 : i32 to index
        %get3A_851 = arith.constant 848 : index
        %get3A_852 = tpu.vector_load %arg17[%get3A_850, %get3A_851] {strides = array<i32>} : memref<16x1024xf32, #tpu.memory_space<vmem>>, vector<16xf32>,
        %add3A_853 = arith.addf %get3A_849, %get3A_852 : vector<16xf32>
        %swap3A_854 = arith.index_cast %scan3A_318 : i32 to index
        %swap3A_855 = arith.constant 848 : index
        %swap3A_856 = tpu.vector_load %arg13[%swap3A_854, %swap3A_855] {strides = array<i32>} : memref<16x1024xf32, #tpu.memory_space<vmem>>, vector<16xf32>,
        tpu.vector_store %arg13[%swap3A_854, %swap3A_855], %add3A_853 {strides = array<i32>} : memref<16x1024xf32, #tpu.memory_space<vmem>>, vector<16xf32>,
        %get3A_857 = arith.index_cast %scan3A_318 : i32 to index
        %get3A_858 = arith.constant 864 : index
        %get3A_859 = tpu.vector_load %arg15[%get3A_857, %get3A_858] {strides = array<i32>} : memref<16x1024xf32, #tpu.memory_space<vmem>>, vector<16xf32>,
        %get3A_860 = arith.index_cast %scan3A_318 : i32 to index
        %get3A_861 = arith.constant 864 : index
        %get3A_862 = tpu.vector_load %arg17[%get3A_860, %get3A_861] {strides = array<i32>} : memref<16x1024xf32, #tpu.memory_space<vmem>>, vector<16xf32>,
        %add3A_863 = arith.addf %get3A_859, %get3A_862 : vector<16xf32>
        %swap3A_864 = arith.index_cast %scan3A_318 : i32 to index
        %swap3A_865 = arith.constant 864 : index
        %swap3A_866 = tpu.vector_load %arg13[%swap3A_864, %swap3A_865] {strides = array<i32>} : memref<16x1024xf32, #tpu.memory_space<vmem>>, vector<16xf32>,
        tpu.vector_store %arg13[%swap3A_864, %swap3A_865], %add3A_863 {strides = array<i32>} : memref<16x1024xf32, #tpu.memory_space<vmem>>, vector<16xf32>,
        %get3A_867 = arith.index_cast %scan3A_318 : i32 to index
        %get3A_868 = arith.constant 880 : index
        %get3A_869 = tpu.vector_load %arg15[%get3A_867, %get3A_868] {strides = array<i32>} : memref<16x1024xf32, #tpu.memory_space<vmem>>, vector<16xf32>,
        %get3A_870 = arith.index_cast %scan3A_318 : i32 to index
        %get3A_871 = arith.constant 880 : index
        %get3A_872 = tpu.vector_load %arg17[%get3A_870, %get3A_871] {strides = array<i32>} : memref<16x1024xf32, #tpu.memory_space<vmem>>, vector<16xf32>,
        %add3A_873 = arith.addf %get3A_869, %get3A_872 : vector<16xf32>
        %swap3A_874 = arith.index_cast %scan3A_318 : i32 to index
        %swap3A_875 = arith.constant 880 : index
        %swap3A_876 = tpu.vector_load %arg13[%swap3A_874, %swap3A_875] {strides = array<i32>} : memref<16x1024xf32, #tpu.memory_space<vmem>>, vector<16xf32>,
        tpu.vector_store %arg13[%swap3A_874, %swap3A_875], %add3A_873 {strides = array<i32>} : memref<16x1024xf32, #tpu.memory_space<vmem>>, vector<16xf32>,
        %get3A_877 = arith.index_cast %scan3A_318 : i32 to index
        %get3A_878 = arith.constant 896 : index
        %get3A_879 = tpu.vector_load %arg15[%get3A_877, %get3A_878] {strides = array<i32>} : memref<16x1024xf32, #tpu.memory_space<vmem>>, vector<16xf32>,
        %get3A_880 = arith.index_cast %scan3A_318 : i32 to index
        %get3A_881 = arith.constant 896 : index
        %get3A_882 = tpu.vector_load %arg17[%get3A_880, %get3A_881] {strides = array<i32>} : memref<16x1024xf32, #tpu.memory_space<vmem>>, vector<16xf32>,
        %add3A_883 = arith.addf %get3A_879, %get3A_882 : vector<16xf32>
        %swap3A_884 = arith.index_cast %scan3A_318 : i32 to index
        %swap3A_885 = arith.constant 896 : index
        %swap3A_886 = tpu.vector_load %arg13[%swap3A_884, %swap3A_885] {strides = array<i32>} : memref<16x1024xf32, #tpu.memory_space<vmem>>, vector<16xf32>,
        tpu.vector_store %arg13[%swap3A_884, %swap3A_885], %add3A_883 {strides = array<i32>} : memref<16x1024xf32, #tpu.memory_space<vmem>>, vector<16xf32>,
        %get3A_887 = arith.index_cast %scan3A_318 : i32 to index
        %get3A_888 = arith.constant 912 : index
        %get3A_889 = tpu.vector_load %arg15[%get3A_887, %get3A_888] {strides = array<i32>} : memref<16x1024xf32, #tpu.memory_space<vmem>>, vector<16xf32>,
        %get3A_890 = arith.index_cast %scan3A_318 : i32 to index
        %get3A_891 = arith.constant 912 : index
        %get3A_892 = tpu.vector_load %arg17[%get3A_890, %get3A_891] {strides = array<i32>} : memref<16x1024xf32, #tpu.memory_space<vmem>>, vector<16xf32>,
        %add3A_893 = arith.addf %get3A_889, %get3A_892 : vector<16xf32>
        %swap3A_894 = arith.index_cast %scan3A_318 : i32 to index
        %swap3A_895 = arith.constant 912 : index
        %swap3A_896 = tpu.vector_load %arg13[%swap3A_894, %swap3A_895] {strides = array<i32>} : memref<16x1024xf32, #tpu.memory_space<vmem>>, vector<16xf32>,
        tpu.vector_store %arg13[%swap3A_894, %swap3A_895], %add3A_893 {strides = array<i32>} : memref<16x1024xf32, #tpu.memory_space<vmem>>, vector<16xf32>,
        %get3A_897 = arith.index_cast %scan3A_318 : i32 to index
        %get3A_898 = arith.constant 928 : index
        %get3A_899 = tpu.vector_load %arg15[%get3A_897, %get3A_898] {strides = array<i32>} : memref<16x1024xf32, #tpu.memory_space<vmem>>, vector<16xf32>,
        %get3A_900 = arith.index_cast %scan3A_318 : i32 to index
        %get3A_901 = arith.constant 928 : index
        %get3A_902 = tpu.vector_load %arg17[%get3A_900, %get3A_901] {strides = array<i32>} : memref<16x1024xf32, #tpu.memory_space<vmem>>, vector<16xf32>,
        %add3A_903 = arith.addf %get3A_899, %get3A_902 : vector<16xf32>
        %swap3A_904 = arith.index_cast %scan3A_318 : i32 to index
        %swap3A_905 = arith.constant 928 : index
        %swap3A_906 = tpu.vector_load %arg13[%swap3A_904, %swap3A_905] {strides = array<i32>} : memref<16x1024xf32, #tpu.memory_space<vmem>>, vector<16xf32>,
        tpu.vector_store %arg13[%swap3A_904, %swap3A_905], %add3A_903 {strides = array<i32>} : memref<16x1024xf32, #tpu.memory_space<vmem>>, vector<16xf32>,
        %get3A_907 = arith.index_cast %scan3A_318 : i32 to index
        %get3A_908 = arith.constant 944 : index
        %get3A_909 = tpu.vector_load %arg15[%get3A_907, %get3A_908] {strides = array<i32>} : memref<16x1024xf32, #tpu.memory_space<vmem>>, vector<16xf32>,
        %get3A_910 = arith.index_cast %scan3A_318 : i32 to index
        %get3A_911 = arith.constant 944 : index
        %get3A_912 = tpu.vector_load %arg17[%get3A_910, %get3A_911] {strides = array<i32>} : memref<16x1024xf32, #tpu.memory_space<vmem>>, vector<16xf32>,
        %add3A_913 = arith.addf %get3A_909, %get3A_912 : vector<16xf32>
        %swap3A_914 = arith.index_cast %scan3A_318 : i32 to index
        %swap3A_915 = arith.constant 944 : index
        %swap3A_916 = tpu.vector_load %arg13[%swap3A_914, %swap3A_915] {strides = array<i32>} : memref<16x1024xf32, #tpu.memory_space<vmem>>, vector<16xf32>,
        tpu.vector_store %arg13[%swap3A_914, %swap3A_915], %add3A_913 {strides = array<i32>} : memref<16x1024xf32, #tpu.memory_space<vmem>>, vector<16xf32>,
        %get3A_917 = arith.index_cast %scan3A_318 : i32 to index
        %get3A_918 = arith.constant 960 : index
        %get3A_919 = tpu.vector_load %arg15[%get3A_917, %get3A_918] {strides = array<i32>} : memref<16x1024xf32, #tpu.memory_space<vmem>>, vector<16xf32>,
        %get3A_920 = arith.index_cast %scan3A_318 : i32 to index
        %get3A_921 = arith.constant 960 : index
        %get3A_922 = tpu.vector_load %arg17[%get3A_920, %get3A_921] {strides = array<i32>} : memref<16x1024xf32, #tpu.memory_space<vmem>>, vector<16xf32>,
        %add3A_923 = arith.addf %get3A_919, %get3A_922 : vector<16xf32>
        %swap3A_924 = arith.index_cast %scan3A_318 : i32 to index
        %swap3A_925 = arith.constant 960 : index
        %swap3A_926 = tpu.vector_load %arg13[%swap3A_924, %swap3A_925] {strides = array<i32>} : memref<16x1024xf32, #tpu.memory_space<vmem>>, vector<16xf32>,
        tpu.vector_store %arg13[%swap3A_924, %swap3A_925], %add3A_923 {strides = array<i32>} : memref<16x1024xf32, #tpu.memory_space<vmem>>, vector<16xf32>,
        %get3A_927 = arith.index_cast %scan3A_318 : i32 to index
        %get3A_928 = arith.constant 976 : index
        %get3A_929 = tpu.vector_load %arg15[%get3A_927, %get3A_928] {strides = array<i32>} : memref<16x1024xf32, #tpu.memory_space<vmem>>, vector<16xf32>,
        %get3A_930 = arith.index_cast %scan3A_318 : i32 to index
        %get3A_931 = arith.constant 976 : index
        %get3A_932 = tpu.vector_load %arg17[%get3A_930, %get3A_931] {strides = array<i32>} : memref<16x1024xf32, #tpu.memory_space<vmem>>, vector<16xf32>,
        %add3A_933 = arith.addf %get3A_929, %get3A_932 : vector<16xf32>
        %swap3A_934 = arith.index_cast %scan3A_318 : i32 to index
        %swap3A_935 = arith.constant 976 : index
        %swap3A_936 = tpu.vector_load %arg13[%swap3A_934, %swap3A_935] {strides = array<i32>} : memref<16x1024xf32, #tpu.memory_space<vmem>>, vector<16xf32>,
        tpu.vector_store %arg13[%swap3A_934, %swap3A_935], %add3A_933 {strides = array<i32>} : memref<16x1024xf32, #tpu.memory_space<vmem>>, vector<16xf32>,
        %get3A_937 = arith.index_cast %scan3A_318 : i32 to index
        %get3A_938 = arith.constant 992 : index
        %get3A_939 = tpu.vector_load %arg15[%get3A_937, %get3A_938] {strides = array<i32>} : memref<16x1024xf32, #tpu.memory_space<vmem>>, vector<16xf32>,
        %get3A_940 = arith.index_cast %scan3A_318 : i32 to index
        %get3A_941 = arith.constant 992 : index
        %get3A_942 = tpu.vector_load %arg17[%get3A_940, %get3A_941] {strides = array<i32>} : memref<16x1024xf32, #tpu.memory_space<vmem>>, vector<16xf32>,
        %add3A_943 = arith.addf %get3A_939, %get3A_942 : vector<16xf32>
        %swap3A_944 = arith.index_cast %scan3A_318 : i32 to index
        %swap3A_945 = arith.constant 992 : index
        %swap3A_946 = tpu.vector_load %arg13[%swap3A_944, %swap3A_945] {strides = array<i32>} : memref<16x1024xf32, #tpu.memory_space<vmem>>, vector<16xf32>,
        tpu.vector_store %arg13[%swap3A_944, %swap3A_945], %add3A_943 {strides = array<i32>} : memref<16x1024xf32, #tpu.memory_space<vmem>>, vector<16xf32>,
        %get3A_947 = arith.index_cast %scan3A_318 : i32 to index
        %get3A_948 = arith.constant 1008 : index
        %get3A_949 = tpu.vector_load %arg15[%get3A_947, %get3A_948] {strides = array<i32>} : memref<16x1024xf32, #tpu.memory_space<vmem>>, vector<16xf32>,
        %get3A_950 = arith.index_cast %scan3A_318 : i32 to index
        %get3A_951 = arith.constant 1008 : index
        %get3A_952 = tpu.vector_load %arg17[%get3A_950, %get3A_951] {strides = array<i32>} : memref<16x1024xf32, #tpu.memory_space<vmem>>, vector<16xf32>,
        %add3A_953 = arith.addf %get3A_949, %get3A_952 : vector<16xf32>
        %swap3A_954 = arith.index_cast %scan3A_318 : i32 to index
        %swap3A_955 = arith.constant 1008 : index
        %swap3A_956 = tpu.vector_load %arg13[%swap3A_954, %swap3A_955] {strides = array<i32>} : memref<16x1024xf32, #tpu.memory_space<vmem>>, vector<16xf32>,
        tpu.vector_store %arg13[%swap3A_954, %swap3A_955], %add3A_953 {strides = array<i32>} : memref<16x1024xf32, #tpu.memory_space<vmem>>, vector<16xf32>,
      }
      %scan3A_266 = arith.constant 16 : i32
      %mul3A_267 = arith.constant 16 : i32
      %mul3A_268 = arith.muli %add3A_213, %mul3A_267 : i32
      %dma_start3A_269 = arith.constant 5 : i32
      %dma_start3A_270 = tpu.memref_slice %arg11[%dma_start3A_269, %mul3A_268] : memref<6x1024xi32, #tpu.memory_space<vmem>> -> memref<1x16xi32, #tpu.memory_space<vmem>>
      %dma_start3A_271 = tpu.memref_squeeze %dma_start3A_270 : memref<1x16xi32, #tpu.memory_space<vmem>> -> memref<16xi32, #tpu.memory_space<vmem>>
      %dma_start3A_272 = arith.constant 0 : i32
      %dma_start3A_273 = arith.constant 0 : i32
      %dma_start3A_274 = tpu.memref_slice %arg8[%dma_start3A_272, %dma_start3A_273] : memref<1024x1024xf32, #tpu.memory_space<hbm>> -> memref<1024x1024xf32, #tpu.memory_space<hbm>>
      tpu.enqueue_indirect_dma source(%dma_start3A_274 : memref<1024x1024xf32, #tpu.memory_space<hbm>>) target(%arg17 : memref<16x1024xf32, #tpu.memory_space<vmem>>) offsets(%dma_start3A_271 : memref<16xi32, #tpu.memory_space<vmem>>) semaphore(%arg29 : memref<!tpu.dma_semaphore, #tpu.memory_space<semaphore_mem>>)
      %dma_wait3A_275 = arith.constant 4 : i32
      %dma_wait3A_276 = arith.constant 0 : i32
      %dma_wait3A_277 = tpu.memref_slice %arg11[%dma_wait3A_275, %dma_wait3A_276] : memref<6x1024xi32, #tpu.memory_space<vmem>> -> memref<1x16xi32, #tpu.memory_space<vmem>>
      %dma_wait3A_278 = tpu.memref_squeeze %dma_wait3A_277 : memref<1x16xi32, #tpu.memory_space<vmem>> -> memref<16xi32, #tpu.memory_space<vmem>>
      %dma_wait3A_279 = arith.constant 0 : i32
      %dma_wait3A_280 = arith.constant 0 : i32
      %dma_wait3A_281 = tpu.memref_slice %arg7[%dma_wait3A_279, %dma_wait3A_280] : memref<1024x1024xf32, #tpu.memory_space<hbm>> -> memref<1024x1024xf32, #tpu.memory_space<hbm>>
      tpu.wait_indirect_dma semaphore(%arg27 : memref<!tpu.dma_semaphore, #tpu.memory_space<semaphore_mem>>) src(%dma_wait3A_281 : memref<1024x1024xf32, #tpu.memory_space<hbm>>) dst(%arg18 : memref<16x1024xf32, #tpu.memory_space<vmem>>)
      %scan3A_282 = arith.constant 0 : i32
      %scan3A_283 = arith.constant 0 : i32
      %scan3A_284 = arith.constant 16 : i32
      %scan3A_285 = arith.addi %scan3A_283, %scan3A_284 : i32
      %scan3A_286 = arith.constant 1 : i32
      scf.for %scan3A_318 = %scan3A_283 to %scan3A_285 step %scan3A_286  : i32 {
        %get3A = arith.index_cast %scan3A_318 : i32 to index
        %get3A_319 = arith.constant 0 : index
        %get3A_320 = tpu.vector_load %arg18[%get3A, %get3A_319] {strides = array<i32>} : memref<16x1024xf32, #tpu.memory_space<vmem>>, vector<16xf32>,
        %swap3A = arith.index_cast %scan3A_318 : i32 to index
        %swap3A_321 = arith.constant 0 : index
        %swap3A_322 = tpu.vector_load %arg13[%swap3A, %swap3A_321] {strides = array<i32>} : memref<16x1024xf32, #tpu.memory_space<vmem>>, vector<16xf32>,
        tpu.vector_store %arg13[%swap3A, %swap3A_321], %get3A_320 {add = true, strides = array<i32>} : memref<16x1024xf32, #tpu.memory_space<vmem>>, vector<16xf32>,
        %get3A_323 = arith.index_cast %scan3A_318 : i32 to index
        %get3A_324 = arith.constant 16 : index
        %get3A_325 = tpu.vector_load %arg18[%get3A_323, %get3A_324] {strides = array<i32>} : memref<16x1024xf32, #tpu.memory_space<vmem>>, vector<16xf32>,
        %swap3A_326 = arith.index_cast %scan3A_318 : i32 to index
        %swap3A_327 = arith.constant 16 : index
        %swap3A_328 = tpu.vector_load %arg13[%swap3A_326, %swap3A_327] {strides = array<i32>} : memref<16x1024xf32, #tpu.memory_space<vmem>>, vector<16xf32>,
        tpu.vector_store %arg13[%swap3A_326, %swap3A_327], %get3A_325 {add = true, strides = array<i32>} : memref<16x1024xf32, #tpu.memory_space<vmem>>, vector<16xf32>,
        %get3A_329 = arith.index_cast %scan3A_318 : i32 to index
        %get3A_330 = arith.constant 32 : index
        %get3A_331 = tpu.vector_load %arg18[%get3A_329, %get3A_330] {strides = array<i32>} : memref<16x1024xf32, #tpu.memory_space<vmem>>, vector<16xf32>,
        %swap3A_332 = arith.index_cast %scan3A_318 : i32 to index
        %swap3A_333 = arith.constant 32 : index
        %swap3A_334 = tpu.vector_load %arg13[%swap3A_332, %swap3A_333] {strides = array<i32>} : memref<16x1024xf32, #tpu.memory_space<vmem>>, vector<16xf32>,
        tpu.vector_store %arg13[%swap3A_332, %swap3A_333], %get3A_331 {add = true, strides = array<i32>} : memref<16x1024xf32, #tpu.memory_space<vmem>>, vector<16xf32>,
        %get3A_335 = arith.index_cast %scan3A_318 : i32 to index
        %get3A_336 = arith.constant 48 : index
        %get3A_337 = tpu.vector_load %arg18[%get3A_335, %get3A_336] {strides = array<i32>} : memref<16x1024xf32, #tpu.memory_space<vmem>>, vector<16xf32>,
        %swap3A_338 = arith.index_cast %scan3A_318 : i32 to index
        %swap3A_339 = arith.constant 48 : index
        %swap3A_340 = tpu.vector_load %arg13[%swap3A_338, %swap3A_339] {strides = array<i32>} : memref<16x1024xf32, #tpu.memory_space<vmem>>, vector<16xf32>,
        tpu.vector_store %arg13[%swap3A_338, %swap3A_339], %get3A_337 {add = true, strides = array<i32>} : memref<16x1024xf32, #tpu.memory_space<vmem>>, vector<16xf32>,
        %get3A_341 = arith.index_cast %scan3A_318 : i32 to index
        %get3A_342 = arith.constant 64 : index
        %get3A_343 = tpu.vector_load %arg18[%get3A_341, %get3A_342] {strides = array<i32>} : memref<16x1024xf32, #tpu.memory_space<vmem>>, vector<16xf32>,
        %swap3A_344 = arith.index_cast %scan3A_318 : i32 to index
        %swap3A_345 = arith.constant 64 : index
        %swap3A_346 = tpu.vector_load %arg13[%swap3A_344, %swap3A_345] {strides = array<i32>} : memref<16x1024xf32, #tpu.memory_space<vmem>>, vector<16xf32>,
        tpu.vector_store %arg13[%swap3A_344, %swap3A_345], %get3A_343 {add = true, strides = array<i32>} : memref<16x1024xf32, #tpu.memory_space<vmem>>, vector<16xf32>,
        %get3A_347 = arith.index_cast %scan3A_318 : i32 to index
        %get3A_348 = arith.constant 80 : index
        %get3A_349 = tpu.vector_load %arg18[%get3A_347, %get3A_348] {strides = array<i32>} : memref<16x1024xf32, #tpu.memory_space<vmem>>, vector<16xf32>,
        %swap3A_350 = arith.index_cast %scan3A_318 : i32 to index
        %swap3A_351 = arith.constant 80 : index
        %swap3A_352 = tpu.vector_load %arg13[%swap3A_350, %swap3A_351] {strides = array<i32>} : memref<16x1024xf32, #tpu.memory_space<vmem>>, vector<16xf32>,
        tpu.vector_store %arg13[%swap3A_350, %swap3A_351], %get3A_349 {add = true, strides = array<i32>} : memref<16x1024xf32, #tpu.memory_space<vmem>>, vector<16xf32>,
        %get3A_353 = arith.index_cast %scan3A_318 : i32 to index
        %get3A_354 = arith.constant 96 : index
        %get3A_355 = tpu.vector_load %arg18[%get3A_353, %get3A_354] {strides = array<i32>} : memref<16x1024xf32, #tpu.memory_space<vmem>>, vector<16xf32>,
        %swap3A_356 = arith.index_cast %scan3A_318 : i32 to index
        %swap3A_357 = arith.constant 96 : index
        %swap3A_358 = tpu.vector_load %arg13[%swap3A_356, %swap3A_357] {strides = array<i32>} : memref<16x1024xf32, #tpu.memory_space<vmem>>, vector<16xf32>,
        tpu.vector_store %arg13[%swap3A_356, %swap3A_357], %get3A_355 {add = true, strides = array<i32>} : memref<16x1024xf32, #tpu.memory_space<vmem>>, vector<16xf32>,
        %get3A_359 = arith.index_cast %scan3A_318 : i32 to index
        %get3A_360 = arith.constant 112 : index
        %get3A_361 = tpu.vector_load %arg18[%get3A_359, %get3A_360] {strides = array<i32>} : memref<16x1024xf32, #tpu.memory_space<vmem>>, vector<16xf32>,
        %swap3A_362 = arith.index_cast %scan3A_318 : i32 to index
        %swap3A_363 = arith.constant 112 : index
        %swap3A_364 = tpu.vector_load %arg13[%swap3A_362, %swap3A_363] {strides = array<i32>} : memref<16x1024xf32, #tpu.memory_space<vmem>>, vector<16xf32>,
        tpu.vector_store %arg13[%swap3A_362, %swap3A_363], %get3A_361 {add = true, strides = array<i32>} : memref<16x1024xf32, #tpu.memory_space<vmem>>, vector<16xf32>,
        %get3A_365 = arith.index_cast %scan3A_318 : i32 to index
        %get3A_366 = arith.constant 128 : index
        %get3A_367 = tpu.vector_load %arg18[%get3A_365, %get3A_366] {strides = array<i32>} : memref<16x1024xf32, #tpu.memory_space<vmem>>, vector<16xf32>,
        %swap3A_368 = arith.index_cast %scan3A_318 : i32 to index
        %swap3A_369 = arith.constant 128 : index
        %swap3A_370 = tpu.vector_load %arg13[%swap3A_368, %swap3A_369] {strides = array<i32>} : memref<16x1024xf32, #tpu.memory_space<vmem>>, vector<16xf32>,
        tpu.vector_store %arg13[%swap3A_368, %swap3A_369], %get3A_367 {add = true, strides = array<i32>} : memref<16x1024xf32, #tpu.memory_space<vmem>>, vector<16xf32>,
        %get3A_371 = arith.index_cast %scan3A_318 : i32 to index
        %get3A_372 = arith.constant 144 : index
        %get3A_373 = tpu.vector_load %arg18[%get3A_371, %get3A_372] {strides = array<i32>} : memref<16x1024xf32, #tpu.memory_space<vmem>>, vector<16xf32>,
        %swap3A_374 = arith.index_cast %scan3A_318 : i32 to index
        %swap3A_375 = arith.constant 144 : index
        %swap3A_376 = tpu.vector_load %arg13[%swap3A_374, %swap3A_375] {strides = array<i32>} : memref<16x1024xf32, #tpu.memory_space<vmem>>, vector<16xf32>,
        tpu.vector_store %arg13[%swap3A_374, %swap3A_375], %get3A_373 {add = true, strides = array<i32>} : memref<16x1024xf32, #tpu.memory_space<vmem>>, vector<16xf32>,
        %get3A_377 = arith.index_cast %scan3A_318 : i32 to index
        %get3A_378 = arith.constant 160 : index
        %get3A_379 = tpu.vector_load %arg18[%get3A_377, %get3A_378] {strides = array<i32>} : memref<16x1024xf32, #tpu.memory_space<vmem>>, vector<16xf32>,
        %swap3A_380 = arith.index_cast %scan3A_318 : i32 to index
        %swap3A_381 = arith.constant 160 : index
        %swap3A_382 = tpu.vector_load %arg13[%swap3A_380, %swap3A_381] {strides = array<i32>} : memref<16x1024xf32, #tpu.memory_space<vmem>>, vector<16xf32>,
        tpu.vector_store %arg13[%swap3A_380, %swap3A_381], %get3A_379 {add = true, strides = array<i32>} : memref<16x1024xf32, #tpu.memory_space<vmem>>, vector<16xf32>,
        %get3A_383 = arith.index_cast %scan3A_318 : i32 to index
        %get3A_384 = arith.constant 176 : index
        %get3A_385 = tpu.vector_load %arg18[%get3A_383, %get3A_384] {strides = array<i32>} : memref<16x1024xf32, #tpu.memory_space<vmem>>, vector<16xf32>,
        %swap3A_386 = arith.index_cast %scan3A_318 : i32 to index
        %swap3A_387 = arith.constant 176 : index
        %swap3A_388 = tpu.vector_load %arg13[%swap3A_386, %swap3A_387] {strides = array<i32>} : memref<16x1024xf32, #tpu.memory_space<vmem>>, vector<16xf32>,
        tpu.vector_store %arg13[%swap3A_386, %swap3A_387], %get3A_385 {add = true, strides = array<i32>} : memref<16x1024xf32, #tpu.memory_space<vmem>>, vector<16xf32>,
        %get3A_389 = arith.index_cast %scan3A_318 : i32 to index
        %get3A_390 = arith.constant 192 : index
        %get3A_391 = tpu.vector_load %arg18[%get3A_389, %get3A_390] {strides = array<i32>} : memref<16x1024xf32, #tpu.memory_space<vmem>>, vector<16xf32>,
        %swap3A_392 = arith.index_cast %scan3A_318 : i32 to index
        %swap3A_393 = arith.constant 192 : index
        %swap3A_394 = tpu.vector_load %arg13[%swap3A_392, %swap3A_393] {strides = array<i32>} : memref<16x1024xf32, #tpu.memory_space<vmem>>, vector<16xf32>,
        tpu.vector_store %arg13[%swap3A_392, %swap3A_393], %get3A_391 {add = true, strides = array<i32>} : memref<16x1024xf32, #tpu.memory_space<vmem>>, vector<16xf32>,
        %get3A_395 = arith.index_cast %scan3A_318 : i32 to index
        %get3A_396 = arith.constant 208 : index
        %get3A_397 = tpu.vector_load %arg18[%get3A_395, %get3A_396] {strides = array<i32>} : memref<16x1024xf32, #tpu.memory_space<vmem>>, vector<16xf32>,
        %swap3A_398 = arith.index_cast %scan3A_318 : i32 to index
        %swap3A_399 = arith.constant 208 : index
        %swap3A_400 = tpu.vector_load %arg13[%swap3A_398, %swap3A_399] {strides = array<i32>} : memref<16x1024xf32, #tpu.memory_space<vmem>>, vector<16xf32>,
        tpu.vector_store %arg13[%swap3A_398, %swap3A_399], %get3A_397 {add = true, strides = array<i32>} : memref<16x1024xf32, #tpu.memory_space<vmem>>, vector<16xf32>,
        %get3A_401 = arith.index_cast %scan3A_318 : i32 to index
        %get3A_402 = arith.constant 224 : index
        %get3A_403 = tpu.vector_load %arg18[%get3A_401, %get3A_402] {strides = array<i32>} : memref<16x1024xf32, #tpu.memory_space<vmem>>, vector<16xf32>,
        %swap3A_404 = arith.index_cast %scan3A_318 : i32 to index
        %swap3A_405 = arith.constant 224 : index
        %swap3A_406 = tpu.vector_load %arg13[%swap3A_404, %swap3A_405] {strides = array<i32>} : memref<16x1024xf32, #tpu.memory_space<vmem>>, vector<16xf32>,
        tpu.vector_store %arg13[%swap3A_404, %swap3A_405], %get3A_403 {add = true, strides = array<i32>} : memref<16x1024xf32, #tpu.memory_space<vmem>>, vector<16xf32>,
        %get3A_407 = arith.index_cast %scan3A_318 : i32 to index
        %get3A_408 = arith.constant 240 : index
        %get3A_409 = tpu.vector_load %arg18[%get3A_407, %get3A_408] {strides = array<i32>} : memref<16x1024xf32, #tpu.memory_space<vmem>>, vector<16xf32>,
        %swap3A_410 = arith.index_cast %scan3A_318 : i32 to index
        %swap3A_411 = arith.constant 240 : index
        %swap3A_412 = tpu.vector_load %arg13[%swap3A_410, %swap3A_411] {strides = array<i32>} : memref<16x1024xf32, #tpu.memory_space<vmem>>, vector<16xf32>,
        tpu.vector_store %arg13[%swap3A_410, %swap3A_411], %get3A_409 {add = true, strides = array<i32>} : memref<16x1024xf32, #tpu.memory_space<vmem>>, vector<16xf32>,
        %get3A_413 = arith.index_cast %scan3A_318 : i32 to index
        %get3A_414 = arith.constant 256 : index
        %get3A_415 = tpu.vector_load %arg18[%get3A_413, %get3A_414] {strides = array<i32>} : memref<16x1024xf32, #tpu.memory_space<vmem>>, vector<16xf32>,
        %swap3A_416 = arith.index_cast %scan3A_318 : i32 to index
        %swap3A_417 = arith.constant 256 : index
        %swap3A_418 = tpu.vector_load %arg13[%swap3A_416, %swap3A_417] {strides = array<i32>} : memref<16x1024xf32, #tpu.memory_space<vmem>>, vector<16xf32>,
        tpu.vector_store %arg13[%swap3A_416, %swap3A_417], %get3A_415 {add = true, strides = array<i32>} : memref<16x1024xf32, #tpu.memory_space<vmem>>, vector<16xf32>,
        %get3A_419 = arith.index_cast %scan3A_318 : i32 to index
        %get3A_420 = arith.constant 272 : index
        %get3A_421 = tpu.vector_load %arg18[%get3A_419, %get3A_420] {strides = array<i32>} : memref<16x1024xf32, #tpu.memory_space<vmem>>, vector<16xf32>,
        %swap3A_422 = arith.index_cast %scan3A_318 : i32 to index
        %swap3A_423 = arith.constant 272 : index
        %swap3A_424 = tpu.vector_load %arg13[%swap3A_422, %swap3A_423] {strides = array<i32>} : memref<16x1024xf32, #tpu.memory_space<vmem>>, vector<16xf32>,
        tpu.vector_store %arg13[%swap3A_422, %swap3A_423], %get3A_421 {add = true, strides = array<i32>} : memref<16x1024xf32, #tpu.memory_space<vmem>>, vector<16xf32>,
        %get3A_425 = arith.index_cast %scan3A_318 : i32 to index
        %get3A_426 = arith.constant 288 : index
        %get3A_427 = tpu.vector_load %arg18[%get3A_425, %get3A_426] {strides = array<i32>} : memref<16x1024xf32, #tpu.memory_space<vmem>>, vector<16xf32>,
        %swap3A_428 = arith.index_cast %scan3A_318 : i32 to index
        %swap3A_429 = arith.constant 288 : index
        %swap3A_430 = tpu.vector_load %arg13[%swap3A_428, %swap3A_429] {strides = array<i32>} : memref<16x1024xf32, #tpu.memory_space<vmem>>, vector<16xf32>,
        tpu.vector_store %arg13[%swap3A_428, %swap3A_429], %get3A_427 {add = true, strides = array<i32>} : memref<16x1024xf32, #tpu.memory_space<vmem>>, vector<16xf32>,
        %get3A_431 = arith.index_cast %scan3A_318 : i32 to index
        %get3A_432 = arith.constant 304 : index
        %get3A_433 = tpu.vector_load %arg18[%get3A_431, %get3A_432] {strides = array<i32>} : memref<16x1024xf32, #tpu.memory_space<vmem>>, vector<16xf32>,
        %swap3A_434 = arith.index_cast %scan3A_318 : i32 to index
        %swap3A_435 = arith.constant 304 : index
        %swap3A_436 = tpu.vector_load %arg13[%swap3A_434, %swap3A_435] {strides = array<i32>} : memref<16x1024xf32, #tpu.memory_space<vmem>>, vector<16xf32>,
        tpu.vector_store %arg13[%swap3A_434, %swap3A_435], %get3A_433 {add = true, strides = array<i32>} : memref<16x1024xf32, #tpu.memory_space<vmem>>, vector<16xf32>,
        %get3A_437 = arith.index_cast %scan3A_318 : i32 to index
        %get3A_438 = arith.constant 320 : index
        %get3A_439 = tpu.vector_load %arg18[%get3A_437, %get3A_438] {strides = array<i32>} : memref<16x1024xf32, #tpu.memory_space<vmem>>, vector<16xf32>,
        %swap3A_440 = arith.index_cast %scan3A_318 : i32 to index
        %swap3A_441 = arith.constant 320 : index
        %swap3A_442 = tpu.vector_load %arg13[%swap3A_440, %swap3A_441] {strides = array<i32>} : memref<16x1024xf32, #tpu.memory_space<vmem>>, vector<16xf32>,
        tpu.vector_store %arg13[%swap3A_440, %swap3A_441], %get3A_439 {add = true, strides = array<i32>} : memref<16x1024xf32, #tpu.memory_space<vmem>>, vector<16xf32>,
        %get3A_443 = arith.index_cast %scan3A_318 : i32 to index
        %get3A_444 = arith.constant 336 : index
        %get3A_445 = tpu.vector_load %arg18[%get3A_443, %get3A_444] {strides = array<i32>} : memref<16x1024xf32, #tpu.memory_space<vmem>>, vector<16xf32>,
        %swap3A_446 = arith.index_cast %scan3A_318 : i32 to index
        %swap3A_447 = arith.constant 336 : index
        %swap3A_448 = tpu.vector_load %arg13[%swap3A_446, %swap3A_447] {strides = array<i32>} : memref<16x1024xf32, #tpu.memory_space<vmem>>, vector<16xf32>,
        tpu.vector_store %arg13[%swap3A_446, %swap3A_447], %get3A_445 {add = true, strides = array<i32>} : memref<16x1024xf32, #tpu.memory_space<vmem>>, vector<16xf32>,
        %get3A_449 = arith.index_cast %scan3A_318 : i32 to index
        %get3A_450 = arith.constant 352 : index
        %get3A_451 = tpu.vector_load %arg18[%get3A_449, %get3A_450] {strides = array<i32>} : memref<16x1024xf32, #tpu.memory_space<vmem>>, vector<16xf32>,
        %swap3A_452 = arith.index_cast %scan3A_318 : i32 to index
        %swap3A_453 = arith.constant 352 : index
        %swap3A_454 = tpu.vector_load %arg13[%swap3A_452, %swap3A_453] {strides = array<i32>} : memref<16x1024xf32, #tpu.memory_space<vmem>>, vector<16xf32>,
        tpu.vector_store %arg13[%swap3A_452, %swap3A_453], %get3A_451 {add = true, strides = array<i32>} : memref<16x1024xf32, #tpu.memory_space<vmem>>, vector<16xf32>,
        %get3A_455 = arith.index_cast %scan3A_318 : i32 to index
        %get3A_456 = arith.constant 368 : index
        %get3A_457 = tpu.vector_load %arg18[%get3A_455, %get3A_456] {strides = array<i32>} : memref<16x1024xf32, #tpu.memory_space<vmem>>, vector<16xf32>,
        %swap3A_458 = arith.index_cast %scan3A_318 : i32 to index
        %swap3A_459 = arith.constant 368 : index
        %swap3A_460 = tpu.vector_load %arg13[%swap3A_458, %swap3A_459] {strides = array<i32>} : memref<16x1024xf32, #tpu.memory_space<vmem>>, vector<16xf32>,
        tpu.vector_store %arg13[%swap3A_458, %swap3A_459], %get3A_457 {add = true, strides = array<i32>} : memref<16x1024xf32, #tpu.memory_space<vmem>>, vector<16xf32>,
        %get3A_461 = arith.index_cast %scan3A_318 : i32 to index
        %get3A_462 = arith.constant 384 : index
        %get3A_463 = tpu.vector_load %arg18[%get3A_461, %get3A_462] {strides = array<i32>} : memref<16x1024xf32, #tpu.memory_space<vmem>>, vector<16xf32>,
        %swap3A_464 = arith.index_cast %scan3A_318 : i32 to index
        %swap3A_465 = arith.constant 384 : index
        %swap3A_466 = tpu.vector_load %arg13[%swap3A_464, %swap3A_465] {strides = array<i32>} : memref<16x1024xf32, #tpu.memory_space<vmem>>, vector<16xf32>,
        tpu.vector_store %arg13[%swap3A_464, %swap3A_465], %get3A_463 {add = true, strides = array<i32>} : memref<16x1024xf32, #tpu.memory_space<vmem>>, vector<16xf32>,
        %get3A_467 = arith.index_cast %scan3A_318 : i32 to index
        %get3A_468 = arith.constant 400 : index
        %get3A_469 = tpu.vector_load %arg18[%get3A_467, %get3A_468] {strides = array<i32>} : memref<16x1024xf32, #tpu.memory_space<vmem>>, vector<16xf32>,
        %swap3A_470 = arith.index_cast %scan3A_318 : i32 to index
        %swap3A_471 = arith.constant 400 : index
        %swap3A_472 = tpu.vector_load %arg13[%swap3A_470, %swap3A_471] {strides = array<i32>} : memref<16x1024xf32, #tpu.memory_space<vmem>>, vector<16xf32>,
        tpu.vector_store %arg13[%swap3A_470, %swap3A_471], %get3A_469 {add = true, strides = array<i32>} : memref<16x1024xf32, #tpu.memory_space<vmem>>, vector<16xf32>,
        %get3A_473 = arith.index_cast %scan3A_318 : i32 to index
        %get3A_474 = arith.constant 416 : index
        %get3A_475 = tpu.vector_load %arg18[%get3A_473, %get3A_474] {strides = array<i32>} : memref<16x1024xf32, #tpu.memory_space<vmem>>, vector<16xf32>,
        %swap3A_476 = arith.index_cast %scan3A_318 : i32 to index
        %swap3A_477 = arith.constant 416 : index
        %swap3A_478 = tpu.vector_load %arg13[%swap3A_476, %swap3A_477] {strides = array<i32>} : memref<16x1024xf32, #tpu.memory_space<vmem>>, vector<16xf32>,
        tpu.vector_store %arg13[%swap3A_476, %swap3A_477], %get3A_475 {add = true, strides = array<i32>} : memref<16x1024xf32, #tpu.memory_space<vmem>>, vector<16xf32>,
        %get3A_479 = arith.index_cast %scan3A_318 : i32 to index
        %get3A_480 = arith.constant 432 : index
        %get3A_481 = tpu.vector_load %arg18[%get3A_479, %get3A_480] {strides = array<i32>} : memref<16x1024xf32, #tpu.memory_space<vmem>>, vector<16xf32>,
        %swap3A_482 = arith.index_cast %scan3A_318 : i32 to index
        %swap3A_483 = arith.constant 432 : index
        %swap3A_484 = tpu.vector_load %arg13[%swap3A_482, %swap3A_483] {strides = array<i32>} : memref<16x1024xf32, #tpu.memory_space<vmem>>, vector<16xf32>,
        tpu.vector_store %arg13[%swap3A_482, %swap3A_483], %get3A_481 {add = true, strides = array<i32>} : memref<16x1024xf32, #tpu.memory_space<vmem>>, vector<16xf32>,
        %get3A_485 = arith.index_cast %scan3A_318 : i32 to index
        %get3A_486 = arith.constant 448 : index
        %get3A_487 = tpu.vector_load %arg18[%get3A_485, %get3A_486] {strides = array<i32>} : memref<16x1024xf32, #tpu.memory_space<vmem>>, vector<16xf32>,
        %swap3A_488 = arith.index_cast %scan3A_318 : i32 to index
        %swap3A_489 = arith.constant 448 : index
        %swap3A_490 = tpu.vector_load %arg13[%swap3A_488, %swap3A_489] {strides = array<i32>} : memref<16x1024xf32, #tpu.memory_space<vmem>>, vector<16xf32>,
        tpu.vector_store %arg13[%swap3A_488, %swap3A_489], %get3A_487 {add = true, strides = array<i32>} : memref<16x1024xf32, #tpu.memory_space<vmem>>, vector<16xf32>,
        %get3A_491 = arith.index_cast %scan3A_318 : i32 to index
        %get3A_492 = arith.constant 464 : index
        %get3A_493 = tpu.vector_load %arg18[%get3A_491, %get3A_492] {strides = array<i32>} : memref<16x1024xf32, #tpu.memory_space<vmem>>, vector<16xf32>,
        %swap3A_494 = arith.index_cast %scan3A_318 : i32 to index
        %swap3A_495 = arith.constant 464 : index
        %swap3A_496 = tpu.vector_load %arg13[%swap3A_494, %swap3A_495] {strides = array<i32>} : memref<16x1024xf32, #tpu.memory_space<vmem>>, vector<16xf32>,
        tpu.vector_store %arg13[%swap3A_494, %swap3A_495], %get3A_493 {add = true, strides = array<i32>} : memref<16x1024xf32, #tpu.memory_space<vmem>>, vector<16xf32>,
        %get3A_497 = arith.index_cast %scan3A_318 : i32 to index
        %get3A_498 = arith.constant 480 : index
        %get3A_499 = tpu.vector_load %arg18[%get3A_497, %get3A_498] {strides = array<i32>} : memref<16x1024xf32, #tpu.memory_space<vmem>>, vector<16xf32>,
        %swap3A_500 = arith.index_cast %scan3A_318 : i32 to index
        %swap3A_501 = arith.constant 480 : index
        %swap3A_502 = tpu.vector_load %arg13[%swap3A_500, %swap3A_501] {strides = array<i32>} : memref<16x1024xf32, #tpu.memory_space<vmem>>, vector<16xf32>,
        tpu.vector_store %arg13[%swap3A_500, %swap3A_501], %get3A_499 {add = true, strides = array<i32>} : memref<16x1024xf32, #tpu.memory_space<vmem>>, vector<16xf32>,
        %get3A_503 = arith.index_cast %scan3A_318 : i32 to index
        %get3A_504 = arith.constant 496 : index
        %get3A_505 = tpu.vector_load %arg18[%get3A_503, %get3A_504] {strides = array<i32>} : memref<16x1024xf32, #tpu.memory_space<vmem>>, vector<16xf32>,
        %swap3A_506 = arith.index_cast %scan3A_318 : i32 to index
        %swap3A_507 = arith.constant 496 : index
        %swap3A_508 = tpu.vector_load %arg13[%swap3A_506, %swap3A_507] {strides = array<i32>} : memref<16x1024xf32, #tpu.memory_space<vmem>>, vector<16xf32>,
        tpu.vector_store %arg13[%swap3A_506, %swap3A_507], %get3A_505 {add = true, strides = array<i32>} : memref<16x1024xf32, #tpu.memory_space<vmem>>, vector<16xf32>,
        %get3A_509 = arith.index_cast %scan3A_318 : i32 to index
        %get3A_510 = arith.constant 512 : index
        %get3A_511 = tpu.vector_load %arg18[%get3A_509, %get3A_510] {strides = array<i32>} : memref<16x1024xf32, #tpu.memory_space<vmem>>, vector<16xf32>,
        %swap3A_512 = arith.index_cast %scan3A_318 : i32 to index
        %swap3A_513 = arith.constant 512 : index
        %swap3A_514 = tpu.vector_load %arg13[%swap3A_512, %swap3A_513] {strides = array<i32>} : memref<16x1024xf32, #tpu.memory_space<vmem>>, vector<16xf32>,
        tpu.vector_store %arg13[%swap3A_512, %swap3A_513], %get3A_511 {add = true, strides = array<i32>} : memref<16x1024xf32, #tpu.memory_space<vmem>>, vector<16xf32>,
        %get3A_515 = arith.index_cast %scan3A_318 : i32 to index
        %get3A_516 = arith.constant 528 : index
        %get3A_517 = tpu.vector_load %arg18[%get3A_515, %get3A_516] {strides = array<i32>} : memref<16x1024xf32, #tpu.memory_space<vmem>>, vector<16xf32>,
        %swap3A_518 = arith.index_cast %scan3A_318 : i32 to index
        %swap3A_519 = arith.constant 528 : index
        %swap3A_520 = tpu.vector_load %arg13[%swap3A_518, %swap3A_519] {strides = array<i32>} : memref<16x1024xf32, #tpu.memory_space<vmem>>, vector<16xf32>,
        tpu.vector_store %arg13[%swap3A_518, %swap3A_519], %get3A_517 {add = true, strides = array<i32>} : memref<16x1024xf32, #tpu.memory_space<vmem>>, vector<16xf32>,
        %get3A_521 = arith.index_cast %scan3A_318 : i32 to index
        %get3A_522 = arith.constant 544 : index
        %get3A_523 = tpu.vector_load %arg18[%get3A_521, %get3A_522] {strides = array<i32>} : memref<16x1024xf32, #tpu.memory_space<vmem>>, vector<16xf32>,
        %swap3A_524 = arith.index_cast %scan3A_318 : i32 to index
        %swap3A_525 = arith.constant 544 : index
        %swap3A_526 = tpu.vector_load %arg13[%swap3A_524, %swap3A_525] {strides = array<i32>} : memref<16x1024xf32, #tpu.memory_space<vmem>>, vector<16xf32>,
        tpu.vector_store %arg13[%swap3A_524, %swap3A_525], %get3A_523 {add = true, strides = array<i32>} : memref<16x1024xf32, #tpu.memory_space<vmem>>, vector<16xf32>,
        %get3A_527 = arith.index_cast %scan3A_318 : i32 to index
        %get3A_528 = arith.constant 560 : index
        %get3A_529 = tpu.vector_load %arg18[%get3A_527, %get3A_528] {strides = array<i32>} : memref<16x1024xf32, #tpu.memory_space<vmem>>, vector<16xf32>,
        %swap3A_530 = arith.index_cast %scan3A_318 : i32 to index
        %swap3A_531 = arith.constant 560 : index
        %swap3A_532 = tpu.vector_load %arg13[%swap3A_530, %swap3A_531] {strides = array<i32>} : memref<16x1024xf32, #tpu.memory_space<vmem>>, vector<16xf32>,
        tpu.vector_store %arg13[%swap3A_530, %swap3A_531], %get3A_529 {add = true, strides = array<i32>} : memref<16x1024xf32, #tpu.memory_space<vmem>>, vector<16xf32>,
        %get3A_533 = arith.index_cast %scan3A_318 : i32 to index
        %get3A_534 = arith.constant 576 : index
        %get3A_535 = tpu.vector_load %arg18[%get3A_533, %get3A_534] {strides = array<i32>} : memref<16x1024xf32, #tpu.memory_space<vmem>>, vector<16xf32>,
        %swap3A_536 = arith.index_cast %scan3A_318 : i32 to index
        %swap3A_537 = arith.constant 576 : index
        %swap3A_538 = tpu.vector_load %arg13[%swap3A_536, %swap3A_537] {strides = array<i32>} : memref<16x1024xf32, #tpu.memory_space<vmem>>, vector<16xf32>,
        tpu.vector_store %arg13[%swap3A_536, %swap3A_537], %get3A_535 {add = true, strides = array<i32>} : memref<16x1024xf32, #tpu.memory_space<vmem>>, vector<16xf32>,
        %get3A_539 = arith.index_cast %scan3A_318 : i32 to index
        %get3A_540 = arith.constant 592 : index
        %get3A_541 = tpu.vector_load %arg18[%get3A_539, %get3A_540] {strides = array<i32>} : memref<16x1024xf32, #tpu.memory_space<vmem>>, vector<16xf32>,
        %swap3A_542 = arith.index_cast %scan3A_318 : i32 to index
        %swap3A_543 = arith.constant 592 : index
        %swap3A_544 = tpu.vector_load %arg13[%swap3A_542, %swap3A_543] {strides = array<i32>} : memref<16x1024xf32, #tpu.memory_space<vmem>>, vector<16xf32>,
        tpu.vector_store %arg13[%swap3A_542, %swap3A_543], %get3A_541 {add = true, strides = array<i32>} : memref<16x1024xf32, #tpu.memory_space<vmem>>, vector<16xf32>,
        %get3A_545 = arith.index_cast %scan3A_318 : i32 to index
        %get3A_546 = arith.constant 608 : index
        %get3A_547 = tpu.vector_load %arg18[%get3A_545, %get3A_546] {strides = array<i32>} : memref<16x1024xf32, #tpu.memory_space<vmem>>, vector<16xf32>,
        %swap3A_548 = arith.index_cast %scan3A_318 : i32 to index
        %swap3A_549 = arith.constant 608 : index
        %swap3A_550 = tpu.vector_load %arg13[%swap3A_548, %swap3A_549] {strides = array<i32>} : memref<16x1024xf32, #tpu.memory_space<vmem>>, vector<16xf32>,
        tpu.vector_store %arg13[%swap3A_548, %swap3A_549], %get3A_547 {add = true, strides = array<i32>} : memref<16x1024xf32, #tpu.memory_space<vmem>>, vector<16xf32>,
        %get3A_551 = arith.index_cast %scan3A_318 : i32 to index
        %get3A_552 = arith.constant 624 : index
        %get3A_553 = tpu.vector_load %arg18[%get3A_551, %get3A_552] {strides = array<i32>} : memref<16x1024xf32, #tpu.memory_space<vmem>>, vector<16xf32>,
        %swap3A_554 = arith.index_cast %scan3A_318 : i32 to index
        %swap3A_555 = arith.constant 624 : index
        %swap3A_556 = tpu.vector_load %arg13[%swap3A_554, %swap3A_555] {strides = array<i32>} : memref<16x1024xf32, #tpu.memory_space<vmem>>, vector<16xf32>,
        tpu.vector_store %arg13[%swap3A_554, %swap3A_555], %get3A_553 {add = true, strides = array<i32>} : memref<16x1024xf32, #tpu.memory_space<vmem>>, vector<16xf32>,
        %get3A_557 = arith.index_cast %scan3A_318 : i32 to index
        %get3A_558 = arith.constant 640 : index
        %get3A_559 = tpu.vector_load %arg18[%get3A_557, %get3A_558] {strides = array<i32>} : memref<16x1024xf32, #tpu.memory_space<vmem>>, vector<16xf32>,
        %swap3A_560 = arith.index_cast %scan3A_318 : i32 to index
        %swap3A_561 = arith.constant 640 : index
        %swap3A_562 = tpu.vector_load %arg13[%swap3A_560, %swap3A_561] {strides = array<i32>} : memref<16x1024xf32, #tpu.memory_space<vmem>>, vector<16xf32>,
        tpu.vector_store %arg13[%swap3A_560, %swap3A_561], %get3A_559 {add = true, strides = array<i32>} : memref<16x1024xf32, #tpu.memory_space<vmem>>, vector<16xf32>,
        %get3A_563 = arith.index_cast %scan3A_318 : i32 to index
        %get3A_564 = arith.constant 656 : index
        %get3A_565 = tpu.vector_load %arg18[%get3A_563, %get3A_564] {strides = array<i32>} : memref<16x1024xf32, #tpu.memory_space<vmem>>, vector<16xf32>,
        %swap3A_566 = arith.index_cast %scan3A_318 : i32 to index
        %swap3A_567 = arith.constant 656 : index
        %swap3A_568 = tpu.vector_load %arg13[%swap3A_566, %swap3A_567] {strides = array<i32>} : memref<16x1024xf32, #tpu.memory_space<vmem>>, vector<16xf32>,
        tpu.vector_store %arg13[%swap3A_566, %swap3A_567], %get3A_565 {add = true, strides = array<i32>} : memref<16x1024xf32, #tpu.memory_space<vmem>>, vector<16xf32>,
        %get3A_569 = arith.index_cast %scan3A_318 : i32 to index
        %get3A_570 = arith.constant 672 : index
        %get3A_571 = tpu.vector_load %arg18[%get3A_569, %get3A_570] {strides = array<i32>} : memref<16x1024xf32, #tpu.memory_space<vmem>>, vector<16xf32>,
        %swap3A_572 = arith.index_cast %scan3A_318 : i32 to index
        %swap3A_573 = arith.constant 672 : index
        %swap3A_574 = tpu.vector_load %arg13[%swap3A_572, %swap3A_573] {strides = array<i32>} : memref<16x1024xf32, #tpu.memory_space<vmem>>, vector<16xf32>,
        tpu.vector_store %arg13[%swap3A_572, %swap3A_573], %get3A_571 {add = true, strides = array<i32>} : memref<16x1024xf32, #tpu.memory_space<vmem>>, vector<16xf32>,
        %get3A_575 = arith.index_cast %scan3A_318 : i32 to index
        %get3A_576 = arith.constant 688 : index
        %get3A_577 = tpu.vector_load %arg18[%get3A_575, %get3A_576] {strides = array<i32>} : memref<16x1024xf32, #tpu.memory_space<vmem>>, vector<16xf32>,
        %swap3A_578 = arith.index_cast %scan3A_318 : i32 to index
        %swap3A_579 = arith.constant 688 : index
        %swap3A_580 = tpu.vector_load %arg13[%swap3A_578, %swap3A_579] {strides = array<i32>} : memref<16x1024xf32, #tpu.memory_space<vmem>>, vector<16xf32>,
        tpu.vector_store %arg13[%swap3A_578, %swap3A_579], %get3A_577 {add = true, strides = array<i32>} : memref<16x1024xf32, #tpu.memory_space<vmem>>, vector<16xf32>,
        %get3A_581 = arith.index_cast %scan3A_318 : i32 to index
        %get3A_582 = arith.constant 704 : index
        %get3A_583 = tpu.vector_load %arg18[%get3A_581, %get3A_582] {strides = array<i32>} : memref<16x1024xf32, #tpu.memory_space<vmem>>, vector<16xf32>,
        %swap3A_584 = arith.index_cast %scan3A_318 : i32 to index
        %swap3A_585 = arith.constant 704 : index
        %swap3A_586 = tpu.vector_load %arg13[%swap3A_584, %swap3A_585] {strides = array<i32>} : memref<16x1024xf32, #tpu.memory_space<vmem>>, vector<16xf32>,
        tpu.vector_store %arg13[%swap3A_584, %swap3A_585], %get3A_583 {add = true, strides = array<i32>} : memref<16x1024xf32, #tpu.memory_space<vmem>>, vector<16xf32>,
        %get3A_587 = arith.index_cast %scan3A_318 : i32 to index
        %get3A_588 = arith.constant 720 : index
        %get3A_589 = tpu.vector_load %arg18[%get3A_587, %get3A_588] {strides = array<i32>} : memref<16x1024xf32, #tpu.memory_space<vmem>>, vector<16xf32>,
        %swap3A_590 = arith.index_cast %scan3A_318 : i32 to index
        %swap3A_591 = arith.constant 720 : index
        %swap3A_592 = tpu.vector_load %arg13[%swap3A_590, %swap3A_591] {strides = array<i32>} : memref<16x1024xf32, #tpu.memory_space<vmem>>, vector<16xf32>,
        tpu.vector_store %arg13[%swap3A_590, %swap3A_591], %get3A_589 {add = true, strides = array<i32>} : memref<16x1024xf32, #tpu.memory_space<vmem>>, vector<16xf32>,
        %get3A_593 = arith.index_cast %scan3A_318 : i32 to index
        %get3A_594 = arith.constant 736 : index
        %get3A_595 = tpu.vector_load %arg18[%get3A_593, %get3A_594] {strides = array<i32>} : memref<16x1024xf32, #tpu.memory_space<vmem>>, vector<16xf32>,
        %swap3A_596 = arith.index_cast %scan3A_318 : i32 to index
        %swap3A_597 = arith.constant 736 : index
        %swap3A_598 = tpu.vector_load %arg13[%swap3A_596, %swap3A_597] {strides = array<i32>} : memref<16x1024xf32, #tpu.memory_space<vmem>>, vector<16xf32>,
        tpu.vector_store %arg13[%swap3A_596, %swap3A_597], %get3A_595 {add = true, strides = array<i32>} : memref<16x1024xf32, #tpu.memory_space<vmem>>, vector<16xf32>,
        %get3A_599 = arith.index_cast %scan3A_318 : i32 to index
        %get3A_600 = arith.constant 752 : index
        %get3A_601 = tpu.vector_load %arg18[%get3A_599, %get3A_600] {strides = array<i32>} : memref<16x1024xf32, #tpu.memory_space<vmem>>, vector<16xf32>,
        %swap3A_602 = arith.index_cast %scan3A_318 : i32 to index
        %swap3A_603 = arith.constant 752 : index
        %swap3A_604 = tpu.vector_load %arg13[%swap3A_602, %swap3A_603] {strides = array<i32>} : memref<16x1024xf32, #tpu.memory_space<vmem>>, vector<16xf32>,
        tpu.vector_store %arg13[%swap3A_602, %swap3A_603], %get3A_601 {add = true, strides = array<i32>} : memref<16x1024xf32, #tpu.memory_space<vmem>>, vector<16xf32>,
        %get3A_605 = arith.index_cast %scan3A_318 : i32 to index
        %get3A_606 = arith.constant 768 : index
        %get3A_607 = tpu.vector_load %arg18[%get3A_605, %get3A_606] {strides = array<i32>} : memref<16x1024xf32, #tpu.memory_space<vmem>>, vector<16xf32>,
        %swap3A_608 = arith.index_cast %scan3A_318 : i32 to index
        %swap3A_609 = arith.constant 768 : index
        %swap3A_610 = tpu.vector_load %arg13[%swap3A_608, %swap3A_609] {strides = array<i32>} : memref<16x1024xf32, #tpu.memory_space<vmem>>, vector<16xf32>,
        tpu.vector_store %arg13[%swap3A_608, %swap3A_609], %get3A_607 {add = true, strides = array<i32>} : memref<16x1024xf32, #tpu.memory_space<vmem>>, vector<16xf32>,
        %get3A_611 = arith.index_cast %scan3A_318 : i32 to index
        %get3A_612 = arith.constant 784 : index
        %get3A_613 = tpu.vector_load %arg18[%get3A_611, %get3A_612] {strides = array<i32>} : memref<16x1024xf32, #tpu.memory_space<vmem>>, vector<16xf32>,
        %swap3A_614 = arith.index_cast %scan3A_318 : i32 to index
        %swap3A_615 = arith.constant 784 : index
        %swap3A_616 = tpu.vector_load %arg13[%swap3A_614, %swap3A_615] {strides = array<i32>} : memref<16x1024xf32, #tpu.memory_space<vmem>>, vector<16xf32>,
        tpu.vector_store %arg13[%swap3A_614, %swap3A_615], %get3A_613 {add = true, strides = array<i32>} : memref<16x1024xf32, #tpu.memory_space<vmem>>, vector<16xf32>,
        %get3A_617 = arith.index_cast %scan3A_318 : i32 to index
        %get3A_618 = arith.constant 800 : index
        %get3A_619 = tpu.vector_load %arg18[%get3A_617, %get3A_618] {strides = array<i32>} : memref<16x1024xf32, #tpu.memory_space<vmem>>, vector<16xf32>,
        %swap3A_620 = arith.index_cast %scan3A_318 : i32 to index
        %swap3A_621 = arith.constant 800 : index
        %swap3A_622 = tpu.vector_load %arg13[%swap3A_620, %swap3A_621] {strides = array<i32>} : memref<16x1024xf32, #tpu.memory_space<vmem>>, vector<16xf32>,
        tpu.vector_store %arg13[%swap3A_620, %swap3A_621], %get3A_619 {add = true, strides = array<i32>} : memref<16x1024xf32, #tpu.memory_space<vmem>>, vector<16xf32>,
        %get3A_623 = arith.index_cast %scan3A_318 : i32 to index
        %get3A_624 = arith.constant 816 : index
        %get3A_625 = tpu.vector_load %arg18[%get3A_623, %get3A_624] {strides = array<i32>} : memref<16x1024xf32, #tpu.memory_space<vmem>>, vector<16xf32>,
        %swap3A_626 = arith.index_cast %scan3A_318 : i32 to index
        %swap3A_627 = arith.constant 816 : index
        %swap3A_628 = tpu.vector_load %arg13[%swap3A_626, %swap3A_627] {strides = array<i32>} : memref<16x1024xf32, #tpu.memory_space<vmem>>, vector<16xf32>,
        tpu.vector_store %arg13[%swap3A_626, %swap3A_627], %get3A_625 {add = true, strides = array<i32>} : memref<16x1024xf32, #tpu.memory_space<vmem>>, vector<16xf32>,
        %get3A_629 = arith.index_cast %scan3A_318 : i32 to index
        %get3A_630 = arith.constant 832 : index
        %get3A_631 = tpu.vector_load %arg18[%get3A_629, %get3A_630] {strides = array<i32>} : memref<16x1024xf32, #tpu.memory_space<vmem>>, vector<16xf32>,
        %swap3A_632 = arith.index_cast %scan3A_318 : i32 to index
        %swap3A_633 = arith.constant 832 : index
        %swap3A_634 = tpu.vector_load %arg13[%swap3A_632, %swap3A_633] {strides = array<i32>} : memref<16x1024xf32, #tpu.memory_space<vmem>>, vector<16xf32>,
        tpu.vector_store %arg13[%swap3A_632, %swap3A_633], %get3A_631 {add = true, strides = array<i32>} : memref<16x1024xf32, #tpu.memory_space<vmem>>, vector<16xf32>,
        %get3A_635 = arith.index_cast %scan3A_318 : i32 to index
        %get3A_636 = arith.constant 848 : index
        %get3A_637 = tpu.vector_load %arg18[%get3A_635, %get3A_636] {strides = array<i32>} : memref<16x1024xf32, #tpu.memory_space<vmem>>, vector<16xf32>,
        %swap3A_638 = arith.index_cast %scan3A_318 : i32 to index
        %swap3A_639 = arith.constant 848 : index
        %swap3A_640 = tpu.vector_load %arg13[%swap3A_638, %swap3A_639] {strides = array<i32>} : memref<16x1024xf32, #tpu.memory_space<vmem>>, vector<16xf32>,
        tpu.vector_store %arg13[%swap3A_638, %swap3A_639], %get3A_637 {add = true, strides = array<i32>} : memref<16x1024xf32, #tpu.memory_space<vmem>>, vector<16xf32>,
        %get3A_641 = arith.index_cast %scan3A_318 : i32 to index
        %get3A_642 = arith.constant 864 : index
        %get3A_643 = tpu.vector_load %arg18[%get3A_641, %get3A_642] {strides = array<i32>} : memref<16x1024xf32, #tpu.memory_space<vmem>>, vector<16xf32>,
        %swap3A_644 = arith.index_cast %scan3A_318 : i32 to index
        %swap3A_645 = arith.constant 864 : index
        %swap3A_646 = tpu.vector_load %arg13[%swap3A_644, %swap3A_645] {strides = array<i32>} : memref<16x1024xf32, #tpu.memory_space<vmem>>, vector<16xf32>,
        tpu.vector_store %arg13[%swap3A_644, %swap3A_645], %get3A_643 {add = true, strides = array<i32>} : memref<16x1024xf32, #tpu.memory_space<vmem>>, vector<16xf32>,
        %get3A_647 = arith.index_cast %scan3A_318 : i32 to index
        %get3A_648 = arith.constant 880 : index
        %get3A_649 = tpu.vector_load %arg18[%get3A_647, %get3A_648] {strides = array<i32>} : memref<16x1024xf32, #tpu.memory_space<vmem>>, vector<16xf32>,
        %swap3A_650 = arith.index_cast %scan3A_318 : i32 to index
        %swap3A_651 = arith.constant 880 : index
        %swap3A_652 = tpu.vector_load %arg13[%swap3A_650, %swap3A_651] {strides = array<i32>} : memref<16x1024xf32, #tpu.memory_space<vmem>>, vector<16xf32>,
        tpu.vector_store %arg13[%swap3A_650, %swap3A_651], %get3A_649 {add = true, strides = array<i32>} : memref<16x1024xf32, #tpu.memory_space<vmem>>, vector<16xf32>,
        %get3A_653 = arith.index_cast %scan3A_318 : i32 to index
        %get3A_654 = arith.constant 896 : index
        %get3A_655 = tpu.vector_load %arg18[%get3A_653, %get3A_654] {strides = array<i32>} : memref<16x1024xf32, #tpu.memory_space<vmem>>, vector<16xf32>,
        %swap3A_656 = arith.index_cast %scan3A_318 : i32 to index
        %swap3A_657 = arith.constant 896 : index
        %swap3A_658 = tpu.vector_load %arg13[%swap3A_656, %swap3A_657] {strides = array<i32>} : memref<16x1024xf32, #tpu.memory_space<vmem>>, vector<16xf32>,
        tpu.vector_store %arg13[%swap3A_656, %swap3A_657], %get3A_655 {add = true, strides = array<i32>} : memref<16x1024xf32, #tpu.memory_space<vmem>>, vector<16xf32>,
        %get3A_659 = arith.index_cast %scan3A_318 : i32 to index
        %get3A_660 = arith.constant 912 : index
        %get3A_661 = tpu.vector_load %arg18[%get3A_659, %get3A_660] {strides = array<i32>} : memref<16x1024xf32, #tpu.memory_space<vmem>>, vector<16xf32>,
        %swap3A_662 = arith.index_cast %scan3A_318 : i32 to index
        %swap3A_663 = arith.constant 912 : index
        %swap3A_664 = tpu.vector_load %arg13[%swap3A_662, %swap3A_663] {strides = array<i32>} : memref<16x1024xf32, #tpu.memory_space<vmem>>, vector<16xf32>,
        tpu.vector_store %arg13[%swap3A_662, %swap3A_663], %get3A_661 {add = true, strides = array<i32>} : memref<16x1024xf32, #tpu.memory_space<vmem>>, vector<16xf32>,
        %get3A_665 = arith.index_cast %scan3A_318 : i32 to index
        %get3A_666 = arith.constant 928 : index
        %get3A_667 = tpu.vector_load %arg18[%get3A_665, %get3A_666] {strides = array<i32>} : memref<16x1024xf32, #tpu.memory_space<vmem>>, vector<16xf32>,
        %swap3A_668 = arith.index_cast %scan3A_318 : i32 to index
        %swap3A_669 = arith.constant 928 : index
        %swap3A_670 = tpu.vector_load %arg13[%swap3A_668, %swap3A_669] {strides = array<i32>} : memref<16x1024xf32, #tpu.memory_space<vmem>>, vector<16xf32>,
        tpu.vector_store %arg13[%swap3A_668, %swap3A_669], %get3A_667 {add = true, strides = array<i32>} : memref<16x1024xf32, #tpu.memory_space<vmem>>, vector<16xf32>,
        %get3A_671 = arith.index_cast %scan3A_318 : i32 to index
        %get3A_672 = arith.constant 944 : index
        %get3A_673 = tpu.vector_load %arg18[%get3A_671, %get3A_672] {strides = array<i32>} : memref<16x1024xf32, #tpu.memory_space<vmem>>, vector<16xf32>,
        %swap3A_674 = arith.index_cast %scan3A_318 : i32 to index
        %swap3A_675 = arith.constant 944 : index
        %swap3A_676 = tpu.vector_load %arg13[%swap3A_674, %swap3A_675] {strides = array<i32>} : memref<16x1024xf32, #tpu.memory_space<vmem>>, vector<16xf32>,
        tpu.vector_store %arg13[%swap3A_674, %swap3A_675], %get3A_673 {add = true, strides = array<i32>} : memref<16x1024xf32, #tpu.memory_space<vmem>>, vector<16xf32>,
        %get3A_677 = arith.index_cast %scan3A_318 : i32 to index
        %get3A_678 = arith.constant 960 : index
        %get3A_679 = tpu.vector_load %arg18[%get3A_677, %get3A_678] {strides = array<i32>} : memref<16x1024xf32, #tpu.memory_space<vmem>>, vector<16xf32>,
        %swap3A_680 = arith.index_cast %scan3A_318 : i32 to index
        %swap3A_681 = arith.constant 960 : index
        %swap3A_682 = tpu.vector_load %arg13[%swap3A_680, %swap3A_681] {strides = array<i32>} : memref<16x1024xf32, #tpu.memory_space<vmem>>, vector<16xf32>,
        tpu.vector_store %arg13[%swap3A_680, %swap3A_681], %get3A_679 {add = true, strides = array<i32>} : memref<16x1024xf32, #tpu.memory_space<vmem>>, vector<16xf32>,
        %get3A_683 = arith.index_cast %scan3A_318 : i32 to index
        %get3A_684 = arith.constant 976 : index
        %get3A_685 = tpu.vector_load %arg18[%get3A_683, %get3A_684] {strides = array<i32>} : memref<16x1024xf32, #tpu.memory_space<vmem>>, vector<16xf32>,
        %swap3A_686 = arith.index_cast %scan3A_318 : i32 to index
        %swap3A_687 = arith.constant 976 : index
        %swap3A_688 = tpu.vector_load %arg13[%swap3A_686, %swap3A_687] {strides = array<i32>} : memref<16x1024xf32, #tpu.memory_space<vmem>>, vector<16xf32>,
        tpu.vector_store %arg13[%swap3A_686, %swap3A_687], %get3A_685 {add = true, strides = array<i32>} : memref<16x1024xf32, #tpu.memory_space<vmem>>, vector<16xf32>,
        %get3A_689 = arith.index_cast %scan3A_318 : i32 to index
        %get3A_690 = arith.constant 992 : index
        %get3A_691 = tpu.vector_load %arg18[%get3A_689, %get3A_690] {strides = array<i32>} : memref<16x1024xf32, #tpu.memory_space<vmem>>, vector<16xf32>,
        %swap3A_692 = arith.index_cast %scan3A_318 : i32 to index
        %swap3A_693 = arith.constant 992 : index
        %swap3A_694 = tpu.vector_load %arg13[%swap3A_692, %swap3A_693] {strides = array<i32>} : memref<16x1024xf32, #tpu.memory_space<vmem>>, vector<16xf32>,
        tpu.vector_store %arg13[%swap3A_692, %swap3A_693], %get3A_691 {add = true, strides = array<i32>} : memref<16x1024xf32, #tpu.memory_space<vmem>>, vector<16xf32>,
        %get3A_695 = arith.index_cast %scan3A_318 : i32 to index
        %get3A_696 = arith.constant 1008 : index
        %get3A_697 = tpu.vector_load %arg18[%get3A_695, %get3A_696] {strides = array<i32>} : memref<16x1024xf32, #tpu.memory_space<vmem>>, vector<16xf32>,
        %swap3A_698 = arith.index_cast %scan3A_318 : i32 to index
        %swap3A_699 = arith.constant 1008 : index
        %swap3A_700 = tpu.vector_load %arg13[%swap3A_698, %swap3A_699] {strides = array<i32>} : memref<16x1024xf32, #tpu.memory_space<vmem>>, vector<16xf32>,
        tpu.vector_store %arg13[%swap3A_698, %swap3A_699], %get3A_697 {add = true, strides = array<i32>} : memref<16x1024xf32, #tpu.memory_space<vmem>>, vector<16xf32>,
      }
      %scan3A_287 = arith.constant 16 : i32
      %add3A_288 = arith.constant 1 : i32
      %add3A_289 = arith.addi %add3A_213, %add3A_288 : i32
      %lt3A_290 = arith.constant 64 : i32
      %lt3A_291 = arith.cmpi slt, %add3A_289, %lt3A_290 : i32
      %convert_element_type3A_292 = arith.extui %lt3A_291 : i1 to i32
      %cond3A_293 = arith.constant 0 : i32
      %cond3A_294 = arith.cmpi ne, %convert_element_type3A_292, %cond3A_293 : i32
      scf.if %cond3A_294 {
        %add3A_318 = arith.constant 1 : i32
        %add3A_319 = arith.addi %add3A_213, %add3A_318 : i32
        %mul3A_320 = arith.constant 16 : i32
        %mul3A_321 = arith.muli %add3A_319, %mul3A_320 : i32
        %dma_start3A_322 = arith.constant 4 : i32
        %dma_start3A_323 = tpu.memref_slice %arg11[%dma_start3A_322, %mul3A_321] : memref<6x1024xi32, #tpu.memory_space<vmem>> -> memref<1x16xi32, #tpu.memory_space<vmem>>
        %dma_start3A_324 = tpu.memref_squeeze %dma_start3A_323 : memref<1x16xi32, #tpu.memory_space<vmem>> -> memref<16xi32, #tpu.memory_space<vmem>>
        %dma_start3A_325 = arith.constant 0 : i32
        %dma_start3A_326 = arith.constant 0 : i32
        %dma_start3A_327 = tpu.memref_slice %arg7[%dma_start3A_325, %dma_start3A_326] : memref<1024x1024xf32, #tpu.memory_space<hbm>> -> memref<1024x1024xf32, #tpu.memory_space<hbm>>
        tpu.enqueue_indirect_dma source(%dma_start3A_327 : memref<1024x1024xf32, #tpu.memory_space<hbm>>) target(%arg18 : memref<16x1024xf32, #tpu.memory_space<vmem>>) offsets(%dma_start3A_324 : memref<16xi32, #tpu.memory_space<vmem>>) semaphore(%arg27 : memref<!tpu.dma_semaphore, #tpu.memory_space<semaphore_mem>>)
      } else {
      }
      %dma_wait3A_295 = arith.constant 5 : i32
      %dma_wait3A_296 = arith.constant 0 : i32
      %dma_wait3A_297 = tpu.memref_slice %arg11[%dma_wait3A_295, %dma_wait3A_296] : memref<6x1024xi32, #tpu.memory_space<vmem>> -> memref<1x16xi32, #tpu.memory_space<vmem>>
      %dma_wait3A_298 = tpu.memref_squeeze %dma_wait3A_297 : memref<1x16xi32, #tpu.memory_space<vmem>> -> memref<16xi32, #tpu.memory_space<vmem>>
      %dma_wait3A_299 = arith.constant 0 : i32
      %dma_wait3A_300 = arith.constant 0 : i32
      %dma_wait3A_301 = tpu.memref_slice %arg8[%dma_wait3A_299, %dma_wait3A_300] : memref<1024x1024xf32, #tpu.memory_space<hbm>> -> memref<1024x1024xf32, #tpu.memory_space<hbm>>
      tpu.wait_indirect_dma semaphore(%arg29 : memref<!tpu.dma_semaphore, #tpu.memory_space<semaphore_mem>>) src(%dma_wait3A_301 : memref<1024x1024xf32, #tpu.memory_space<hbm>>) dst(%arg17 : memref<16x1024xf32, #tpu.memory_space<vmem>>)
      %scan3A_302 = arith.constant 0 : i32
      %scan3A_303 = arith.constant 0 : i32
      %scan3A_304 = arith.constant 16 : i32
      %scan3A_305 = arith.addi %scan3A_303, %scan3A_304 : i32
      %scan3A_306 = arith.constant 1 : i32
      scf.for %scan3A_318 = %scan3A_303 to %scan3A_305 step %scan3A_306  : i32 {
        %get3A = arith.index_cast %scan3A_318 : i32 to index
        %get3A_319 = arith.constant 0 : index
        %get3A_320 = tpu.vector_load %arg17[%get3A, %get3A_319] {strides = array<i32>} : memref<16x1024xf32, #tpu.memory_space<vmem>>, vector<16xf32>,
        %swap3A = arith.index_cast %scan3A_318 : i32 to index
        %swap3A_321 = arith.constant 0 : index
        %swap3A_322 = tpu.vector_load %arg13[%swap3A, %swap3A_321] {strides = array<i32>} : memref<16x1024xf32, #tpu.memory_space<vmem>>, vector<16xf32>,
        tpu.vector_store %arg13[%swap3A, %swap3A_321], %get3A_320 {add = true, strides = array<i32>} : memref<16x1024xf32, #tpu.memory_space<vmem>>, vector<16xf32>,
        %get3A_323 = arith.index_cast %scan3A_318 : i32 to index
        %get3A_324 = arith.constant 16 : index
        %get3A_325 = tpu.vector_load %arg17[%get3A_323, %get3A_324] {strides = array<i32>} : memref<16x1024xf32, #tpu.memory_space<vmem>>, vector<16xf32>,
        %swap3A_326 = arith.index_cast %scan3A_318 : i32 to index
        %swap3A_327 = arith.constant 16 : index
        %swap3A_328 = tpu.vector_load %arg13[%swap3A_326, %swap3A_327] {strides = array<i32>} : memref<16x1024xf32, #tpu.memory_space<vmem>>, vector<16xf32>,
        tpu.vector_store %arg13[%swap3A_326, %swap3A_327], %get3A_325 {add = true, strides = array<i32>} : memref<16x1024xf32, #tpu.memory_space<vmem>>, vector<16xf32>,
        %get3A_329 = arith.index_cast %scan3A_318 : i32 to index
        %get3A_330 = arith.constant 32 : index
        %get3A_331 = tpu.vector_load %arg17[%get3A_329, %get3A_330] {strides = array<i32>} : memref<16x1024xf32, #tpu.memory_space<vmem>>, vector<16xf32>,
        %swap3A_332 = arith.index_cast %scan3A_318 : i32 to index
        %swap3A_333 = arith.constant 32 : index
        %swap3A_334 = tpu.vector_load %arg13[%swap3A_332, %swap3A_333] {strides = array<i32>} : memref<16x1024xf32, #tpu.memory_space<vmem>>, vector<16xf32>,
        tpu.vector_store %arg13[%swap3A_332, %swap3A_333], %get3A_331 {add = true, strides = array<i32>} : memref<16x1024xf32, #tpu.memory_space<vmem>>, vector<16xf32>,
        %get3A_335 = arith.index_cast %scan3A_318 : i32 to index
        %get3A_336 = arith.constant 48 : index
        %get3A_337 = tpu.vector_load %arg17[%get3A_335, %get3A_336] {strides = array<i32>} : memref<16x1024xf32, #tpu.memory_space<vmem>>, vector<16xf32>,
        %swap3A_338 = arith.index_cast %scan3A_318 : i32 to index
        %swap3A_339 = arith.constant 48 : index
        %swap3A_340 = tpu.vector_load %arg13[%swap3A_338, %swap3A_339] {strides = array<i32>} : memref<16x1024xf32, #tpu.memory_space<vmem>>, vector<16xf32>,
        tpu.vector_store %arg13[%swap3A_338, %swap3A_339], %get3A_337 {add = true, strides = array<i32>} : memref<16x1024xf32, #tpu.memory_space<vmem>>, vector<16xf32>,
        %get3A_341 = arith.index_cast %scan3A_318 : i32 to index
        %get3A_342 = arith.constant 64 : index
        %get3A_343 = tpu.vector_load %arg17[%get3A_341, %get3A_342] {strides = array<i32>} : memref<16x1024xf32, #tpu.memory_space<vmem>>, vector<16xf32>,
        %swap3A_344 = arith.index_cast %scan3A_318 : i32 to index
        %swap3A_345 = arith.constant 64 : index
        %swap3A_346 = tpu.vector_load %arg13[%swap3A_344, %swap3A_345] {strides = array<i32>} : memref<16x1024xf32, #tpu.memory_space<vmem>>, vector<16xf32>,
        tpu.vector_store %arg13[%swap3A_344, %swap3A_345], %get3A_343 {add = true, strides = array<i32>} : memref<16x1024xf32, #tpu.memory_space<vmem>>, vector<16xf32>,
        %get3A_347 = arith.index_cast %scan3A_318 : i32 to index
        %get3A_348 = arith.constant 80 : index
        %get3A_349 = tpu.vector_load %arg17[%get3A_347, %get3A_348] {strides = array<i32>} : memref<16x1024xf32, #tpu.memory_space<vmem>>, vector<16xf32>,
        %swap3A_350 = arith.index_cast %scan3A_318 : i32 to index
        %swap3A_351 = arith.constant 80 : index
        %swap3A_352 = tpu.vector_load %arg13[%swap3A_350, %swap3A_351] {strides = array<i32>} : memref<16x1024xf32, #tpu.memory_space<vmem>>, vector<16xf32>,
        tpu.vector_store %arg13[%swap3A_350, %swap3A_351], %get3A_349 {add = true, strides = array<i32>} : memref<16x1024xf32, #tpu.memory_space<vmem>>, vector<16xf32>,
        %get3A_353 = arith.index_cast %scan3A_318 : i32 to index
        %get3A_354 = arith.constant 96 : index
        %get3A_355 = tpu.vector_load %arg17[%get3A_353, %get3A_354] {strides = array<i32>} : memref<16x1024xf32, #tpu.memory_space<vmem>>, vector<16xf32>,
        %swap3A_356 = arith.index_cast %scan3A_318 : i32 to index
        %swap3A_357 = arith.constant 96 : index
        %swap3A_358 = tpu.vector_load %arg13[%swap3A_356, %swap3A_357] {strides = array<i32>} : memref<16x1024xf32, #tpu.memory_space<vmem>>, vector<16xf32>,
        tpu.vector_store %arg13[%swap3A_356, %swap3A_357], %get3A_355 {add = true, strides = array<i32>} : memref<16x1024xf32, #tpu.memory_space<vmem>>, vector<16xf32>,
        %get3A_359 = arith.index_cast %scan3A_318 : i32 to index
        %get3A_360 = arith.constant 112 : index
        %get3A_361 = tpu.vector_load %arg17[%get3A_359, %get3A_360] {strides = array<i32>} : memref<16x1024xf32, #tpu.memory_space<vmem>>, vector<16xf32>,
        %swap3A_362 = arith.index_cast %scan3A_318 : i32 to index
        %swap3A_363 = arith.constant 112 : index
        %swap3A_364 = tpu.vector_load %arg13[%swap3A_362, %swap3A_363] {strides = array<i32>} : memref<16x1024xf32, #tpu.memory_space<vmem>>, vector<16xf32>,
        tpu.vector_store %arg13[%swap3A_362, %swap3A_363], %get3A_361 {add = true, strides = array<i32>} : memref<16x1024xf32, #tpu.memory_space<vmem>>, vector<16xf32>,
        %get3A_365 = arith.index_cast %scan3A_318 : i32 to index
        %get3A_366 = arith.constant 128 : index
        %get3A_367 = tpu.vector_load %arg17[%get3A_365, %get3A_366] {strides = array<i32>} : memref<16x1024xf32, #tpu.memory_space<vmem>>, vector<16xf32>,
        %swap3A_368 = arith.index_cast %scan3A_318 : i32 to index
        %swap3A_369 = arith.constant 128 : index
        %swap3A_370 = tpu.vector_load %arg13[%swap3A_368, %swap3A_369] {strides = array<i32>} : memref<16x1024xf32, #tpu.memory_space<vmem>>, vector<16xf32>,
        tpu.vector_store %arg13[%swap3A_368, %swap3A_369], %get3A_367 {add = true, strides = array<i32>} : memref<16x1024xf32, #tpu.memory_space<vmem>>, vector<16xf32>,
        %get3A_371 = arith.index_cast %scan3A_318 : i32 to index
        %get3A_372 = arith.constant 144 : index
        %get3A_373 = tpu.vector_load %arg17[%get3A_371, %get3A_372] {strides = array<i32>} : memref<16x1024xf32, #tpu.memory_space<vmem>>, vector<16xf32>,
        %swap3A_374 = arith.index_cast %scan3A_318 : i32 to index
        %swap3A_375 = arith.constant 144 : index
        %swap3A_376 = tpu.vector_load %arg13[%swap3A_374, %swap3A_375] {strides = array<i32>} : memref<16x1024xf32, #tpu.memory_space<vmem>>, vector<16xf32>,
        tpu.vector_store %arg13[%swap3A_374, %swap3A_375], %get3A_373 {add = true, strides = array<i32>} : memref<16x1024xf32, #tpu.memory_space<vmem>>, vector<16xf32>,
        %get3A_377 = arith.index_cast %scan3A_318 : i32 to index
        %get3A_378 = arith.constant 160 : index
        %get3A_379 = tpu.vector_load %arg17[%get3A_377, %get3A_378] {strides = array<i32>} : memref<16x1024xf32, #tpu.memory_space<vmem>>, vector<16xf32>,
        %swap3A_380 = arith.index_cast %scan3A_318 : i32 to index
        %swap3A_381 = arith.constant 160 : index
        %swap3A_382 = tpu.vector_load %arg13[%swap3A_380, %swap3A_381] {strides = array<i32>} : memref<16x1024xf32, #tpu.memory_space<vmem>>, vector<16xf32>,
        tpu.vector_store %arg13[%swap3A_380, %swap3A_381], %get3A_379 {add = true, strides = array<i32>} : memref<16x1024xf32, #tpu.memory_space<vmem>>, vector<16xf32>,
        %get3A_383 = arith.index_cast %scan3A_318 : i32 to index
        %get3A_384 = arith.constant 176 : index
        %get3A_385 = tpu.vector_load %arg17[%get3A_383, %get3A_384] {strides = array<i32>} : memref<16x1024xf32, #tpu.memory_space<vmem>>, vector<16xf32>,
        %swap3A_386 = arith.index_cast %scan3A_318 : i32 to index
        %swap3A_387 = arith.constant 176 : index
        %swap3A_388 = tpu.vector_load %arg13[%swap3A_386, %swap3A_387] {strides = array<i32>} : memref<16x1024xf32, #tpu.memory_space<vmem>>, vector<16xf32>,
        tpu.vector_store %arg13[%swap3A_386, %swap3A_387], %get3A_385 {add = true, strides = array<i32>} : memref<16x1024xf32, #tpu.memory_space<vmem>>, vector<16xf32>,
        %get3A_389 = arith.index_cast %scan3A_318 : i32 to index
        %get3A_390 = arith.constant 192 : index
        %get3A_391 = tpu.vector_load %arg17[%get3A_389, %get3A_390] {strides = array<i32>} : memref<16x1024xf32, #tpu.memory_space<vmem>>, vector<16xf32>,
        %swap3A_392 = arith.index_cast %scan3A_318 : i32 to index
        %swap3A_393 = arith.constant 192 : index
        %swap3A_394 = tpu.vector_load %arg13[%swap3A_392, %swap3A_393] {strides = array<i32>} : memref<16x1024xf32, #tpu.memory_space<vmem>>, vector<16xf32>,
        tpu.vector_store %arg13[%swap3A_392, %swap3A_393], %get3A_391 {add = true, strides = array<i32>} : memref<16x1024xf32, #tpu.memory_space<vmem>>, vector<16xf32>,
        %get3A_395 = arith.index_cast %scan3A_318 : i32 to index
        %get3A_396 = arith.constant 208 : index
        %get3A_397 = tpu.vector_load %arg17[%get3A_395, %get3A_396] {strides = array<i32>} : memref<16x1024xf32, #tpu.memory_space<vmem>>, vector<16xf32>,
        %swap3A_398 = arith.index_cast %scan3A_318 : i32 to index
        %swap3A_399 = arith.constant 208 : index
        %swap3A_400 = tpu.vector_load %arg13[%swap3A_398, %swap3A_399] {strides = array<i32>} : memref<16x1024xf32, #tpu.memory_space<vmem>>, vector<16xf32>,
        tpu.vector_store %arg13[%swap3A_398, %swap3A_399], %get3A_397 {add = true, strides = array<i32>} : memref<16x1024xf32, #tpu.memory_space<vmem>>, vector<16xf32>,
        %get3A_401 = arith.index_cast %scan3A_318 : i32 to index
        %get3A_402 = arith.constant 224 : index
        %get3A_403 = tpu.vector_load %arg17[%get3A_401, %get3A_402] {strides = array<i32>} : memref<16x1024xf32, #tpu.memory_space<vmem>>, vector<16xf32>,
        %swap3A_404 = arith.index_cast %scan3A_318 : i32 to index
        %swap3A_405 = arith.constant 224 : index
        %swap3A_406 = tpu.vector_load %arg13[%swap3A_404, %swap3A_405] {strides = array<i32>} : memref<16x1024xf32, #tpu.memory_space<vmem>>, vector<16xf32>,
        tpu.vector_store %arg13[%swap3A_404, %swap3A_405], %get3A_403 {add = true, strides = array<i32>} : memref<16x1024xf32, #tpu.memory_space<vmem>>, vector<16xf32>,
        %get3A_407 = arith.index_cast %scan3A_318 : i32 to index
        %get3A_408 = arith.constant 240 : index
        %get3A_409 = tpu.vector_load %arg17[%get3A_407, %get3A_408] {strides = array<i32>} : memref<16x1024xf32, #tpu.memory_space<vmem>>, vector<16xf32>,
        %swap3A_410 = arith.index_cast %scan3A_318 : i32 to index
        %swap3A_411 = arith.constant 240 : index
        %swap3A_412 = tpu.vector_load %arg13[%swap3A_410, %swap3A_411] {strides = array<i32>} : memref<16x1024xf32, #tpu.memory_space<vmem>>, vector<16xf32>,
        tpu.vector_store %arg13[%swap3A_410, %swap3A_411], %get3A_409 {add = true, strides = array<i32>} : memref<16x1024xf32, #tpu.memory_space<vmem>>, vector<16xf32>,
        %get3A_413 = arith.index_cast %scan3A_318 : i32 to index
        %get3A_414 = arith.constant 256 : index
        %get3A_415 = tpu.vector_load %arg17[%get3A_413, %get3A_414] {strides = array<i32>} : memref<16x1024xf32, #tpu.memory_space<vmem>>, vector<16xf32>,
        %swap3A_416 = arith.index_cast %scan3A_318 : i32 to index
        %swap3A_417 = arith.constant 256 : index
        %swap3A_418 = tpu.vector_load %arg13[%swap3A_416, %swap3A_417] {strides = array<i32>} : memref<16x1024xf32, #tpu.memory_space<vmem>>, vector<16xf32>,
        tpu.vector_store %arg13[%swap3A_416, %swap3A_417], %get3A_415 {add = true, strides = array<i32>} : memref<16x1024xf32, #tpu.memory_space<vmem>>, vector<16xf32>,
        %get3A_419 = arith.index_cast %scan3A_318 : i32 to index
        %get3A_420 = arith.constant 272 : index
        %get3A_421 = tpu.vector_load %arg17[%get3A_419, %get3A_420] {strides = array<i32>} : memref<16x1024xf32, #tpu.memory_space<vmem>>, vector<16xf32>,
        %swap3A_422 = arith.index_cast %scan3A_318 : i32 to index
        %swap3A_423 = arith.constant 272 : index
        %swap3A_424 = tpu.vector_load %arg13[%swap3A_422, %swap3A_423] {strides = array<i32>} : memref<16x1024xf32, #tpu.memory_space<vmem>>, vector<16xf32>,
        tpu.vector_store %arg13[%swap3A_422, %swap3A_423], %get3A_421 {add = true, strides = array<i32>} : memref<16x1024xf32, #tpu.memory_space<vmem>>, vector<16xf32>,
        %get3A_425 = arith.index_cast %scan3A_318 : i32 to index
        %get3A_426 = arith.constant 288 : index
        %get3A_427 = tpu.vector_load %arg17[%get3A_425, %get3A_426] {strides = array<i32>} : memref<16x1024xf32, #tpu.memory_space<vmem>>, vector<16xf32>,
        %swap3A_428 = arith.index_cast %scan3A_318 : i32 to index
        %swap3A_429 = arith.constant 288 : index
        %swap3A_430 = tpu.vector_load %arg13[%swap3A_428, %swap3A_429] {strides = array<i32>} : memref<16x1024xf32, #tpu.memory_space<vmem>>, vector<16xf32>,
        tpu.vector_store %arg13[%swap3A_428, %swap3A_429], %get3A_427 {add = true, strides = array<i32>} : memref<16x1024xf32, #tpu.memory_space<vmem>>, vector<16xf32>,
        %get3A_431 = arith.index_cast %scan3A_318 : i32 to index
        %get3A_432 = arith.constant 304 : index
        %get3A_433 = tpu.vector_load %arg17[%get3A_431, %get3A_432] {strides = array<i32>} : memref<16x1024xf32, #tpu.memory_space<vmem>>, vector<16xf32>,
        %swap3A_434 = arith.index_cast %scan3A_318 : i32 to index
        %swap3A_435 = arith.constant 304 : index
        %swap3A_436 = tpu.vector_load %arg13[%swap3A_434, %swap3A_435] {strides = array<i32>} : memref<16x1024xf32, #tpu.memory_space<vmem>>, vector<16xf32>,
        tpu.vector_store %arg13[%swap3A_434, %swap3A_435], %get3A_433 {add = true, strides = array<i32>} : memref<16x1024xf32, #tpu.memory_space<vmem>>, vector<16xf32>,
        %get3A_437 = arith.index_cast %scan3A_318 : i32 to index
        %get3A_438 = arith.constant 320 : index
        %get3A_439 = tpu.vector_load %arg17[%get3A_437, %get3A_438] {strides = array<i32>} : memref<16x1024xf32, #tpu.memory_space<vmem>>, vector<16xf32>,
        %swap3A_440 = arith.index_cast %scan3A_318 : i32 to index
        %swap3A_441 = arith.constant 320 : index
        %swap3A_442 = tpu.vector_load %arg13[%swap3A_440, %swap3A_441] {strides = array<i32>} : memref<16x1024xf32, #tpu.memory_space<vmem>>, vector<16xf32>,
        tpu.vector_store %arg13[%swap3A_440, %swap3A_441], %get3A_439 {add = true, strides = array<i32>} : memref<16x1024xf32, #tpu.memory_space<vmem>>, vector<16xf32>,
        %get3A_443 = arith.index_cast %scan3A_318 : i32 to index
        %get3A_444 = arith.constant 336 : index
        %get3A_445 = tpu.vector_load %arg17[%get3A_443, %get3A_444] {strides = array<i32>} : memref<16x1024xf32, #tpu.memory_space<vmem>>, vector<16xf32>,
        %swap3A_446 = arith.index_cast %scan3A_318 : i32 to index
        %swap3A_447 = arith.constant 336 : index
        %swap3A_448 = tpu.vector_load %arg13[%swap3A_446, %swap3A_447] {strides = array<i32>} : memref<16x1024xf32, #tpu.memory_space<vmem>>, vector<16xf32>,
        tpu.vector_store %arg13[%swap3A_446, %swap3A_447], %get3A_445 {add = true, strides = array<i32>} : memref<16x1024xf32, #tpu.memory_space<vmem>>, vector<16xf32>,
        %get3A_449 = arith.index_cast %scan3A_318 : i32 to index
        %get3A_450 = arith.constant 352 : index
        %get3A_451 = tpu.vector_load %arg17[%get3A_449, %get3A_450] {strides = array<i32>} : memref<16x1024xf32, #tpu.memory_space<vmem>>, vector<16xf32>,
        %swap3A_452 = arith.index_cast %scan3A_318 : i32 to index
        %swap3A_453 = arith.constant 352 : index
        %swap3A_454 = tpu.vector_load %arg13[%swap3A_452, %swap3A_453] {strides = array<i32>} : memref<16x1024xf32, #tpu.memory_space<vmem>>, vector<16xf32>,
        tpu.vector_store %arg13[%swap3A_452, %swap3A_453], %get3A_451 {add = true, strides = array<i32>} : memref<16x1024xf32, #tpu.memory_space<vmem>>, vector<16xf32>,
        %get3A_455 = arith.index_cast %scan3A_318 : i32 to index
        %get3A_456 = arith.constant 368 : index
        %get3A_457 = tpu.vector_load %arg17[%get3A_455, %get3A_456] {strides = array<i32>} : memref<16x1024xf32, #tpu.memory_space<vmem>>, vector<16xf32>,
        %swap3A_458 = arith.index_cast %scan3A_318 : i32 to index
        %swap3A_459 = arith.constant 368 : index
        %swap3A_460 = tpu.vector_load %arg13[%swap3A_458, %swap3A_459] {strides = array<i32>} : memref<16x1024xf32, #tpu.memory_space<vmem>>, vector<16xf32>,
        tpu.vector_store %arg13[%swap3A_458, %swap3A_459], %get3A_457 {add = true, strides = array<i32>} : memref<16x1024xf32, #tpu.memory_space<vmem>>, vector<16xf32>,
        %get3A_461 = arith.index_cast %scan3A_318 : i32 to index
        %get3A_462 = arith.constant 384 : index
        %get3A_463 = tpu.vector_load %arg17[%get3A_461, %get3A_462] {strides = array<i32>} : memref<16x1024xf32, #tpu.memory_space<vmem>>, vector<16xf32>,
        %swap3A_464 = arith.index_cast %scan3A_318 : i32 to index
        %swap3A_465 = arith.constant 384 : index
        %swap3A_466 = tpu.vector_load %arg13[%swap3A_464, %swap3A_465] {strides = array<i32>} : memref<16x1024xf32, #tpu.memory_space<vmem>>, vector<16xf32>,
        tpu.vector_store %arg13[%swap3A_464, %swap3A_465], %get3A_463 {add = true, strides = array<i32>} : memref<16x1024xf32, #tpu.memory_space<vmem>>, vector<16xf32>,
        %get3A_467 = arith.index_cast %scan3A_318 : i32 to index
        %get3A_468 = arith.constant 400 : index
        %get3A_469 = tpu.vector_load %arg17[%get3A_467, %get3A_468] {strides = array<i32>} : memref<16x1024xf32, #tpu.memory_space<vmem>>, vector<16xf32>,
        %swap3A_470 = arith.index_cast %scan3A_318 : i32 to index
        %swap3A_471 = arith.constant 400 : index
        %swap3A_472 = tpu.vector_load %arg13[%swap3A_470, %swap3A_471] {strides = array<i32>} : memref<16x1024xf32, #tpu.memory_space<vmem>>, vector<16xf32>,
        tpu.vector_store %arg13[%swap3A_470, %swap3A_471], %get3A_469 {add = true, strides = array<i32>} : memref<16x1024xf32, #tpu.memory_space<vmem>>, vector<16xf32>,
        %get3A_473 = arith.index_cast %scan3A_318 : i32 to index
        %get3A_474 = arith.constant 416 : index
        %get3A_475 = tpu.vector_load %arg17[%get3A_473, %get3A_474] {strides = array<i32>} : memref<16x1024xf32, #tpu.memory_space<vmem>>, vector<16xf32>,
        %swap3A_476 = arith.index_cast %scan3A_318 : i32 to index
        %swap3A_477 = arith.constant 416 : index
        %swap3A_478 = tpu.vector_load %arg13[%swap3A_476, %swap3A_477] {strides = array<i32>} : memref<16x1024xf32, #tpu.memory_space<vmem>>, vector<16xf32>,
        tpu.vector_store %arg13[%swap3A_476, %swap3A_477], %get3A_475 {add = true, strides = array<i32>} : memref<16x1024xf32, #tpu.memory_space<vmem>>, vector<16xf32>,
        %get3A_479 = arith.index_cast %scan3A_318 : i32 to index
        %get3A_480 = arith.constant 432 : index
        %get3A_481 = tpu.vector_load %arg17[%get3A_479, %get3A_480] {strides = array<i32>} : memref<16x1024xf32, #tpu.memory_space<vmem>>, vector<16xf32>,
        %swap3A_482 = arith.index_cast %scan3A_318 : i32 to index
        %swap3A_483 = arith.constant 432 : index
        %swap3A_484 = tpu.vector_load %arg13[%swap3A_482, %swap3A_483] {strides = array<i32>} : memref<16x1024xf32, #tpu.memory_space<vmem>>, vector<16xf32>,
        tpu.vector_store %arg13[%swap3A_482, %swap3A_483], %get3A_481 {add = true, strides = array<i32>} : memref<16x1024xf32, #tpu.memory_space<vmem>>, vector<16xf32>,
        %get3A_485 = arith.index_cast %scan3A_318 : i32 to index
        %get3A_486 = arith.constant 448 : index
        %get3A_487 = tpu.vector_load %arg17[%get3A_485, %get3A_486] {strides = array<i32>} : memref<16x1024xf32, #tpu.memory_space<vmem>>, vector<16xf32>,
        %swap3A_488 = arith.index_cast %scan3A_318 : i32 to index
        %swap3A_489 = arith.constant 448 : index
        %swap3A_490 = tpu.vector_load %arg13[%swap3A_488, %swap3A_489] {strides = array<i32>} : memref<16x1024xf32, #tpu.memory_space<vmem>>, vector<16xf32>,
        tpu.vector_store %arg13[%swap3A_488, %swap3A_489], %get3A_487 {add = true, strides = array<i32>} : memref<16x1024xf32, #tpu.memory_space<vmem>>, vector<16xf32>,
        %get3A_491 = arith.index_cast %scan3A_318 : i32 to index
        %get3A_492 = arith.constant 464 : index
        %get3A_493 = tpu.vector_load %arg17[%get3A_491, %get3A_492] {strides = array<i32>} : memref<16x1024xf32, #tpu.memory_space<vmem>>, vector<16xf32>,
        %swap3A_494 = arith.index_cast %scan3A_318 : i32 to index
        %swap3A_495 = arith.constant 464 : index
        %swap3A_496 = tpu.vector_load %arg13[%swap3A_494, %swap3A_495] {strides = array<i32>} : memref<16x1024xf32, #tpu.memory_space<vmem>>, vector<16xf32>,
        tpu.vector_store %arg13[%swap3A_494, %swap3A_495], %get3A_493 {add = true, strides = array<i32>} : memref<16x1024xf32, #tpu.memory_space<vmem>>, vector<16xf32>,
        %get3A_497 = arith.index_cast %scan3A_318 : i32 to index
        %get3A_498 = arith.constant 480 : index
        %get3A_499 = tpu.vector_load %arg17[%get3A_497, %get3A_498] {strides = array<i32>} : memref<16x1024xf32, #tpu.memory_space<vmem>>, vector<16xf32>,
        %swap3A_500 = arith.index_cast %scan3A_318 : i32 to index
        %swap3A_501 = arith.constant 480 : index
        %swap3A_502 = tpu.vector_load %arg13[%swap3A_500, %swap3A_501] {strides = array<i32>} : memref<16x1024xf32, #tpu.memory_space<vmem>>, vector<16xf32>,
        tpu.vector_store %arg13[%swap3A_500, %swap3A_501], %get3A_499 {add = true, strides = array<i32>} : memref<16x1024xf32, #tpu.memory_space<vmem>>, vector<16xf32>,
        %get3A_503 = arith.index_cast %scan3A_318 : i32 to index
        %get3A_504 = arith.constant 496 : index
        %get3A_505 = tpu.vector_load %arg17[%get3A_503, %get3A_504] {strides = array<i32>} : memref<16x1024xf32, #tpu.memory_space<vmem>>, vector<16xf32>,
        %swap3A_506 = arith.index_cast %scan3A_318 : i32 to index
        %swap3A_507 = arith.constant 496 : index
        %swap3A_508 = tpu.vector_load %arg13[%swap3A_506, %swap3A_507] {strides = array<i32>} : memref<16x1024xf32, #tpu.memory_space<vmem>>, vector<16xf32>,
        tpu.vector_store %arg13[%swap3A_506, %swap3A_507], %get3A_505 {add = true, strides = array<i32>} : memref<16x1024xf32, #tpu.memory_space<vmem>>, vector<16xf32>,
        %get3A_509 = arith.index_cast %scan3A_318 : i32 to index
        %get3A_510 = arith.constant 512 : index
        %get3A_511 = tpu.vector_load %arg17[%get3A_509, %get3A_510] {strides = array<i32>} : memref<16x1024xf32, #tpu.memory_space<vmem>>, vector<16xf32>,
        %swap3A_512 = arith.index_cast %scan3A_318 : i32 to index
        %swap3A_513 = arith.constant 512 : index
        %swap3A_514 = tpu.vector_load %arg13[%swap3A_512, %swap3A_513] {strides = array<i32>} : memref<16x1024xf32, #tpu.memory_space<vmem>>, vector<16xf32>,
        tpu.vector_store %arg13[%swap3A_512, %swap3A_513], %get3A_511 {add = true, strides = array<i32>} : memref<16x1024xf32, #tpu.memory_space<vmem>>, vector<16xf32>,
        %get3A_515 = arith.index_cast %scan3A_318 : i32 to index
        %get3A_516 = arith.constant 528 : index
        %get3A_517 = tpu.vector_load %arg17[%get3A_515, %get3A_516] {strides = array<i32>} : memref<16x1024xf32, #tpu.memory_space<vmem>>, vector<16xf32>,
        %swap3A_518 = arith.index_cast %scan3A_318 : i32 to index
        %swap3A_519 = arith.constant 528 : index
        %swap3A_520 = tpu.vector_load %arg13[%swap3A_518, %swap3A_519] {strides = array<i32>} : memref<16x1024xf32, #tpu.memory_space<vmem>>, vector<16xf32>,
        tpu.vector_store %arg13[%swap3A_518, %swap3A_519], %get3A_517 {add = true, strides = array<i32>} : memref<16x1024xf32, #tpu.memory_space<vmem>>, vector<16xf32>,
        %get3A_521 = arith.index_cast %scan3A_318 : i32 to index
        %get3A_522 = arith.constant 544 : index
        %get3A_523 = tpu.vector_load %arg17[%get3A_521, %get3A_522] {strides = array<i32>} : memref<16x1024xf32, #tpu.memory_space<vmem>>, vector<16xf32>,
        %swap3A_524 = arith.index_cast %scan3A_318 : i32 to index
        %swap3A_525 = arith.constant 544 : index
        %swap3A_526 = tpu.vector_load %arg13[%swap3A_524, %swap3A_525] {strides = array<i32>} : memref<16x1024xf32, #tpu.memory_space<vmem>>, vector<16xf32>,
        tpu.vector_store %arg13[%swap3A_524, %swap3A_525], %get3A_523 {add = true, strides = array<i32>} : memref<16x1024xf32, #tpu.memory_space<vmem>>, vector<16xf32>,
        %get3A_527 = arith.index_cast %scan3A_318 : i32 to index
        %get3A_528 = arith.constant 560 : index
        %get3A_529 = tpu.vector_load %arg17[%get3A_527, %get3A_528] {strides = array<i32>} : memref<16x1024xf32, #tpu.memory_space<vmem>>, vector<16xf32>,
        %swap3A_530 = arith.index_cast %scan3A_318 : i32 to index
        %swap3A_531 = arith.constant 560 : index
        %swap3A_532 = tpu.vector_load %arg13[%swap3A_530, %swap3A_531] {strides = array<i32>} : memref<16x1024xf32, #tpu.memory_space<vmem>>, vector<16xf32>,
        tpu.vector_store %arg13[%swap3A_530, %swap3A_531], %get3A_529 {add = true, strides = array<i32>} : memref<16x1024xf32, #tpu.memory_space<vmem>>, vector<16xf32>,
        %get3A_533 = arith.index_cast %scan3A_318 : i32 to index
        %get3A_534 = arith.constant 576 : index
        %get3A_535 = tpu.vector_load %arg17[%get3A_533, %get3A_534] {strides = array<i32>} : memref<16x1024xf32, #tpu.memory_space<vmem>>, vector<16xf32>,
        %swap3A_536 = arith.index_cast %scan3A_318 : i32 to index
        %swap3A_537 = arith.constant 576 : index
        %swap3A_538 = tpu.vector_load %arg13[%swap3A_536, %swap3A_537] {strides = array<i32>} : memref<16x1024xf32, #tpu.memory_space<vmem>>, vector<16xf32>,
        tpu.vector_store %arg13[%swap3A_536, %swap3A_537], %get3A_535 {add = true, strides = array<i32>} : memref<16x1024xf32, #tpu.memory_space<vmem>>, vector<16xf32>,
        %get3A_539 = arith.index_cast %scan3A_318 : i32 to index
        %get3A_540 = arith.constant 592 : index
        %get3A_541 = tpu.vector_load %arg17[%get3A_539, %get3A_540] {strides = array<i32>} : memref<16x1024xf32, #tpu.memory_space<vmem>>, vector<16xf32>,
        %swap3A_542 = arith.index_cast %scan3A_318 : i32 to index
        %swap3A_543 = arith.constant 592 : index
        %swap3A_544 = tpu.vector_load %arg13[%swap3A_542, %swap3A_543] {strides = array<i32>} : memref<16x1024xf32, #tpu.memory_space<vmem>>, vector<16xf32>,
        tpu.vector_store %arg13[%swap3A_542, %swap3A_543], %get3A_541 {add = true, strides = array<i32>} : memref<16x1024xf32, #tpu.memory_space<vmem>>, vector<16xf32>,
        %get3A_545 = arith.index_cast %scan3A_318 : i32 to index
        %get3A_546 = arith.constant 608 : index
        %get3A_547 = tpu.vector_load %arg17[%get3A_545, %get3A_546] {strides = array<i32>} : memref<16x1024xf32, #tpu.memory_space<vmem>>, vector<16xf32>,
        %swap3A_548 = arith.index_cast %scan3A_318 : i32 to index
        %swap3A_549 = arith.constant 608 : index
        %swap3A_550 = tpu.vector_load %arg13[%swap3A_548, %swap3A_549] {strides = array<i32>} : memref<16x1024xf32, #tpu.memory_space<vmem>>, vector<16xf32>,
        tpu.vector_store %arg13[%swap3A_548, %swap3A_549], %get3A_547 {add = true, strides = array<i32>} : memref<16x1024xf32, #tpu.memory_space<vmem>>, vector<16xf32>,
        %get3A_551 = arith.index_cast %scan3A_318 : i32 to index
        %get3A_552 = arith.constant 624 : index
        %get3A_553 = tpu.vector_load %arg17[%get3A_551, %get3A_552] {strides = array<i32>} : memref<16x1024xf32, #tpu.memory_space<vmem>>, vector<16xf32>,
        %swap3A_554 = arith.index_cast %scan3A_318 : i32 to index
        %swap3A_555 = arith.constant 624 : index
        %swap3A_556 = tpu.vector_load %arg13[%swap3A_554, %swap3A_555] {strides = array<i32>} : memref<16x1024xf32, #tpu.memory_space<vmem>>, vector<16xf32>,
        tpu.vector_store %arg13[%swap3A_554, %swap3A_555], %get3A_553 {add = true, strides = array<i32>} : memref<16x1024xf32, #tpu.memory_space<vmem>>, vector<16xf32>,
        %get3A_557 = arith.index_cast %scan3A_318 : i32 to index
        %get3A_558 = arith.constant 640 : index
        %get3A_559 = tpu.vector_load %arg17[%get3A_557, %get3A_558] {strides = array<i32>} : memref<16x1024xf32, #tpu.memory_space<vmem>>, vector<16xf32>,
        %swap3A_560 = arith.index_cast %scan3A_318 : i32 to index
        %swap3A_561 = arith.constant 640 : index
        %swap3A_562 = tpu.vector_load %arg13[%swap3A_560, %swap3A_561] {strides = array<i32>} : memref<16x1024xf32, #tpu.memory_space<vmem>>, vector<16xf32>,
        tpu.vector_store %arg13[%swap3A_560, %swap3A_561], %get3A_559 {add = true, strides = array<i32>} : memref<16x1024xf32, #tpu.memory_space<vmem>>, vector<16xf32>,
        %get3A_563 = arith.index_cast %scan3A_318 : i32 to index
        %get3A_564 = arith.constant 656 : index
        %get3A_565 = tpu.vector_load %arg17[%get3A_563, %get3A_564] {strides = array<i32>} : memref<16x1024xf32, #tpu.memory_space<vmem>>, vector<16xf32>,
        %swap3A_566 = arith.index_cast %scan3A_318 : i32 to index
        %swap3A_567 = arith.constant 656 : index
        %swap3A_568 = tpu.vector_load %arg13[%swap3A_566, %swap3A_567] {strides = array<i32>} : memref<16x1024xf32, #tpu.memory_space<vmem>>, vector<16xf32>,
        tpu.vector_store %arg13[%swap3A_566, %swap3A_567], %get3A_565 {add = true, strides = array<i32>} : memref<16x1024xf32, #tpu.memory_space<vmem>>, vector<16xf32>,
        %get3A_569 = arith.index_cast %scan3A_318 : i32 to index
        %get3A_570 = arith.constant 672 : index
        %get3A_571 = tpu.vector_load %arg17[%get3A_569, %get3A_570] {strides = array<i32>} : memref<16x1024xf32, #tpu.memory_space<vmem>>, vector<16xf32>,
        %swap3A_572 = arith.index_cast %scan3A_318 : i32 to index
        %swap3A_573 = arith.constant 672 : index
        %swap3A_574 = tpu.vector_load %arg13[%swap3A_572, %swap3A_573] {strides = array<i32>} : memref<16x1024xf32, #tpu.memory_space<vmem>>, vector<16xf32>,
        tpu.vector_store %arg13[%swap3A_572, %swap3A_573], %get3A_571 {add = true, strides = array<i32>} : memref<16x1024xf32, #tpu.memory_space<vmem>>, vector<16xf32>,
        %get3A_575 = arith.index_cast %scan3A_318 : i32 to index
        %get3A_576 = arith.constant 688 : index
        %get3A_577 = tpu.vector_load %arg17[%get3A_575, %get3A_576] {strides = array<i32>} : memref<16x1024xf32, #tpu.memory_space<vmem>>, vector<16xf32>,
        %swap3A_578 = arith.index_cast %scan3A_318 : i32 to index
        %swap3A_579 = arith.constant 688 : index
        %swap3A_580 = tpu.vector_load %arg13[%swap3A_578, %swap3A_579] {strides = array<i32>} : memref<16x1024xf32, #tpu.memory_space<vmem>>, vector<16xf32>,
        tpu.vector_store %arg13[%swap3A_578, %swap3A_579], %get3A_577 {add = true, strides = array<i32>} : memref<16x1024xf32, #tpu.memory_space<vmem>>, vector<16xf32>,
        %get3A_581 = arith.index_cast %scan3A_318 : i32 to index
        %get3A_582 = arith.constant 704 : index
        %get3A_583 = tpu.vector_load %arg17[%get3A_581, %get3A_582] {strides = array<i32>} : memref<16x1024xf32, #tpu.memory_space<vmem>>, vector<16xf32>,
        %swap3A_584 = arith.index_cast %scan3A_318 : i32 to index
        %swap3A_585 = arith.constant 704 : index
        %swap3A_586 = tpu.vector_load %arg13[%swap3A_584, %swap3A_585] {strides = array<i32>} : memref<16x1024xf32, #tpu.memory_space<vmem>>, vector<16xf32>,
        tpu.vector_store %arg13[%swap3A_584, %swap3A_585], %get3A_583 {add = true, strides = array<i32>} : memref<16x1024xf32, #tpu.memory_space<vmem>>, vector<16xf32>,
        %get3A_587 = arith.index_cast %scan3A_318 : i32 to index
        %get3A_588 = arith.constant 720 : index
        %get3A_589 = tpu.vector_load %arg17[%get3A_587, %get3A_588] {strides = array<i32>} : memref<16x1024xf32, #tpu.memory_space<vmem>>, vector<16xf32>,
        %swap3A_590 = arith.index_cast %scan3A_318 : i32 to index
        %swap3A_591 = arith.constant 720 : index
        %swap3A_592 = tpu.vector_load %arg13[%swap3A_590, %swap3A_591] {strides = array<i32>} : memref<16x1024xf32, #tpu.memory_space<vmem>>, vector<16xf32>,
        tpu.vector_store %arg13[%swap3A_590, %swap3A_591], %get3A_589 {add = true, strides = array<i32>} : memref<16x1024xf32, #tpu.memory_space<vmem>>, vector<16xf32>,
        %get3A_593 = arith.index_cast %scan3A_318 : i32 to index
        %get3A_594 = arith.constant 736 : index
        %get3A_595 = tpu.vector_load %arg17[%get3A_593, %get3A_594] {strides = array<i32>} : memref<16x1024xf32, #tpu.memory_space<vmem>>, vector<16xf32>,
        %swap3A_596 = arith.index_cast %scan3A_318 : i32 to index
        %swap3A_597 = arith.constant 736 : index
        %swap3A_598 = tpu.vector_load %arg13[%swap3A_596, %swap3A_597] {strides = array<i32>} : memref<16x1024xf32, #tpu.memory_space<vmem>>, vector<16xf32>,
        tpu.vector_store %arg13[%swap3A_596, %swap3A_597], %get3A_595 {add = true, strides = array<i32>} : memref<16x1024xf32, #tpu.memory_space<vmem>>, vector<16xf32>,
        %get3A_599 = arith.index_cast %scan3A_318 : i32 to index
        %get3A_600 = arith.constant 752 : index
        %get3A_601 = tpu.vector_load %arg17[%get3A_599, %get3A_600] {strides = array<i32>} : memref<16x1024xf32, #tpu.memory_space<vmem>>, vector<16xf32>,
        %swap3A_602 = arith.index_cast %scan3A_318 : i32 to index
        %swap3A_603 = arith.constant 752 : index
        %swap3A_604 = tpu.vector_load %arg13[%swap3A_602, %swap3A_603] {strides = array<i32>} : memref<16x1024xf32, #tpu.memory_space<vmem>>, vector<16xf32>,
        tpu.vector_store %arg13[%swap3A_602, %swap3A_603], %get3A_601 {add = true, strides = array<i32>} : memref<16x1024xf32, #tpu.memory_space<vmem>>, vector<16xf32>,
        %get3A_605 = arith.index_cast %scan3A_318 : i32 to index
        %get3A_606 = arith.constant 768 : index
        %get3A_607 = tpu.vector_load %arg17[%get3A_605, %get3A_606] {strides = array<i32>} : memref<16x1024xf32, #tpu.memory_space<vmem>>, vector<16xf32>,
        %swap3A_608 = arith.index_cast %scan3A_318 : i32 to index
        %swap3A_609 = arith.constant 768 : index
        %swap3A_610 = tpu.vector_load %arg13[%swap3A_608, %swap3A_609] {strides = array<i32>} : memref<16x1024xf32, #tpu.memory_space<vmem>>, vector<16xf32>,
        tpu.vector_store %arg13[%swap3A_608, %swap3A_609], %get3A_607 {add = true, strides = array<i32>} : memref<16x1024xf32, #tpu.memory_space<vmem>>, vector<16xf32>,
        %get3A_611 = arith.index_cast %scan3A_318 : i32 to index
        %get3A_612 = arith.constant 784 : index
        %get3A_613 = tpu.vector_load %arg17[%get3A_611, %get3A_612] {strides = array<i32>} : memref<16x1024xf32, #tpu.memory_space<vmem>>, vector<16xf32>,
        %swap3A_614 = arith.index_cast %scan3A_318 : i32 to index
        %swap3A_615 = arith.constant 784 : index
        %swap3A_616 = tpu.vector_load %arg13[%swap3A_614, %swap3A_615] {strides = array<i32>} : memref<16x1024xf32, #tpu.memory_space<vmem>>, vector<16xf32>,
        tpu.vector_store %arg13[%swap3A_614, %swap3A_615], %get3A_613 {add = true, strides = array<i32>} : memref<16x1024xf32, #tpu.memory_space<vmem>>, vector<16xf32>,
        %get3A_617 = arith.index_cast %scan3A_318 : i32 to index
        %get3A_618 = arith.constant 800 : index
        %get3A_619 = tpu.vector_load %arg17[%get3A_617, %get3A_618] {strides = array<i32>} : memref<16x1024xf32, #tpu.memory_space<vmem>>, vector<16xf32>,
        %swap3A_620 = arith.index_cast %scan3A_318 : i32 to index
        %swap3A_621 = arith.constant 800 : index
        %swap3A_622 = tpu.vector_load %arg13[%swap3A_620, %swap3A_621] {strides = array<i32>} : memref<16x1024xf32, #tpu.memory_space<vmem>>, vector<16xf32>,
        tpu.vector_store %arg13[%swap3A_620, %swap3A_621], %get3A_619 {add = true, strides = array<i32>} : memref<16x1024xf32, #tpu.memory_space<vmem>>, vector<16xf32>,
        %get3A_623 = arith.index_cast %scan3A_318 : i32 to index
        %get3A_624 = arith.constant 816 : index
        %get3A_625 = tpu.vector_load %arg17[%get3A_623, %get3A_624] {strides = array<i32>} : memref<16x1024xf32, #tpu.memory_space<vmem>>, vector<16xf32>,
        %swap3A_626 = arith.index_cast %scan3A_318 : i32 to index
        %swap3A_627 = arith.constant 816 : index
        %swap3A_628 = tpu.vector_load %arg13[%swap3A_626, %swap3A_627] {strides = array<i32>} : memref<16x1024xf32, #tpu.memory_space<vmem>>, vector<16xf32>,
        tpu.vector_store %arg13[%swap3A_626, %swap3A_627], %get3A_625 {add = true, strides = array<i32>} : memref<16x1024xf32, #tpu.memory_space<vmem>>, vector<16xf32>,
        %get3A_629 = arith.index_cast %scan3A_318 : i32 to index
        %get3A_630 = arith.constant 832 : index
        %get3A_631 = tpu.vector_load %arg17[%get3A_629, %get3A_630] {strides = array<i32>} : memref<16x1024xf32, #tpu.memory_space<vmem>>, vector<16xf32>,
        %swap3A_632 = arith.index_cast %scan3A_318 : i32 to index
        %swap3A_633 = arith.constant 832 : index
        %swap3A_634 = tpu.vector_load %arg13[%swap3A_632, %swap3A_633] {strides = array<i32>} : memref<16x1024xf32, #tpu.memory_space<vmem>>, vector<16xf32>,
        tpu.vector_store %arg13[%swap3A_632, %swap3A_633], %get3A_631 {add = true, strides = array<i32>} : memref<16x1024xf32, #tpu.memory_space<vmem>>, vector<16xf32>,
        %get3A_635 = arith.index_cast %scan3A_318 : i32 to index
        %get3A_636 = arith.constant 848 : index
        %get3A_637 = tpu.vector_load %arg17[%get3A_635, %get3A_636] {strides = array<i32>} : memref<16x1024xf32, #tpu.memory_space<vmem>>, vector<16xf32>,
        %swap3A_638 = arith.index_cast %scan3A_318 : i32 to index
        %swap3A_639 = arith.constant 848 : index
        %swap3A_640 = tpu.vector_load %arg13[%swap3A_638, %swap3A_639] {strides = array<i32>} : memref<16x1024xf32, #tpu.memory_space<vmem>>, vector<16xf32>,
        tpu.vector_store %arg13[%swap3A_638, %swap3A_639], %get3A_637 {add = true, strides = array<i32>} : memref<16x1024xf32, #tpu.memory_space<vmem>>, vector<16xf32>,
        %get3A_641 = arith.index_cast %scan3A_318 : i32 to index
        %get3A_642 = arith.constant 864 : index
        %get3A_643 = tpu.vector_load %arg17[%get3A_641, %get3A_642] {strides = array<i32>} : memref<16x1024xf32, #tpu.memory_space<vmem>>, vector<16xf32>,
        %swap3A_644 = arith.index_cast %scan3A_318 : i32 to index
        %swap3A_645 = arith.constant 864 : index
        %swap3A_646 = tpu.vector_load %arg13[%swap3A_644, %swap3A_645] {strides = array<i32>} : memref<16x1024xf32, #tpu.memory_space<vmem>>, vector<16xf32>,
        tpu.vector_store %arg13[%swap3A_644, %swap3A_645], %get3A_643 {add = true, strides = array<i32>} : memref<16x1024xf32, #tpu.memory_space<vmem>>, vector<16xf32>,
        %get3A_647 = arith.index_cast %scan3A_318 : i32 to index
        %get3A_648 = arith.constant 880 : index
        %get3A_649 = tpu.vector_load %arg17[%get3A_647, %get3A_648] {strides = array<i32>} : memref<16x1024xf32, #tpu.memory_space<vmem>>, vector<16xf32>,
        %swap3A_650 = arith.index_cast %scan3A_318 : i32 to index
        %swap3A_651 = arith.constant 880 : index
        %swap3A_652 = tpu.vector_load %arg13[%swap3A_650, %swap3A_651] {strides = array<i32>} : memref<16x1024xf32, #tpu.memory_space<vmem>>, vector<16xf32>,
        tpu.vector_store %arg13[%swap3A_650, %swap3A_651], %get3A_649 {add = true, strides = array<i32>} : memref<16x1024xf32, #tpu.memory_space<vmem>>, vector<16xf32>,
        %get3A_653 = arith.index_cast %scan3A_318 : i32 to index
        %get3A_654 = arith.constant 896 : index
        %get3A_655 = tpu.vector_load %arg17[%get3A_653, %get3A_654] {strides = array<i32>} : memref<16x1024xf32, #tpu.memory_space<vmem>>, vector<16xf32>,
        %swap3A_656 = arith.index_cast %scan3A_318 : i32 to index
        %swap3A_657 = arith.constant 896 : index
        %swap3A_658 = tpu.vector_load %arg13[%swap3A_656, %swap3A_657] {strides = array<i32>} : memref<16x1024xf32, #tpu.memory_space<vmem>>, vector<16xf32>,
        tpu.vector_store %arg13[%swap3A_656, %swap3A_657], %get3A_655 {add = true, strides = array<i32>} : memref<16x1024xf32, #tpu.memory_space<vmem>>, vector<16xf32>,
        %get3A_659 = arith.index_cast %scan3A_318 : i32 to index
        %get3A_660 = arith.constant 912 : index
        %get3A_661 = tpu.vector_load %arg17[%get3A_659, %get3A_660] {strides = array<i32>} : memref<16x1024xf32, #tpu.memory_space<vmem>>, vector<16xf32>,
        %swap3A_662 = arith.index_cast %scan3A_318 : i32 to index
        %swap3A_663 = arith.constant 912 : index
        %swap3A_664 = tpu.vector_load %arg13[%swap3A_662, %swap3A_663] {strides = array<i32>} : memref<16x1024xf32, #tpu.memory_space<vmem>>, vector<16xf32>,
        tpu.vector_store %arg13[%swap3A_662, %swap3A_663], %get3A_661 {add = true, strides = array<i32>} : memref<16x1024xf32, #tpu.memory_space<vmem>>, vector<16xf32>,
        %get3A_665 = arith.index_cast %scan3A_318 : i32 to index
        %get3A_666 = arith.constant 928 : index
        %get3A_667 = tpu.vector_load %arg17[%get3A_665, %get3A_666] {strides = array<i32>} : memref<16x1024xf32, #tpu.memory_space<vmem>>, vector<16xf32>,
        %swap3A_668 = arith.index_cast %scan3A_318 : i32 to index
        %swap3A_669 = arith.constant 928 : index
        %swap3A_670 = tpu.vector_load %arg13[%swap3A_668, %swap3A_669] {strides = array<i32>} : memref<16x1024xf32, #tpu.memory_space<vmem>>, vector<16xf32>,
        tpu.vector_store %arg13[%swap3A_668, %swap3A_669], %get3A_667 {add = true, strides = array<i32>} : memref<16x1024xf32, #tpu.memory_space<vmem>>, vector<16xf32>,
        %get3A_671 = arith.index_cast %scan3A_318 : i32 to index
        %get3A_672 = arith.constant 944 : index
        %get3A_673 = tpu.vector_load %arg17[%get3A_671, %get3A_672] {strides = array<i32>} : memref<16x1024xf32, #tpu.memory_space<vmem>>, vector<16xf32>,
        %swap3A_674 = arith.index_cast %scan3A_318 : i32 to index
        %swap3A_675 = arith.constant 944 : index
        %swap3A_676 = tpu.vector_load %arg13[%swap3A_674, %swap3A_675] {strides = array<i32>} : memref<16x1024xf32, #tpu.memory_space<vmem>>, vector<16xf32>,
        tpu.vector_store %arg13[%swap3A_674, %swap3A_675], %get3A_673 {add = true, strides = array<i32>} : memref<16x1024xf32, #tpu.memory_space<vmem>>, vector<16xf32>,
        %get3A_677 = arith.index_cast %scan3A_318 : i32 to index
        %get3A_678 = arith.constant 960 : index
        %get3A_679 = tpu.vector_load %arg17[%get3A_677, %get3A_678] {strides = array<i32>} : memref<16x1024xf32, #tpu.memory_space<vmem>>, vector<16xf32>,
        %swap3A_680 = arith.index_cast %scan3A_318 : i32 to index
        %swap3A_681 = arith.constant 960 : index
        %swap3A_682 = tpu.vector_load %arg13[%swap3A_680, %swap3A_681] {strides = array<i32>} : memref<16x1024xf32, #tpu.memory_space<vmem>>, vector<16xf32>,
        tpu.vector_store %arg13[%swap3A_680, %swap3A_681], %get3A_679 {add = true, strides = array<i32>} : memref<16x1024xf32, #tpu.memory_space<vmem>>, vector<16xf32>,
        %get3A_683 = arith.index_cast %scan3A_318 : i32 to index
        %get3A_684 = arith.constant 976 : index
        %get3A_685 = tpu.vector_load %arg17[%get3A_683, %get3A_684] {strides = array<i32>} : memref<16x1024xf32, #tpu.memory_space<vmem>>, vector<16xf32>,
        %swap3A_686 = arith.index_cast %scan3A_318 : i32 to index
        %swap3A_687 = arith.constant 976 : index
        %swap3A_688 = tpu.vector_load %arg13[%swap3A_686, %swap3A_687] {strides = array<i32>} : memref<16x1024xf32, #tpu.memory_space<vmem>>, vector<16xf32>,
        tpu.vector_store %arg13[%swap3A_686, %swap3A_687], %get3A_685 {add = true, strides = array<i32>} : memref<16x1024xf32, #tpu.memory_space<vmem>>, vector<16xf32>,
        %get3A_689 = arith.index_cast %scan3A_318 : i32 to index
        %get3A_690 = arith.constant 992 : index
        %get3A_691 = tpu.vector_load %arg17[%get3A_689, %get3A_690] {strides = array<i32>} : memref<16x1024xf32, #tpu.memory_space<vmem>>, vector<16xf32>,
        %swap3A_692 = arith.index_cast %scan3A_318 : i32 to index
        %swap3A_693 = arith.constant 992 : index
        %swap3A_694 = tpu.vector_load %arg13[%swap3A_692, %swap3A_693] {strides = array<i32>} : memref<16x1024xf32, #tpu.memory_space<vmem>>, vector<16xf32>,
        tpu.vector_store %arg13[%swap3A_692, %swap3A_693], %get3A_691 {add = true, strides = array<i32>} : memref<16x1024xf32, #tpu.memory_space<vmem>>, vector<16xf32>,
        %get3A_695 = arith.index_cast %scan3A_318 : i32 to index
        %get3A_696 = arith.constant 1008 : index
        %get3A_697 = tpu.vector_load %arg17[%get3A_695, %get3A_696] {strides = array<i32>} : memref<16x1024xf32, #tpu.memory_space<vmem>>, vector<16xf32>,
        %swap3A_698 = arith.index_cast %scan3A_318 : i32 to index
        %swap3A_699 = arith.constant 1008 : index
        %swap3A_700 = tpu.vector_load %arg13[%swap3A_698, %swap3A_699] {strides = array<i32>} : memref<16x1024xf32, #tpu.memory_space<vmem>>, vector<16xf32>,
        tpu.vector_store %arg13[%swap3A_698, %swap3A_699], %get3A_697 {add = true, strides = array<i32>} : memref<16x1024xf32, #tpu.memory_space<vmem>>, vector<16xf32>,
      }
      %scan3A_307 = arith.constant 16 : i32
      %mul3A_308 = arith.constant 16 : i32
      %mul3A_309 = arith.muli %add3A_213, %mul3A_308 : i32
      %add3A_310 = arith.addi %mul3A_2, %mul3A_309 : i32
      %dma_start3A_311 = arith.constant 0 : i32
      %dma_start3A_312 = tpu.memref_slice %arg9[%add3A_310, %dma_start3A_311] : memref<32768x1024xf32, #tpu.memory_space<hbm>> -> memref<16x1024xf32, #tpu.memory_space<hbm>>
      %dma_start3A_313 = arith.constant 0 : i32
      %dma_start3A_314 = tpu.memref_slice %arg9[%add3A_310, %dma_start3A_313] : memref<32768x1024xf32, #tpu.memory_space<hbm>> -> memref<16x1024xf32, #tpu.memory_space<hbm>>
      tpu.enqueue_dma source(%arg13 : memref<16x1024xf32, #tpu.memory_space<vmem>>) target(%dma_start3A_314 : memref<16x1024xf32, #tpu.memory_space<hbm>>) target_semaphore(%arg31 : memref<!tpu.dma_semaphore, #tpu.memory_space<semaphore_mem>>)
      %convert_element_type3A_315 = arith.extui %lt3A_215 : i1 to i32
      %cond3A_316 = arith.constant 0 : i32
      %cond3A_317 = arith.cmpi ne, %convert_element_type3A_315, %cond3A_316 : i32
      scf.if %cond3A_317 {
        %add3A_318 = arith.constant 2 : i32
        %add3A_319 = arith.addi %add3A_213, %add3A_318 : i32
        %mul3A_320 = arith.constant 16 : i32
        %mul3A_321 = arith.muli %add3A_319, %mul3A_320 : i32
        %dma_start3A_322 = arith.constant 0 : i32
        %dma_start3A_323 = arith.constant 0 : i32
        %dma_start3A_324 = arith.constant 0 : i32
        %dma_start3A_325 = tpu.memref_slice %arg15[%dma_start3A_323, %dma_start3A_324] : memref<16x1024xf32, #tpu.memory_space<vmem>> -> memref<16x512xf32, #tpu.memory_space<vmem>>
        %dma_start3A_326 = tpu.memref_slice %arg11[%dma_start3A_322, %mul3A_321] : memref<6x1024xi32, #tpu.memory_space<vmem>> -> memref<1x16xi32, #tpu.memory_space<vmem>>
        %dma_start3A_327 = tpu.memref_squeeze %dma_start3A_326 : memref<1x16xi32, #tpu.memory_space<vmem>> -> memref<16xi32, #tpu.memory_space<vmem>>
        %dma_start3A_328 = arith.constant 0 : i32
        %dma_start3A_329 = arith.constant 0 : i32
        %dma_start3A_330 = tpu.memref_slice %arg3[%dma_start3A_328, %dma_start3A_329] : memref<1024x512xf32, #tpu.memory_space<hbm>> -> memref<1024x512xf32, #tpu.memory_space<hbm>>
        tpu.enqueue_indirect_dma source(%dma_start3A_330 : memref<1024x512xf32, #tpu.memory_space<hbm>>) target(%dma_start3A_325 : memref<16x512xf32, #tpu.memory_space<vmem>>) offsets(%dma_start3A_327 : memref<16xi32, #tpu.memory_space<vmem>>) semaphore(%arg23 : memref<!tpu.dma_semaphore, #tpu.memory_space<semaphore_mem>>)
        %dma_start3A_331 = arith.constant 2 : i32
        %dma_start3A_332 = arith.constant 0 : i32
        %dma_start3A_333 = arith.constant 512 : i32
        %dma_start3A_334 = tpu.memref_slice %arg15[%dma_start3A_332, %dma_start3A_333] : memref<16x1024xf32, #tpu.memory_space<vmem>> -> memref<16x512xf32, #tpu.memory_space<vmem>>
        %dma_start3A_335 = tpu.memref_slice %arg11[%dma_start3A_331, %mul3A_321] : memref<6x1024xi32, #tpu.memory_space<vmem>> -> memref<1x16xi32, #tpu.memory_space<vmem>>
        %dma_start3A_336 = tpu.memref_squeeze %dma_start3A_335 : memref<1x16xi32, #tpu.memory_space<vmem>> -> memref<16xi32, #tpu.memory_space<vmem>>
        %dma_start3A_337 = arith.constant 0 : i32
        %dma_start3A_338 = arith.constant 0 : i32
        %dma_start3A_339 = tpu.memref_slice %arg4[%dma_start3A_337, %dma_start3A_338] : memref<1024x512xf32, #tpu.memory_space<hbm>> -> memref<1024x512xf32, #tpu.memory_space<hbm>>
        tpu.enqueue_indirect_dma source(%dma_start3A_339 : memref<1024x512xf32, #tpu.memory_space<hbm>>) target(%dma_start3A_334 : memref<16x512xf32, #tpu.memory_space<vmem>>) offsets(%dma_start3A_336 : memref<16xi32, #tpu.memory_space<vmem>>) semaphore(%arg24 : memref<!tpu.dma_semaphore, #tpu.memory_space<semaphore_mem>>)
        %dma_start3A_340 = arith.constant 1 : i32
        %dma_start3A_341 = arith.constant 0 : i32
        %dma_start3A_342 = arith.constant 0 : i32
        %dma_start3A_343 = tpu.memref_slice %arg17[%dma_start3A_341, %dma_start3A_342] : memref<16x1024xf32, #tpu.memory_space<vmem>> -> memref<16x512xf32, #tpu.memory_space<vmem>>
        %dma_start3A_344 = tpu.memref_slice %arg11[%dma_start3A_340, %mul3A_321] : memref<6x1024xi32, #tpu.memory_space<vmem>> -> memref<1x16xi32, #tpu.memory_space<vmem>>
        %dma_start3A_345 = tpu.memref_squeeze %dma_start3A_344 : memref<1x16xi32, #tpu.memory_space<vmem>> -> memref<16xi32, #tpu.memory_space<vmem>>
        %dma_start3A_346 = arith.constant 0 : i32
        %dma_start3A_347 = arith.constant 0 : i32
        %dma_start3A_348 = tpu.memref_slice %arg5[%dma_start3A_346, %dma_start3A_347] : memref<1024x512xf32, #tpu.memory_space<hbm>> -> memref<1024x512xf32, #tpu.memory_space<hbm>>
        tpu.enqueue_indirect_dma source(%dma_start3A_348 : memref<1024x512xf32, #tpu.memory_space<hbm>>) target(%dma_start3A_343 : memref<16x512xf32, #tpu.memory_space<vmem>>) offsets(%dma_start3A_345 : memref<16xi32, #tpu.memory_space<vmem>>) semaphore(%arg25 : memref<!tpu.dma_semaphore, #tpu.memory_space<semaphore_mem>>)
        %dma_start3A_349 = arith.constant 3 : i32
        %dma_start3A_350 = arith.constant 0 : i32
        %dma_start3A_351 = arith.constant 512 : i32
        %dma_start3A_352 = tpu.memref_slice %arg17[%dma_start3A_350, %dma_start3A_351] : memref<16x1024xf32, #tpu.memory_space<vmem>> -> memref<16x512xf32, #tpu.memory_space<vmem>>
        %dma_start3A_353 = tpu.memref_slice %arg11[%dma_start3A_349, %mul3A_321] : memref<6x1024xi32, #tpu.memory_space<vmem>> -> memref<1x16xi32, #tpu.memory_space<vmem>>
        %dma_start3A_354 = tpu.memref_squeeze %dma_start3A_353 : memref<1x16xi32, #tpu.memory_space<vmem>> -> memref<16xi32, #tpu.memory_space<vmem>>
        %dma_start3A_355 = arith.constant 0 : i32
        %dma_start3A_356 = arith.constant 0 : i32
        %dma_start3A_357 = tpu.memref_slice %arg6[%dma_start3A_355, %dma_start3A_356] : memref<1024x512xf32, #tpu.memory_space<hbm>> -> memref<1024x512xf32, #tpu.memory_space<hbm>>
        tpu.enqueue_indirect_dma source(%dma_start3A_357 : memref<1024x512xf32, #tpu.memory_space<hbm>>) target(%dma_start3A_352 : memref<16x512xf32, #tpu.memory_space<vmem>>) offsets(%dma_start3A_354 : memref<16xi32, #tpu.memory_space<vmem>>) semaphore(%arg26 : memref<!tpu.dma_semaphore, #tpu.memory_space<semaphore_mem>>)
      } else {
      }
    }
    %scan3A_101 = arith.constant 32 : i32
    %dma_wait3A = arith.constant 0 : i32
    %dma_wait3A_102 = tpu.memref_slice %arg9[%mul3A_2, %dma_wait3A] : memref<32768x1024xf32, #tpu.memory_space<hbm>> -> memref<16x1024xf32, #tpu.memory_space<hbm>>
    %dma_wait3A_103 = arith.constant 0 : i32
    %dma_wait3A_104 = tpu.memref_slice %arg9[%mul3A_2, %dma_wait3A_103] : memref<32768x1024xf32, #tpu.memory_space<hbm>> -> memref<16x1024xf32, #tpu.memory_space<hbm>>
    tpu.wait_dma2 semaphore(%arg30 : memref<!tpu.dma_semaphore, #tpu.memory_space<semaphore_mem>>) src(%arg12 : memref<16x1024xf32, #tpu.memory_space<vmem>>) dst(%dma_wait3A_104 : memref<16x1024xf32, #tpu.memory_space<hbm>>)
    %dma_wait3A_105 = arith.constant 0 : i32
    %dma_wait3A_106 = tpu.memref_slice %arg9[%mul3A_2, %dma_wait3A_105] : memref<32768x1024xf32, #tpu.memory_space<hbm>> -> memref<16x1024xf32, #tpu.memory_space<hbm>>
    %dma_wait3A_107 = arith.constant 0 : i32
    %dma_wait3A_108 = tpu.memref_slice %arg9[%mul3A_2, %dma_wait3A_107] : memref<32768x1024xf32, #tpu.memory_space<hbm>> -> memref<16x1024xf32, #tpu.memory_space<hbm>>
    tpu.wait_dma2 semaphore(%arg31 : memref<!tpu.dma_semaphore, #tpu.memory_space<semaphore_mem>>) src(%arg13 : memref<16x1024xf32, #tpu.memory_space<vmem>>) dst(%dma_wait3A_108 : memref<16x1024xf32, #tpu.memory_space<hbm>>)
    return
  }
}

</mosaic_0001>

<sc_bundles>
// kernel: _spatial_sc.3.cloned.1.call-start
scs
__scs_entry_jumppad:
0x0: {  	(pc) =	sbr.rel $0x88, $3  }
0x1: {  	(tag) =	ssettag $0x0;
	lr =	simm.s32 $0x1  }
0x2: {  	[smem:$0x3F9A] =	sst lr;
	_ =	strace $0xD0000000  }
0x3: {  	_ = 	snop  }
0x4: {  	_ = 	snop  }
0x5: {  	_ = 	snop  }
0x6: {  	_ = 	snop  }
0x7: {  	_ = 	snop  }
__scs_overlays_trampoline_lowered:
0x8: {  	[smem:$0x3FA9] =	sst s0  }
0x9: {  	[smem:$0x3FAA] =	sst s1  }
0xa: {  	[smem:$0x3FAB] =	sst s2  }
0xb: {  	[smem:$0x3FAC] =	sst s3  }
0xc: {  	[smem:$0x3FAD] =	sst s4  }
0xd: {  	[smem:$0x3FAE] =	sst s5  }
0xe: {  	[smem:$0x3FAF] =	sst s6  }
0xf: {  	[smem:$0x3FB0] =	sst s7  }
0x10: {  	[smem:$0x3FB1] =	sst s8  }
0x11: {  	[smem:$0x3FB2] =	sst s9;
	s0 =	simm.s32 @!p0 $0x0  }
0x12: {  	s1 =	sld [smem:$0x3F98];
	s0 =	simm.s32 @p0 $0x1  }
0x13: {  	[smem:$0x3FB3] =	sst s0;
	s0 =	simm.s32 @!p1 $0x0  }
0x14: {  	s2 =	sld [smem:$0x3F97];
	s0 =	simm.s32 @p1 $0x1  }
0x15: {  	[smem:$0x3FB4] =	sst s0;
	s0 =	simm.s32 @!p2 $0x0  }
0x16: {  	s3 =	sld [smem:$0x3FDB];
	s0 =	simm.s32 @p2 $0x1  }
0x17: {  	s4 =	simm.s32 $0x1BF5;
	[smem:$0x3FB6] =	sst s0  }
0x18: {  	s0 =	sld [smem:$0x3F99];
	_ =	swait.ge [sflag:s4], $0x0  }
0x19: {  	s7 =	sld [smem:$0x3F9A]  }
0x1a: {  	s8 =	sadd.s32 $0xFFFFE003, lr  }
0x1b: {  	s9 =	sadd.s32 $0xFFFFFEF7, lr;
	s5 =	simm.s32 $0xFFFFFFFF;
	p2 =	slt.u32 s8, $0xFFFFF086  }
0x1c: {  	p1 =	slt.u32 s9, $0xF7A;
	s5 =	simm.s32 @!p2 $0x0  }
0x1d: {  	s5 =	simm.s32 @p1 $0x1;
	p0 =	seq.s32 s7, s2  }
0x1e: {  	s7 =	smul.u32 @!p0 $0xF7A, s2;
	p2 =	seq.s32 @!p0 s5, $0x0  }
0x1f: {  	s9 =	smul.u32 $0xF7A, s1;
	s8 =	simm.s32 @!p0 $0x1BF5;
	p2 =	por !p2, p0  }
0x20: {  	[sflag:s8] =	ssyncset.s32 @!p0 $0xFFFFF086;
	s6 =	sadd.s32 @!p0 s3, s7;
	s7 =	simm.s32 @!p0 $0x108  }
0x21: {  	s3 =	sadd.s32 s3, s9;
	s6 =	sadd.s32 @!p0 $0x88, s6;
	s7 =	simm.s32 @p2 $0x1082  }
0x22: {  	[simem:s7], [sflag:s8] =	dma.local @!p0 [hbm:s6], $0xF7A  }
0x23: {  	s9 =	sor.u32 $0xD0000000, s2;
	s6 =	simm.s32 $0x108;
	_ =	swait.ge @!p0 [sflag:s8], $0x0  }
0x24: {  	s3 =	sadd.s32 $0x88, s3;
	s6 =	simm.s32 @!p1 $0x1082;
	[sflag:s4] =	ssyncset.s32 $0xFFFFF086  }
0x25: {  	[simem:s6], [sflag:s4] =	dma.local [hbm:s3], $0xF7A  }
0x26: {  	[smem:$0x3F9A] =	sst s1;
	(tag) =	ssettag s2;
	_ =	strace s9  }
0x27: {  	s1 =	sld [smem:$0x3FAA]  }
0x28: {  	s2 =	sld [smem:$0x3FAB]  }
0x29: {  	s4 =	sld [smem:$0x3FAD]  }
0x2a: {  	p0 =	seq.s32 s5, $0x0;
	s5 =	sld [smem:$0x3FAE]  }
0x2b: {  	s6 =	sld [smem:$0x3FAF]  }
0x2c: {  	s7 =	sld [smem:$0x3FB0]  }
0x2d: {  	s3 =	simm.s32 $0x108;
	s8 =	sld [smem:$0x3FB1]  }
0x2e: {  	s3 =	simm.s32 @!p0 $0x1082;
	s9 =	sld [smem:$0x3FB2]  }
0x2f: {  	lr =	sadd.s32 s0, s3;
	s0 =	sld [smem:$0x3FA9]  }
0x30: {  	s3 =	sld [smem:$0x3FAC]  }
0x31: {  	[smem:$0x3FB5] =	sst s10  }
0x32: {  	s10 =	sld [smem:$0x3FB3];
	_ =	sdelay $0x3  }
0x33: {  	p0 =	seq.s32 s10, $0x1;
	s10 =	sld [smem:$0x3FB5];
	_ =	sdelay $0x3  }
0x34: {  	[smem:$0x3FB5] =	sst s10  }
0x35: {  	s10 =	sld [smem:$0x3FB4];
	_ =	sdelay $0x3  }
0x36: {  	p1 =	seq.s32 s10, $0x1;
	s10 =	sld [smem:$0x3FB5];
	_ =	sdelay $0x3  }
0x37: {  	[smem:$0x3FB5] =	sst s10  }
0x38: {  	s10 =	sld [smem:$0x3FB6]  }
0x39: {  	_ = 	snop;
	(pc) =	sbr.ind lr, $3  }
0x3a: {  	_ = 	snop  }
0x3b: {  	_ = 	snop  }
0x3c: {  	p2 =	seq.s32 s10, $0x1;
	s10 =	sld [smem:$0x3FB5]  }
0x3d: {  	_ =	shalt  }
0x3e: {  	_ =	shalt  }
0x3f: {  	_ =	shalt  }
0x40: {  	_ =	shalt  }
0x41: {  	_ =	shalt  }
0x42: {  	_ =	shalt  }
0x43: {  	_ =	shalt  }
0x44: {  	_ =	shalt  }
0x45: {  	_ =	shalt  }
0x46: {  	_ =	shalt  }
0x47: {  	_ =	shalt  }
0x48: {  	_ =	shalt  }
0x49: {  	_ =	shalt  }
0x4a: {  	_ =	shalt  }
0x4b: {  	_ =	shalt  }
0x4c: {  	_ =	shalt  }
0x4d: {  	_ =	shalt  }
0x4e: {  	_ =	shalt  }
0x4f: {  	_ =	shalt  }
0x50: {  	_ =	shalt  }
0x51: {  	_ =	shalt  }
0x52: {  	_ =	shalt  }
0x53: {  	_ =	shalt  }
0x54: {  	_ =	shalt  }
0x55: {  	_ =	shalt  }
0x56: {  	_ =	shalt  }
0x57: {  	_ =	shalt  }
0x58: {  	_ =	shalt  }
0x59: {  	_ =	shalt  }
0x5a: {  	_ =	shalt  }
0x5b: {  	_ =	shalt  }
0x5c: {  	_ =	shalt  }
0x5d: {  	_ =	shalt  }
0x5e: {  	_ =	shalt  }
0x5f: {  	_ =	shalt  }
0x60: {  	_ =	shalt  }
0x61: {  	_ =	shalt  }
0x62: {  	_ =	shalt  }
0x63: {  	_ =	shalt  }
0x64: {  	_ =	shalt  }
0x65: {  	_ =	shalt  }
0x66: {  	_ =	shalt  }
0x67: {  	_ =	shalt  }
0x68: {  	_ =	shalt  }
0x69: {  	_ =	shalt  }
0x6a: {  	_ =	shalt  }
0x6b: {  	_ =	shalt  }
0x6c: {  	_ =	shalt  }
0x6d: {  	_ =	shalt  }
0x6e: {  	_ =	shalt  }
0x6f: {  	_ =	shalt  }
0x70: {  	_ =	shalt  }
0x71: {  	_ =	shalt  }
0x72: {  	_ =	shalt  }
0x73: {  	_ =	shalt  }
0x74: {  	_ =	shalt  }
0x75: {  	_ =	shalt  }
0x76: {  	_ =	shalt  }
0x77: {  	_ =	shalt  }
0x78: {  	_ =	shalt  }
0x79: {  	_ =	shalt  }
0x7a: {  	_ =	shalt  }
0x7b: {  	_ =	shalt  }
0x7c: {  	_ =	shalt  }
0x7d: {  	_ =	shalt  }
0x7e: {  	_ =	shalt  }
0x7f: {  	_ =	shalt  }
0x80: {  	_ =	shalt  }
0x81: {  	_ =	shalt  }
0x82: {  	_ =	shalt  }
0x83: {  	_ =	shalt  }
0x84: {  	_ =	shalt  }
0x85: {  	_ =	shalt  }
0x86: {  	_ =	shalt  }
0x87: {  	_ =	shalt  }
.Lfunc_end0:
.L_simem_size_0:
called_computation_lowered:
.L_overlay_start_0:
0x88: {  	s2 =	sld [smem:$0x3FD9]  }
0x89: {  	s3 =	sld [smem:$0x3FFE];
	_ =	sdelay $0x1  }
0x8a: {  	s1 =	srdreg.scid  }
0x8b: {  	s0 =	sand.u32 $0x1, s1  }
0x8c: {  	s18 =	sshll.u32 s0, $0xA;
	s2 =	sadd.s32 s3, s2  }
0x8d: {  	s2 =	sadd.s32 s2, s18  }
0x8e: {  	[smem:$0x3FC1] =	sst s2  }
0x8f: {  	_ = 	snop  }
0x90: {  	s2 =	sld [smem:$0x3FC9]  }
0x91: {  	s19 =	sld [smem:$0x3FC8]  }
0x92: {  	s4 =	sld [smem:$0x3FC7]  }
0x93: {  	s5 =	sld [smem:$0x3FC6]  }
0x94: {  	s6 =	sld [smem:$0x3FC5]  }
0x95: {  	s7 =	sld [smem:$0x3FC4]  }
0x96: {  	s8 =	sld [smem:$0x3FC3]  }
0x97: {  	s9 =	sld [smem:$0x3FD0];
	(tm) =	ssettm $0x1  }
0x98: {  	s10 =	sld [smem:$0x3FFB];
	_ =	sdelay $0x3  }
0x99: {  	_ =	strace s10  }
0x9a: {  	s10 =	sld [smem:$0x3FFC];
	_ =	sdelay $0x3  }
0x9b: {  	_ =	strace s10  }
0x9c: {  	s10 =	sld [smem:$0x3FFD];
	_ =	sdelay $0x3  }
0x9d: {  	_ =	strace s10  }
0x9e: {  	_ =	strace $0x8FFFFFFF  }
0x9f: {  	s20 =	sld [smem:$0x3FDB];
	_ =	sdelay $0x1  }
0xa0: {  	s11 =	simm.s32 $_scs_section_size  }
0xa1: {  	s12 =	simm.s32 $_size__tile_overlayer_lowered;
	s13 =	simm.s32 $_tile_overlayer_lowered  }
0xa2: {  	s23 =	simm.s32 $0x1BFF;
	s22 =	sshll.u32 s13, $0x1;
	s10 =	sadd.s32 s11, s20  }
0xa3: {  	s14 =	simm.s32 $0x0;
	s21 =	sshll.u32 s12, $0x1;
	s12 =	sadd.s32 s22, s10  }
0xa4: {  	[timem:s14], [sflag:s23] =	dma.local [hbm:s12], s21  }
0xa5: {  	_ =	swait.ge [sflag:s23], s21  }
0xa6: {  	s11 =	ssub.s32 $0x0, s21;
	[sflag:s23] =	ssyncset.done $0x0  }
0xa7: {  	[sflag:s23] =	ssyncadd.s32 s11;
	_ =	sdelay $0x1  }
0xa8: {  	s24 =	simm.s32 $0x1B8B  }
0xa9: {  	_ =	swait.ge [sflag:s24], $0x1  }
0xaa: {  	[sflag:s24] =	ssyncset.done $0x0  }
0xab: {  	s25 =	simm.s32 $0x1B8E;
	[sflag:s24] =	ssyncadd.s32 $0xFFFFFFFF  }
0xac: {  	s26 =	simm.s32 $execute0_lowered;
	[smem:$0x3FD2] =	sst s25  }
0xad: {  	s11 =	sshll.u32 s26, $0x1;
	_ =	strace $0x80000046;
	[dreg:$0x1] =	wrdreg $0xFFFFFFFF  }
0xae: {  	s28 =	simm.s32 $_size_execute0_lowered;
	s10 =	sadd.s32 s10, s11;
	[dreg:$0x0] =	wrdreg $0x0  }
0xaf: {  	s11 =	sshll.u32 s28, $0x1;
	[dreg:$0x2] =	wrdreg s10  }
0xb0: {  	[dreg:$0x3] =	wrdreg s11  }
0xb1: {  	[dreg:$0x4] =	wrdreg $0xC0  }
0xb2: {  	_ =	task [dreg:s14], $0x5FFFF  }
0xb3: {  	[dreg:$0x1] =	wrdreg $0xFFFFFFFF  }
0xb4: {  	[dreg:$0x0] =	wrdreg $0x60  }
0xb5: {  	[dreg:$0x2] =	wrdreg s2  }
0xb6: {  	[dreg:$0x3] =	wrdreg s19  }
0xb7: {  	[dreg:$0x4] =	wrdreg s4  }
0xb8: {  	[dreg:$0x5] =	wrdreg s5  }
0xb9: {  	[dreg:$0x6] =	wrdreg s6  }
0xba: {  	[dreg:$0x7] =	wrdreg s7  }
0xbb: {  	[dreg:$0x8] =	wrdreg s8  }
0xbc: {  	[dreg:$0x9] =	wrdreg s9  }
0xbd: {  	[dreg:$0xa] =	wrdreg $0x9  }
0xbe: {  	_ =	task.clear_ibuf [dreg:s14], $0xBFFFF;
	_ =	strace $0x90000046  }
0xbf: {  	s29 =	simm.s32 $0x9;
	_ =	strace $0x80000048  }
0xc0: {  	_ =	swait.ge [sflag:s29], $0x1  }
0xc1: {  	[sflag:s29] =	ssyncadd.s32 $0xFFFFFFFF  }
0xc2: {  	_ =	strace $0x90000048  }
0xc3: {  	_ =	sfence  }
0xc4: {  	s30 =	sld [smem:$0x0];
	_ =	sdelay $0x2  }
0xc5: {  	s31 =	sshll.u32 s1, $0xD;
	s1 =	sshrl.u32 s1, $0x2  }
0xc6: {  	s3 =	sand.u32 $0x4000, s31;
	s1 =	sadd.s32 s1, s30  }
0xc7: {  	s0 =	sor.u32 s3, s0;
	s1 =	sshll.u32 s1, $0x11  }
0xc8: {  	s0 =	sor.u32 s1, s0  }
0xc9: {  	s0 =	sadd.s32 $0x8F2B, s0  }
0xca: {  	[sflag:s0] =	ssyncadd.remote.s32 $0x1  }
0xcb: {  	_ =	sfence.sel $0xFFFF  }
0xcc: {  	[dreg:$0x0] =	wrdreg $0xFFFFFFFF;
	(pc) =	sbr.abs _section_cstart, $3  }
0xcd: {  	[dreg:$0x1] =	wrdreg $0xFFFFFFFF  }
0xce: {  	_ =	task.clear_ibuf [dreg:s14], $0x2FFFF;
	_ =	strace $0x9FFFFFFF  }
0xcf: {  	(tm) =	ssettm $0x7FFFFFFF  }
tec
execute0_lowered:
.L_overlay_start_1:
0x0: {  	(tag) =	ssettag $0x1  }
0x1: {  	s1 =	rddreg [dreg:$0x0]  }
0x2: {  	s0 =	rddreg [dreg:$0x1]  }
0x3: {  	s2 =	rddreg [dreg:$0x2]  }
0x4: {  	s3 =	rddreg [dreg:$0x3]  }
0x5: {  	s4 =	rddreg [dreg:$0x4]  }
0x6: {  	s5 =	rddreg [dreg:$0x5]  }
0x7: {  	s6 =	rddreg [dreg:$0x6];
	s7 =	srdreg.scid;
	s9 =	simm.s32 $0x0  }
0x8: {  	s10 =	stileid.u32;
	s31 =	simm.s32 $0x17000;
	s24 =	simm.s32 $0xB  }
0x9: {  	s7 =	sand.u32 $0x1, s7;
	[smem:$0x7FF] =	sst s9;
	s10 =	sshll.u32 s10, $0x1  }
0xa: {  	s12 =	sadd.s32 $0x100, s0;
	s13 =	sadd.s32 $0x100, s2;
	s14 =	sadd.s32 $0x100, s3  }
0xb: {  	s15 =	sadd.s32 $0x100, s4;
	s16 =	sadd.s32 $0x100, s5;
	s17 =	sadd.s32 $0x200, s5  }
0xc: {  	s18 =	sadd.s32 $0x300, s5;
	s19 =	sadd.s32 $0x100, s6;
	s20 =	sadd.s32 $0x200, s6  }
.Ltmp0:
0xd: {  	s8 =	ssub.s32 $0x2, s7;
	s7 =	sor.u32 s7, s10;
	(pc) =	sbr.rel .LBB2_1-.Ltmp0, $4  }
0xe: {  	s11 =	sshrl.u32 s8, $0x1;
	s10 =	sshll.u32 s7, $0xA;
	s7 =	sshll.u32 s7, $0x9  }
0xf: {  	v3 =	vlaneseq.u32;
	s21 =	sadd.s32 $0x300, s6;
	s8 =	ssub.s32 s8, s11;
	s1 =	sadd.s32 s1, s7  }
0x10: {  	vm0 =	vmmov $0xffff;
	v11 =	vand.u32 $0x7, v3;
	v2 =	vshrl.u32 v3, $0x3;
	_ =	strace $0x80000047;
	[dreg:$0x9] =	wrdreg s1;
	s30 =	smax.u32 s8, $0x1  }
0x11: {  	v0 =	vmul.u32 $0x4, v3;
	v3 =	vor.u32 $0x8, v3;
	v2 =	vmul.u32 $0x8, v2;
	[tilespmem:$0x1FFF0] =	vst v11;
	s11 =	simm.s32 $0x0;
	s8 =	simm.s32 $0x9;
	[dreg:$0xa] =	wrdreg s30  }
.LBB2_18:
0x12: {  	s1 =	simm.s32 $0xC  }
0x13: {  	_ =	swait.ge [sflag:s1], $0x4000  }
0x14: {  	[sflag:s1] =	ssyncset.done $0x0  }
0x15: {  	s7 =	simm.s32 $0xD;
	[sflag:s1] =	ssyncadd.s32 $0xFFFFC000  }
0x16: {  	_ =	swait.ge [sflag:s7], $0x4000  }
0x17: {  	s11 =	rddreg [dreg:$0xb]  }
0x18: {  	s30 =	rddreg [dreg:$0xa];
	s11 =	sadd.s32 $0x1, s11  }
0x19: {  	p0 =	sne.s32 s11, s30  }
.Ltmp1:
0x1a: {  	_ = 	snop;
	(pc) =	sbr.rel @!p0 .LBB2_19-.Ltmp1, $3  }
0x1b: {  	_ =	sdelay $0x1  }
0x1c: {  	[sflag:s7] =	ssyncset.done $0x0  }
0x1d: {  	[sflag:s7] =	ssyncadd.s32 $0xFFFFC000  }
.LBB2_1:
0x1e: {  	v4 =	vmov s9  }
0x1f: {  	[dreg:$0xb] =	wrdreg s11;
	v4 =	vshll.u32 v4, $0x2  }
0x20: {  	s1 =	rddreg [dreg:$0x9];
	s29 =	simm.s32 $0xE;
	v4 =	vor.u32 v0, v4  }
0x21: {  	[tilespmem:s9], [sflag:$0xE] =	stream.linear.gather [hbm4b:s1+s9], $0x1000, $0x38;
	v5 =	vor.u32 $0x1, v4;
	[tilespmem:$0x1F000] =	vst v63  }
0x22: {  	_ =	swait.ge [sflag:s29], $0x1000  }
0x23: {  	[sflag:s29] =	ssyncset.done $0x0;
	v6 =	vor.u32 $0x3, v4  }
0x24: {  	v8 =	vor.u32 $0x2, v4;
	[sflag:s29] =	ssyncadd.s32 $0xFFFFF000  }
0x25: {  	v4 =	vld.idx.msk [tilespmem:v4+s9+$0x0], $0xffff  }
0x26: {  	v5 =	vld.idx.msk [tilespmem:v5+s9+$0x0], $0xffff;
	_ =	sdelay $0x1  }
0x27: {  	s30 =	sand.u32 $0x70, s9;
	s22 =	sand.u32 $0x1C00, s9;
	s1 =	simm.s32 $0x10;
	v7 =	vld.idx.msk [tilespmem:v6+s9+$0x0], $0xffff  }
0x28: {  	s23 =	sor.u32 s30, s22;
	v6 =	vld.idx.msk [tilespmem:v8+s9+$0x0], $0xffff;
	v8 =	vmov s1  }
0x29: {  	v8 =	vshll.u32 v8, $0x2;
	[tilespmem:s23+$0x1000] =	vst v4  }
0x2a: {  	s11 =	simm.s32 $0x0;
	s22 =	simm.s32 $0x20;
	v8 =	vor.u32 v0, v8;
	[tilespmem:s23+$0x1080] =	vst v5  }
.LBB2_2:
0x2b: {  	p0 =	sne.s32 s22, $0x3F0  }
0x2c: {  	v9 =	vor.u32 $0x1, v8;
	v10 =	vor.u32 $0x2, v8;
	[tilespmem:s23+$0x1180] =	vst v7;
	v5 =	vsub.s32 v7, v5;
	s11 =	sadd.s32 $0x80, s11;
	s25 =	smov.u32 s22;
	s22 =	sadd.s32 $0x10, s22  }
0x2d: {  	v7 =	vor.u32 $0x3, v8;
	v4 =	vsub.s32 v6, v4;
	[tilespmem:s23+$0x1100] =	vst v6  }
0x2e: {  	[tilespmem:s23+$0x1200] =	vst v4  }
0x2f: {  	[tilespmem:s23+$0x1280] =	vst v5  }
0x30: {  	v4 =	vld.idx.msk [tilespmem:v8+s9+$0x0], $0xffff  }
0x31: {  	v5 =	vld.idx.msk [tilespmem:v9+s9+$0x0], $0xffff  }
0x32: {  	v7 =	vld.idx.msk [tilespmem:v7+s9+$0x0], $0xffff  }
.Ltmp2:
0x33: {  	v6 =	vld.idx.msk [tilespmem:v10+s9+$0x0], $0xffff;
	(pc) =	sbr.rel @p0 .LBB2_2-.Ltmp2, $4  }
0x34: {  	s26 =	sand.u32 $0x1C00, s11;
	s23 =	sand.u32 $0x70, s1;
	s1 =	smov.u32 s25  }
0x35: {  	v8 =	vmov s1;
	s23 =	sor.u32 s23, s26  }
0x36: {  	v8 =	vshll.u32 v8, $0x2;
	[tilespmem:s23+$0x1000] =	vst v4  }
0x37: {  	v8 =	vor.u32 v0, v8;
	[tilespmem:s23+$0x1080] =	vst v5  }
0x38: {  	[tilespmem:s23+$0x1180] =	vst v7  }
0x39: {  	[tilespmem:s23+$0x1100] =	vst v6;
	v4 =	vsub.s32 v6, v4  }
0x3a: {  	v9 =	vor.u32 $0x1, v8;
	v5 =	vsub.s32 v7, v5;
	[tilespmem:s23+$0x1200] =	vst v4  }
0x3b: {  	v60 =	vor.u32 $0x3, v8;
	[tilespmem:s23+$0x1280] =	vst v5  }
0x3c: {  	v4 =	vor.u32 $0x2, v8;
	v5 =	vld.idx.msk [tilespmem:v8+s9+$0x0], $0xffff;
	_ =	sdelay $0x1  }
0x3d: {  	s11 =	sadd.s32 $0x80, s11  }
0x3e: {  	s1 =	sand.u32 $0x70, s1;
	s11 =	sand.u32 $0x1C00, s11;
	v61 =	vld.idx.msk [tilespmem:v9+s9+$0x0], $0xffff  }
0x3f: {  	s1 =	sor.u32 s1, s11;
	v6 =	vld.idx.msk [tilespmem:v60+s9+$0x0], $0xffff  }
0x40: {  	v4 =	vld.idx.msk [tilespmem:v4+s9+$0x0], $0xffff;
	[tilespmem:s1+$0x1000] =	vst v5  }
0x41: {  	v62 =	vld [tilespmem:$0x1000];
	_ =	sdelay $0x4  }
0x42: {  	v63 =	vshll.u32 v62, $0x2  }
0x43: {  	v8 =	vand.u32 $0x7, v62;
	v9 =	vand.u32 $0xFFFFFFE0, v63  }
0x44: {  	v8 =	vor.u32 v8, v9  }
0x45: {  	v9 =	vperm.xlane v8, v11;
	_ =	sdelay $0x1  }
0x46: {  	[tilespmem:s1+$0x1080] =	vst v61;
	v9 =	vadd.s32 v2, v9  }
0x47: {  	[tilespmem:s1+$0x1180] =	vst v6  }
0x48: {  	v6 =	vsub.s32 v6, v61;
	[tilespmem:s1+$0x1100] =	vst v4;
	v4 =	vsub.s32 v4, v5;
	v5 =	vperm.xlane v8, v3  }
0x49: {  	[tilespmem:s1+$0x1280] =	vst v6  }
0x4a: {  	s26 =	simm.s32 $0x0;
	s23 =	simm.s32 $0xB000;
	[tilespmem:s1+$0x1200] =	vst v4;
	v4 =	vadd.s32 v2, v5  }
0x4b: {  	[tilespmem:s23], [sflag:$0x1] =	stream.indirect_vreg.gather [hbm4b:s0+s26], $0x80, v9, vm0, $0xb8;
	[tilespmem:$0x1F000] =	vst v63  }
0x4c: {  	s25 =	simm.s32 $0xB800  }
0x4d: {  	[tilespmem:s25], [sflag:$0x1] =	stream.indirect_vreg.gather [hbm4b:s12+s26], $0x80, v9, vm0, $0xb8;
	[tilespmem:$0x1F000] =	vst v63  }
0x4e: {  	s28 =	simm.s32 $0xD000  }
0x4f: {  	[tilespmem:s28], [sflag:$0x1] =	stream.indirect_vreg.gather [hbm4b:s0+s26], $0x80, v4, vm0, $0xb8;
	[tilespmem:$0x1F000] =	vst v63  }
0x50: {  	s29 =	simm.s32 $0xD800  }
0x51: {  	[tilespmem:s29], [sflag:$0x1] =	stream.indirect_vreg.gather [hbm4b:s12+s26], $0x80, v4, vm0, $0xb8;
	[tilespmem:$0x1F000] =	vst v63  }
0x52: {  	v4 =	vld [tilespmem:$0x1100];
	_ =	sdelay $0x4  }
0x53: {  	v5 =	vshll.u32 v4, $0x2  }
0x54: {  	v4 =	vand.u32 $0x7, v4;
	v5 =	vand.u32 $0xFFFFFFE0, v5  }
0x55: {  	v4 =	vor.u32 v4, v5  }
0x56: {  	v5 =	vperm.xlane v4, v11;
	_ =	sdelay $0x1  }
0x57: {  	v5 =	vadd.s32 v2, v5;
	_ =	sdelay $0x1  }
0x58: {  	v4 =	vperm.xlane v4, v3;
	_ =	sdelay $0x1  }
0x59: {  	s30 =	simm.s32 $0xC000;
	v4 =	vadd.s32 v2, v4  }
0x5a: {  	[tilespmem:s30], [sflag:$0x2] =	stream.indirect_vreg.gather [hbm4b:s2+s26], $0x80, v5, vm0, $0xb8;
	[tilespmem:$0x1F000] =	vst v63  }
0x5b: {  	s7 =	simm.s32 $0xC800  }
0x5c: {  	[tilespmem:s7], [sflag:$0x2] =	stream.indirect_vreg.gather [hbm4b:s13+s26], $0x80, v5, vm0, $0xb8;
	[tilespmem:$0x1F000] =	vst v63  }
0x5d: {  	s11 =	simm.s32 $0xE000  }
0x5e: {  	[tilespmem:s11], [sflag:$0x2] =	stream.indirect_vreg.gather [hbm4b:s2+s26], $0x80, v4, vm0, $0xb8;
	[tilespmem:$0x1F000] =	vst v63  }
0x5f: {  	s22 =	simm.s32 $0xE800  }
0x60: {  	[tilespmem:s22], [sflag:$0x2] =	stream.indirect_vreg.gather [hbm4b:s13+s26], $0x80, v4, vm0, $0xb8;
	[tilespmem:$0x1F000] =	vst v63  }
0x61: {  	v4 =	vld [tilespmem:$0x1080];
	_ =	sdelay $0x4  }
0x62: {  	v5 =	vshll.u32 v4, $0x2  }
0x63: {  	v4 =	vand.u32 $0x7, v4;
	v5 =	vand.u32 $0xFFFFFFE0, v5  }
0x64: {  	v4 =	vor.u32 v4, v5  }
0x65: {  	v5 =	vperm.xlane v4, v11;
	_ =	sdelay $0x1  }
0x66: {  	v5 =	vadd.s32 v2, v5;
	_ =	sdelay $0x1  }
0x67: {  	v4 =	vperm.xlane v4, v3;
	_ =	sdelay $0x1  }
0x68: {  	s23 =	simm.s32 $0x13000;
	v4 =	vadd.s32 v2, v4  }
0x69: {  	[tilespmem:s23], [sflag:$0x3] =	stream.indirect_vreg.gather [hbm4b:s3+s26], $0x80, v5, vm0, $0xb8;
	[tilespmem:$0x1F000] =	vst v63  }
0x6a: {  	s25 =	simm.s32 $0x13800  }
0x6b: {  	[tilespmem:s25], [sflag:$0x3] =	stream.indirect_vreg.gather [hbm4b:s14+s26], $0x80, v5, vm0, $0xb8;
	[tilespmem:$0x1F000] =	vst v63  }
0x6c: {  	s28 =	simm.s32 $0x15000  }
0x6d: {  	[tilespmem:s28], [sflag:$0x3] =	stream.indirect_vreg.gather [hbm4b:s3+s26], $0x80, v4, vm0, $0xb8;
	[tilespmem:$0x1F000] =	vst v63  }
0x6e: {  	s29 =	simm.s32 $0x15800  }
0x6f: {  	[tilespmem:s29], [sflag:$0x3] =	stream.indirect_vreg.gather [hbm4b:s14+s26], $0x80, v4, vm0, $0xb8;
	[tilespmem:$0x1F000] =	vst v63  }
0x70: {  	v4 =	vld [tilespmem:$0x1180];
	_ =	sdelay $0x4  }
0x71: {  	v5 =	vshll.u32 v4, $0x2  }
0x72: {  	v4 =	vand.u32 $0x7, v4;
	v5 =	vand.u32 $0xFFFFFFE0, v5  }
0x73: {  	v4 =	vor.u32 v4, v5  }
0x74: {  	v5 =	vperm.xlane v4, v11;
	_ =	sdelay $0x1  }
0x75: {  	v5 =	vadd.s32 v2, v5;
	_ =	sdelay $0x1  }
0x76: {  	v4 =	vperm.xlane v4, v3;
	_ =	sdelay $0x1  }
0x77: {  	s30 =	simm.s32 $0x14000;
	v4 =	vadd.s32 v2, v4  }
0x78: {  	[tilespmem:s30], [sflag:$0x4] =	stream.indirect_vreg.gather [hbm4b:s4+s26], $0x80, v5, vm0, $0xb8;
	[tilespmem:$0x1F000] =	vst v63  }
0x79: {  	s7 =	simm.s32 $0x14800  }
0x7a: {  	[tilespmem:s7], [sflag:$0x4] =	stream.indirect_vreg.gather [hbm4b:s15+s26], $0x80, v5, vm0, $0xb8;
	[tilespmem:$0x1F000] =	vst v63  }
0x7b: {  	s11 =	simm.s32 $0x16000  }
0x7c: {  	[tilespmem:s11], [sflag:$0x4] =	stream.indirect_vreg.gather [hbm4b:s4+s26], $0x80, v4, vm0, $0xb8;
	[tilespmem:$0x1F000] =	vst v63  }
0x7d: {  	s22 =	simm.s32 $0x16800  }
0x7e: {  	[tilespmem:s22], [sflag:$0x4] =	stream.indirect_vreg.gather [hbm4b:s15+s26], $0x80, v4, vm0, $0xb8;
	[tilespmem:$0x1F000] =	vst v63  }
0x7f: {  	v4 =	vld [tilespmem:$0x1010];
	_ =	sdelay $0x4  }
0x80: {  	v5 =	vshll.u32 v4, $0x2  }
0x81: {  	v4 =	vand.u32 $0x7, v4;
	v5 =	vand.u32 $0xFFFFFFE0, v5  }
0x82: {  	v4 =	vor.u32 v4, v5  }
0x83: {  	v5 =	vperm.xlane v4, v11;
	_ =	sdelay $0x1  }
0x84: {  	v5 =	vadd.s32 v2, v5;
	_ =	sdelay $0x1  }
0x85: {  	v4 =	vperm.xlane v4, v3;
	_ =	sdelay $0x1  }
0x86: {  	s23 =	simm.s32 $0xF000;
	v4 =	vadd.s32 v2, v4  }
0x87: {  	[tilespmem:s23], [sflag:$0x5] =	stream.indirect_vreg.gather [hbm4b:s0+s26], $0x80, v5, vm0, $0xb8;
	[tilespmem:$0x1F000] =	vst v63  }
0x88: {  	s25 =	simm.s32 $0xF800  }
0x89: {  	[tilespmem:s25], [sflag:$0x5] =	stream.indirect_vreg.gather [hbm4b:s12+s26], $0x80, v5, vm0, $0xb8;
	[tilespmem:$0x1F000] =	vst v63  }
0x8a: {  	s28 =	simm.s32 $0x11000  }
0x8b: {  	[tilespmem:s28], [sflag:$0x5] =	stream.indirect_vreg.gather [hbm4b:s0+s26], $0x80, v4, vm0, $0xb8;
	[tilespmem:$0x1F000] =	vst v63  }
0x8c: {  	s29 =	simm.s32 $0x11800  }
0x8d: {  	[tilespmem:s29], [sflag:$0x5] =	stream.indirect_vreg.gather [hbm4b:s12+s26], $0x80, v4, vm0, $0xb8;
	[tilespmem:$0x1F000] =	vst v63  }
0x8e: {  	v4 =	vld [tilespmem:$0x1110];
	_ =	sdelay $0x4  }
0x8f: {  	v5 =	vshll.u32 v4, $0x2  }
0x90: {  	v4 =	vand.u32 $0x7, v4;
	v5 =	vand.u32 $0xFFFFFFE0, v5  }
0x91: {  	v4 =	vor.u32 v4, v5  }
0x92: {  	v5 =	vperm.xlane v4, v11;
	_ =	sdelay $0x1  }
0x93: {  	v5 =	vadd.s32 v2, v5;
	_ =	sdelay $0x1  }
0x94: {  	v4 =	vperm.xlane v4, v3;
	_ =	sdelay $0x1  }
0x95: {  	s30 =	simm.s32 $0x10000;
	v4 =	vadd.s32 v2, v4  }
0x96: {  	[tilespmem:s30], [sflag:$0x6] =	stream.indirect_vreg.gather [hbm4b:s2+s26], $0x80, v5, vm0, $0xb8;
	[tilespmem:$0x1F000] =	vst v63  }
0x97: {  	s7 =	simm.s32 $0x10800  }
0x98: {  	[tilespmem:s7], [sflag:$0x6] =	stream.indirect_vreg.gather [hbm4b:s13+s26], $0x80, v5, vm0, $0xb8;
	[tilespmem:$0x1F000] =	vst v63  }
0x99: {  	s11 =	simm.s32 $0x12000  }
0x9a: {  	[tilespmem:s11], [sflag:$0x6] =	stream.indirect_vreg.gather [hbm4b:s2+s26], $0x80, v4, vm0, $0xb8;
	[tilespmem:$0x1F000] =	vst v63  }
0x9b: {  	s22 =	simm.s32 $0x12800  }
0x9c: {  	[tilespmem:s22], [sflag:$0x6] =	stream.indirect_vreg.gather [hbm4b:s13+s26], $0x80, v4, vm0, $0xb8;
	[tilespmem:$0x1F000] =	vst v63  }
0x9d: {  	v4 =	vld [tilespmem:$0x1090];
	_ =	sdelay $0x4  }
0x9e: {  	v5 =	vshll.u32 v4, $0x2  }
0x9f: {  	v4 =	vand.u32 $0x7, v4;
	v5 =	vand.u32 $0xFFFFFFE0, v5  }
0xa0: {  	v4 =	vor.u32 v4, v5  }
0xa1: {  	v5 =	vperm.xlane v4, v11;
	_ =	sdelay $0x1  }
0xa2: {  	v5 =	vadd.s32 v2, v5;
	_ =	sdelay $0x1  }
0xa3: {  	v4 =	vperm.xlane v4, v3;
	_ =	sdelay $0x1  }
0xa4: {  	v4 =	vadd.s32 v2, v4  }
0xa5: {  	[tilespmem:s31], [sflag:$0x7] =	stream.indirect_vreg.gather [hbm4b:s3+s26], $0x80, v5, vm0, $0xb8;
	[tilespmem:$0x1F000] =	vst v63  }
0xa6: {  	s23 =	simm.s32 $0x17800  }
0xa7: {  	[tilespmem:s23], [sflag:$0x7] =	stream.indirect_vreg.gather [hbm4b:s14+s26], $0x80, v5, vm0, $0xb8;
	[tilespmem:$0x1F000] =	vst v63  }
0xa8: {  	s25 =	simm.s32 $0x19000  }
0xa9: {  	[tilespmem:s25], [sflag:$0x7] =	stream.indirect_vreg.gather [hbm4b:s3+s26], $0x80, v4, vm0, $0xb8;
	[tilespmem:$0x1F000] =	vst v63  }
0xaa: {  	s28 =	simm.s32 $0x19800  }
0xab: {  	[tilespmem:s28], [sflag:$0x7] =	stream.indirect_vreg.gather [hbm4b:s14+s26], $0x80, v4, vm0, $0xb8;
	[tilespmem:$0x1F000] =	vst v63  }
0xac: {  	v4 =	vld [tilespmem:$0x1190];
	_ =	sdelay $0x4  }
0xad: {  	v5 =	vshll.u32 v4, $0x2  }
0xae: {  	v4 =	vand.u32 $0x7, v4;
	v5 =	vand.u32 $0xFFFFFFE0, v5  }
0xaf: {  	v4 =	vor.u32 v4, v5  }
0xb0: {  	v5 =	vperm.xlane v4, v11;
	_ =	sdelay $0x1  }
0xb1: {  	v5 =	vadd.s32 v2, v5;
	_ =	sdelay $0x1  }
0xb2: {  	v4 =	vperm.xlane v4, v3;
	_ =	sdelay $0x1  }
0xb3: {  	s29 =	simm.s32 $0x18000;
	v4 =	vadd.s32 v2, v4  }
0xb4: {  	[tilespmem:s29], [sflag:$0x8] =	stream.indirect_vreg.gather [hbm4b:s4+s26], $0x80, v5, vm0, $0xb8;
	[tilespmem:$0x1F000] =	vst v63  }
0xb5: {  	s30 =	simm.s32 $0x18800  }
0xb6: {  	[tilespmem:s30], [sflag:$0x8] =	stream.indirect_vreg.gather [hbm4b:s15+s26], $0x80, v5, vm0, $0xb8;
	[tilespmem:$0x1F000] =	vst v63  }
0xb7: {  	s31 =	simm.s32 $0x1A000  }
0xb8: {  	[tilespmem:s31], [sflag:$0x8] =	stream.indirect_vreg.gather [hbm4b:s4+s26], $0x80, v4, vm0, $0xb8;
	[tilespmem:$0x1F000] =	vst v63  }
0xb9: {  	s7 =	simm.s32 $0x1A800  }
0xba: {  	[tilespmem:s7], [sflag:$0x8] =	stream.indirect_vreg.gather [hbm4b:s15+s26], $0x80, v4, vm0, $0xb8;
	[tilespmem:$0x1F000] =	vst v63  }
0xbb: {  	v4 =	vld [tilespmem:$0x1200];
	_ =	sdelay $0x4  }
0xbc: {  	v5 =	vshll.u32 v4, $0x3  }
0xbd: {  	v4 =	vand.u32 $0x7, v4;
	v5 =	vand.u32 $0xFFFFFFC0, v5  }
0xbe: {  	v4 =	vor.u32 v4, v5  }
0xbf: {  	v5 =	vperm.xlane v4, v11;
	_ =	sdelay $0x1  }
0xc0: {  	v5 =	vadd.s32 v2, v5;
	_ =	sdelay $0x3  }
0xc1: {  	s11 =	simm.s32 $0x1B000  }
0xc2: {  	[tilespmem:s11], [sflag:$0x9] =	stream.indirect_vreg.gather [hbm4b:s5+s26], $0x80, v5, vm0, $0xb8;
	[tilespmem:$0x1F000] =	vst v63  }
0xc3: {  	s22 =	simm.s32 $0x1B800;
	v4 =	vperm.xlane v4, v3  }
0xc4: {  	[tilespmem:s22], [sflag:$0x9] =	stream.indirect_vreg.gather [hbm4b:s16+s26], $0x80, v5, vm0, $0xb8;
	[tilespmem:$0x1F000] =	vst v63  }
0xc5: {  	s23 =	simm.s32 $0x1C000;
	v4 =	vadd.s32 v2, v4  }
0xc6: {  	[tilespmem:s23], [sflag:$0x9] =	stream.indirect_vreg.gather [hbm4b:s17+s26], $0x80, v5, vm0, $0xb8;
	[tilespmem:$0x1F000] =	vst v63  }
0xc7: {  	s25 =	simm.s32 $0x1C800  }
0xc8: {  	[tilespmem:s25], [sflag:$0x9] =	stream.indirect_vreg.gather [hbm4b:s18+s26], $0x80, v5, vm0, $0xb8;
	[tilespmem:$0x1F000] =	vst v63  }
0xc9: {  	s28 =	simm.s32 $0x1D000  }
0xca: {  	[tilespmem:s28], [sflag:$0x9] =	stream.indirect_vreg.gather [hbm4b:s5+s26], $0x80, v4, vm0, $0xb8;
	[tilespmem:$0x1F000] =	vst v63  }
0xcb: {  	s29 =	simm.s32 $0x1D800  }
0xcc: {  	[tilespmem:s29], [sflag:$0x9] =	stream.indirect_vreg.gather [hbm4b:s16+s26], $0x80, v4, vm0, $0xb8;
	[tilespmem:$0x1F000] =	vst v63  }
0xcd: {  	s30 =	simm.s32 $0x1E000  }
0xce: {  	[tilespmem:s30], [sflag:$0x9] =	stream.indirect_vreg.gather [hbm4b:s17+s26], $0x80, v4, vm0, $0xb8;
	[tilespmem:$0x1F000] =	vst v63  }
0xcf: {  	s31 =	simm.s32 $0x1E800  }
0xd0: {  	[tilespmem:s31], [sflag:$0x9] =	stream.indirect_vreg.gather [hbm4b:s18+s26], $0x80, v4, vm0, $0xb8;
	[tilespmem:$0x1F000] =	vst v63  }
.LBB2_4:
0xd1: {  	p0 =	seq.s32 s26, $0x0  }
0xd2: {  	s1 =	simm.s32 @!p0 $0xC  }
0xd3: {  	_ =	swait.ge @!p0 [sflag:s1], $0x4000  }
0xd4: {  	[sflag:s1] =	ssyncset.done @!p0 $0x0  }
0xd5: {  	s23 =	simm.s32 $0x1;
	[sflag:s1] =	ssyncadd.s32 @!p0 $0xFFFFC000  }
0xd6: {  	_ =	swait.ge [sflag:s23], $0x2000  }
0xd7: {  	[sflag:s23] =	ssyncset.done $0x0  }
0xd8: {  	s25 =	simm.s32 $0x2;
	[sflag:s23] =	ssyncadd.s32 $0xFFFFE000  }
0xd9: {  	_ =	swait.ge [sflag:s25], $0x2000  }
0xda: {  	[sflag:s25] =	ssyncset.done $0x0  }
0xdb: {  	s30 =	simm.s32 $0x3;
	[sflag:s25] =	ssyncadd.s32 $0xFFFFE000  }
0xdc: {  	_ =	swait.ge [sflag:s30], $0x2000  }
0xdd: {  	[sflag:s30] =	ssyncset.done $0x0  }
0xde: {  	s31 =	simm.s32 $0x4;
	[sflag:s30] =	ssyncadd.s32 $0xFFFFE000  }
0xdf: {  	s28 =	simm.s32 $0xFFFFC000;
	_ =	swait.ge [sflag:s31], $0x2000  }
0xe0: {  	s29 =	simm.s32 $0x0;
	s11 =	simm.s32 $0x0;
	[sflag:s31] =	ssyncset.done $0x0  }
0xe1: {  	s1 =	simm.s32 $0x0;
	s25 =	sshll.u32 s26, $0x1;
	[sflag:s31] =	ssyncadd.s32 $0xFFFFE000  }
.LBB2_5:
0xe2: {  	s22 =	sadd.s32 $0x4000, s28  }
0xe3: {  	s23 =	sand.u32 $0x380, s11;
	s22 =	sand.u32 $0x2000, s22  }
0xe4: {  	s22 =	sor.u32 s23, s22  }
0xe5: {  	v4 =	vld [tilespmem:s22+$0xB000]  }
0xe6: {  	v5 =	vld [tilespmem:s22+$0x13000]  }
0xe7: {  	v6 =	vld [tilespmem:s22+$0xB010]  }
0xe8: {  	v7 =	vld [tilespmem:s22+$0x13010]  }
0xe9: {  	v8 =	vld [tilespmem:s22+$0xB020]  }
0xea: {  	v9 =	vld [tilespmem:s22+$0x13020]  }
0xeb: {  	v10 =	vld [tilespmem:s22+$0xB030]  }
0xec: {  	v11 =	vld [tilespmem:s22+$0x13030]  }
0xed: {  	v12 =	vld [tilespmem:s22+$0xB040]  }
0xee: {  	v13 =	vld [tilespmem:s22+$0x13040]  }
0xef: {  	v14 =	vld [tilespmem:s22+$0xB050]  }
0xf0: {  	v15 =	vld [tilespmem:s22+$0x13050]  }
0xf1: {  	v16 =	vld [tilespmem:s22+$0xB060]  }
0xf2: {  	v17 =	vld [tilespmem:s22+$0x13060]  }
0xf3: {  	v18 =	vld [tilespmem:s22+$0xB070]  }
0xf4: {  	v19 =	vld [tilespmem:s22+$0x13070]  }
0xf5: {  	v20 =	vld [tilespmem:s22+$0xB400]  }
0xf6: {  	v21 =	vld [tilespmem:s22+$0x13400]  }
0xf7: {  	v22 =	vld [tilespmem:s22+$0xB410]  }
0xf8: {  	v23 =	vld [tilespmem:s22+$0x13410]  }
0xf9: {  	v24 =	vld [tilespmem:s22+$0xB420]  }
0xfa: {  	v25 =	vld [tilespmem:s22+$0x13420]  }
0xfb: {  	v26 =	vld [tilespmem:s22+$0xB430]  }
0xfc: {  	v27 =	vld [tilespmem:s22+$0x13430]  }
0xfd: {  	v28 =	vld [tilespmem:s22+$0xB440]  }
0xfe: {  	v29 =	vld [tilespmem:s22+$0x13440]  }
0xff: {  	v30 =	vld [tilespmem:s22+$0xB450]  }
0x100: {  	v31 =	vld [tilespmem:s22+$0x13450]  }
0x101: {  	v32 =	vld [tilespmem:s22+$0xB460]  }
0x102: {  	v33 =	vld [tilespmem:s22+$0x13460]  }
0x103: {  	v34 =	vld [tilespmem:s22+$0xB470]  }
0x104: {  	v35 =	vld [tilespmem:s22+$0x13470]  }
0x105: {  	v36 =	vld [tilespmem:s22+$0xB800]  }
0x106: {  	v37 =	vld [tilespmem:s22+$0x13800]  }
0x107: {  	v38 =	vld [tilespmem:s22+$0xB810]  }
0x108: {  	v39 =	vld [tilespmem:s22+$0x13810]  }
0x109: {  	v40 =	vld [tilespmem:s22+$0xB820]  }
0x10a: {  	v41 =	vld [tilespmem:s22+$0x13820]  }
0x10b: {  	v42 =	vld [tilespmem:s22+$0xB830]  }
0x10c: {  	v43 =	vld [tilespmem:s22+$0x13830]  }
0x10d: {  	v44 =	vld [tilespmem:s22+$0xB840]  }
0x10e: {  	v45 =	vld [tilespmem:s22+$0x13840]  }
0x10f: {  	v46 =	vld [tilespmem:s22+$0xB850]  }
0x110: {  	v47 =	vld [tilespmem:s22+$0x13850]  }
0x111: {  	v48 =	vld [tilespmem:s22+$0xB860]  }
0x112: {  	v49 =	vld [tilespmem:s22+$0x13860]  }
0x113: {  	v50 =	vld [tilespmem:s22+$0xB870]  }
0x114: {  	v51 =	vld [tilespmem:s22+$0x13870]  }
0x115: {  	v52 =	vld [tilespmem:s22+$0xBC00]  }
0x116: {  	v53 =	vld [tilespmem:s22+$0x13C00]  }
0x117: {  	v54 =	vld [tilespmem:s22+$0xBC10]  }
0x118: {  	v55 =	vld [tilespmem:s22+$0x13C10]  }
0x119: {  	v56 =	vld [tilespmem:s22+$0xBC20]  }
0x11a: {  	v57 =	vld [tilespmem:s22+$0x13C20]  }
0x11b: {  	v58 =	vld [tilespmem:s22+$0xBC30]  }
0x11c: {  	v59 =	vld [tilespmem:s22+$0x13C30]  }
0x11d: {  	v60 =	vld [tilespmem:s22+$0xBC40]  }
0x11e: {  	v61 =	vld [tilespmem:s22+$0x13C40]  }
0x11f: {  	v62 =	vld [tilespmem:s22+$0xBC50]  }
0x120: {  	v63 =	vld [tilespmem:s22+$0x13C50]  }
0x121: {  	v1 =	vld [tilespmem:s22+$0xBC60]  }
0x122: {  	v4 =	vadd.f32 v5, v4;
	v5 =	vld [tilespmem:s22+$0x13C60]  }
0x123: {  	v6 =	vadd.f32 v7, v6;
	v7 =	vld [tilespmem:s22+$0xBC70]  }
0x124: {  	v19 =	vadd.f32 v19, v18;
	v18 =	vld [tilespmem:s22+$0x14040];
	[tilespmem:s22+$0x3000] =	vst v4  }
0x125: {  	v23 =	vadd.f32 v23, v22;
	v22 =	vld [tilespmem:s22+$0x14060];
	[tilespmem:s22+$0x3010] =	vst v6  }
0x126: {  	v27 =	vadd.f32 v27, v26;
	v30 =	vadd.f32 v31, v30;
	v26 =	vld [tilespmem:s22+$0x14400];
	[tilespmem:s22+$0x3070] =	vst v19  }
0x127: {  	v31 =	vadd.f32 v35, v34;
	v34 =	vadd.f32 v47, v46;
	v46 =	vld [tilespmem:s22+$0x14460];
	[tilespmem:s22+$0x3410] =	vst v23  }
0x128: {  	v47 =	vld [tilespmem:s22+$0xC470];
	[tilespmem:s22+$0x3430] =	vst v27  }
0x129: {  	v35 =	vadd.f32 v51, v50;
	v50 =	vld [tilespmem:s22+$0x14800];
	[tilespmem:s22+$0x3450] =	vst v30  }
0x12a: {  	v4 =	vadd.f32 v9, v8;
	v8 =	vld [tilespmem:s22+$0x13C70];
	[tilespmem:s22+$0x3470] =	vst v31  }
0x12b: {  	v9 =	vld [tilespmem:s22+$0xC000];
	[tilespmem:s22+$0x3850] =	vst v34  }
0x12c: {  	v6 =	vadd.f32 v11, v10;
	v10 =	vld [tilespmem:s22+$0x14000];
	[tilespmem:s22+$0x3870] =	vst v35  }
0x12d: {  	v11 =	vld [tilespmem:s22+$0xC010];
	[tilespmem:s22+$0x3020] =	vst v4;
	v4 =	vadd.f32 v13, v12  }
0x12e: {  	[tilespmem:s22+$0x3030] =	vst v6;
	v6 =	vadd.f32 v15, v14;
	v12 =	vld [tilespmem:s22+$0x14010]  }
0x12f: {  	v13 =	vld [tilespmem:s22+$0xC020];
	v1 =	vadd.f32 v5, v1;
	[tilespmem:s22+$0x3040] =	vst v4  }
0x130: {  	v14 =	vld [tilespmem:s22+$0x14020];
	v4 =	vadd.f32 v17, v16;
	[tilespmem:s22+$0x3050] =	vst v6  }
0x131: {  	v15 =	vld [tilespmem:s22+$0xC030];
	v5 =	vadd.f32 v8, v7;
	[tilespmem:s22+$0x3C60] =	vst v1  }
0x132: {  	v16 =	vld [tilespmem:s22+$0x14030];
	v1 =	vadd.f32 v10, v9;
	[tilespmem:s22+$0x3060] =	vst v4  }
0x133: {  	v51 =	vld [tilespmem:s22+$0xC810];
	v4 =	vadd.f32 v21, v20;
	[tilespmem:s22+$0x3C70] =	vst v5  }
0x134: {  	v17 =	vld [tilespmem:s22+$0xC040];
	v5 =	vadd.f32 v12, v11;
	[tilespmem:s22+$0x4000] =	vst v1  }
0x135: {  	v19 =	vld [tilespmem:s22+$0xC050];
	v1 =	vadd.f32 v14, v13;
	[tilespmem:s22+$0x3400] =	vst v4  }
0x136: {  	v20 =	vld [tilespmem:s22+$0x14050];
	v4 =	vadd.f32 v25, v24;
	[tilespmem:s22+$0x4010] =	vst v5  }
0x137: {  	v23 =	vld [tilespmem:s22+$0xC070];
	v5 =	vadd.f32 v16, v15;
	[tilespmem:s22+$0x4020] =	vst v1  }
0x138: {  	v21 =	vld [tilespmem:s22+$0xC060];
	[tilespmem:s22+$0x3420] =	vst v4;
	v4 =	vadd.f32 v29, v28  }
0x139: {  	v27 =	vld [tilespmem:s22+$0xC410];
	v1 =	vadd.f32 v18, v17;
	[tilespmem:s22+$0x4030] =	vst v5  }
0x13a: {  	v24 =	vld [tilespmem:s22+$0x14070];
	[tilespmem:s22+$0x3440] =	vst v4;
	v4 =	vadd.f32 v33, v32  }
0x13b: {  	v25 =	vld [tilespmem:s22+$0xC400];
	v5 =	vadd.f32 v20, v19;
	[tilespmem:s22+$0x4040] =	vst v1  }
0x13c: {  	v28 =	vld [tilespmem:s22+$0x14410];
	[tilespmem:s22+$0x3460] =	vst v4;
	v4 =	vadd.f32 v37, v36  }
0x13d: {  	v29 =	vld [tilespmem:s22+$0xC420];
	v1 =	vadd.f32 v22, v21;
	[tilespmem:s22+$0x4050] =	vst v5  }
0x13e: {  	v32 =	vadd.f32 v39, v38;
	v38 =	vld [tilespmem:s22+$0xC430];
	[tilespmem:s22+$0x3800] =	vst v4;
	v4 =	vadd.f32 v41, v40  }
0x13f: {  	v39 =	vld [tilespmem:s22+$0x14430];
	[tilespmem:s22+$0x4060] =	vst v1  }
0x140: {  	v33 =	vadd.f32 v43, v42;
	v42 =	vld [tilespmem:s22+$0x14440];
	[tilespmem:s22+$0x3820] =	vst v4;
	v4 =	vadd.f32 v45, v44  }
0x141: {  	v43 =	vadd.f32 v63, v62;
	v62 =	vld [tilespmem:s22+$0xC870];
	[tilespmem:s22+$0x3810] =	vst v32  }
0x142: {  	v36 =	vld [tilespmem:s22+$0x14420];
	[tilespmem:s22+$0x3840] =	vst v4;
	v4 =	vadd.f32 v49, v48  }
0x143: {  	[tilespmem:s22+$0x3830] =	vst v33;
	v37 =	vadd.f32 v55, v54;
	v54 =	vld [tilespmem:s22+$0x14820]  }
0x144: {  	v55 =	vld [tilespmem:s22+$0xC830];
	[tilespmem:s22+$0x3860] =	vst v4;
	v4 =	vadd.f32 v53, v52  }
0x145: {  	v5 =	vadd.f32 v24, v23;
	[tilespmem:s22+$0x3C50] =	vst v43;
	v41 =	vld [tilespmem:s22+$0xC440]  }
0x146: {  	v40 =	vadd.f32 v59, v58;
	v58 =	vld [tilespmem:s22+$0x14840];
	[tilespmem:s22+$0x3C00] =	vst v4;
	v4 =	vadd.f32 v57, v56  }
0x147: {  	[tilespmem:s22+$0x4070] =	vst v5;
	v5 =	vadd.f32 v28, v27;
	v59 =	vld [tilespmem:s22+$0x14850]  }
0x148: {  	v44 =	vld [tilespmem:s22+$0xC450];
	[tilespmem:s22+$0x3C20] =	vst v4;
	v4 =	vadd.f32 v61, v60  }
0x149: {  	[tilespmem:s22+$0x4410] =	vst v5;
	v5 =	vadd.f32 v39, v38;
	v45 =	vld [tilespmem:s22+$0xC460]  }
0x14a: {  	v1 =	vadd.f32 v26, v25;
	[tilespmem:s22+$0x3C40] =	vst v4;
	v4 =	vld [tilespmem:s22+$0x14450]  }
0x14b: {  	[tilespmem:s22+$0x4430] =	vst v5;
	v5 =	vld [tilespmem:s22+$0xC850]  }
0x14c: {  	[tilespmem:s22+$0x4400] =	vst v1;
	v1 =	vadd.f32 v36, v29;
	v48 =	vld [tilespmem:s22+$0x14470]  }
0x14d: {  	[tilespmem:s22+$0x3C10] =	vst v37;
	v49 =	vld [tilespmem:s22+$0xC800]  }
0x14e: {  	[tilespmem:s22+$0x4420] =	vst v1;
	v1 =	vadd.f32 v42, v41;
	v52 =	vld [tilespmem:s22+$0x14810]  }
0x14f: {  	[tilespmem:s22+$0x3C30] =	vst v40;
	v53 =	vld [tilespmem:s22+$0xC820];
	v4 =	vadd.f32 v4, v44  }
0x150: {  	[tilespmem:s22+$0x4440] =	vst v1;
	v1 =	vadd.f32 v46, v45;
	v56 =	vld [tilespmem:s22+$0x14830]  }
0x151: {  	v57 =	vld [tilespmem:s22+$0xC840];
	[tilespmem:s22+$0x4450] =	vst v4;
	v4 =	vadd.f32 v48, v47  }
0x152: {  	[tilespmem:s22+$0x4460] =	vst v1;
	v1 =	vadd.f32 v50, v49;
	v60 =	vld [tilespmem:s22+$0xC860]  }
0x153: {  	v61 =	vld [tilespmem:s22+$0x14860];
	[tilespmem:s22+$0x4470] =	vst v4;
	v4 =	vadd.f32 v52, v51  }
0x154: {  	v63 =	vld [tilespmem:s22+$0x14870];
	[tilespmem:s22+$0x4800] =	vst v1;
	v1 =	vadd.f32 v54, v53  }
0x155: {  	[tilespmem:s22+$0x4810] =	vst v4;
	v4 =	vadd.f32 v56, v55  }
0x156: {  	[tilespmem:s22+$0x4820] =	vst v1;
	v1 =	vadd.f32 v58, v57  }
0x157: {  	[tilespmem:s22+$0x4830] =	vst v4;
	v4 =	vadd.f32 v59, v5  }
0x158: {  	s7 =	sand.u32 $0x7, s29;
	[tilespmem:s22+$0x4840] =	vst v1;
	v1 =	vadd.f32 v61, v60  }
0x159: {  	s23 =	sshll.u32 s7, $0x7;
	[tilespmem:s22+$0x4850] =	vst v4;
	v4 =	vadd.f32 v63, v62  }
0x15a: {  	s23 =	sadd.s32 s23, s1;
	[tilespmem:s22+$0x4860] =	vst v1  }
0x15b: {  	s30 =	sor.u32 $0x1C00, s23;
	[tilespmem:s22+$0x4870] =	vst v4  }
0x15c: {  	v1 =	vld [tilespmem:s30+$0xB000]  }
0x15d: {  	v4 =	vld [tilespmem:s30+$0x13000];
	_ =	sdelay $0x4  }
0x15e: {  	v1 =	vadd.f32 v4, v1;
	_ =	sdelay $0x1  }
0x15f: {  	s31 =	sor.u32 $0x1C10, s23;
	[tilespmem:s30+$0x3000] =	vst v1  }
0x160: {  	v1 =	vld [tilespmem:s31+$0xB000]  }
0x161: {  	v4 =	vld [tilespmem:s31+$0x13000];
	_ =	sdelay $0x4  }
0x162: {  	v1 =	vadd.f32 v4, v1;
	_ =	sdelay $0x1  }
0x163: {  	s7 =	sor.u32 $0x1C20, s23;
	[tilespmem:s31+$0x3000] =	vst v1  }
0x164: {  	v1 =	vld [tilespmem:s7+$0xB000]  }
0x165: {  	v4 =	vld [tilespmem:s7+$0x13000];
	_ =	sdelay $0x4  }
0x166: {  	v1 =	vadd.f32 v4, v1;
	_ =	sdelay $0x1  }
0x167: {  	s30 =	sor.u32 $0x1C30, s23;
	[tilespmem:s7+$0x3000] =	vst v1  }
0x168: {  	v1 =	vld [tilespmem:s30+$0xB000]  }
0x169: {  	v4 =	vld [tilespmem:s30+$0x13000];
	_ =	sdelay $0x4  }
0x16a: {  	v1 =	vadd.f32 v4, v1;
	_ =	sdelay $0x1  }
0x16b: {  	s31 =	sor.u32 $0x1C40, s23;
	[tilespmem:s30+$0x3000] =	vst v1  }
0x16c: {  	v1 =	vld [tilespmem:s31+$0xB000]  }
0x16d: {  	v4 =	vld [tilespmem:s31+$0x13000];
	_ =	sdelay $0x4  }
0x16e: {  	v1 =	vadd.f32 v4, v1;
	_ =	sdelay $0x1  }
0x16f: {  	s7 =	sor.u32 $0x1C50, s23;
	[tilespmem:s31+$0x3000] =	vst v1  }
0x170: {  	v1 =	vld [tilespmem:s7+$0xB000]  }
0x171: {  	v4 =	vld [tilespmem:s7+$0x13000];
	_ =	sdelay $0x4  }
0x172: {  	v1 =	vadd.f32 v4, v1;
	_ =	sdelay $0x1  }
0x173: {  	s30 =	sor.u32 $0x1C60, s23;
	[tilespmem:s7+$0x3000] =	vst v1  }
0x174: {  	v1 =	vld [tilespmem:s30+$0xB000]  }
0x175: {  	v4 =	vld [tilespmem:s30+$0x13000];
	_ =	sdelay $0x4  }
0x176: {  	v1 =	vadd.f32 v4, v1;
	_ =	sdelay $0x1  }
0x177: {  	s31 =	sor.u32 $0x1C70, s23;
	[tilespmem:s30+$0x3000] =	vst v1  }
0x178: {  	v1 =	vld [tilespmem:s31+$0xB000]  }
0x179: {  	v4 =	vld [tilespmem:s31+$0x13000];
	_ =	sdelay $0x1  }
0x17a: {  	p0 =	sne.s32 s11, $0x780  }
.Ltmp3:
0x17b: {  	_ = 	snop;
	(pc) =	sbr.rel @p0 .LBB2_5-.Ltmp3, $4  }
0x17c: {  	_ = 	snop  }
0x17d: {  	v1 =	vadd.f32 v4, v1  }
0x17e: {  	s29 =	sadd.s32 $0x1, s29  }
0x17f: {  	s28 =	sadd.s32 $0x400, s28;
	s11 =	sadd.s32 $0x80, s11;
	s1 =	sadd.s32 $0x400, s1;
	[tilespmem:s31+$0x3000] =	vst v1  }
0x180: {  	s1 =	sshll.u32 s26, $0x8  }
0x181: {  	s28 =	sshll.u32 s26, $0x5;
	s1 =	sand.u32 $0x1C00, s1  }
0x182: {  	s11 =	sand.u32 $0x60, s28;
	s1 =	sadd.s32 $0x1000, s1  }
0x183: {  	s11 =	sor.u32 s11, s1  }
0x184: {  	v1 =	vld [tilespmem:s11+$0x280];
	_ =	sdelay $0x2  }
0x185: {  	v8 =	vld [tilespmem:$0x1FFF0];
	_ =	sdelay $0x1  }
0x186: {  	v4 =	vshll.u32 v1, $0x3  }
0x187: {  	v1 =	vand.u32 $0x7, v1;
	v4 =	vand.u32 $0xFFFFFFC0, v4  }
0x188: {  	v1 =	vor.u32 v1, v4  }
0x189: {  	v4 =	vperm.xlane v1, v8;
	_ =	sdelay $0x1  }
0x18a: {  	v4 =	vadd.s32 v2, v4;
	_ =	sdelay $0x3  }
0x18b: {  	s7 =	simm.s32 $0x13000;
	s11 =	simm.s32 $0x0  }
0x18c: {  	[tilespmem:s7], [sflag:$0xA] =	stream.indirect_vreg.gather [hbm4b:s6+s11], $0x80, v4, vm0, $0xb8;
	[tilespmem:$0x1F000] =	vst v63  }
0x18d: {  	s23 =	simm.s32 $0x13800;
	v1 =	vperm.xlane v1, v3  }
0x18e: {  	[tilespmem:s23], [sflag:$0xA] =	stream.indirect_vreg.gather [hbm4b:s19+s11], $0x80, v4, vm0, $0xb8;
	[tilespmem:$0x1F000] =	vst v63  }
0x18f: {  	s30 =	simm.s32 $0x14000;
	v1 =	vadd.s32 v2, v1  }
0x190: {  	[tilespmem:s30], [sflag:$0xA] =	stream.indirect_vreg.gather [hbm4b:s20+s11], $0x80, v4, vm0, $0xb8;
	[tilespmem:$0x1F000] =	vst v63  }
0x191: {  	s31 =	simm.s32 $0x14800  }
0x192: {  	[tilespmem:s31], [sflag:$0xA] =	stream.indirect_vreg.gather [hbm4b:s21+s11], $0x80, v4, vm0, $0xb8;
	[tilespmem:$0x1F000] =	vst v63  }
0x193: {  	s22 =	simm.s32 $0x15000  }
0x194: {  	[tilespmem:s22], [sflag:$0xA] =	stream.indirect_vreg.gather [hbm4b:s6+s11], $0x80, v1, vm0, $0xb8;
	[tilespmem:$0x1F000] =	vst v63  }
0x195: {  	s23 =	simm.s32 $0x15800  }
0x196: {  	[tilespmem:s23], [sflag:$0xA] =	stream.indirect_vreg.gather [hbm4b:s19+s11], $0x80, v1, vm0, $0xb8;
	[tilespmem:$0x1F000] =	vst v63  }
0x197: {  	s30 =	simm.s32 $0x16000  }
0x198: {  	[tilespmem:s30], [sflag:$0xA] =	stream.indirect_vreg.gather [hbm4b:s20+s11], $0x80, v1, vm0, $0xb8;
	[tilespmem:$0x1F000] =	vst v63  }
0x199: {  	s31 =	simm.s32 $0x16800  }
0x19a: {  	[tilespmem:s31], [sflag:$0xA] =	stream.indirect_vreg.gather [hbm4b:s21+s11], $0x80, v1, vm0, $0xb8;
	[tilespmem:$0x1F000] =	vst v63  }
0x19b: {  	_ =	swait.ge [sflag:s8], $0x4000  }
0x19c: {  	s29 =	simm.s32 $0x0;
	[sflag:s8] =	ssyncset.done $0x0  }
0x19d: {  	s22 =	simm.s32 $0xFFFFC000;
	s23 =	simm.s32 $0x0;
	[sflag:s8] =	ssyncadd.s32 $0xFFFFC000  }
.LBB2_7:
0x19e: {  	s30 =	sadd.s32 $0x4000, s22  }
0x19f: {  	s31 =	sand.u32 $0x380, s29;
	s30 =	sand.u32 $0x2000, s30  }
0x1a0: {  	s30 =	sor.u32 s31, s30  }
0x1a1: {  	v1 =	vld [tilespmem:s30+$0x1B000]  }
0x1a2: {  	v4 =	vld [tilespmem:s30+$0x1B010]  }
0x1a3: {  	v5 =	vld [tilespmem:s30+$0x1B020]  }
0x1a4: {  	v6 =	vld [tilespmem:s30+$0x1B060]  }
0x1a5: {  	v7 =	vld [tilespmem:s30+$0x1B070]  }
0x1a6: {  	[tilespmem:s30+$0x3000] =	vst.add.f32.msk $0xffff, v1  }
0x1a7: {  	[tilespmem:s30+$0x3010] =	vst.add.f32.msk $0xffff, v4  }
0x1a8: {  	[tilespmem:s30+$0x3020] =	vst.add.f32.msk $0xffff, v5  }
0x1a9: {  	v1 =	vld [tilespmem:s30+$0x1B030]  }
0x1aa: {  	v4 =	vld [tilespmem:s30+$0x1B040]  }
0x1ab: {  	v5 =	vld [tilespmem:s30+$0x1B050]  }
0x1ac: {  	[tilespmem:s30+$0x3060] =	vst.add.f32.msk $0xffff, v6  }
0x1ad: {  	[tilespmem:s30+$0x3070] =	vst.add.f32.msk $0xffff, v7  }
0x1ae: {  	v6 =	vld [tilespmem:s30+$0x1B430]  }
0x1af: {  	v7 =	vld [tilespmem:s30+$0x1B440]  }
0x1b0: {  	[tilespmem:s30+$0x3030] =	vst.add.f32.msk $0xffff, v1  }
0x1b1: {  	[tilespmem:s30+$0x3040] =	vst.add.f32.msk $0xffff, v4  }
0x1b2: {  	[tilespmem:s30+$0x3050] =	vst.add.f32.msk $0xffff, v5  }
0x1b3: {  	v1 =	vld [tilespmem:s30+$0x1B400]  }
0x1b4: {  	v4 =	vld [tilespmem:s30+$0x1B410]  }
0x1b5: {  	v5 =	vld [tilespmem:s30+$0x1B420]  }
0x1b6: {  	[tilespmem:s30+$0x3430] =	vst.add.f32.msk $0xffff, v6  }
0x1b7: {  	[tilespmem:s30+$0x3440] =	vst.add.f32.msk $0xffff, v7  }
0x1b8: {  	v6 =	vld [tilespmem:s30+$0x1B800]  }
0x1b9: {  	v7 =	vld [tilespmem:s30+$0x1B810]  }
0x1ba: {  	[tilespmem:s30+$0x3400] =	vst.add.f32.msk $0xffff, v1  }
0x1bb: {  	[tilespmem:s30+$0x3410] =	vst.add.f32.msk $0xffff, v4  }
0x1bc: {  	[tilespmem:s30+$0x3420] =	vst.add.f32.msk $0xffff, v5  }
0x1bd: {  	v1 =	vld [tilespmem:s30+$0x1B450]  }
0x1be: {  	v4 =	vld [tilespmem:s30+$0x1B460]  }
0x1bf: {  	v5 =	vld [tilespmem:s30+$0x1B470]  }
0x1c0: {  	[tilespmem:s30+$0x3800] =	vst.add.f32.msk $0xffff, v6  }
0x1c1: {  	[tilespmem:s30+$0x3810] =	vst.add.f32.msk $0xffff, v7  }
0x1c2: {  	v6 =	vld [tilespmem:s30+$0x1B850]  }
0x1c3: {  	v7 =	vld [tilespmem:s30+$0x1B860]  }
0x1c4: {  	[tilespmem:s30+$0x3450] =	vst.add.f32.msk $0xffff, v1  }
0x1c5: {  	[tilespmem:s30+$0x3460] =	vst.add.f32.msk $0xffff, v4  }
0x1c6: {  	[tilespmem:s30+$0x3470] =	vst.add.f32.msk $0xffff, v5  }
0x1c7: {  	v1 =	vld [tilespmem:s30+$0x1B820]  }
0x1c8: {  	v4 =	vld [tilespmem:s30+$0x1B830]  }
0x1c9: {  	v5 =	vld [tilespmem:s30+$0x1B840]  }
0x1ca: {  	[tilespmem:s30+$0x3850] =	vst.add.f32.msk $0xffff, v6  }
0x1cb: {  	[tilespmem:s30+$0x3860] =	vst.add.f32.msk $0xffff, v7  }
0x1cc: {  	v6 =	vld [tilespmem:s30+$0x1BC20]  }
0x1cd: {  	v7 =	vld [tilespmem:s30+$0x1BC30]  }
0x1ce: {  	[tilespmem:s30+$0x3820] =	vst.add.f32.msk $0xffff, v1  }
0x1cf: {  	[tilespmem:s30+$0x3830] =	vst.add.f32.msk $0xffff, v4  }
0x1d0: {  	[tilespmem:s30+$0x3840] =	vst.add.f32.msk $0xffff, v5  }
0x1d1: {  	v1 =	vld [tilespmem:s30+$0x1B870]  }
0x1d2: {  	v4 =	vld [tilespmem:s30+$0x1BC00]  }
0x1d3: {  	v5 =	vld [tilespmem:s30+$0x1BC10]  }
0x1d4: {  	[tilespmem:s30+$0x3C20] =	vst.add.f32.msk $0xffff, v6  }
0x1d5: {  	[tilespmem:s30+$0x3C30] =	vst.add.f32.msk $0xffff, v7  }
0x1d6: {  	v6 =	vld [tilespmem:s30+$0x1BC70]  }
0x1d7: {  	[tilespmem:s30+$0x3870] =	vst.add.f32.msk $0xffff, v1  }
0x1d8: {  	[tilespmem:s30+$0x3C00] =	vst.add.f32.msk $0xffff, v4  }
0x1d9: {  	[tilespmem:s30+$0x3C10] =	vst.add.f32.msk $0xffff, v5  }
0x1da: {  	v1 =	vld [tilespmem:s30+$0x1BC40]  }
0x1db: {  	v4 =	vld [tilespmem:s30+$0x1BC50]  }
0x1dc: {  	v5 =	vld [tilespmem:s30+$0x1BC60]  }
0x1dd: {  	v7 =	vld [tilespmem:s30+$0x1C000]  }
0x1de: {  	[tilespmem:s30+$0x3C70] =	vst.add.f32.msk $0xffff, v6  }
0x1df: {  	[tilespmem:s30+$0x3C40] =	vst.add.f32.msk $0xffff, v1  }
0x1e0: {  	[tilespmem:s30+$0x3C50] =	vst.add.f32.msk $0xffff, v4  }
0x1e1: {  	s31 =	sor.u32 $0x4000, s30;
	[tilespmem:s30+$0x3C60] =	vst.add.f32.msk $0xffff, v5  }
0x1e2: {  	[tilespmem:s31+$0x0] =	vst.add.f32.msk $0xffff, v7  }
0x1e3: {  	v1 =	vld [tilespmem:s30+$0x1C010];
	_ =	sdelay $0x3  }
0x1e4: {  	s7 =	sor.u32 $0x4010, s30  }
0x1e5: {  	[tilespmem:s7+$0x0] =	vst.add.f32.msk $0xffff, v1  }
0x1e6: {  	v1 =	vld [tilespmem:s30+$0x1C020];
	_ =	sdelay $0x3  }
0x1e7: {  	s7 =	sor.u32 $0x4020, s30  }
0x1e8: {  	[tilespmem:s7+$0x0] =	vst.add.f32.msk $0xffff, v1  }
0x1e9: {  	v1 =	vld [tilespmem:s30+$0x1C030];
	_ =	sdelay $0x3  }
0x1ea: {  	s7 =	sor.u32 $0x4030, s30  }
0x1eb: {  	[tilespmem:s7+$0x0] =	vst.add.f32.msk $0xffff, v1  }
0x1ec: {  	v1 =	vld [tilespmem:s30+$0x1C040];
	_ =	sdelay $0x3  }
0x1ed: {  	s7 =	sor.u32 $0x4040, s30  }
0x1ee: {  	[tilespmem:s7+$0x0] =	vst.add.f32.msk $0xffff, v1  }
0x1ef: {  	v1 =	vld [tilespmem:s30+$0x1C050];
	_ =	sdelay $0x3  }
0x1f0: {  	s7 =	sor.u32 $0x4050, s30  }
0x1f1: {  	[tilespmem:s7+$0x0] =	vst.add.f32.msk $0xffff, v1  }
0x1f2: {  	v1 =	vld [tilespmem:s30+$0x1C060];
	_ =	sdelay $0x3  }
0x1f3: {  	s7 =	sor.u32 $0x4060, s30  }
0x1f4: {  	[tilespmem:s7+$0x0] =	vst.add.f32.msk $0xffff, v1  }
0x1f5: {  	v1 =	vld [tilespmem:s30+$0x1C070];
	_ =	sdelay $0x3  }
0x1f6: {  	s7 =	sor.u32 $0x4070, s30  }
0x1f7: {  	[tilespmem:s7+$0x0] =	vst.add.f32.msk $0xffff, v1  }
0x1f8: {  	v1 =	vld [tilespmem:s30+$0x1C400];
	_ =	sdelay $0x3  }
0x1f9: {  	s7 =	sor.u32 $0x4400, s30  }
0x1fa: {  	[tilespmem:s7+$0x0] =	vst.add.f32.msk $0xffff, v1  }
0x1fb: {  	v1 =	vld [tilespmem:s30+$0x1C410];
	_ =	sdelay $0x3  }
0x1fc: {  	s7 =	sor.u32 $0x4410, s30  }
0x1fd: {  	[tilespmem:s7+$0x0] =	vst.add.f32.msk $0xffff, v1  }
0x1fe: {  	v1 =	vld [tilespmem:s30+$0x1C420];
	_ =	sdelay $0x3  }
0x1ff: {  	s7 =	sor.u32 $0x4420, s30  }
0x200: {  	[tilespmem:s7+$0x0] =	vst.add.f32.msk $0xffff, v1  }
0x201: {  	v1 =	vld [tilespmem:s30+$0x1C430];
	_ =	sdelay $0x3  }
0x202: {  	s7 =	sor.u32 $0x4430, s30  }
0x203: {  	[tilespmem:s7+$0x0] =	vst.add.f32.msk $0xffff, v1  }
0x204: {  	v1 =	vld [tilespmem:s30+$0x1C440];
	_ =	sdelay $0x3  }
0x205: {  	s7 =	sor.u32 $0x4440, s30  }
0x206: {  	[tilespmem:s7+$0x0] =	vst.add.f32.msk $0xffff, v1  }
0x207: {  	v1 =	vld [tilespmem:s30+$0x1C450];
	_ =	sdelay $0x3  }
0x208: {  	s7 =	sor.u32 $0x4450, s30  }
0x209: {  	[tilespmem:s7+$0x0] =	vst.add.f32.msk $0xffff, v1  }
0x20a: {  	v1 =	vld [tilespmem:s30+$0x1C460];
	_ =	sdelay $0x3  }
0x20b: {  	s7 =	sor.u32 $0x4460, s30  }
0x20c: {  	[tilespmem:s7+$0x0] =	vst.add.f32.msk $0xffff, v1  }
0x20d: {  	v1 =	vld [tilespmem:s30+$0x1C470];
	_ =	sdelay $0x3  }
0x20e: {  	s7 =	sor.u32 $0x4470, s30  }
0x20f: {  	[tilespmem:s7+$0x0] =	vst.add.f32.msk $0xffff, v1  }
0x210: {  	v1 =	vld [tilespmem:s30+$0x1C800];
	_ =	sdelay $0x3  }
0x211: {  	s7 =	sor.u32 $0x4800, s30  }
0x212: {  	[tilespmem:s7+$0x0] =	vst.add.f32.msk $0xffff, v1  }
0x213: {  	v1 =	vld [tilespmem:s30+$0x1C810];
	_ =	sdelay $0x3  }
0x214: {  	s7 =	sor.u32 $0x4810, s30  }
0x215: {  	[tilespmem:s7+$0x0] =	vst.add.f32.msk $0xffff, v1  }
0x216: {  	v1 =	vld [tilespmem:s30+$0x1C820];
	_ =	sdelay $0x3  }
0x217: {  	s7 =	sor.u32 $0x4820, s30  }
0x218: {  	[tilespmem:s7+$0x0] =	vst.add.f32.msk $0xffff, v1  }
0x219: {  	v1 =	vld [tilespmem:s30+$0x1C830];
	_ =	sdelay $0x3  }
0x21a: {  	s7 =	sor.u32 $0x4830, s30  }
0x21b: {  	[tilespmem:s7+$0x0] =	vst.add.f32.msk $0xffff, v1  }
0x21c: {  	v1 =	vld [tilespmem:s30+$0x1C840];
	_ =	sdelay $0x3  }
0x21d: {  	s7 =	sor.u32 $0x4840, s30  }
0x21e: {  	[tilespmem:s7+$0x0] =	vst.add.f32.msk $0xffff, v1  }
0x21f: {  	v1 =	vld [tilespmem:s30+$0x1C850];
	_ =	sdelay $0x3  }
0x220: {  	s7 =	sor.u32 $0x4850, s30  }
0x221: {  	[tilespmem:s7+$0x0] =	vst.add.f32.msk $0xffff, v1  }
0x222: {  	v1 =	vld [tilespmem:s30+$0x1C860];
	_ =	sdelay $0x3  }
0x223: {  	s7 =	sor.u32 $0x4860, s30  }
0x224: {  	[tilespmem:s7+$0x0] =	vst.add.f32.msk $0xffff, v1  }
0x225: {  	v1 =	vld [tilespmem:s30+$0x1C870];
	_ =	sdelay $0x1  }
0x226: {  	s7 =	sand.u32 $0x7, s11  }
0x227: {  	s31 =	sshll.u32 s7, $0x7  }
0x228: {  	s30 =	sor.u32 $0x4870, s30;
	s31 =	sadd.s32 s31, s23  }
0x229: {  	s7 =	sor.u32 $0x1C00, s31;
	[tilespmem:s30+$0x0] =	vst.add.f32.msk $0xffff, v1  }
0x22a: {  	v1 =	vld [tilespmem:s7+$0x1B000];
	_ =	sdelay $0x4  }
0x22b: {  	[tilespmem:s7+$0x3000] =	vst.add.f32.msk $0xffff, v1;
	s7 =	sor.u32 $0x1C10, s31  }
0x22c: {  	v1 =	vld [tilespmem:s7+$0x1B000];
	_ =	sdelay $0x4  }
0x22d: {  	[tilespmem:s7+$0x3000] =	vst.add.f32.msk $0xffff, v1;
	s7 =	sor.u32 $0x1C20, s31  }
0x22e: {  	v1 =	vld [tilespmem:s7+$0x1B000];
	_ =	sdelay $0x4  }
0x22f: {  	[tilespmem:s7+$0x3000] =	vst.add.f32.msk $0xffff, v1;
	s7 =	sor.u32 $0x1C30, s31  }
0x230: {  	v1 =	vld [tilespmem:s7+$0x1B000];
	_ =	sdelay $0x4  }
0x231: {  	[tilespmem:s7+$0x3000] =	vst.add.f32.msk $0xffff, v1;
	s7 =	sor.u32 $0x1C40, s31  }
0x232: {  	v1 =	vld [tilespmem:s7+$0x1B000];
	_ =	sdelay $0x4  }
0x233: {  	[tilespmem:s7+$0x3000] =	vst.add.f32.msk $0xffff, v1;
	s7 =	sor.u32 $0x1C50, s31  }
0x234: {  	v1 =	vld [tilespmem:s7+$0x1B000];
	_ =	sdelay $0x4  }
0x235: {  	[tilespmem:s7+$0x3000] =	vst.add.f32.msk $0xffff, v1;
	s7 =	sor.u32 $0x1C60, s31  }
0x236: {  	v1 =	vld [tilespmem:s7+$0x1B000];
	_ =	sdelay $0x4  }
0x237: {  	s31 =	sor.u32 $0x1C70, s31;
	[tilespmem:s7+$0x3000] =	vst.add.f32.msk $0xffff, v1  }
0x238: {  	p0 =	sne.s32 s29, $0x780;
	v1 =	vld [tilespmem:s31+$0x1B000]  }
.Ltmp4:
0x239: {  	_ = 	snop;
	(pc) =	sbr.rel @p0 .LBB2_7-.Ltmp4, $3  }
0x23a: {  	_ =	sdelay $0x1  }
0x23b: {  	s22 =	sadd.s32 $0x400, s22  }
0x23c: {  	s29 =	sadd.s32 $0x80, s29;
	s11 =	sadd.s32 $0x1, s11;
	s23 =	sadd.s32 $0x400, s23;
	[tilespmem:s31+$0x3000] =	vst.add.f32.msk $0xffff, v1  }
0x23d: {  	s29 =	sor.u32 $0x10, s28  }
0x23e: {  	s11 =	sand.u32 $0x70, s29  }
0x23f: {  	s30 =	sadd.s32 s11, s1  }
0x240: {  	v1 =	vld [tilespmem:s30+$0x200];
	_ =	sdelay $0x4  }
0x241: {  	v4 =	vshll.u32 v1, $0x3  }
0x242: {  	v1 =	vand.u32 $0x7, v1;
	v4 =	vand.u32 $0xFFFFFFC0, v4  }
0x243: {  	v1 =	vor.u32 v1, v4  }
0x244: {  	v4 =	vperm.xlane v1, v8;
	_ =	sdelay $0x1  }
0x245: {  	v4 =	vadd.s32 v2, v4;
	_ =	sdelay $0x3  }
0x246: {  	s7 =	simm.s32 $0x1B000;
	s1 =	simm.s32 $0x0  }
0x247: {  	[tilespmem:s7], [sflag:$0x9] =	stream.indirect_vreg.gather [hbm4b:s5+s1], $0x80, v4, vm0, $0xb8;
	[tilespmem:$0x1F000] =	vst v63  }
0x248: {  	s11 =	simm.s32 $0x1B800;
	v1 =	vperm.xlane v1, v3  }
0x249: {  	[tilespmem:s11], [sflag:$0x9] =	stream.indirect_vreg.gather [hbm4b:s16+s1], $0x80, v4, vm0, $0xb8;
	[tilespmem:$0x1F000] =	vst v63  }
0x24a: {  	s22 =	simm.s32 $0x1C000;
	v1 =	vadd.s32 v2, v1  }
0x24b: {  	[tilespmem:s22], [sflag:$0x9] =	stream.indirect_vreg.gather [hbm4b:s17+s1], $0x80, v4, vm0, $0xb8;
	[tilespmem:$0x1F000] =	vst v63  }
0x24c: {  	s23 =	simm.s32 $0x1C800  }
0x24d: {  	[tilespmem:s23], [sflag:$0x9] =	stream.indirect_vreg.gather [hbm4b:s18+s1], $0x80, v4, vm0, $0xb8;
	[tilespmem:$0x1F000] =	vst v63  }
0x24e: {  	s31 =	simm.s32 $0x1D000  }
0x24f: {  	[tilespmem:s31], [sflag:$0x9] =	stream.indirect_vreg.gather [hbm4b:s5+s1], $0x80, v1, vm0, $0xb8;
	[tilespmem:$0x1F000] =	vst v63  }
0x250: {  	s11 =	simm.s32 $0x1D800  }
0x251: {  	[tilespmem:s11], [sflag:$0x9] =	stream.indirect_vreg.gather [hbm4b:s16+s1], $0x80, v1, vm0, $0xb8;
	[tilespmem:$0x1F000] =	vst v63  }
0x252: {  	s22 =	simm.s32 $0x1E000  }
0x253: {  	[tilespmem:s22], [sflag:$0x9] =	stream.indirect_vreg.gather [hbm4b:s17+s1], $0x80, v1, vm0, $0xb8;
	[tilespmem:$0x1F000] =	vst v63  }
0x254: {  	s23 =	simm.s32 $0x1E800;
	s31 =	simm.s32 $0xA  }
0x255: {  	[tilespmem:s23], [sflag:$0x9] =	stream.indirect_vreg.gather [hbm4b:s18+s1], $0x80, v1, vm0, $0xb8;
	[tilespmem:$0x1F000] =	vst v63  }
0x256: {  	_ =	swait.ge [sflag:s31], $0x4000  }
0x257: {  	s11 =	simm.s32 $0xFFFFC000;
	[sflag:s31] =	ssyncset.done $0x0  }
0x258: {  	s22 =	simm.s32 $0x0;
	s23 =	simm.s32 $0x0;
	[sflag:s31] =	ssyncadd.s32 $0xFFFFC000  }
.LBB2_9:
0x259: {  	s31 =	sadd.s32 $0x4000, s11  }
0x25a: {  	s7 =	sand.u32 $0x380, s23;
	s31 =	sand.u32 $0x2000, s31  }
0x25b: {  	s31 =	sor.u32 s7, s31  }
0x25c: {  	v1 =	vld [tilespmem:s31+$0x13000]  }
0x25d: {  	v4 =	vld [tilespmem:s31+$0x13010]  }
0x25e: {  	v5 =	vld [tilespmem:s31+$0x13020]  }
0x25f: {  	v6 =	vld [tilespmem:s31+$0x13060]  }
0x260: {  	v7 =	vld [tilespmem:s31+$0x13070]  }
0x261: {  	v54 =	vld [tilespmem:s31+$0x13430]  }
0x262: {  	v55 =	vld [tilespmem:s31+$0x13440]  }
0x263: {  	v56 =	vld [tilespmem:s31+$0x13800]  }
0x264: {  	v57 =	vld [tilespmem:s31+$0x13810]  }
0x265: {  	v58 =	vld [tilespmem:s31+$0x13850]  }
0x266: {  	v59 =	vld [tilespmem:s31+$0x13860]  }
0x267: {  	v60 =	vld [tilespmem:s31+$0x13C20]  }
0x268: {  	v61 =	vld [tilespmem:s31+$0x13C30]  }
0x269: {  	v62 =	vld [tilespmem:s31+$0x13C70]  }
0x26a: {  	[tilespmem:s31+$0x3000] =	vst.add.f32.msk $0xffff, v1  }
0x26b: {  	[tilespmem:s31+$0x3010] =	vst.add.f32.msk $0xffff, v4  }
0x26c: {  	[tilespmem:s31+$0x3020] =	vst.add.f32.msk $0xffff, v5  }
0x26d: {  	v1 =	vld [tilespmem:s31+$0x13030]  }
0x26e: {  	v4 =	vld [tilespmem:s31+$0x13040]  }
0x26f: {  	v5 =	vld [tilespmem:s31+$0x13050]  }
0x270: {  	v63 =	vld [tilespmem:s31+$0x14000]  }
0x271: {  	[tilespmem:s31+$0x3060] =	vst.add.f32.msk $0xffff, v6  }
0x272: {  	[tilespmem:s31+$0x3030] =	vst.add.f32.msk $0xffff, v1  }
0x273: {  	[tilespmem:s31+$0x3040] =	vst.add.f32.msk $0xffff, v4  }
0x274: {  	[tilespmem:s31+$0x3050] =	vst.add.f32.msk $0xffff, v5  }
0x275: {  	v1 =	vld [tilespmem:s31+$0x13400]  }
0x276: {  	v4 =	vld [tilespmem:s31+$0x13410]  }
0x277: {  	v5 =	vld [tilespmem:s31+$0x13420]  }
0x278: {  	[tilespmem:s31+$0x3070] =	vst.add.f32.msk $0xffff, v7  }
0x279: {  	[tilespmem:s31+$0x3430] =	vst.add.f32.msk $0xffff, v54  }
0x27a: {  	[tilespmem:s31+$0x3400] =	vst.add.f32.msk $0xffff, v1  }
0x27b: {  	[tilespmem:s31+$0x3410] =	vst.add.f32.msk $0xffff, v4  }
0x27c: {  	[tilespmem:s31+$0x3420] =	vst.add.f32.msk $0xffff, v5  }
0x27d: {  	v1 =	vld [tilespmem:s31+$0x13450]  }
0x27e: {  	v4 =	vld [tilespmem:s31+$0x13460]  }
0x27f: {  	v5 =	vld [tilespmem:s31+$0x13470]  }
0x280: {  	[tilespmem:s31+$0x3440] =	vst.add.f32.msk $0xffff, v55  }
0x281: {  	[tilespmem:s31+$0x3800] =	vst.add.f32.msk $0xffff, v56  }
0x282: {  	[tilespmem:s31+$0x3450] =	vst.add.f32.msk $0xffff, v1  }
0x283: {  	[tilespmem:s31+$0x3460] =	vst.add.f32.msk $0xffff, v4  }
0x284: {  	[tilespmem:s31+$0x3470] =	vst.add.f32.msk $0xffff, v5  }
0x285: {  	v1 =	vld [tilespmem:s31+$0x13820]  }
0x286: {  	v4 =	vld [tilespmem:s31+$0x13830]  }
0x287: {  	v5 =	vld [tilespmem:s31+$0x13840]  }
0x288: {  	[tilespmem:s31+$0x3810] =	vst.add.f32.msk $0xffff, v57  }
0x289: {  	[tilespmem:s31+$0x3850] =	vst.add.f32.msk $0xffff, v58  }
0x28a: {  	[tilespmem:s31+$0x3820] =	vst.add.f32.msk $0xffff, v1  }
0x28b: {  	[tilespmem:s31+$0x3830] =	vst.add.f32.msk $0xffff, v4  }
0x28c: {  	[tilespmem:s31+$0x3840] =	vst.add.f32.msk $0xffff, v5  }
0x28d: {  	v1 =	vld [tilespmem:s31+$0x13870]  }
0x28e: {  	v4 =	vld [tilespmem:s31+$0x13C00]  }
0x28f: {  	v5 =	vld [tilespmem:s31+$0x13C10]  }
0x290: {  	[tilespmem:s31+$0x3860] =	vst.add.f32.msk $0xffff, v59  }
0x291: {  	[tilespmem:s31+$0x3C20] =	vst.add.f32.msk $0xffff, v60  }
0x292: {  	[tilespmem:s31+$0x3870] =	vst.add.f32.msk $0xffff, v1  }
0x293: {  	[tilespmem:s31+$0x3C00] =	vst.add.f32.msk $0xffff, v4  }
0x294: {  	[tilespmem:s31+$0x3C10] =	vst.add.f32.msk $0xffff, v5  }
0x295: {  	v1 =	vld [tilespmem:s31+$0x13C40]  }
0x296: {  	v4 =	vld [tilespmem:s31+$0x13C50]  }
0x297: {  	v5 =	vld [tilespmem:s31+$0x13C60]  }
0x298: {  	[tilespmem:s31+$0x3C30] =	vst.add.f32.msk $0xffff, v61  }
0x299: {  	[tilespmem:s31+$0x3C70] =	vst.add.f32.msk $0xffff, v62  }
0x29a: {  	[tilespmem:s31+$0x3C40] =	vst.add.f32.msk $0xffff, v1  }
0x29b: {  	[tilespmem:s31+$0x3C50] =	vst.add.f32.msk $0xffff, v4  }
0x29c: {  	s7 =	sor.u32 $0x4000, s31;
	[tilespmem:s31+$0x3C60] =	vst.add.f32.msk $0xffff, v5  }
0x29d: {  	[tilespmem:s7+$0x0] =	vst.add.f32.msk $0xffff, v63  }
0x29e: {  	v1 =	vld [tilespmem:s31+$0x14010];
	_ =	sdelay $0x3  }
0x29f: {  	s7 =	sor.u32 $0x4010, s31  }
0x2a0: {  	[tilespmem:s7+$0x0] =	vst.add.f32.msk $0xffff, v1  }
0x2a1: {  	v1 =	vld [tilespmem:s31+$0x14020];
	_ =	sdelay $0x3  }
0x2a2: {  	s7 =	sor.u32 $0x4020, s31  }
0x2a3: {  	[tilespmem:s7+$0x0] =	vst.add.f32.msk $0xffff, v1  }
0x2a4: {  	v1 =	vld [tilespmem:s31+$0x14030];
	_ =	sdelay $0x3  }
0x2a5: {  	s7 =	sor.u32 $0x4030, s31  }
0x2a6: {  	[tilespmem:s7+$0x0] =	vst.add.f32.msk $0xffff, v1  }
0x2a7: {  	v1 =	vld [tilespmem:s31+$0x14040];
	_ =	sdelay $0x3  }
0x2a8: {  	s7 =	sor.u32 $0x4040, s31  }
0x2a9: {  	[tilespmem:s7+$0x0] =	vst.add.f32.msk $0xffff, v1  }
0x2aa: {  	v1 =	vld [tilespmem:s31+$0x14050];
	_ =	sdelay $0x3  }
0x2ab: {  	s7 =	sor.u32 $0x4050, s31  }
0x2ac: {  	[tilespmem:s7+$0x0] =	vst.add.f32.msk $0xffff, v1  }
0x2ad: {  	v1 =	vld [tilespmem:s31+$0x14060];
	_ =	sdelay $0x3  }
0x2ae: {  	s7 =	sor.u32 $0x4060, s31  }
0x2af: {  	[tilespmem:s7+$0x0] =	vst.add.f32.msk $0xffff, v1  }
0x2b0: {  	v1 =	vld [tilespmem:s31+$0x14070];
	_ =	sdelay $0x3  }
0x2b1: {  	s7 =	sor.u32 $0x4070, s31  }
0x2b2: {  	[tilespmem:s7+$0x0] =	vst.add.f32.msk $0xffff, v1  }
0x2b3: {  	v1 =	vld [tilespmem:s31+$0x14400];
	_ =	sdelay $0x3  }
0x2b4: {  	s7 =	sor.u32 $0x4400, s31  }
0x2b5: {  	[tilespmem:s7+$0x0] =	vst.add.f32.msk $0xffff, v1  }
0x2b6: {  	v1 =	vld [tilespmem:s31+$0x14410];
	_ =	sdelay $0x3  }
0x2b7: {  	s7 =	sor.u32 $0x4410, s31  }
0x2b8: {  	[tilespmem:s7+$0x0] =	vst.add.f32.msk $0xffff, v1  }
0x2b9: {  	v1 =	vld [tilespmem:s31+$0x14420];
	_ =	sdelay $0x3  }
0x2ba: {  	s7 =	sor.u32 $0x4420, s31  }
0x2bb: {  	[tilespmem:s7+$0x0] =	vst.add.f32.msk $0xffff, v1  }
0x2bc: {  	v1 =	vld [tilespmem:s31+$0x14430];
	_ =	sdelay $0x3  }
0x2bd: {  	s7 =	sor.u32 $0x4430, s31  }
0x2be: {  	[tilespmem:s7+$0x0] =	vst.add.f32.msk $0xffff, v1  }
0x2bf: {  	v1 =	vld [tilespmem:s31+$0x14440];
	_ =	sdelay $0x3  }
0x2c0: {  	s7 =	sor.u32 $0x4440, s31  }
0x2c1: {  	[tilespmem:s7+$0x0] =	vst.add.f32.msk $0xffff, v1  }
0x2c2: {  	v1 =	vld [tilespmem:s31+$0x14450];
	_ =	sdelay $0x3  }
0x2c3: {  	s7 =	sor.u32 $0x4450, s31  }
0x2c4: {  	[tilespmem:s7+$0x0] =	vst.add.f32.msk $0xffff, v1  }
0x2c5: {  	v1 =	vld [tilespmem:s31+$0x14460];
	_ =	sdelay $0x3  }
0x2c6: {  	s7 =	sor.u32 $0x4460, s31  }
0x2c7: {  	[tilespmem:s7+$0x0] =	vst.add.f32.msk $0xffff, v1  }
0x2c8: {  	v1 =	vld [tilespmem:s31+$0x14470];
	_ =	sdelay $0x3  }
0x2c9: {  	s7 =	sor.u32 $0x4470, s31  }
0x2ca: {  	[tilespmem:s7+$0x0] =	vst.add.f32.msk $0xffff, v1  }
0x2cb: {  	v1 =	vld [tilespmem:s31+$0x14800];
	_ =	sdelay $0x3  }
0x2cc: {  	s7 =	sor.u32 $0x4800, s31  }
0x2cd: {  	[tilespmem:s7+$0x0] =	vst.add.f32.msk $0xffff, v1  }
0x2ce: {  	v1 =	vld [tilespmem:s31+$0x14810];
	_ =	sdelay $0x3  }
0x2cf: {  	s7 =	sor.u32 $0x4810, s31  }
0x2d0: {  	[tilespmem:s7+$0x0] =	vst.add.f32.msk $0xffff, v1  }
0x2d1: {  	v1 =	vld [tilespmem:s31+$0x14820];
	_ =	sdelay $0x3  }
0x2d2: {  	s7 =	sor.u32 $0x4820, s31  }
0x2d3: {  	[tilespmem:s7+$0x0] =	vst.add.f32.msk $0xffff, v1  }
0x2d4: {  	v1 =	vld [tilespmem:s31+$0x14830];
	_ =	sdelay $0x3  }
0x2d5: {  	s7 =	sor.u32 $0x4830, s31  }
0x2d6: {  	[tilespmem:s7+$0x0] =	vst.add.f32.msk $0xffff, v1  }
0x2d7: {  	v1 =	vld [tilespmem:s31+$0x14840];
	_ =	sdelay $0x3  }
0x2d8: {  	s7 =	sor.u32 $0x4840, s31  }
0x2d9: {  	[tilespmem:s7+$0x0] =	vst.add.f32.msk $0xffff, v1  }
0x2da: {  	v1 =	vld [tilespmem:s31+$0x14850];
	_ =	sdelay $0x3  }
0x2db: {  	s7 =	sor.u32 $0x4850, s31  }
0x2dc: {  	[tilespmem:s7+$0x0] =	vst.add.f32.msk $0xffff, v1  }
0x2dd: {  	v1 =	vld [tilespmem:s31+$0x14860];
	_ =	sdelay $0x3  }
0x2de: {  	s7 =	sor.u32 $0x4860, s31  }
0x2df: {  	[tilespmem:s7+$0x0] =	vst.add.f32.msk $0xffff, v1  }
0x2e0: {  	v1 =	vld [tilespmem:s31+$0x14870];
	_ =	sdelay $0x1  }
0x2e1: {  	s7 =	sand.u32 $0x7, s1  }
0x2e2: {  	s7 =	sshll.u32 s7, $0x7  }
0x2e3: {  	s31 =	sor.u32 $0x4870, s31;
	s7 =	sadd.s32 s7, s22  }
0x2e4: {  	[tilespmem:s31+$0x0] =	vst.add.f32.msk $0xffff, v1;
	s31 =	sor.u32 $0x1C00, s7  }
0x2e5: {  	v1 =	vld [tilespmem:s31+$0x13000];
	_ =	sdelay $0x4  }
0x2e6: {  	[tilespmem:s31+$0x3000] =	vst.add.f32.msk $0xffff, v1;
	s31 =	sor.u32 $0x1C10, s7  }
0x2e7: {  	v1 =	vld [tilespmem:s31+$0x13000];
	_ =	sdelay $0x4  }
0x2e8: {  	[tilespmem:s31+$0x3000] =	vst.add.f32.msk $0xffff, v1;
	s31 =	sor.u32 $0x1C20, s7  }
0x2e9: {  	v1 =	vld [tilespmem:s31+$0x13000];
	_ =	sdelay $0x4  }
0x2ea: {  	[tilespmem:s31+$0x3000] =	vst.add.f32.msk $0xffff, v1;
	s31 =	sor.u32 $0x1C30, s7  }
0x2eb: {  	v1 =	vld [tilespmem:s31+$0x13000];
	_ =	sdelay $0x4  }
0x2ec: {  	[tilespmem:s31+$0x3000] =	vst.add.f32.msk $0xffff, v1;
	s31 =	sor.u32 $0x1C40, s7  }
0x2ed: {  	v1 =	vld [tilespmem:s31+$0x13000];
	_ =	sdelay $0x4  }
0x2ee: {  	[tilespmem:s31+$0x3000] =	vst.add.f32.msk $0xffff, v1;
	s31 =	sor.u32 $0x1C50, s7  }
0x2ef: {  	v1 =	vld [tilespmem:s31+$0x13000];
	_ =	sdelay $0x4  }
0x2f0: {  	[tilespmem:s31+$0x3000] =	vst.add.f32.msk $0xffff, v1;
	s31 =	sor.u32 $0x1C60, s7  }
0x2f1: {  	v1 =	vld [tilespmem:s31+$0x13000];
	_ =	sdelay $0x4  }
0x2f2: {  	s7 =	sor.u32 $0x1C70, s7;
	[tilespmem:s31+$0x3000] =	vst.add.f32.msk $0xffff, v1  }
0x2f3: {  	p0 =	sne.s32 s23, $0x780;
	v1 =	vld [tilespmem:s7+$0x13000]  }
.Ltmp5:
0x2f4: {  	_ = 	snop;
	(pc) =	sbr.rel @p0 .LBB2_9-.Ltmp5, $3  }
0x2f5: {  	_ =	sdelay $0x1  }
0x2f6: {  	s11 =	sadd.s32 $0x400, s11  }
0x2f7: {  	s23 =	sadd.s32 $0x80, s23;
	s1 =	sadd.s32 $0x1, s1;
	s22 =	sadd.s32 $0x400, s22;
	[tilespmem:s7+$0x3000] =	vst.add.f32.msk $0xffff, v1  }
0x2f8: {  	s1 =	sadd.s32 s10, s28  }
0x2f9: {  	s7 =	rddreg [dreg:$0x7];
	s1 =	sshll.u32 s1, $0x7  }
0x2fa: {  	p0 =	seq.s32 s26, $0x1F;
	s23 =	simm.s32 $0x3000;
	s1 =	sadd.s32 s7, s1  }
0x2fb: {  	[hbm4b:s1+s9] =	stream.linear.scatter [tilespmem:s23], [sflag:$0xC], $0x4000, $0x38;
	[tilespmem:$0x1F000] =	vst v63  }
0x2fc: {  	s1 =	sadd.s32 @!p0 $0x20, s28  }
0x2fd: {  	s7 =	sshll.u32 @!p0 s1, $0x3  }
0x2fe: {  	s1 =	sand.u32 @!p0 $0x60, s1;
	s7 =	sand.u32 @!p0 $0x3C00, s7  }
0x2ff: {  	s1 =	sor.u32 @!p0 s1, s7  }
0x300: {  	v1 =	vld @!p0 [tilespmem:s1+$0x1000];
	_ =	sdelay $0x4  }
0x301: {  	v4 =	vshll.u32 @!p0 v1, $0x2  }
0x302: {  	v5 =	vlaneseq.u32 @!p0;
	v1 =	vand.u32 @!p0 $0x7, v1;
	v4 =	vand.u32 @!p0 $0xFFFFFFE0, v4  }
0x303: {  	v6 =	vshrl.u32 @!p0 v5, $0x3;
	v1 =	vor.u32 @!p0 v1, v4;
	v4 =	vand.u32 @!p0 $0x7, v5  }
0x304: {  	v6 =	vmul.u32 @!p0 $0x8, v6;
	v7 =	vperm.xlane @!p0 v1, v4;
	_ =	sdelay $0x1  }
0x305: {  	v7 =	vadd.s32 @!p0 v6, v7  }
0x306: {  	v5 =	vor.u32 @!p0 $0x8, v5  }
0x307: {  	v1 =	vperm.xlane @!p0 v1, v5;
	_ =	sdelay $0x1  }
0x308: {  	vm1 =	vmmov @!p0 $0xffff;
	s11 =	simm.s32 @!p0 $0xB000;
	s7 =	simm.s32 @!p0 $0x0;
	v1 =	vadd.s32 @!p0 v6, v1  }
0x309: {  	[tilespmem:s11], [sflag:$0x1] =	stream.indirect_vreg.gather @!p0 [hbm4b:s0+s7], $0x80, v7, vm1, $0xb8;
	[tilespmem:$0x1F000] =	vst v63  }
0x30a: {  	s11 =	simm.s32 @!p0 $0xB800  }
0x30b: {  	[tilespmem:s11], [sflag:$0x1] =	stream.indirect_vreg.gather @!p0 [hbm4b:s12+s7], $0x80, v7, vm1, $0xb8;
	[tilespmem:$0x1F000] =	vst v63  }
0x30c: {  	s11 =	simm.s32 @!p0 $0xD000  }
0x30d: {  	[tilespmem:s11], [sflag:$0x1] =	stream.indirect_vreg.gather @!p0 [hbm4b:s0+s7], $0x80, v1, vm1, $0xb8;
	[tilespmem:$0x1F000] =	vst v63  }
0x30e: {  	s11 =	simm.s32 @!p0 $0xD800  }
0x30f: {  	[tilespmem:s11], [sflag:$0x1] =	stream.indirect_vreg.gather @!p0 [hbm4b:s12+s7], $0x80, v1, vm1, $0xb8;
	[tilespmem:$0x1F000] =	vst v63  }
0x310: {  	v1 =	vld @!p0 [tilespmem:s1+$0x1100];
	_ =	sdelay $0x4  }
0x311: {  	v7 =	vshll.u32 @!p0 v1, $0x2  }
0x312: {  	v1 =	vand.u32 @!p0 $0x7, v1;
	v7 =	vand.u32 @!p0 $0xFFFFFFE0, v7  }
0x313: {  	v1 =	vor.u32 @!p0 v1, v7  }
0x314: {  	v7 =	vperm.xlane @!p0 v1, v4;
	_ =	sdelay $0x1  }
0x315: {  	v7 =	vadd.s32 @!p0 v6, v7;
	_ =	sdelay $0x1  }
0x316: {  	v1 =	vperm.xlane @!p0 v1, v5;
	_ =	sdelay $0x1  }
0x317: {  	s11 =	simm.s32 @!p0 $0xC000;
	v1 =	vadd.s32 @!p0 v6, v1  }
0x318: {  	[tilespmem:s11], [sflag:$0x2] =	stream.indirect_vreg.gather @!p0 [hbm4b:s2+s7], $0x80, v7, vm1, $0xb8;
	[tilespmem:$0x1F000] =	vst v63  }
0x319: {  	s11 =	simm.s32 @!p0 $0xC800  }
0x31a: {  	[tilespmem:s11], [sflag:$0x2] =	stream.indirect_vreg.gather @!p0 [hbm4b:s13+s7], $0x80, v7, vm1, $0xb8;
	[tilespmem:$0x1F000] =	vst v63  }
0x31b: {  	s11 =	simm.s32 @!p0 $0xE000  }
0x31c: {  	[tilespmem:s11], [sflag:$0x2] =	stream.indirect_vreg.gather @!p0 [hbm4b:s2+s7], $0x80, v1, vm1, $0xb8;
	[tilespmem:$0x1F000] =	vst v63  }
0x31d: {  	s11 =	simm.s32 @!p0 $0xE800  }
0x31e: {  	[tilespmem:s11], [sflag:$0x2] =	stream.indirect_vreg.gather @!p0 [hbm4b:s13+s7], $0x80, v1, vm1, $0xb8;
	[tilespmem:$0x1F000] =	vst v63  }
0x31f: {  	v1 =	vld @!p0 [tilespmem:s1+$0x1080];
	_ =	sdelay $0x4  }
0x320: {  	v7 =	vshll.u32 @!p0 v1, $0x2  }
0x321: {  	v1 =	vand.u32 @!p0 $0x7, v1;
	v7 =	vand.u32 @!p0 $0xFFFFFFE0, v7  }
0x322: {  	v1 =	vor.u32 @!p0 v1, v7  }
0x323: {  	v7 =	vperm.xlane @!p0 v1, v4;
	_ =	sdelay $0x1  }
0x324: {  	v7 =	vadd.s32 @!p0 v6, v7;
	_ =	sdelay $0x1  }
0x325: {  	v1 =	vperm.xlane @!p0 v1, v5;
	_ =	sdelay $0x1  }
0x326: {  	s11 =	simm.s32 @!p0 $0x13000;
	v1 =	vadd.s32 @!p0 v6, v1  }
0x327: {  	[tilespmem:s11], [sflag:$0x3] =	stream.indirect_vreg.gather @!p0 [hbm4b:s3+s7], $0x80, v7, vm1, $0xb8;
	[tilespmem:$0x1F000] =	vst v63  }
0x328: {  	s11 =	simm.s32 @!p0 $0x13800  }
0x329: {  	[tilespmem:s11], [sflag:$0x3] =	stream.indirect_vreg.gather @!p0 [hbm4b:s14+s7], $0x80, v7, vm1, $0xb8;
	[tilespmem:$0x1F000] =	vst v63  }
0x32a: {  	s11 =	simm.s32 @!p0 $0x15000  }
0x32b: {  	[tilespmem:s11], [sflag:$0x3] =	stream.indirect_vreg.gather @!p0 [hbm4b:s3+s7], $0x80, v1, vm1, $0xb8;
	[tilespmem:$0x1F000] =	vst v63  }
0x32c: {  	s11 =	simm.s32 @!p0 $0x15800  }
0x32d: {  	[tilespmem:s11], [sflag:$0x3] =	stream.indirect_vreg.gather @!p0 [hbm4b:s14+s7], $0x80, v1, vm1, $0xb8;
	[tilespmem:$0x1F000] =	vst v63  }
0x32e: {  	v1 =	vld @!p0 [tilespmem:s1+$0x1180];
	_ =	sdelay $0x4  }
0x32f: {  	v7 =	vshll.u32 @!p0 v1, $0x2  }
0x330: {  	v1 =	vand.u32 @!p0 $0x7, v1;
	v7 =	vand.u32 @!p0 $0xFFFFFFE0, v7  }
0x331: {  	v1 =	vor.u32 @!p0 v1, v7  }
0x332: {  	v4 =	vperm.xlane @!p0 v1, v4;
	_ =	sdelay $0x1  }
0x333: {  	v4 =	vadd.s32 @!p0 v6, v4;
	_ =	sdelay $0x1  }
0x334: {  	v1 =	vperm.xlane @!p0 v1, v5;
	_ =	sdelay $0x1  }
0x335: {  	s1 =	simm.s32 @!p0 $0x14000;
	v1 =	vadd.s32 @!p0 v6, v1  }
0x336: {  	[tilespmem:s1], [sflag:$0x4] =	stream.indirect_vreg.gather @!p0 [hbm4b:s4+s7], $0x80, v4, vm1, $0xb8;
	[tilespmem:$0x1F000] =	vst v63  }
0x337: {  	s1 =	simm.s32 @!p0 $0x14800  }
0x338: {  	[tilespmem:s1], [sflag:$0x4] =	stream.indirect_vreg.gather @!p0 [hbm4b:s15+s7], $0x80, v4, vm1, $0xb8;
	[tilespmem:$0x1F000] =	vst v63  }
0x339: {  	p1 =	seq.s32 @!p0 s26, $0x0;
	s1 =	simm.s32 @!p0 $0x16000  }
0x33a: {  	[tilespmem:s1], [sflag:$0x4] =	stream.indirect_vreg.gather @!p0 [hbm4b:s4+s7], $0x80, v1, vm1, $0xb8;
	[tilespmem:$0x1F000] =	vst v63  }
0x33b: {  	p1 =	por p0, !p1;
	s1 =	simm.s32 @!p0 $0x16800  }
0x33c: {  	[tilespmem:s1], [sflag:$0x4] =	stream.indirect_vreg.gather @!p0 [hbm4b:s15+s7], $0x80, v1, vm1, $0xb8;
	[tilespmem:$0x1F000] =	vst v63  }
0x33d: {  	s1 =	simm.s32 @p1 $0xD  }
0x33e: {  	_ =	swait.ge @p1 [sflag:s1], $0x4000  }
0x33f: {  	[sflag:s1] =	ssyncset.done @p1 $0x0  }
0x340: {  	s7 =	simm.s32 $0x5;
	[sflag:s1] =	ssyncadd.s32 @p1 $0xFFFFC000  }
0x341: {  	_ =	swait.ge [sflag:s7], $0x2000  }
0x342: {  	[sflag:s7] =	ssyncset.done $0x0  }
0x343: {  	s11 =	simm.s32 $0x6;
	[sflag:s7] =	ssyncadd.s32 $0xFFFFE000  }
0x344: {  	_ =	swait.ge [sflag:s11], $0x2000  }
0x345: {  	[sflag:s11] =	ssyncset.done $0x0  }
0x346: {  	s22 =	simm.s32 $0x7;
	[sflag:s11] =	ssyncadd.s32 $0xFFFFE000  }
0x347: {  	_ =	swait.ge [sflag:s22], $0x2000  }
0x348: {  	[sflag:s22] =	ssyncset.done $0x0  }
0x349: {  	s23 =	simm.s32 $0x8;
	[sflag:s22] =	ssyncadd.s32 $0xFFFFE000  }
0x34a: {  	_ =	swait.ge [sflag:s23], $0x2000  }
0x34b: {  	s31 =	simm.s32 $0x0;
	s1 =	simm.s32 $0xFFFFC000;
	[sflag:s23] =	ssyncset.done $0x0  }
0x34c: {  	s11 =	simm.s32 $0x0;
	s22 =	simm.s32 $0x0;
	[sflag:s23] =	ssyncadd.s32 $0xFFFFE000  }
.LBB2_11:
0x34d: {  	s7 =	sadd.s32 $0x4000, s1  }
0x34e: {  	s23 =	sand.u32 $0x380, s22;
	s7 =	sand.u32 $0x2000, s7  }
0x34f: {  	s23 =	sor.u32 s23, s7  }
0x350: {  	v1 =	vld [tilespmem:s23+$0xF000]  }
0x351: {  	v4 =	vld [tilespmem:s23+$0x17000]  }
0x352: {  	v5 =	vld [tilespmem:s23+$0xF010]  }
0x353: {  	v6 =	vld [tilespmem:s23+$0x17010]  }
0x354: {  	v7 =	vld [tilespmem:s23+$0xF020]  }
0x355: {  	v8 =	vld [tilespmem:s23+$0x17020]  }
0x356: {  	v9 =	vld [tilespmem:s23+$0xF030]  }
0x357: {  	v10 =	vld [tilespmem:s23+$0x17030]  }
0x358: {  	v11 =	vld [tilespmem:s23+$0xF040]  }
0x359: {  	v12 =	vld [tilespmem:s23+$0x17040]  }
0x35a: {  	v13 =	vld [tilespmem:s23+$0xF050]  }
0x35b: {  	v14 =	vld [tilespmem:s23+$0x17050]  }
0x35c: {  	v15 =	vld [tilespmem:s23+$0xF060]  }
0x35d: {  	v16 =	vld [tilespmem:s23+$0x17060]  }
0x35e: {  	v17 =	vld [tilespmem:s23+$0xF070]  }
0x35f: {  	v18 =	vld [tilespmem:s23+$0x17070]  }
0x360: {  	v19 =	vld [tilespmem:s23+$0xF400]  }
0x361: {  	v20 =	vld [tilespmem:s23+$0x17400]  }
0x362: {  	v21 =	vld [tilespmem:s23+$0xF410]  }
0x363: {  	v22 =	vld [tilespmem:s23+$0x17410]  }
0x364: {  	v23 =	vld [tilespmem:s23+$0xF420]  }
0x365: {  	v24 =	vld [tilespmem:s23+$0x17420]  }
0x366: {  	v25 =	vld [tilespmem:s23+$0xF430]  }
0x367: {  	v26 =	vld [tilespmem:s23+$0x17430]  }
0x368: {  	v27 =	vld [tilespmem:s23+$0xF440]  }
0x369: {  	v28 =	vld [tilespmem:s23+$0x17440]  }
0x36a: {  	v29 =	vld [tilespmem:s23+$0xF450]  }
0x36b: {  	v30 =	vld [tilespmem:s23+$0x17450]  }
0x36c: {  	v31 =	vld [tilespmem:s23+$0xF460]  }
0x36d: {  	v32 =	vld [tilespmem:s23+$0x17460]  }
0x36e: {  	v33 =	vld [tilespmem:s23+$0xF470]  }
0x36f: {  	v34 =	vld [tilespmem:s23+$0x17470]  }
0x370: {  	v35 =	vld [tilespmem:s23+$0xF800]  }
0x371: {  	v36 =	vld [tilespmem:s23+$0x17800]  }
0x372: {  	v37 =	vld [tilespmem:s23+$0xF810]  }
0x373: {  	v38 =	vld [tilespmem:s23+$0x17810]  }
0x374: {  	v39 =	vld [tilespmem:s23+$0xF820]  }
0x375: {  	v40 =	vld [tilespmem:s23+$0x17820]  }
0x376: {  	v41 =	vld [tilespmem:s23+$0xF830]  }
0x377: {  	v42 =	vld [tilespmem:s23+$0x17830]  }
0x378: {  	v43 =	vld [tilespmem:s23+$0xF840]  }
0x379: {  	v44 =	vld [tilespmem:s23+$0x17840]  }
0x37a: {  	v45 =	vld [tilespmem:s23+$0xF850]  }
0x37b: {  	v46 =	vld [tilespmem:s23+$0x17850]  }
0x37c: {  	v47 =	vld [tilespmem:s23+$0xF860]  }
0x37d: {  	v48 =	vld [tilespmem:s23+$0x17860]  }
0x37e: {  	v49 =	vld [tilespmem:s23+$0xF870]  }
0x37f: {  	v50 =	vld [tilespmem:s23+$0x17870]  }
0x380: {  	v51 =	vld [tilespmem:s23+$0xFC00]  }
0x381: {  	v52 =	vld [tilespmem:s23+$0x17C00]  }
0x382: {  	v53 =	vld [tilespmem:s23+$0xFC10]  }
0x383: {  	v54 =	vld [tilespmem:s23+$0x17C10]  }
0x384: {  	v55 =	vld [tilespmem:s23+$0xFC20]  }
0x385: {  	v56 =	vld [tilespmem:s23+$0x17C20]  }
0x386: {  	v57 =	vld [tilespmem:s23+$0xFC30]  }
0x387: {  	v58 =	vld [tilespmem:s23+$0x17C30]  }
0x388: {  	v59 =	vld [tilespmem:s23+$0xFC40]  }
0x389: {  	v60 =	vld [tilespmem:s23+$0x17C40]  }
0x38a: {  	v61 =	vld [tilespmem:s23+$0xFC50]  }
0x38b: {  	v62 =	vld [tilespmem:s23+$0x17C50]  }
0x38c: {  	v63 =	vld [tilespmem:s23+$0xFC60]  }
0x38d: {  	v1 =	vadd.f32 v4, v1;
	v4 =	vld [tilespmem:s23+$0x17C60]  }
0x38e: {  	v5 =	vadd.f32 v6, v5;
	v6 =	vld [tilespmem:s23+$0xFC70]  }
0x38f: {  	[tilespmem:s23+$0x7000] =	vst v1;
	v1 =	vadd.f32 v8, v7;
	v7 =	vld [tilespmem:s23+$0x17C70]  }
0x390: {  	[tilespmem:s23+$0x7010] =	vst v5;
	v5 =	vadd.f32 v10, v9;
	v8 =	vld [tilespmem:s23+$0x10000]  }
0x391: {  	v9 =	vld [tilespmem:s23+$0x18000];
	[tilespmem:s23+$0x7020] =	vst v1;
	v1 =	vadd.f32 v12, v11  }
0x392: {  	v10 =	vld [tilespmem:s23+$0x10010];
	[tilespmem:s23+$0x7030] =	vst v5;
	v5 =	vadd.f32 v14, v13  }
0x393: {  	v11 =	vld [tilespmem:s23+$0x18010];
	[tilespmem:s23+$0x7040] =	vst v1;
	v1 =	vadd.f32 v16, v15  }
0x394: {  	v12 =	vld [tilespmem:s23+$0x10020];
	[tilespmem:s23+$0x7050] =	vst v5;
	v5 =	vadd.f32 v18, v17  }
0x395: {  	v13 =	vld [tilespmem:s23+$0x18020];
	[tilespmem:s23+$0x7060] =	vst v1;
	v1 =	vadd.f32 v20, v19  }
0x396: {  	v14 =	vld [tilespmem:s23+$0x10030];
	[tilespmem:s23+$0x7070] =	vst v5;
	v5 =	vadd.f32 v22, v21  }
0x397: {  	v15 =	vld [tilespmem:s23+$0x18030];
	[tilespmem:s23+$0x7400] =	vst v1;
	v1 =	vadd.f32 v24, v23  }
0x398: {  	v16 =	vld [tilespmem:s23+$0x10040];
	[tilespmem:s23+$0x7410] =	vst v5;
	v5 =	vadd.f32 v26, v25  }
0x399: {  	v17 =	vld [tilespmem:s23+$0x18040];
	[tilespmem:s23+$0x7420] =	vst v1;
	v1 =	vadd.f32 v28, v27  }
0x39a: {  	v18 =	vld [tilespmem:s23+$0x10050];
	[tilespmem:s23+$0x7430] =	vst v5;
	v5 =	vadd.f32 v30, v29  }
0x39b: {  	v19 =	vld [tilespmem:s23+$0x18050];
	[tilespmem:s23+$0x7440] =	vst v1;
	v1 =	vadd.f32 v32, v31  }
0x39c: {  	v20 =	vld [tilespmem:s23+$0x10060];
	[tilespmem:s23+$0x7450] =	vst v5;
	v5 =	vadd.f32 v34, v33  }
0x39d: {  	v21 =	vld [tilespmem:s23+$0x18060];
	[tilespmem:s23+$0x7460] =	vst v1;
	v1 =	vadd.f32 v36, v35  }
0x39e: {  	v22 =	vld [tilespmem:s23+$0x10070];
	[tilespmem:s23+$0x7470] =	vst v5;
	v5 =	vadd.f32 v38, v37  }
0x39f: {  	v23 =	vld [tilespmem:s23+$0x18070];
	[tilespmem:s23+$0x7800] =	vst v1;
	v1 =	vadd.f32 v40, v39  }
0x3a0: {  	v24 =	vld [tilespmem:s23+$0x10400];
	[tilespmem:s23+$0x7810] =	vst v5;
	v5 =	vadd.f32 v42, v41  }
0x3a1: {  	v25 =	vld [tilespmem:s23+$0x18400];
	[tilespmem:s23+$0x7820] =	vst v1;
	v1 =	vadd.f32 v44, v43  }
0x3a2: {  	v36 =	vld [tilespmem:s23+$0x10410];
	[tilespmem:s23+$0x7830] =	vst v5;
	v5 =	vadd.f32 v46, v45  }
0x3a3: {  	v37 =	vld [tilespmem:s23+$0x18410];
	[tilespmem:s23+$0x7840] =	vst v1;
	v1 =	vadd.f32 v48, v47  }
0x3a4: {  	v38 =	vld [tilespmem:s23+$0x10420];
	[tilespmem:s23+$0x7850] =	vst v5;
	v5 =	vadd.f32 v50, v49  }
0x3a5: {  	v39 =	vld [tilespmem:s23+$0x18420];
	[tilespmem:s23+$0x7860] =	vst v1;
	v1 =	vadd.f32 v52, v51  }
0x3a6: {  	v40 =	vld [tilespmem:s23+$0x10430];
	[tilespmem:s23+$0x7870] =	vst v5;
	v5 =	vadd.f32 v54, v53  }
0x3a7: {  	v41 =	vld [tilespmem:s23+$0x18430];
	[tilespmem:s23+$0x7C00] =	vst v1;
	v1 =	vadd.f32 v56, v55  }
0x3a8: {  	v42 =	vld [tilespmem:s23+$0x10440];
	[tilespmem:s23+$0x7C10] =	vst v5;
	v5 =	vadd.f32 v58, v57  }
0x3a9: {  	v43 =	vld [tilespmem:s23+$0x18440];
	[tilespmem:s23+$0x7C20] =	vst v1;
	v1 =	vadd.f32 v60, v59  }
0x3aa: {  	v44 =	vld [tilespmem:s23+$0x10450];
	[tilespmem:s23+$0x7C30] =	vst v5;
	v5 =	vadd.f32 v62, v61  }
0x3ab: {  	v45 =	vld [tilespmem:s23+$0x10460];
	[tilespmem:s23+$0x7C40] =	vst v1;
	v1 =	vadd.f32 v4, v63  }
0x3ac: {  	v4 =	vld [tilespmem:s23+$0x18450];
	[tilespmem:s23+$0x7C50] =	vst v5;
	v5 =	vadd.f32 v7, v6  }
0x3ad: {  	v46 =	vld [tilespmem:s23+$0x18460];
	[tilespmem:s23+$0x7C60] =	vst v1;
	v1 =	vadd.f32 v9, v8  }
0x3ae: {  	v47 =	vld [tilespmem:s23+$0x10470];
	[tilespmem:s23+$0x7C70] =	vst v5;
	v5 =	vadd.f32 v11, v10  }
0x3af: {  	v48 =	vld [tilespmem:s23+$0x18470];
	[tilespmem:s23+$0x8000] =	vst v1;
	v1 =	vadd.f32 v13, v12  }
0x3b0: {  	v49 =	vld [tilespmem:s23+$0x10800];
	[tilespmem:s23+$0x8010] =	vst v5;
	v5 =	vadd.f32 v15, v14  }
0x3b1: {  	v50 =	vld [tilespmem:s23+$0x18800];
	v4 =	vadd.f32 v4, v44;
	[tilespmem:s23+$0x8020] =	vst v1  }
0x3b2: {  	v51 =	vld [tilespmem:s23+$0x10810];
	v1 =	vadd.f32 v17, v16;
	[tilespmem:s23+$0x8030] =	vst v5  }
0x3b3: {  	v52 =	vld [tilespmem:s23+$0x18810];
	v5 =	vadd.f32 v19, v18;
	[tilespmem:s23+$0x8450] =	vst v4  }
0x3b4: {  	v53 =	vld [tilespmem:s23+$0x10820];
	[tilespmem:s23+$0x8040] =	vst v1;
	v1 =	vadd.f32 v21, v20  }
0x3b5: {  	v54 =	vld [tilespmem:s23+$0x18820];
	[tilespmem:s23+$0x8050] =	vst v5;
	v5 =	vadd.f32 v23, v22  }
0x3b6: {  	v55 =	vld [tilespmem:s23+$0x10830];
	[tilespmem:s23+$0x8060] =	vst v1;
	v1 =	vadd.f32 v25, v24  }
0x3b7: {  	v56 =	vld [tilespmem:s23+$0x18830];
	[tilespmem:s23+$0x8070] =	vst v5;
	v5 =	vadd.f32 v37, v36  }
0x3b8: {  	v57 =	vld [tilespmem:s23+$0x10840];
	[tilespmem:s23+$0x8400] =	vst v1;
	v1 =	vadd.f32 v39, v38  }
0x3b9: {  	v58 =	vld [tilespmem:s23+$0x18840];
	[tilespmem:s23+$0x8410] =	vst v5;
	v5 =	vadd.f32 v41, v40  }
0x3ba: {  	v59 =	vld [tilespmem:s23+$0x18850];
	[tilespmem:s23+$0x8420] =	vst v1;
	v1 =	vadd.f32 v43, v42  }
0x3bb: {  	v60 =	vld [tilespmem:s23+$0x10860];
	v4 =	vadd.f32 v48, v47;
	[tilespmem:s23+$0x8430] =	vst v5  }
0x3bc: {  	v5 =	vld [tilespmem:s23+$0x10850];
	[tilespmem:s23+$0x8440] =	vst v1;
	v1 =	vadd.f32 v46, v45  }
0x3bd: {  	v62 =	vld [tilespmem:s23+$0x10870];
	[tilespmem:s23+$0x8470] =	vst v4;
	v4 =	vadd.f32 v52, v51  }
0x3be: {  	v63 =	vld [tilespmem:s23+$0x18870];
	[tilespmem:s23+$0x8460] =	vst v1;
	v1 =	vadd.f32 v50, v49  }
0x3bf: {  	v61 =	vld [tilespmem:s23+$0x18860];
	[tilespmem:s23+$0x8810] =	vst v4;
	v4 =	vadd.f32 v56, v55  }
0x3c0: {  	[tilespmem:s23+$0x8800] =	vst v1;
	v1 =	vadd.f32 v54, v53  }
0x3c1: {  	[tilespmem:s23+$0x8830] =	vst v4;
	v4 =	vadd.f32 v59, v5  }
0x3c2: {  	[tilespmem:s23+$0x8820] =	vst v1;
	v1 =	vadd.f32 v58, v57  }
0x3c3: {  	s7 =	sand.u32 $0x7, s31;
	[tilespmem:s23+$0x8850] =	vst v4;
	v4 =	vadd.f32 v63, v62  }
0x3c4: {  	s7 =	sshll.u32 s7, $0x7;
	[tilespmem:s23+$0x8840] =	vst v1;
	v1 =	vadd.f32 v61, v60  }
0x3c5: {  	s7 =	sadd.s32 s7, s11;
	[tilespmem:s23+$0x8870] =	vst v4  }
0x3c6: {  	[tilespmem:s23+$0x8860] =	vst v1;
	s23 =	sor.u32 $0x1C00, s7  }
0x3c7: {  	v1 =	vld [tilespmem:s23+$0xF000]  }
0x3c8: {  	v4 =	vld [tilespmem:s23+$0x17000];
	_ =	sdelay $0x4  }
0x3c9: {  	v1 =	vadd.f32 v4, v1;
	_ =	sdelay $0x1  }
0x3ca: {  	[tilespmem:s23+$0x7000] =	vst v1;
	s23 =	sor.u32 $0x1C10, s7  }
0x3cb: {  	v1 =	vld [tilespmem:s23+$0xF000]  }
0x3cc: {  	v4 =	vld [tilespmem:s23+$0x17000];
	_ =	sdelay $0x4  }
0x3cd: {  	v1 =	vadd.f32 v4, v1;
	_ =	sdelay $0x1  }
0x3ce: {  	[tilespmem:s23+$0x7000] =	vst v1;
	s23 =	sor.u32 $0x1C20, s7  }
0x3cf: {  	v1 =	vld [tilespmem:s23+$0xF000]  }
0x3d0: {  	v4 =	vld [tilespmem:s23+$0x17000];
	_ =	sdelay $0x4  }
0x3d1: {  	v1 =	vadd.f32 v4, v1;
	_ =	sdelay $0x1  }
0x3d2: {  	[tilespmem:s23+$0x7000] =	vst v1;
	s23 =	sor.u32 $0x1C30, s7  }
0x3d3: {  	v1 =	vld [tilespmem:s23+$0xF000]  }
0x3d4: {  	v4 =	vld [tilespmem:s23+$0x17000];
	_ =	sdelay $0x4  }
0x3d5: {  	v1 =	vadd.f32 v4, v1;
	_ =	sdelay $0x1  }
0x3d6: {  	[tilespmem:s23+$0x7000] =	vst v1;
	s23 =	sor.u32 $0x1C40, s7  }
0x3d7: {  	v1 =	vld [tilespmem:s23+$0xF000]  }
0x3d8: {  	v4 =	vld [tilespmem:s23+$0x17000];
	_ =	sdelay $0x4  }
0x3d9: {  	v1 =	vadd.f32 v4, v1;
	_ =	sdelay $0x1  }
0x3da: {  	[tilespmem:s23+$0x7000] =	vst v1;
	s23 =	sor.u32 $0x1C50, s7  }
0x3db: {  	v1 =	vld [tilespmem:s23+$0xF000]  }
0x3dc: {  	v4 =	vld [tilespmem:s23+$0x17000];
	_ =	sdelay $0x4  }
0x3dd: {  	v1 =	vadd.f32 v4, v1;
	_ =	sdelay $0x1  }
0x3de: {  	[tilespmem:s23+$0x7000] =	vst v1;
	s23 =	sor.u32 $0x1C60, s7  }
0x3df: {  	v1 =	vld [tilespmem:s23+$0xF000]  }
0x3e0: {  	v4 =	vld [tilespmem:s23+$0x17000];
	_ =	sdelay $0x4  }
0x3e1: {  	v1 =	vadd.f32 v4, v1;
	_ =	sdelay $0x1  }
0x3e2: {  	s7 =	sor.u32 $0x1C70, s7;
	[tilespmem:s23+$0x7000] =	vst v1  }
0x3e3: {  	v1 =	vld [tilespmem:s7+$0xF000]  }
0x3e4: {  	v4 =	vld [tilespmem:s7+$0x17000];
	_ =	sdelay $0x1  }
0x3e5: {  	p1 =	sne.s32 s22, $0x780  }
.Ltmp6:
0x3e6: {  	_ = 	snop;
	(pc) =	sbr.rel @p1 .LBB2_11-.Ltmp6, $4  }
0x3e7: {  	_ = 	snop  }
0x3e8: {  	v1 =	vadd.f32 v4, v1  }
0x3e9: {  	s1 =	sadd.s32 $0x400, s1  }
0x3ea: {  	s22 =	sadd.s32 $0x80, s22;
	s31 =	sadd.s32 $0x1, s31;
	s11 =	sadd.s32 $0x400, s11;
	[tilespmem:s7+$0x7000] =	vst v1  }
0x3eb: {  	v1 =	vld [tilespmem:s30+$0x280];
	_ =	sdelay $0x2  }
0x3ec: {  	v11 =	vld [tilespmem:$0x1FFF0];
	_ =	sdelay $0x1  }
0x3ed: {  	v4 =	vshll.u32 v1, $0x3  }
0x3ee: {  	v1 =	vand.u32 $0x7, v1;
	v4 =	vand.u32 $0xFFFFFFC0, v4  }
0x3ef: {  	v1 =	vor.u32 v1, v4  }
0x3f0: {  	v4 =	vperm.xlane v1, v11;
	_ =	sdelay $0x1  }
0x3f1: {  	v4 =	vadd.s32 v2, v4;
	_ =	sdelay $0x3  }
0x3f2: {  	s1 =	simm.s32 $0x0;
	s31 =	simm.s32 $0x17000  }
0x3f3: {  	[tilespmem:s31], [sflag:$0xB] =	stream.indirect_vreg.gather [hbm4b:s6+s1], $0x80, v4, vm0, $0xb8;
	[tilespmem:$0x1F000] =	vst v63  }
0x3f4: {  	s7 =	simm.s32 $0x17800;
	v1 =	vperm.xlane v1, v3  }
0x3f5: {  	[tilespmem:s7], [sflag:$0xB] =	stream.indirect_vreg.gather [hbm4b:s19+s1], $0x80, v4, vm0, $0xb8;
	[tilespmem:$0x1F000] =	vst v63  }
0x3f6: {  	s23 =	simm.s32 $0x18000;
	v1 =	vadd.s32 v2, v1  }
0x3f7: {  	[tilespmem:s23], [sflag:$0xB] =	stream.indirect_vreg.gather [hbm4b:s20+s1], $0x80, v4, vm0, $0xb8;
	[tilespmem:$0x1F000] =	vst v63  }
0x3f8: {  	s30 =	simm.s32 $0x18800  }
0x3f9: {  	[tilespmem:s30], [sflag:$0xB] =	stream.indirect_vreg.gather [hbm4b:s21+s1], $0x80, v4, vm0, $0xb8;
	[tilespmem:$0x1F000] =	vst v63  }
0x3fa: {  	s11 =	simm.s32 $0x19000  }
0x3fb: {  	[tilespmem:s11], [sflag:$0xB] =	stream.indirect_vreg.gather [hbm4b:s6+s1], $0x80, v1, vm0, $0xb8;
	[tilespmem:$0x1F000] =	vst v63  }
0x3fc: {  	s22 =	simm.s32 $0x19800  }
0x3fd: {  	[tilespmem:s22], [sflag:$0xB] =	stream.indirect_vreg.gather [hbm4b:s19+s1], $0x80, v1, vm0, $0xb8;
	[tilespmem:$0x1F000] =	vst v63  }
0x3fe: {  	s23 =	simm.s32 $0x1A000  }
0x3ff: {  	[tilespmem:s23], [sflag:$0xB] =	stream.indirect_vreg.gather [hbm4b:s20+s1], $0x80, v1, vm0, $0xb8;
	[tilespmem:$0x1F000] =	vst v63  }
0x400: {  	s30 =	simm.s32 $0x1A800  }
0x401: {  	[tilespmem:s30], [sflag:$0xB] =	stream.indirect_vreg.gather [hbm4b:s21+s1], $0x80, v1, vm0, $0xb8;
	[tilespmem:$0x1F000] =	vst v63  }
0x402: {  	_ =	swait.ge [sflag:s8], $0x4000  }
0x403: {  	s11 =	simm.s32 $0xFFFFC000;
	[sflag:s8] =	ssyncset.done $0x0  }
0x404: {  	s22 =	simm.s32 $0x0;
	s23 =	simm.s32 $0x0;
	[sflag:s8] =	ssyncadd.s32 $0xFFFFC000  }
.LBB2_13:
0x405: {  	s7 =	sadd.s32 $0x4000, s11  }
0x406: {  	s30 =	sand.u32 $0x380, s23;
	s7 =	sand.u32 $0x2000, s7  }
0x407: {  	s30 =	sor.u32 s30, s7  }
0x408: {  	v1 =	vld [tilespmem:s30+$0x1B000]  }
0x409: {  	v4 =	vld [tilespmem:s30+$0x1B010]  }
0x40a: {  	v5 =	vld [tilespmem:s30+$0x1B020]  }
0x40b: {  	v6 =	vld [tilespmem:s30+$0x1B060]  }
0x40c: {  	v7 =	vld [tilespmem:s30+$0x1B070]  }
0x40d: {  	v54 =	vld [tilespmem:s30+$0x1B430]  }
0x40e: {  	v55 =	vld [tilespmem:s30+$0x1B440]  }
0x40f: {  	v56 =	vld [tilespmem:s30+$0x1B800]  }
0x410: {  	v57 =	vld [tilespmem:s30+$0x1B810]  }
0x411: {  	v58 =	vld [tilespmem:s30+$0x1B850]  }
0x412: {  	v59 =	vld [tilespmem:s30+$0x1B860]  }
0x413: {  	v60 =	vld [tilespmem:s30+$0x1BC20]  }
0x414: {  	v61 =	vld [tilespmem:s30+$0x1BC30]  }
0x415: {  	v62 =	vld [tilespmem:s30+$0x1BC70]  }
0x416: {  	[tilespmem:s30+$0x7000] =	vst.add.f32.msk $0xffff, v1  }
0x417: {  	[tilespmem:s30+$0x7010] =	vst.add.f32.msk $0xffff, v4  }
0x418: {  	[tilespmem:s30+$0x7020] =	vst.add.f32.msk $0xffff, v5  }
0x419: {  	v1 =	vld [tilespmem:s30+$0x1B030]  }
0x41a: {  	v4 =	vld [tilespmem:s30+$0x1B040]  }
0x41b: {  	v5 =	vld [tilespmem:s30+$0x1B050]  }
0x41c: {  	v63 =	vld [tilespmem:s30+$0x1C000]  }
0x41d: {  	[tilespmem:s30+$0x7060] =	vst.add.f32.msk $0xffff, v6  }
0x41e: {  	[tilespmem:s30+$0x7030] =	vst.add.f32.msk $0xffff, v1  }
0x41f: {  	[tilespmem:s30+$0x7040] =	vst.add.f32.msk $0xffff, v4  }
0x420: {  	[tilespmem:s30+$0x7050] =	vst.add.f32.msk $0xffff, v5  }
0x421: {  	v1 =	vld [tilespmem:s30+$0x1B400]  }
0x422: {  	v4 =	vld [tilespmem:s30+$0x1B410]  }
0x423: {  	v5 =	vld [tilespmem:s30+$0x1B420]  }
0x424: {  	[tilespmem:s30+$0x7070] =	vst.add.f32.msk $0xffff, v7  }
0x425: {  	[tilespmem:s30+$0x7430] =	vst.add.f32.msk $0xffff, v54  }
0x426: {  	[tilespmem:s30+$0x7400] =	vst.add.f32.msk $0xffff, v1  }
0x427: {  	[tilespmem:s30+$0x7410] =	vst.add.f32.msk $0xffff, v4  }
0x428: {  	[tilespmem:s30+$0x7420] =	vst.add.f32.msk $0xffff, v5  }
0x429: {  	v1 =	vld [tilespmem:s30+$0x1B450]  }
0x42a: {  	v4 =	vld [tilespmem:s30+$0x1B460]  }
0x42b: {  	v5 =	vld [tilespmem:s30+$0x1B470]  }
0x42c: {  	[tilespmem:s30+$0x7440] =	vst.add.f32.msk $0xffff, v55  }
0x42d: {  	[tilespmem:s30+$0x7800] =	vst.add.f32.msk $0xffff, v56  }
0x42e: {  	[tilespmem:s30+$0x7450] =	vst.add.f32.msk $0xffff, v1  }
0x42f: {  	[tilespmem:s30+$0x7460] =	vst.add.f32.msk $0xffff, v4  }
0x430: {  	[tilespmem:s30+$0x7470] =	vst.add.f32.msk $0xffff, v5  }
0x431: {  	v1 =	vld [tilespmem:s30+$0x1B820]  }
0x432: {  	v4 =	vld [tilespmem:s30+$0x1B830]  }
0x433: {  	v5 =	vld [tilespmem:s30+$0x1B840]  }
0x434: {  	[tilespmem:s30+$0x7810] =	vst.add.f32.msk $0xffff, v57  }
0x435: {  	[tilespmem:s30+$0x7850] =	vst.add.f32.msk $0xffff, v58  }
0x436: {  	[tilespmem:s30+$0x7820] =	vst.add.f32.msk $0xffff, v1  }
0x437: {  	[tilespmem:s30+$0x7830] =	vst.add.f32.msk $0xffff, v4  }
0x438: {  	[tilespmem:s30+$0x7840] =	vst.add.f32.msk $0xffff, v5  }
0x439: {  	v1 =	vld [tilespmem:s30+$0x1B870]  }
0x43a: {  	v4 =	vld [tilespmem:s30+$0x1BC00]  }
0x43b: {  	v5 =	vld [tilespmem:s30+$0x1BC10]  }
0x43c: {  	[tilespmem:s30+$0x7860] =	vst.add.f32.msk $0xffff, v59  }
0x43d: {  	[tilespmem:s30+$0x7C20] =	vst.add.f32.msk $0xffff, v60  }
0x43e: {  	[tilespmem:s30+$0x7870] =	vst.add.f32.msk $0xffff, v1  }
0x43f: {  	[tilespmem:s30+$0x7C00] =	vst.add.f32.msk $0xffff, v4  }
0x440: {  	[tilespmem:s30+$0x7C10] =	vst.add.f32.msk $0xffff, v5  }
0x441: {  	v1 =	vld [tilespmem:s30+$0x1BC40]  }
0x442: {  	v4 =	vld [tilespmem:s30+$0x1BC50]  }
0x443: {  	v5 =	vld [tilespmem:s30+$0x1BC60]  }
0x444: {  	[tilespmem:s30+$0x7C30] =	vst.add.f32.msk $0xffff, v61  }
0x445: {  	[tilespmem:s30+$0x7C70] =	vst.add.f32.msk $0xffff, v62  }
0x446: {  	[tilespmem:s30+$0x7C40] =	vst.add.f32.msk $0xffff, v1  }
0x447: {  	[tilespmem:s30+$0x7C50] =	vst.add.f32.msk $0xffff, v4  }
0x448: {  	s7 =	sor.u32 $0x8000, s30;
	[tilespmem:s30+$0x7C60] =	vst.add.f32.msk $0xffff, v5  }
0x449: {  	[tilespmem:s7+$0x0] =	vst.add.f32.msk $0xffff, v63  }
0x44a: {  	v1 =	vld [tilespmem:s30+$0x1C010];
	_ =	sdelay $0x3  }
0x44b: {  	s7 =	sor.u32 $0x8010, s30  }
0x44c: {  	[tilespmem:s7+$0x0] =	vst.add.f32.msk $0xffff, v1  }
0x44d: {  	v1 =	vld [tilespmem:s30+$0x1C020];
	_ =	sdelay $0x3  }
0x44e: {  	s7 =	sor.u32 $0x8020, s30  }
0x44f: {  	[tilespmem:s7+$0x0] =	vst.add.f32.msk $0xffff, v1  }
0x450: {  	v1 =	vld [tilespmem:s30+$0x1C030];
	_ =	sdelay $0x3  }
0x451: {  	s7 =	sor.u32 $0x8030, s30  }
0x452: {  	[tilespmem:s7+$0x0] =	vst.add.f32.msk $0xffff, v1  }
0x453: {  	v1 =	vld [tilespmem:s30+$0x1C040];
	_ =	sdelay $0x3  }
0x454: {  	s7 =	sor.u32 $0x8040, s30  }
0x455: {  	[tilespmem:s7+$0x0] =	vst.add.f32.msk $0xffff, v1  }
0x456: {  	v1 =	vld [tilespmem:s30+$0x1C050];
	_ =	sdelay $0x3  }
0x457: {  	s7 =	sor.u32 $0x8050, s30  }
0x458: {  	[tilespmem:s7+$0x0] =	vst.add.f32.msk $0xffff, v1  }
0x459: {  	v1 =	vld [tilespmem:s30+$0x1C060];
	_ =	sdelay $0x3  }
0x45a: {  	s7 =	sor.u32 $0x8060, s30  }
0x45b: {  	[tilespmem:s7+$0x0] =	vst.add.f32.msk $0xffff, v1  }
0x45c: {  	v1 =	vld [tilespmem:s30+$0x1C070];
	_ =	sdelay $0x3  }
0x45d: {  	s7 =	sor.u32 $0x8070, s30  }
0x45e: {  	[tilespmem:s7+$0x0] =	vst.add.f32.msk $0xffff, v1  }
0x45f: {  	v1 =	vld [tilespmem:s30+$0x1C400];
	_ =	sdelay $0x3  }
0x460: {  	s7 =	sor.u32 $0x8400, s30  }
0x461: {  	[tilespmem:s7+$0x0] =	vst.add.f32.msk $0xffff, v1  }
0x462: {  	v1 =	vld [tilespmem:s30+$0x1C410];
	_ =	sdelay $0x3  }
0x463: {  	s7 =	sor.u32 $0x8410, s30  }
0x464: {  	[tilespmem:s7+$0x0] =	vst.add.f32.msk $0xffff, v1  }
0x465: {  	v1 =	vld [tilespmem:s30+$0x1C420];
	_ =	sdelay $0x3  }
0x466: {  	s7 =	sor.u32 $0x8420, s30  }
0x467: {  	[tilespmem:s7+$0x0] =	vst.add.f32.msk $0xffff, v1  }
0x468: {  	v1 =	vld [tilespmem:s30+$0x1C430];
	_ =	sdelay $0x3  }
0x469: {  	s7 =	sor.u32 $0x8430, s30  }
0x46a: {  	[tilespmem:s7+$0x0] =	vst.add.f32.msk $0xffff, v1  }
0x46b: {  	v1 =	vld [tilespmem:s30+$0x1C440];
	_ =	sdelay $0x3  }
0x46c: {  	s7 =	sor.u32 $0x8440, s30  }
0x46d: {  	[tilespmem:s7+$0x0] =	vst.add.f32.msk $0xffff, v1  }
0x46e: {  	v1 =	vld [tilespmem:s30+$0x1C450];
	_ =	sdelay $0x3  }
0x46f: {  	s7 =	sor.u32 $0x8450, s30  }
0x470: {  	[tilespmem:s7+$0x0] =	vst.add.f32.msk $0xffff, v1  }
0x471: {  	v1 =	vld [tilespmem:s30+$0x1C460];
	_ =	sdelay $0x3  }
0x472: {  	s7 =	sor.u32 $0x8460, s30  }
0x473: {  	[tilespmem:s7+$0x0] =	vst.add.f32.msk $0xffff, v1  }
0x474: {  	v1 =	vld [tilespmem:s30+$0x1C470];
	_ =	sdelay $0x3  }
0x475: {  	s7 =	sor.u32 $0x8470, s30  }
0x476: {  	[tilespmem:s7+$0x0] =	vst.add.f32.msk $0xffff, v1  }
0x477: {  	v1 =	vld [tilespmem:s30+$0x1C800];
	_ =	sdelay $0x3  }
0x478: {  	s7 =	sor.u32 $0x8800, s30  }
0x479: {  	[tilespmem:s7+$0x0] =	vst.add.f32.msk $0xffff, v1  }
0x47a: {  	v1 =	vld [tilespmem:s30+$0x1C810];
	_ =	sdelay $0x3  }
0x47b: {  	s7 =	sor.u32 $0x8810, s30  }
0x47c: {  	[tilespmem:s7+$0x0] =	vst.add.f32.msk $0xffff, v1  }
0x47d: {  	v1 =	vld [tilespmem:s30+$0x1C820];
	_ =	sdelay $0x3  }
0x47e: {  	s7 =	sor.u32 $0x8820, s30  }
0x47f: {  	[tilespmem:s7+$0x0] =	vst.add.f32.msk $0xffff, v1  }
0x480: {  	v1 =	vld [tilespmem:s30+$0x1C830];
	_ =	sdelay $0x3  }
0x481: {  	s7 =	sor.u32 $0x8830, s30  }
0x482: {  	[tilespmem:s7+$0x0] =	vst.add.f32.msk $0xffff, v1  }
0x483: {  	v1 =	vld [tilespmem:s30+$0x1C840];
	_ =	sdelay $0x3  }
0x484: {  	s7 =	sor.u32 $0x8840, s30  }
0x485: {  	[tilespmem:s7+$0x0] =	vst.add.f32.msk $0xffff, v1  }
0x486: {  	v1 =	vld [tilespmem:s30+$0x1C850];
	_ =	sdelay $0x3  }
0x487: {  	s7 =	sor.u32 $0x8850, s30  }
0x488: {  	[tilespmem:s7+$0x0] =	vst.add.f32.msk $0xffff, v1  }
0x489: {  	v1 =	vld [tilespmem:s30+$0x1C860];
	_ =	sdelay $0x3  }
0x48a: {  	s7 =	sor.u32 $0x8860, s30  }
0x48b: {  	[tilespmem:s7+$0x0] =	vst.add.f32.msk $0xffff, v1  }
0x48c: {  	v1 =	vld [tilespmem:s30+$0x1C870];
	_ =	sdelay $0x1  }
0x48d: {  	s7 =	sand.u32 $0x7, s1  }
0x48e: {  	s7 =	sshll.u32 s7, $0x7  }
0x48f: {  	s30 =	sor.u32 $0x8870, s30;
	s7 =	sadd.s32 s7, s22  }
0x490: {  	[tilespmem:s30+$0x0] =	vst.add.f32.msk $0xffff, v1;
	s30 =	sor.u32 $0x1C00, s7  }
0x491: {  	v1 =	vld [tilespmem:s30+$0x1B000];
	_ =	sdelay $0x4  }
0x492: {  	[tilespmem:s30+$0x7000] =	vst.add.f32.msk $0xffff, v1;
	s30 =	sor.u32 $0x1C10, s7  }
0x493: {  	v1 =	vld [tilespmem:s30+$0x1B000];
	_ =	sdelay $0x4  }
0x494: {  	[tilespmem:s30+$0x7000] =	vst.add.f32.msk $0xffff, v1;
	s30 =	sor.u32 $0x1C20, s7  }
0x495: {  	v1 =	vld [tilespmem:s30+$0x1B000];
	_ =	sdelay $0x4  }
0x496: {  	[tilespmem:s30+$0x7000] =	vst.add.f32.msk $0xffff, v1;
	s30 =	sor.u32 $0x1C30, s7  }
0x497: {  	v1 =	vld [tilespmem:s30+$0x1B000];
	_ =	sdelay $0x4  }
0x498: {  	[tilespmem:s30+$0x7000] =	vst.add.f32.msk $0xffff, v1;
	s30 =	sor.u32 $0x1C40, s7  }
0x499: {  	v1 =	vld [tilespmem:s30+$0x1B000];
	_ =	sdelay $0x4  }
0x49a: {  	[tilespmem:s30+$0x7000] =	vst.add.f32.msk $0xffff, v1;
	s30 =	sor.u32 $0x1C50, s7  }
0x49b: {  	v1 =	vld [tilespmem:s30+$0x1B000];
	_ =	sdelay $0x4  }
0x49c: {  	[tilespmem:s30+$0x7000] =	vst.add.f32.msk $0xffff, v1;
	s30 =	sor.u32 $0x1C60, s7  }
0x49d: {  	v1 =	vld [tilespmem:s30+$0x1B000];
	_ =	sdelay $0x4  }
0x49e: {  	s7 =	sor.u32 $0x1C70, s7;
	[tilespmem:s30+$0x7000] =	vst.add.f32.msk $0xffff, v1  }
0x49f: {  	p1 =	sne.s32 s23, $0x780;
	v1 =	vld [tilespmem:s7+$0x1B000]  }
.Ltmp7:
0x4a0: {  	_ = 	snop;
	(pc) =	sbr.rel @p1 .LBB2_13-.Ltmp7, $3  }
0x4a1: {  	_ =	sdelay $0x1  }
0x4a2: {  	s11 =	sadd.s32 $0x400, s11  }
0x4a3: {  	s23 =	sadd.s32 $0x80, s23;
	s1 =	sadd.s32 $0x1, s1;
	s22 =	sadd.s32 $0x400, s22;
	[tilespmem:s7+$0x7000] =	vst.add.f32.msk $0xffff, v1  }
0x4a4: {  	s1 =	sadd.s32 @!p0 $0x2, s25  }
0x4a5: {  	s7 =	sshll.u32 @!p0 s1, $0x4;
	s1 =	sshll.u32 @!p0 s1, $0x7  }
0x4a6: {  	s7 =	sand.u32 @!p0 $0x60, s7;
	s1 =	sand.u32 @!p0 $0x3C00, s1  }
0x4a7: {  	s1 =	sor.u32 @!p0 s7, s1  }
0x4a8: {  	v1 =	vld @!p0 [tilespmem:s1+$0x1200];
	_ =	sdelay $0x4  }
0x4a9: {  	v4 =	vshll.u32 @!p0 v1, $0x3  }
0x4aa: {  	v5 =	vlaneseq.u32 @!p0;
	v1 =	vand.u32 @!p0 $0x7, v1;
	v4 =	vand.u32 @!p0 $0xFFFFFFC0, v4  }
0x4ab: {  	v6 =	vshrl.u32 @!p0 v5, $0x3;
	v1 =	vor.u32 @!p0 v1, v4;
	v4 =	vand.u32 @!p0 $0x7, v5  }
0x4ac: {  	v6 =	vmul.u32 @!p0 $0x8, v6;
	v4 =	vperm.xlane @!p0 v1, v4;
	_ =	sdelay $0x1  }
0x4ad: {  	v4 =	vadd.s32 @!p0 v6, v4;
	_ =	sdelay $0x3  }
0x4ae: {  	s7 =	simm.s32 @!p0 $0x1B000;
	s1 =	simm.s32 @!p0 $0x0  }
0x4af: {  	v5 =	vor.u32 @!p0 $0x8, v5;
	[tilespmem:s7], [sflag:$0x9] =	stream.indirect_vreg.gather @!p0 [hbm4b:s5+s1], $0x80, v4, vm1, $0xb8;
	[tilespmem:$0x1F000] =	vst v63  }
0x4b0: {  	v1 =	vperm.xlane @!p0 v1, v5;
	s7 =	simm.s32 @!p0 $0x1B800  }
0x4b1: {  	[tilespmem:s7], [sflag:$0x9] =	stream.indirect_vreg.gather @!p0 [hbm4b:s16+s1], $0x80, v4, vm1, $0xb8;
	[tilespmem:$0x1F000] =	vst v63  }
0x4b2: {  	v1 =	vadd.s32 @!p0 v6, v1;
	s7 =	simm.s32 @!p0 $0x1C000  }
0x4b3: {  	[tilespmem:s7], [sflag:$0x9] =	stream.indirect_vreg.gather @!p0 [hbm4b:s17+s1], $0x80, v4, vm1, $0xb8;
	[tilespmem:$0x1F000] =	vst v63  }
0x4b4: {  	s7 =	simm.s32 @!p0 $0x1C800  }
0x4b5: {  	[tilespmem:s7], [sflag:$0x9] =	stream.indirect_vreg.gather @!p0 [hbm4b:s18+s1], $0x80, v4, vm1, $0xb8;
	[tilespmem:$0x1F000] =	vst v63  }
0x4b6: {  	s7 =	simm.s32 @!p0 $0x1D000  }
0x4b7: {  	[tilespmem:s7], [sflag:$0x9] =	stream.indirect_vreg.gather @!p0 [hbm4b:s5+s1], $0x80, v1, vm1, $0xb8;
	[tilespmem:$0x1F000] =	vst v63  }
0x4b8: {  	s7 =	simm.s32 @!p0 $0x1D800  }
0x4b9: {  	[tilespmem:s7], [sflag:$0x9] =	stream.indirect_vreg.gather @!p0 [hbm4b:s16+s1], $0x80, v1, vm1, $0xb8;
	[tilespmem:$0x1F000] =	vst v63  }
0x4ba: {  	s7 =	simm.s32 @!p0 $0x1E000  }
0x4bb: {  	[tilespmem:s7], [sflag:$0x9] =	stream.indirect_vreg.gather @!p0 [hbm4b:s17+s1], $0x80, v1, vm1, $0xb8;
	[tilespmem:$0x1F000] =	vst v63  }
0x4bc: {  	s7 =	simm.s32 @!p0 $0x1E800  }
0x4bd: {  	[tilespmem:s7], [sflag:$0x9] =	stream.indirect_vreg.gather @!p0 [hbm4b:s18+s1], $0x80, v1, vm1, $0xb8;
	[tilespmem:$0x1F000] =	vst v63  }
0x4be: {  	_ =	swait.ge [sflag:s24], $0x4000  }
0x4bf: {  	s11 =	simm.s32 $0xFFFFC000;
	s22 =	simm.s32 $0x0;
	[sflag:s24] =	ssyncset.done $0x0  }
0x4c0: {  	s23 =	simm.s32 $0x0;
	s1 =	simm.s32 $0x0;
	[sflag:s24] =	ssyncadd.s32 $0xFFFFC000  }
.LBB2_15:
0x4c1: {  	s7 =	sadd.s32 $0x4000, s11  }
0x4c2: {  	s25 =	sand.u32 $0x380, s23;
	s7 =	sand.u32 $0x2000, s7  }
0x4c3: {  	s25 =	sor.u32 s25, s7  }
0x4c4: {  	v1 =	vld [tilespmem:s25+$0x17000]  }
0x4c5: {  	v4 =	vld [tilespmem:s25+$0x17010]  }
0x4c6: {  	v5 =	vld [tilespmem:s25+$0x17020]  }
0x4c7: {  	v6 =	vld [tilespmem:s25+$0x17060]  }
0x4c8: {  	v7 =	vld [tilespmem:s25+$0x17070]  }
0x4c9: {  	v54 =	vld [tilespmem:s25+$0x17430]  }
0x4ca: {  	v55 =	vld [tilespmem:s25+$0x17440]  }
0x4cb: {  	v56 =	vld [tilespmem:s25+$0x17800]  }
0x4cc: {  	v57 =	vld [tilespmem:s25+$0x17810]  }
0x4cd: {  	v58 =	vld [tilespmem:s25+$0x17850]  }
0x4ce: {  	v59 =	vld [tilespmem:s25+$0x17860]  }
0x4cf: {  	v60 =	vld [tilespmem:s25+$0x17C20]  }
0x4d0: {  	v61 =	vld [tilespmem:s25+$0x17C30]  }
0x4d1: {  	v62 =	vld [tilespmem:s25+$0x17C70]  }
0x4d2: {  	[tilespmem:s25+$0x7000] =	vst.add.f32.msk $0xffff, v1  }
0x4d3: {  	[tilespmem:s25+$0x7010] =	vst.add.f32.msk $0xffff, v4  }
0x4d4: {  	[tilespmem:s25+$0x7020] =	vst.add.f32.msk $0xffff, v5  }
0x4d5: {  	v1 =	vld [tilespmem:s25+$0x17030]  }
0x4d6: {  	v4 =	vld [tilespmem:s25+$0x17040]  }
0x4d7: {  	v5 =	vld [tilespmem:s25+$0x17050]  }
0x4d8: {  	v63 =	vld [tilespmem:s25+$0x18000]  }
0x4d9: {  	[tilespmem:s25+$0x7060] =	vst.add.f32.msk $0xffff, v6  }
0x4da: {  	[tilespmem:s25+$0x7030] =	vst.add.f32.msk $0xffff, v1  }
0x4db: {  	[tilespmem:s25+$0x7040] =	vst.add.f32.msk $0xffff, v4  }
0x4dc: {  	[tilespmem:s25+$0x7050] =	vst.add.f32.msk $0xffff, v5  }
0x4dd: {  	v1 =	vld [tilespmem:s25+$0x17400]  }
0x4de: {  	v4 =	vld [tilespmem:s25+$0x17410]  }
0x4df: {  	v5 =	vld [tilespmem:s25+$0x17420]  }
0x4e0: {  	[tilespmem:s25+$0x7070] =	vst.add.f32.msk $0xffff, v7  }
0x4e1: {  	[tilespmem:s25+$0x7430] =	vst.add.f32.msk $0xffff, v54  }
0x4e2: {  	[tilespmem:s25+$0x7400] =	vst.add.f32.msk $0xffff, v1  }
0x4e3: {  	[tilespmem:s25+$0x7410] =	vst.add.f32.msk $0xffff, v4  }
0x4e4: {  	[tilespmem:s25+$0x7420] =	vst.add.f32.msk $0xffff, v5  }
0x4e5: {  	v1 =	vld [tilespmem:s25+$0x17450]  }
0x4e6: {  	v4 =	vld [tilespmem:s25+$0x17460]  }
0x4e7: {  	v5 =	vld [tilespmem:s25+$0x17470]  }
0x4e8: {  	[tilespmem:s25+$0x7440] =	vst.add.f32.msk $0xffff, v55  }
0x4e9: {  	[tilespmem:s25+$0x7800] =	vst.add.f32.msk $0xffff, v56  }
0x4ea: {  	[tilespmem:s25+$0x7450] =	vst.add.f32.msk $0xffff, v1  }
0x4eb: {  	[tilespmem:s25+$0x7460] =	vst.add.f32.msk $0xffff, v4  }
0x4ec: {  	[tilespmem:s25+$0x7470] =	vst.add.f32.msk $0xffff, v5  }
0x4ed: {  	v1 =	vld [tilespmem:s25+$0x17820]  }
0x4ee: {  	v4 =	vld [tilespmem:s25+$0x17830]  }
0x4ef: {  	v5 =	vld [tilespmem:s25+$0x17840]  }
0x4f0: {  	[tilespmem:s25+$0x7810] =	vst.add.f32.msk $0xffff, v57  }
0x4f1: {  	[tilespmem:s25+$0x7850] =	vst.add.f32.msk $0xffff, v58  }
0x4f2: {  	[tilespmem:s25+$0x7820] =	vst.add.f32.msk $0xffff, v1  }
0x4f3: {  	[tilespmem:s25+$0x7830] =	vst.add.f32.msk $0xffff, v4  }
0x4f4: {  	[tilespmem:s25+$0x7840] =	vst.add.f32.msk $0xffff, v5  }
0x4f5: {  	v1 =	vld [tilespmem:s25+$0x17870]  }
0x4f6: {  	v4 =	vld [tilespmem:s25+$0x17C00]  }
0x4f7: {  	v5 =	vld [tilespmem:s25+$0x17C10]  }
0x4f8: {  	[tilespmem:s25+$0x7860] =	vst.add.f32.msk $0xffff, v59  }
0x4f9: {  	[tilespmem:s25+$0x7C20] =	vst.add.f32.msk $0xffff, v60  }
0x4fa: {  	[tilespmem:s25+$0x7870] =	vst.add.f32.msk $0xffff, v1  }
0x4fb: {  	[tilespmem:s25+$0x7C00] =	vst.add.f32.msk $0xffff, v4  }
0x4fc: {  	[tilespmem:s25+$0x7C10] =	vst.add.f32.msk $0xffff, v5  }
0x4fd: {  	v1 =	vld [tilespmem:s25+$0x17C40]  }
0x4fe: {  	v4 =	vld [tilespmem:s25+$0x17C50]  }
0x4ff: {  	v5 =	vld [tilespmem:s25+$0x17C60]  }
0x500: {  	[tilespmem:s25+$0x7C30] =	vst.add.f32.msk $0xffff, v61  }
0x501: {  	[tilespmem:s25+$0x7C70] =	vst.add.f32.msk $0xffff, v62  }
0x502: {  	[tilespmem:s25+$0x7C40] =	vst.add.f32.msk $0xffff, v1  }
0x503: {  	[tilespmem:s25+$0x7C50] =	vst.add.f32.msk $0xffff, v4  }
0x504: {  	s7 =	sor.u32 $0x8000, s25;
	[tilespmem:s25+$0x7C60] =	vst.add.f32.msk $0xffff, v5  }
0x505: {  	[tilespmem:s7+$0x0] =	vst.add.f32.msk $0xffff, v63  }
0x506: {  	v1 =	vld [tilespmem:s25+$0x18010];
	_ =	sdelay $0x3  }
0x507: {  	s30 =	sor.u32 $0x8010, s25  }
0x508: {  	[tilespmem:s30+$0x0] =	vst.add.f32.msk $0xffff, v1  }
0x509: {  	v1 =	vld [tilespmem:s25+$0x18020];
	_ =	sdelay $0x3  }
0x50a: {  	s30 =	sor.u32 $0x8020, s25  }
0x50b: {  	[tilespmem:s30+$0x0] =	vst.add.f32.msk $0xffff, v1  }
0x50c: {  	v1 =	vld [tilespmem:s25+$0x18030];
	_ =	sdelay $0x3  }
0x50d: {  	s30 =	sor.u32 $0x8030, s25  }
0x50e: {  	[tilespmem:s30+$0x0] =	vst.add.f32.msk $0xffff, v1  }
0x50f: {  	v1 =	vld [tilespmem:s25+$0x18040];
	_ =	sdelay $0x3  }
0x510: {  	s30 =	sor.u32 $0x8040, s25  }
0x511: {  	[tilespmem:s30+$0x0] =	vst.add.f32.msk $0xffff, v1  }
0x512: {  	v1 =	vld [tilespmem:s25+$0x18050];
	_ =	sdelay $0x3  }
0x513: {  	s30 =	sor.u32 $0x8050, s25  }
0x514: {  	[tilespmem:s30+$0x0] =	vst.add.f32.msk $0xffff, v1  }
0x515: {  	v1 =	vld [tilespmem:s25+$0x18060];
	_ =	sdelay $0x3  }
0x516: {  	s30 =	sor.u32 $0x8060, s25  }
0x517: {  	[tilespmem:s30+$0x0] =	vst.add.f32.msk $0xffff, v1  }
0x518: {  	v1 =	vld [tilespmem:s25+$0x18070];
	_ =	sdelay $0x3  }
0x519: {  	s30 =	sor.u32 $0x8070, s25  }
0x51a: {  	[tilespmem:s30+$0x0] =	vst.add.f32.msk $0xffff, v1  }
0x51b: {  	v1 =	vld [tilespmem:s25+$0x18400];
	_ =	sdelay $0x3  }
0x51c: {  	s30 =	sor.u32 $0x8400, s25  }
0x51d: {  	[tilespmem:s30+$0x0] =	vst.add.f32.msk $0xffff, v1  }
0x51e: {  	v1 =	vld [tilespmem:s25+$0x18410];
	_ =	sdelay $0x3  }
0x51f: {  	s30 =	sor.u32 $0x8410, s25  }
0x520: {  	[tilespmem:s30+$0x0] =	vst.add.f32.msk $0xffff, v1  }
0x521: {  	v1 =	vld [tilespmem:s25+$0x18420];
	_ =	sdelay $0x3  }
0x522: {  	s30 =	sor.u32 $0x8420, s25  }
0x523: {  	[tilespmem:s30+$0x0] =	vst.add.f32.msk $0xffff, v1  }
0x524: {  	v1 =	vld [tilespmem:s25+$0x18430];
	_ =	sdelay $0x3  }
0x525: {  	s30 =	sor.u32 $0x8430, s25  }
0x526: {  	[tilespmem:s30+$0x0] =	vst.add.f32.msk $0xffff, v1  }
0x527: {  	v1 =	vld [tilespmem:s25+$0x18440];
	_ =	sdelay $0x3  }
0x528: {  	s30 =	sor.u32 $0x8440, s25  }
0x529: {  	[tilespmem:s30+$0x0] =	vst.add.f32.msk $0xffff, v1  }
0x52a: {  	v1 =	vld [tilespmem:s25+$0x18450];
	_ =	sdelay $0x3  }
0x52b: {  	s30 =	sor.u32 $0x8450, s25  }
0x52c: {  	[tilespmem:s30+$0x0] =	vst.add.f32.msk $0xffff, v1  }
0x52d: {  	v1 =	vld [tilespmem:s25+$0x18460];
	_ =	sdelay $0x3  }
0x52e: {  	s30 =	sor.u32 $0x8460, s25  }
0x52f: {  	[tilespmem:s30+$0x0] =	vst.add.f32.msk $0xffff, v1  }
0x530: {  	v1 =	vld [tilespmem:s25+$0x18470];
	_ =	sdelay $0x3  }
0x531: {  	s30 =	sor.u32 $0x8470, s25  }
0x532: {  	[tilespmem:s30+$0x0] =	vst.add.f32.msk $0xffff, v1  }
0x533: {  	v1 =	vld [tilespmem:s25+$0x18800];
	_ =	sdelay $0x3  }
0x534: {  	s30 =	sor.u32 $0x8800, s25  }
0x535: {  	[tilespmem:s30+$0x0] =	vst.add.f32.msk $0xffff, v1  }
0x536: {  	v1 =	vld [tilespmem:s25+$0x18810];
	_ =	sdelay $0x3  }
0x537: {  	s30 =	sor.u32 $0x8810, s25  }
0x538: {  	[tilespmem:s30+$0x0] =	vst.add.f32.msk $0xffff, v1  }
0x539: {  	v1 =	vld [tilespmem:s25+$0x18820];
	_ =	sdelay $0x3  }
0x53a: {  	s30 =	sor.u32 $0x8820, s25  }
0x53b: {  	[tilespmem:s30+$0x0] =	vst.add.f32.msk $0xffff, v1  }
0x53c: {  	v1 =	vld [tilespmem:s25+$0x18830];
	_ =	sdelay $0x3  }
0x53d: {  	s30 =	sor.u32 $0x8830, s25  }
0x53e: {  	[tilespmem:s30+$0x0] =	vst.add.f32.msk $0xffff, v1  }
0x53f: {  	v1 =	vld [tilespmem:s25+$0x18840];
	_ =	sdelay $0x3  }
0x540: {  	s30 =	sor.u32 $0x8840, s25  }
0x541: {  	[tilespmem:s30+$0x0] =	vst.add.f32.msk $0xffff, v1  }
0x542: {  	v1 =	vld [tilespmem:s25+$0x18850];
	_ =	sdelay $0x3  }
0x543: {  	s30 =	sor.u32 $0x8850, s25  }
0x544: {  	[tilespmem:s30+$0x0] =	vst.add.f32.msk $0xffff, v1  }
0x545: {  	v1 =	vld [tilespmem:s25+$0x18860];
	_ =	sdelay $0x3  }
0x546: {  	s30 =	sor.u32 $0x8860, s25  }
0x547: {  	[tilespmem:s30+$0x0] =	vst.add.f32.msk $0xffff, v1  }
0x548: {  	v1 =	vld [tilespmem:s25+$0x18870];
	_ =	sdelay $0x1  }
0x549: {  	s30 =	sand.u32 $0x7, s1  }
0x54a: {  	s7 =	sshll.u32 s30, $0x7  }
0x54b: {  	s25 =	sor.u32 $0x8870, s25;
	s7 =	sadd.s32 s7, s22  }
0x54c: {  	s30 =	sor.u32 $0x1C00, s7;
	[tilespmem:s25+$0x0] =	vst.add.f32.msk $0xffff, v1  }
0x54d: {  	v1 =	vld [tilespmem:s30+$0x17000];
	_ =	sdelay $0x4  }
0x54e: {  	[tilespmem:s30+$0x7000] =	vst.add.f32.msk $0xffff, v1;
	s30 =	sor.u32 $0x1C10, s7  }
0x54f: {  	v1 =	vld [tilespmem:s30+$0x17000];
	_ =	sdelay $0x4  }
0x550: {  	[tilespmem:s30+$0x7000] =	vst.add.f32.msk $0xffff, v1;
	s30 =	sor.u32 $0x1C20, s7  }
0x551: {  	v1 =	vld [tilespmem:s30+$0x17000];
	_ =	sdelay $0x4  }
0x552: {  	[tilespmem:s30+$0x7000] =	vst.add.f32.msk $0xffff, v1;
	s30 =	sor.u32 $0x1C30, s7  }
0x553: {  	v1 =	vld [tilespmem:s30+$0x17000];
	_ =	sdelay $0x4  }
0x554: {  	[tilespmem:s30+$0x7000] =	vst.add.f32.msk $0xffff, v1;
	s30 =	sor.u32 $0x1C40, s7  }
0x555: {  	v1 =	vld [tilespmem:s30+$0x17000];
	_ =	sdelay $0x4  }
0x556: {  	[tilespmem:s30+$0x7000] =	vst.add.f32.msk $0xffff, v1;
	s30 =	sor.u32 $0x1C50, s7  }
0x557: {  	v1 =	vld [tilespmem:s30+$0x17000];
	_ =	sdelay $0x4  }
0x558: {  	[tilespmem:s30+$0x7000] =	vst.add.f32.msk $0xffff, v1;
	s30 =	sor.u32 $0x1C60, s7  }
0x559: {  	v1 =	vld [tilespmem:s30+$0x17000];
	_ =	sdelay $0x4  }
0x55a: {  	s7 =	sor.u32 $0x1C70, s7;
	[tilespmem:s30+$0x7000] =	vst.add.f32.msk $0xffff, v1  }
0x55b: {  	p1 =	sne.s32 s23, $0x780;
	v1 =	vld [tilespmem:s7+$0x17000]  }
.Ltmp8:
0x55c: {  	_ = 	snop;
	(pc) =	sbr.rel @p1 .LBB2_15-.Ltmp8, $3  }
0x55d: {  	_ =	sdelay $0x1  }
0x55e: {  	s11 =	sadd.s32 $0x400, s11  }
0x55f: {  	s23 =	sadd.s32 $0x80, s23;
	s1 =	sadd.s32 $0x1, s1;
	s22 =	sadd.s32 $0x400, s22;
	[tilespmem:s7+$0x7000] =	vst.add.f32.msk $0xffff, v1  }
.Ltmp9:
0x560: {  	(pc) =	sbr.rel @p0 .LBB2_18-.Ltmp9, $4  }
0x561: {  	s1 =	sadd.s32 s10, s29  }
0x562: {  	s7 =	rddreg [dreg:$0x7];
	s1 =	sshll.u32 s1, $0x7  }
0x563: {  	s30 =	simm.s32 $0x7000;
	s1 =	sadd.s32 s7, s1  }
0x564: {  	[hbm4b:s1+s9] =	stream.linear.scatter [tilespmem:s30], [sflag:$0xD], $0x4000, $0x38;
	[tilespmem:$0x1F000] =	vst v63  }
0x565: {  	s1 =	sadd.s32 $0x30, s28  }
0x566: {  	s7 =	sshll.u32 s1, $0x3  }
0x567: {  	s1 =	sand.u32 $0x70, s1;
	s7 =	sand.u32 $0x3C00, s7  }
0x568: {  	s1 =	sor.u32 s1, s7  }
0x569: {  	v1 =	vld [tilespmem:s1+$0x1000];
	_ =	sdelay $0x4  }
0x56a: {  	v4 =	vshll.u32 v1, $0x2  }
0x56b: {  	v1 =	vand.u32 $0x7, v1;
	v4 =	vand.u32 $0xFFFFFFE0, v4  }
0x56c: {  	v1 =	vor.u32 v1, v4  }
0x56d: {  	v4 =	vperm.xlane v1, v11;
	_ =	sdelay $0x1  }
0x56e: {  	v4 =	vadd.s32 v2, v4;
	_ =	sdelay $0x1  }
0x56f: {  	v1 =	vperm.xlane v1, v3;
	_ =	sdelay $0x1  }
0x570: {  	s11 =	simm.s32 $0xF000;
	v1 =	vadd.s32 v2, v1  }
0x571: {  	[tilespmem:s11], [sflag:$0x5] =	stream.indirect_vreg.gather [hbm4b:s0+s9], $0x80, v4, vm0, $0xb8;
	[tilespmem:$0x1F000] =	vst v63  }
0x572: {  	s22 =	simm.s32 $0xF800  }
0x573: {  	[tilespmem:s22], [sflag:$0x5] =	stream.indirect_vreg.gather [hbm4b:s12+s9], $0x80, v4, vm0, $0xb8;
	[tilespmem:$0x1F000] =	vst v63  }
0x574: {  	s23 =	simm.s32 $0x11000  }
0x575: {  	[tilespmem:s23], [sflag:$0x5] =	stream.indirect_vreg.gather [hbm4b:s0+s9], $0x80, v1, vm0, $0xb8;
	[tilespmem:$0x1F000] =	vst v63  }
0x576: {  	s25 =	simm.s32 $0x11800  }
0x577: {  	[tilespmem:s25], [sflag:$0x5] =	stream.indirect_vreg.gather [hbm4b:s12+s9], $0x80, v1, vm0, $0xb8;
	[tilespmem:$0x1F000] =	vst v63  }
0x578: {  	v1 =	vld [tilespmem:s1+$0x1100];
	_ =	sdelay $0x4  }
0x579: {  	v4 =	vshll.u32 v1, $0x2  }
0x57a: {  	v1 =	vand.u32 $0x7, v1;
	v4 =	vand.u32 $0xFFFFFFE0, v4  }
0x57b: {  	v1 =	vor.u32 v1, v4  }
0x57c: {  	v4 =	vperm.xlane v1, v11;
	_ =	sdelay $0x1  }
0x57d: {  	v4 =	vadd.s32 v2, v4;
	_ =	sdelay $0x1  }
0x57e: {  	v1 =	vperm.xlane v1, v3;
	_ =	sdelay $0x1  }
0x57f: {  	s28 =	simm.s32 $0x10000;
	v1 =	vadd.s32 v2, v1  }
0x580: {  	[tilespmem:s28], [sflag:$0x6] =	stream.indirect_vreg.gather [hbm4b:s2+s9], $0x80, v4, vm0, $0xb8;
	[tilespmem:$0x1F000] =	vst v63  }
0x581: {  	s29 =	simm.s32 $0x10800  }
0x582: {  	[tilespmem:s29], [sflag:$0x6] =	stream.indirect_vreg.gather [hbm4b:s13+s9], $0x80, v4, vm0, $0xb8;
	[tilespmem:$0x1F000] =	vst v63  }
0x583: {  	s30 =	simm.s32 $0x12000  }
0x584: {  	[tilespmem:s30], [sflag:$0x6] =	stream.indirect_vreg.gather [hbm4b:s2+s9], $0x80, v1, vm0, $0xb8;
	[tilespmem:$0x1F000] =	vst v63  }
0x585: {  	s11 =	simm.s32 $0x12800  }
0x586: {  	[tilespmem:s11], [sflag:$0x6] =	stream.indirect_vreg.gather [hbm4b:s13+s9], $0x80, v1, vm0, $0xb8;
	[tilespmem:$0x1F000] =	vst v63  }
0x587: {  	v1 =	vld [tilespmem:s1+$0x1080];
	_ =	sdelay $0x4  }
0x588: {  	v4 =	vshll.u32 v1, $0x2  }
0x589: {  	v1 =	vand.u32 $0x7, v1;
	v4 =	vand.u32 $0xFFFFFFE0, v4  }
0x58a: {  	v1 =	vor.u32 v1, v4  }
0x58b: {  	v4 =	vperm.xlane v1, v11;
	_ =	sdelay $0x1  }
0x58c: {  	v4 =	vadd.s32 v2, v4;
	_ =	sdelay $0x1  }
0x58d: {  	v1 =	vperm.xlane v1, v3;
	_ =	sdelay $0x1  }
0x58e: {  	v1 =	vadd.s32 v2, v1  }
0x58f: {  	[tilespmem:s31], [sflag:$0x7] =	stream.indirect_vreg.gather [hbm4b:s3+s9], $0x80, v4, vm0, $0xb8;
	[tilespmem:$0x1F000] =	vst v63  }
0x590: {  	s22 =	simm.s32 $0x17800  }
0x591: {  	[tilespmem:s22], [sflag:$0x7] =	stream.indirect_vreg.gather [hbm4b:s14+s9], $0x80, v4, vm0, $0xb8;
	[tilespmem:$0x1F000] =	vst v63  }
0x592: {  	s23 =	simm.s32 $0x19000  }
0x593: {  	[tilespmem:s23], [sflag:$0x7] =	stream.indirect_vreg.gather [hbm4b:s3+s9], $0x80, v1, vm0, $0xb8;
	[tilespmem:$0x1F000] =	vst v63  }
0x594: {  	s25 =	simm.s32 $0x19800  }
0x595: {  	[tilespmem:s25], [sflag:$0x7] =	stream.indirect_vreg.gather [hbm4b:s14+s9], $0x80, v1, vm0, $0xb8;
	[tilespmem:$0x1F000] =	vst v63  }
0x596: {  	v1 =	vld [tilespmem:s1+$0x1180];
	_ =	sdelay $0x4  }
0x597: {  	v4 =	vshll.u32 v1, $0x2  }
0x598: {  	v1 =	vand.u32 $0x7, v1;
	v4 =	vand.u32 $0xFFFFFFE0, v4  }
0x599: {  	v1 =	vor.u32 v1, v4  }
0x59a: {  	v4 =	vperm.xlane v1, v11;
	_ =	sdelay $0x1  }
0x59b: {  	v4 =	vadd.s32 v2, v4;
	_ =	sdelay $0x2  }
0x59c: {  	v1 =	vperm.xlane v1, v3  }
0x59d: {  	s28 =	simm.s32 $0x18000  }
0x59e: {  	v1 =	vadd.s32 v2, v1;
	[tilespmem:s28], [sflag:$0x8] =	stream.indirect_vreg.gather [hbm4b:s4+s9], $0x80, v4, vm0, $0xb8;
	[tilespmem:$0x1F000] =	vst v63  }
0x59f: {  	s29 =	simm.s32 $0x18800  }
0x5a0: {  	[tilespmem:s29], [sflag:$0x8] =	stream.indirect_vreg.gather [hbm4b:s15+s9], $0x80, v4, vm0, $0xb8;
	[tilespmem:$0x1F000] =	vst v63  }
.Ltmp10:
0x5a1: {  	_ = 	snop;
	(pc) =	sbr.rel .LBB2_4-.Ltmp10, $4  }
0x5a2: {  	s30 =	simm.s32 $0x1A000  }
0x5a3: {  	[tilespmem:s30], [sflag:$0x8] =	stream.indirect_vreg.gather [hbm4b:s4+s9], $0x80, v1, vm0, $0xb8;
	[tilespmem:$0x1F000] =	vst v63  }
0x5a4: {  	s26 =	sadd.s32 $0x1, s26;
	s31 =	simm.s32 $0x1A800  }
0x5a5: {  	[tilespmem:s31], [sflag:$0x8] =	stream.indirect_vreg.gather [hbm4b:s15+s9], $0x80, v1, vm0, $0xb8;
	[tilespmem:$0x1F000] =	vst v63  }
.LBB2_19:
0x5a6: {  	_ =	sfence.sel $0x180000  }
0x5a7: {  	[bflag:$0x0] =	sbarrier.arrive $0xFFFF  }
0x5a8: {  	_ =	strace $0x90000047  }
0x5a9: {  	s0 =	stileid.u32;
	[bflag:$0x2] =	sbarrier.arrive $0xFFFF  }
0x5aa: {  	p0 =	sne.s32 s0, $0x0;
	s0 =	rddreg [dreg:$0x8]  }
0x5ab: {  	s0 =	sadd.s32 @!p0 $0x100000, s0  }
0x5ac: {  	[sflag:s0] =	ssyncadd.tile.s32 @!p0 $0x1;
	_ =	shalt  }
.Lfunc_end2:
_tile_overlayer_lowered:
.L_overlay_start_2:
0x5ad: {  	(tag) =	ssettag $0x2  }
0x5ae: {  	s0 =	rddreg [dreg:$0x0];
	s2 =	stileid.u32  }
0x5af: {  	s1 =	rddreg [dreg:$0x1];
	p0 =	sne.s32 s2, $0x0  }
0x5b0: {  	s3 =	rddreg [dreg:$0x2];
	[bflag:$0x3] =	sbarrier.arrive $0xFFFF;
	s2 =	simm.s32 @!p0 $0x1C0E  }
0x5b1: {  	[timem:s3], [sflag:s2] =	dma.local @!p0 [hbm:s0], s1  }
0x5b2: {  	s0 =	simm.s32 @!p0 $0xE  }
0x5b3: {  	_ =	swait.ge @!p0 [sflag:s0], s1  }
0x5b4: {  	s1 =	ssub.s32 @!p0 $0x0, s1;
	[sflag:s0] =	ssyncset.done @!p0 $0x0  }
0x5b5: {  	[sflag:s0] =	ssyncadd.s32 @!p0 s1  }
0x5b6: {  	[bflag:$0x3] =	sbarrier.arrive $0xFFFF  }
0x5b7: {  	_ =	shalt  }

</sc_bundles>
